<compile_context>
chip_gen: v7x
topology: tpu7x:2x2x1
jax: 0.10.2.dev20260603
libtpu: 0.0.44.dev20260713+nightly
codegen_flags: <defaults>
</compile_context>

<pallas_src>
import functools

import jax
import jax.numpy as jnp
import numpy as np
from jax import lax
from jax.experimental import pallas as pl
from jax.experimental.pallas import tpu as pltpu
from jax.experimental.pallas import tpu_sc as plsc

_RADIUS = 60
_R = _RADIUS - 1
_OFFSETS = [(-1, -1), (-1, 0), (0, -1), (0, 0), (0, 1), (1, 0), (1, 1)]
_G = 2 * _R + 3
_ND = _G * _G
_SHIFTS = [_G * di + dk for (di, dk) in _OFFSETS]

_C = 4096
_NCHUNK = -(-_ND // _C)
_NDPAD = _NCHUNK * _C


def _build_rows():
    rows = []
    s = 0
    for i in range(-_R, _R + 1):
        kmin = max(-_R, i - _R)
        ln = min(_R, i + _R) - kmin + 1
        d0 = (i + _R + 1) * _G + (kmin + _R + 1)
        rows.append((s, d0, ln))
        s += ln
    return rows, s


_ROWS, _N = _build_rows()


_NSC = plsc.get_sparse_core_info()
_NW = _NSC.num_cores * _NSC.num_subcores


_CHUNK = 128
_BATCH = 8
_TPB = _NW // _BATCH
_CPB = (_N + _CHUNK - 1) // _CHUNK
_CPT = (_CPB + _TPB - 1) // _TPB


def _chunk_starts():
    starts = list(range(0, _N - _CHUNK + 1, _CHUNK))
    starts.append(_N - _CHUNK)
    while len(starts) < _TPB * _CPT:
        starts.append(_N - _CHUNK)
    return starts


_NGAP = _NDPAD - _N
_GPT = ((_NGAP + _CHUNK - 1) // _CHUNK + _TPB - 1) // _TPB


def _build_idx_tables():
    dense_idx = np.zeros(_N, np.int32)
    for (s, d0, ln) in _ROWS:
        dense_idx[s:s + ln] = d0 + np.arange(ln, dtype=np.int32)
    gaps = np.setdiff1d(np.arange(_NDPAD, dtype=np.int32), dense_idx)
    gaps = np.concatenate(
        [gaps, np.full(_TPB * _GPT * _CHUNK - len(gaps), gaps[-1], np.int32)])
    starts = _chunk_starts()
    to_dense = np.zeros((_NW, 2 * _CPT + _GPT, _CHUNK), np.int32)
    to_ragged = np.zeros((_NW, 2 * _CPT, _CHUNK), np.int32)
    for w in range(_NW):
        s = w % _TPB
        for c in range(_CPT):
            rows = starts[s * _CPT + c] + np.arange(_CHUNK, dtype=np.int32)
            to_dense[w, 2 * c] = rows
            to_dense[w, 2 * c + 1] = dense_idx[rows]
            to_ragged[w, 2 * c] = dense_idx[rows]
            to_ragged[w, 2 * c + 1] = rows
        for g in range(_GPT):
            gc = (s * _GPT + g) * _CHUNK
            to_dense[w, 2 * _CPT + g] = gaps[gc:gc + _CHUNK]
    return to_dense, to_ragged


_IDX_TO_DENSE, _IDX_TO_RAGGED = _build_idx_tables()


def _make_mover(out_rows, feat, gap_slots=0):
    mesh = plsc.VectorSubcoreMesh(core_axis_name="c", subcore_axis_name="s")
    nslot = 2 * _CPT + gap_slots
    scratch = [
        pltpu.VMEM((nslot, _CHUNK), jnp.int32),
        pltpu.VMEM((_CHUNK, feat), jnp.float32),
        pltpu.VMEM((_CHUNK, feat), jnp.float32),
        pltpu.SemaphoreType.DMA,
        pltpu.SemaphoreType.DMA,
    ]
    if gap_slots:
        scratch += [pltpu.VMEM((_CHUNK, feat), jnp.float32),
                    pltpu.SemaphoreType.DMA]

    @functools.partial(
        pl.kernel, mesh=mesh,
        out_type=jax.ShapeDtypeStruct((_BATCH, out_rows, feat), jnp.float32),
        scratch_types=scratch)
    def mover(src_hbm, idx_hbm, *rest):
        if gap_slots:
            (zero_hbm, out_hbm, idx_v, buf0, buf1, gsem, ssem,
             zbuf, zsem) = rest
        else:
            out_hbm, idx_v, buf0, buf1, gsem, ssem = rest
        wid = lax.axis_index("s") * _NSC.num_cores + lax.axis_index("c")
        pltpu.sync_copy(idx_hbm.at[wid], idx_v)
        b = wid // _TPB
        src_b = src_hbm.at[b]
        out_b = out_hbm.at[b]
        zputs = []
        if gap_slots:
            pltpu.sync_copy(zero_hbm, zbuf)
            zputs = [pltpu.make_async_copy(
                zbuf, out_b.at[idx_v.at[2 * _CPT + g]], zsem)
                for g in range(gap_slots)]
            for z in zputs:
                z.start()
        bufs = [buf0, buf1]
        gets = [pltpu.make_async_copy(src_b.at[idx_v.at[2 * c]],
                                      bufs[c % 2], gsem)
                for c in range(_CPT)]
        puts = [pltpu.make_async_copy(bufs[c % 2],
                                      out_b.at[idx_v.at[2 * c + 1]], ssem)
                for c in range(_CPT)]
        gets[0].start()
        for c in range(_CPT):
            gets[c].wait()
            puts[c].start()
            if c + 1 < _CPT:
                if c >= 1:
                    puts[c - 1].wait()
                gets[c + 1].start()
        puts[_CPT - 2].wait()
        puts[_CPT - 1].wait()
        for z in zputs:
            z.wait()

    return mover


_H = 128


def _conv_body(xc_ref, w_ref, b_ref, o_ref, ring_ref):
    j = pl.program_id(0)
    cur, prv, nxt = lax.rem(j, 3), lax.rem(j + 2, 3), lax.rem(j + 1, 3)
    xb = xc_ref[0].astype(jnp.bfloat16)
    ring_ref[cur, _H:_H + _C] = xb
    ring_ref[prv, _H + _C:2 * _H + _C] = xb[:_H]
    ring_ref[nxt, 0:_H] = xb[_C - _H:]

    @pl.when(j >= 1)
    def _compute():
        acc = jnp.broadcast_to(b_ref[0],
                               (_C, o_ref.shape[2])).astype(jnp.float32)
        for t, s in enumerate(_SHIFTS):
            xs = ring_ref[prv, _H + s:_H + s + _C]
            acc = acc + jnp.dot(xs, w_ref[t],
                                preferred_element_type=jnp.float32)
        o_ref[0] = acc


def _hexconv_dense(xd, kernel_weights, bias2d):
    batch, _, feat = xd.shape
    out_dim = kernel_weights.shape[2]
    nstream = batch * _NCHUNK
    grid = (nstream + 1,)

    def _in_map(g):
        c = jnp.minimum(g, nstream - 1)
        return (c // _NCHUNK, c % _NCHUNK, 0)

    def _out_map(g):
        m = jnp.maximum(g - 1, 0)
        return (m // _NCHUNK, m % _NCHUNK, 0)

    ic = pl.BlockSpec((1, _C, feat), _in_map)
    wspec = pl.BlockSpec(kernel_weights.shape, lambda g: (0, 0, 0))
    bspec = pl.BlockSpec((1, out_dim), lambda g: (0, 0))
    ospec = pl.BlockSpec((1, _C, out_dim), _out_map)
    return pl.pallas_call(
        _conv_body,
        grid=grid,
        in_specs=[ic, wspec, bspec],
        out_specs=ospec,
        out_shape=jax.ShapeDtypeStruct((batch, _NDPAD, out_dim), jnp.float32),
        scratch_shapes=[pltpu.VMEM((3, _C + 2 * _H, feat), jnp.bfloat16)],
        compiler_params=pltpu.CompilerParams(
            dimension_semantics=("arbitrary",)),
    )(xd, kernel_weights.astype(jnp.bfloat16), bias2d)


def kernel(inputs, kernel_weights, bias):
    feat = inputs.shape[2]
    out_dim = kernel_weights.shape[2]
    to_dense = _make_mover(_NDPAD, feat, gap_slots=_GPT)
    to_ragged = _make_mover(_N, out_dim)
    zeros = jnp.zeros((_CHUNK, feat), jnp.float32)
    xd = to_dense(inputs, jnp.asarray(_IDX_TO_DENSE), zeros)
    yd = _hexconv_dense(xd, kernel_weights, bias.reshape(1, -1))
    return to_ragged(yd, jnp.asarray(_IDX_TO_RAGGED))

# --- scband reference (transcript-rebuilt; emitter-appended) ---
"""Pipeline reference for scband-hex-conv-46918222741879 (READ-ONLY COPY).

The authoritative reference and input builder live on the scoring server;
editing this copy changes nothing except your own understanding.
"""

import jax, jax.numpy as jnp
import numpy as np

RADIUS = 60
KERNEL_SIZE = 7
OFFSETS = [(-1, -1), (-1, 0), (0, -1), (0, 0), (0, 1), (1, 0), (1, 1)]


def _build_neighbor_indices(radius):
    # Reimplementation of HexEngine: a hexagonal grid of given radius has
    # 3*r*(r-1)+1 blocks; coordinates (i, k) are valid iff
    # max(|i|, |k|, |i-k|) <= radius-1. Blocks are indexed in (i, k)
    # lexicographic order; the 7-point kernel uses the OFFSETS above
    # (center + six hex neighbors in this coordinate basis).
    r = radius - 1
    coords = []
    for i in range(-r, r + 1):
        for k in range(-r, r + 1):
            if abs(i - k) <= r:
                coords.append((i, k))
    index_of = {c: n for n, c in enumerate(coords)}
    n_blocks = len(coords)
    idx = np.full((KERNEL_SIZE, n_blocks), -1, dtype=np.int32)
    for n, c in enumerate(coords):
        for j, (di, dk) in enumerate(OFFSETS):
            nb = (c[0] + di, c[1] + dk)
            if nb in index_of:
                idx[j, n] = index_of[nb]
    return idx


NEIGHBOR_IDX = _build_neighbor_indices(RADIUS)
NUM_BLOCKS = NEIGHBOR_IDX.shape[1]  # 10621 for radius 60


def setup_inputs(seed: int = 0):
    key = jax.random.key(seed)
    k1, k2 = jax.random.split(key, 2)
    batch, in_feat, out_dim = 8, 128, 128
    inputs = jax.random.normal(k1, (batch, NUM_BLOCKS, in_feat), dtype=jnp.float32)
    # keras glorot_uniform on shape (7, in, out): receptive_field = 7,
    # fan_in = in*7, fan_out = out*7
    fan_in = in_feat * KERNEL_SIZE
    fan_out = out_dim * KERNEL_SIZE
    limit = float(np.sqrt(6.0 / (fan_in + fan_out)))
    kernel_weights = jax.random.uniform(
        k2, (KERNEL_SIZE, in_feat, out_dim), minval=-limit, maxval=limit,
        dtype=jnp.float32)
    bias = jnp.zeros((out_dim,), dtype=jnp.float32)
    return {"inputs": inputs, "kernel_weights": kernel_weights, "bias": bias}


def reference(inputs, kernel_weights, bias):
    idx = jnp.asarray(NEIGHBOR_IDX)  # [7, N] int32
    result = None
    for k in range(KERNEL_SIZE):
        ind = idx[k]
        masked = jnp.where(ind >= 0, ind, jnp.zeros_like(ind))
        selected = jnp.take(inputs, masked, axis=1)  # gather over blocks axis
        mask = (ind >= 0).astype(jnp.float32)[None, :, None]
        selected = selected * mask
        proj = jnp.einsum('bnf,fo->bno', selected, kernel_weights[k])
        result = proj if result is None else result + proj
    return result + bias

if __name__ == "__main__":
    import jax
    _d = setup_inputs()
    print(jax.jit(kernel)(*tuple(_d.values())))

</pallas_src>

<mosaic_0001>
#map = affine_map<(d0, d1) -> (0, 0, 0)>
#map1 = affine_map<(d0, d1) -> (0, 0)>
module attributes {stable_mosaic.version = 14 : i64} {
  func.func @mover(%arg0: i32, %arg1: i32, %arg2: memref<8x10621x128xf32, #tpu.memory_space<hbm>>, %arg3: memref<32x54x128xi32, #tpu.memory_space<hbm>>, %arg4: memref<128x128xf32, #tpu.memory_space<hbm>>, %arg5: memref<8x16384x128xf32, #tpu.memory_space<hbm>>, %arg6: memref<54x128xi32, #tpu.memory_space<vmem>>, %arg7: memref<128x128xf32, #tpu.memory_space<vmem>>, %arg8: memref<128x128xf32, #tpu.memory_space<vmem>>, %arg9: memref<!tpu.dma_semaphore, #tpu.memory_space<semaphore_mem>>, %arg10: memref<!tpu.dma_semaphore, #tpu.memory_space<semaphore_mem>>, %arg11: memref<128x128xf32, #tpu.memory_space<vmem>>, %arg12: memref<!tpu.dma_semaphore, #tpu.memory_space<semaphore_mem>>) attributes {dimension_semantics = [#tpu.dimension_semantics<core_parallel>, #tpu.dimension_semantics<subcore_parallel>], iteration_bounds = array<i64: 2, 16>, scalar_prefetch = 0 : i64, scratch_operands = 7 : i64, tpu.core_type = #tpu.core_type<sc_vector_subcore>, window_params = [{transform_indices = #map}, {transform_indices = #map}, {transform_indices = #map1}, {transform_indices = #map}]} {
    %mul3A = arith.constant 2 : i32
    %mul3A_0 = arith.muli %arg1, %mul3A : i32
    %add3A = arith.addi %mul3A_0, %arg0 : i32
    "tpu.region"() ({
      %run_scoped3A = tpu.sem_alloc : memref<!tpu.dma_semaphore, #tpu.memory_space<semaphore_mem>>
      %dma_start3A_1203 = arith.constant 0 : i32
      %dma_start3A_1204 = arith.constant 0 : i32
      %dma_start3A_1205 = tpu.memref_slice %arg3[%add3A, %dma_start3A_1203, %dma_start3A_1204] : memref<32x54x128xi32, #tpu.memory_space<hbm>> -> memref<1x54x128xi32, #tpu.memory_space<hbm>>
      %dma_start3A_1206 = tpu.memref_squeeze %dma_start3A_1205 : memref<1x54x128xi32, #tpu.memory_space<hbm>> -> memref<54x128xi32, #tpu.memory_space<hbm>>
      %dma_start3A_1207 = arith.constant 0 : i32
      %dma_start3A_1208 = arith.constant 0 : i32
      %dma_start3A_1209 = tpu.memref_slice %arg3[%add3A, %dma_start3A_1207, %dma_start3A_1208] : memref<32x54x128xi32, #tpu.memory_space<hbm>> -> memref<1x54x128xi32, #tpu.memory_space<hbm>>
      %dma_start3A_1210 = tpu.memref_squeeze %dma_start3A_1209 : memref<1x54x128xi32, #tpu.memory_space<hbm>> -> memref<54x128xi32, #tpu.memory_space<hbm>>
      tpu.enqueue_dma source(%dma_start3A_1210 : memref<54x128xi32, #tpu.memory_space<hbm>>) target(%arg6 : memref<54x128xi32, #tpu.memory_space<vmem>>) target_semaphore(%run_scoped3A : memref<!tpu.dma_semaphore, #tpu.memory_space<semaphore_mem>>)
      %dma_wait3A_1211 = arith.constant 0 : i32
      %dma_wait3A_1212 = arith.constant 0 : i32
      %dma_wait3A_1213 = tpu.memref_slice %arg3[%add3A, %dma_wait3A_1211, %dma_wait3A_1212] : memref<32x54x128xi32, #tpu.memory_space<hbm>> -> memref<1x54x128xi32, #tpu.memory_space<hbm>>
      %dma_wait3A_1214 = tpu.memref_squeeze %dma_wait3A_1213 : memref<1x54x128xi32, #tpu.memory_space<hbm>> -> memref<54x128xi32, #tpu.memory_space<hbm>>
      %dma_wait3A_1215 = arith.constant 0 : i32
      %dma_wait3A_1216 = arith.constant 0 : i32
      %dma_wait3A_1217 = tpu.memref_slice %arg3[%add3A, %dma_wait3A_1215, %dma_wait3A_1216] : memref<32x54x128xi32, #tpu.memory_space<hbm>> -> memref<1x54x128xi32, #tpu.memory_space<hbm>>
      %dma_wait3A_1218 = tpu.memref_squeeze %dma_wait3A_1217 : memref<1x54x128xi32, #tpu.memory_space<hbm>> -> memref<54x128xi32, #tpu.memory_space<hbm>>
      tpu.wait_dma2 semaphore(%run_scoped3A : memref<!tpu.dma_semaphore, #tpu.memory_space<semaphore_mem>>) src(%dma_wait3A_1218 : memref<54x128xi32, #tpu.memory_space<hbm>>) dst(%arg6 : memref<54x128xi32, #tpu.memory_space<vmem>>)
      tpu.yield
    }) : () -> ()
    %jit3A = arith.constant 4 : i32
    %div3A = arith.divsi %add3A, %jit3A : i32
    %sign3A = arith.constant 0 : i32
    %sign3A_1 = arith.cmpi sgt, %add3A, %sign3A : i32
    %sign3A_2 = arith.extui %sign3A_1 : i1 to i32
    %sign3A_3 = arith.constant 0 : i32
    %sign3A_4 = arith.cmpi slt, %add3A, %sign3A_3 : i32
    %sign3A_5 = arith.extui %sign3A_4 : i1 to i32
    %sign3A_6 = arith.subi %sign3A_2, %sign3A_5 : i32
    %sign3A_7 = arith.constant 0 : i32
    %sign3A_8 = arith.cmpi sgt, %jit3A, %sign3A_7 : i32
    %sign3A_9 = arith.extui %sign3A_8 : i1 to i32
    %sign3A_10 = arith.constant 0 : i32
    %sign3A_11 = arith.cmpi slt, %jit3A, %sign3A_10 : i32
    %sign3A_12 = arith.extui %sign3A_11 : i1 to i32
    %sign3A_13 = arith.subi %sign3A_9, %sign3A_12 : i32
    %ne3A = arith.cmpi ne, %sign3A_6, %sign3A_13 : i32
    %rem3A = arith.remsi %add3A, %jit3A : i32
    %ne3A_14 = arith.constant 0 : i32
    %ne3A_15 = arith.cmpi ne, %rem3A, %ne3A_14 : i32
    %and3A = arith.andi %ne3A, %ne3A_15 : i1
    %sub3A = arith.constant 1 : i32
    %sub3A_16 = arith.subi %div3A, %sub3A : i32
    %select_n3A = arith.select %and3A, %sub3A_16, %div3A : i32
    "tpu.region"() ({
      %run_scoped3A = tpu.sem_alloc : memref<!tpu.dma_semaphore, #tpu.memory_space<semaphore_mem>>
      tpu.enqueue_dma source(%arg4 : memref<128x128xf32, #tpu.memory_space<hbm>>) target(%arg11 : memref<128x128xf32, #tpu.memory_space<vmem>>) target_semaphore(%run_scoped3A : memref<!tpu.dma_semaphore, #tpu.memory_space<semaphore_mem>>)
      tpu.wait_dma2 semaphore(%run_scoped3A : memref<!tpu.dma_semaphore, #tpu.memory_space<semaphore_mem>>) src(%arg4 : memref<128x128xf32, #tpu.memory_space<hbm>>) dst(%arg11 : memref<128x128xf32, #tpu.memory_space<vmem>>)
      tpu.yield
    }) : () -> ()
    %dma_start3A = arith.constant 42 : i32
    %dma_start3A_17 = arith.constant 0 : i32
    %dma_start3A_18 = tpu.memref_slice %arg6[%dma_start3A, %dma_start3A_17] : memref<54x128xi32, #tpu.memory_space<vmem>> -> memref<1x128xi32, #tpu.memory_space<vmem>>
    %dma_start3A_19 = tpu.memref_squeeze %dma_start3A_18 : memref<1x128xi32, #tpu.memory_space<vmem>> -> memref<128xi32, #tpu.memory_space<vmem>>
    %dma_start3A_20 = arith.constant 0 : i32
    %dma_start3A_21 = arith.constant 0 : i32
    %dma_start3A_22 = tpu.memref_slice %arg5[%select_n3A, %dma_start3A_20, %dma_start3A_21] : memref<8x16384x128xf32, #tpu.memory_space<hbm>> -> memref<1x16384x128xf32, #tpu.memory_space<hbm>>
    %dma_start3A_23 = tpu.memref_squeeze %dma_start3A_22 : memref<1x16384x128xf32, #tpu.memory_space<hbm>> -> memref<16384x128xf32, #tpu.memory_space<hbm>>
    %dma_start3A_24 = arith.constant 0 : i32
    %dma_start3A_25 = arith.constant 0 : i32
    %dma_start3A_26 = tpu.memref_slice %dma_start3A_23[%dma_start3A_24, %dma_start3A_25] : memref<16384x128xf32, #tpu.memory_space<hbm>> -> memref<16384x128xf32, #tpu.memory_space<hbm>>
    tpu.enqueue_indirect_dma source(%arg11 : memref<128x128xf32, #tpu.memory_space<vmem>>) target(%dma_start3A_26 : memref<16384x128xf32, #tpu.memory_space<hbm>>) offsets(%dma_start3A_19 : memref<128xi32, #tpu.memory_space<vmem>>) semaphore(%arg12 : memref<!tpu.dma_semaphore, #tpu.memory_space<semaphore_mem>>)
    %dma_start3A_27 = arith.constant 43 : i32
    %dma_start3A_28 = arith.constant 0 : i32
    %dma_start3A_29 = tpu.memref_slice %arg6[%dma_start3A_27, %dma_start3A_28] : memref<54x128xi32, #tpu.memory_space<vmem>> -> memref<1x128xi32, #tpu.memory_space<vmem>>
    %dma_start3A_30 = tpu.memref_squeeze %dma_start3A_29 : memref<1x128xi32, #tpu.memory_space<vmem>> -> memref<128xi32, #tpu.memory_space<vmem>>
    %dma_start3A_31 = arith.constant 0 : i32
    %dma_start3A_32 = arith.constant 0 : i32
    %dma_start3A_33 = tpu.memref_slice %arg5[%select_n3A, %dma_start3A_31, %dma_start3A_32] : memref<8x16384x128xf32, #tpu.memory_space<hbm>> -> memref<1x16384x128xf32, #tpu.memory_space<hbm>>
    %dma_start3A_34 = tpu.memref_squeeze %dma_start3A_33 : memref<1x16384x128xf32, #tpu.memory_space<hbm>> -> memref<16384x128xf32, #tpu.memory_space<hbm>>
    %dma_start3A_35 = arith.constant 0 : i32
    %dma_start3A_36 = arith.constant 0 : i32
    %dma_start3A_37 = tpu.memref_slice %dma_start3A_34[%dma_start3A_35, %dma_start3A_36] : memref<16384x128xf32, #tpu.memory_space<hbm>> -> memref<16384x128xf32, #tpu.memory_space<hbm>>
    tpu.enqueue_indirect_dma source(%arg11 : memref<128x128xf32, #tpu.memory_space<vmem>>) target(%dma_start3A_37 : memref<16384x128xf32, #tpu.memory_space<hbm>>) offsets(%dma_start3A_30 : memref<128xi32, #tpu.memory_space<vmem>>) semaphore(%arg12 : memref<!tpu.dma_semaphore, #tpu.memory_space<semaphore_mem>>)
    %dma_start3A_38 = arith.constant 44 : i32
    %dma_start3A_39 = arith.constant 0 : i32
    %dma_start3A_40 = tpu.memref_slice %arg6[%dma_start3A_38, %dma_start3A_39] : memref<54x128xi32, #tpu.memory_space<vmem>> -> memref<1x128xi32, #tpu.memory_space<vmem>>
    %dma_start3A_41 = tpu.memref_squeeze %dma_start3A_40 : memref<1x128xi32, #tpu.memory_space<vmem>> -> memref<128xi32, #tpu.memory_space<vmem>>
    %dma_start3A_42 = arith.constant 0 : i32
    %dma_start3A_43 = arith.constant 0 : i32
    %dma_start3A_44 = tpu.memref_slice %arg5[%select_n3A, %dma_start3A_42, %dma_start3A_43] : memref<8x16384x128xf32, #tpu.memory_space<hbm>> -> memref<1x16384x128xf32, #tpu.memory_space<hbm>>
    %dma_start3A_45 = tpu.memref_squeeze %dma_start3A_44 : memref<1x16384x128xf32, #tpu.memory_space<hbm>> -> memref<16384x128xf32, #tpu.memory_space<hbm>>
    %dma_start3A_46 = arith.constant 0 : i32
    %dma_start3A_47 = arith.constant 0 : i32
    %dma_start3A_48 = tpu.memref_slice %dma_start3A_45[%dma_start3A_46, %dma_start3A_47] : memref<16384x128xf32, #tpu.memory_space<hbm>> -> memref<16384x128xf32, #tpu.memory_space<hbm>>
    tpu.enqueue_indirect_dma source(%arg11 : memref<128x128xf32, #tpu.memory_space<vmem>>) target(%dma_start3A_48 : memref<16384x128xf32, #tpu.memory_space<hbm>>) offsets(%dma_start3A_41 : memref<128xi32, #tpu.memory_space<vmem>>) semaphore(%arg12 : memref<!tpu.dma_semaphore, #tpu.memory_space<semaphore_mem>>)
    %dma_start3A_49 = arith.constant 45 : i32
    %dma_start3A_50 = arith.constant 0 : i32
    %dma_start3A_51 = tpu.memref_slice %arg6[%dma_start3A_49, %dma_start3A_50] : memref<54x128xi32, #tpu.memory_space<vmem>> -> memref<1x128xi32, #tpu.memory_space<vmem>>
    %dma_start3A_52 = tpu.memref_squeeze %dma_start3A_51 : memref<1x128xi32, #tpu.memory_space<vmem>> -> memref<128xi32, #tpu.memory_space<vmem>>
    %dma_start3A_53 = arith.constant 0 : i32
    %dma_start3A_54 = arith.constant 0 : i32
    %dma_start3A_55 = tpu.memref_slice %arg5[%select_n3A, %dma_start3A_53, %dma_start3A_54] : memref<8x16384x128xf32, #tpu.memory_space<hbm>> -> memref<1x16384x128xf32, #tpu.memory_space<hbm>>
    %dma_start3A_56 = tpu.memref_squeeze %dma_start3A_55 : memref<1x16384x128xf32, #tpu.memory_space<hbm>> -> memref<16384x128xf32, #tpu.memory_space<hbm>>
    %dma_start3A_57 = arith.constant 0 : i32
    %dma_start3A_58 = arith.constant 0 : i32
    %dma_start3A_59 = tpu.memref_slice %dma_start3A_56[%dma_start3A_57, %dma_start3A_58] : memref<16384x128xf32, #tpu.memory_space<hbm>> -> memref<16384x128xf32, #tpu.memory_space<hbm>>
    tpu.enqueue_indirect_dma source(%arg11 : memref<128x128xf32, #tpu.memory_space<vmem>>) target(%dma_start3A_59 : memref<16384x128xf32, #tpu.memory_space<hbm>>) offsets(%dma_start3A_52 : memref<128xi32, #tpu.memory_space<vmem>>) semaphore(%arg12 : memref<!tpu.dma_semaphore, #tpu.memory_space<semaphore_mem>>)
    %dma_start3A_60 = arith.constant 46 : i32
    %dma_start3A_61 = arith.constant 0 : i32
    %dma_start3A_62 = tpu.memref_slice %arg6[%dma_start3A_60, %dma_start3A_61] : memref<54x128xi32, #tpu.memory_space<vmem>> -> memref<1x128xi32, #tpu.memory_space<vmem>>
    %dma_start3A_63 = tpu.memref_squeeze %dma_start3A_62 : memref<1x128xi32, #tpu.memory_space<vmem>> -> memref<128xi32, #tpu.memory_space<vmem>>
    %dma_start3A_64 = arith.constant 0 : i32
    %dma_start3A_65 = arith.constant 0 : i32
    %dma_start3A_66 = tpu.memref_slice %arg5[%select_n3A, %dma_start3A_64, %dma_start3A_65] : memref<8x16384x128xf32, #tpu.memory_space<hbm>> -> memref<1x16384x128xf32, #tpu.memory_space<hbm>>
    %dma_start3A_67 = tpu.memref_squeeze %dma_start3A_66 : memref<1x16384x128xf32, #tpu.memory_space<hbm>> -> memref<16384x128xf32, #tpu.memory_space<hbm>>
    %dma_start3A_68 = arith.constant 0 : i32
    %dma_start3A_69 = arith.constant 0 : i32
    %dma_start3A_70 = tpu.memref_slice %dma_start3A_67[%dma_start3A_68, %dma_start3A_69] : memref<16384x128xf32, #tpu.memory_space<hbm>> -> memref<16384x128xf32, #tpu.memory_space<hbm>>
    tpu.enqueue_indirect_dma source(%arg11 : memref<128x128xf32, #tpu.memory_space<vmem>>) target(%dma_start3A_70 : memref<16384x128xf32, #tpu.memory_space<hbm>>) offsets(%dma_start3A_63 : memref<128xi32, #tpu.memory_space<vmem>>) semaphore(%arg12 : memref<!tpu.dma_semaphore, #tpu.memory_space<semaphore_mem>>)
    %dma_start3A_71 = arith.constant 47 : i32
    %dma_start3A_72 = arith.constant 0 : i32
    %dma_start3A_73 = tpu.memref_slice %arg6[%dma_start3A_71, %dma_start3A_72] : memref<54x128xi32, #tpu.memory_space<vmem>> -> memref<1x128xi32, #tpu.memory_space<vmem>>
    %dma_start3A_74 = tpu.memref_squeeze %dma_start3A_73 : memref<1x128xi32, #tpu.memory_space<vmem>> -> memref<128xi32, #tpu.memory_space<vmem>>
    %dma_start3A_75 = arith.constant 0 : i32
    %dma_start3A_76 = arith.constant 0 : i32
    %dma_start3A_77 = tpu.memref_slice %arg5[%select_n3A, %dma_start3A_75, %dma_start3A_76] : memref<8x16384x128xf32, #tpu.memory_space<hbm>> -> memref<1x16384x128xf32, #tpu.memory_space<hbm>>
    %dma_start3A_78 = tpu.memref_squeeze %dma_start3A_77 : memref<1x16384x128xf32, #tpu.memory_space<hbm>> -> memref<16384x128xf32, #tpu.memory_space<hbm>>
    %dma_start3A_79 = arith.constant 0 : i32
    %dma_start3A_80 = arith.constant 0 : i32
    %dma_start3A_81 = tpu.memref_slice %dma_start3A_78[%dma_start3A_79, %dma_start3A_80] : memref<16384x128xf32, #tpu.memory_space<hbm>> -> memref<16384x128xf32, #tpu.memory_space<hbm>>
    tpu.enqueue_indirect_dma source(%arg11 : memref<128x128xf32, #tpu.memory_space<vmem>>) target(%dma_start3A_81 : memref<16384x128xf32, #tpu.memory_space<hbm>>) offsets(%dma_start3A_74 : memref<128xi32, #tpu.memory_space<vmem>>) semaphore(%arg12 : memref<!tpu.dma_semaphore, #tpu.memory_space<semaphore_mem>>)
    %dma_start3A_82 = arith.constant 48 : i32
    %dma_start3A_83 = arith.constant 0 : i32
    %dma_start3A_84 = tpu.memref_slice %arg6[%dma_start3A_82, %dma_start3A_83] : memref<54x128xi32, #tpu.memory_space<vmem>> -> memref<1x128xi32, #tpu.memory_space<vmem>>
    %dma_start3A_85 = tpu.memref_squeeze %dma_start3A_84 : memref<1x128xi32, #tpu.memory_space<vmem>> -> memref<128xi32, #tpu.memory_space<vmem>>
    %dma_start3A_86 = arith.constant 0 : i32
    %dma_start3A_87 = arith.constant 0 : i32
    %dma_start3A_88 = tpu.memref_slice %arg5[%select_n3A, %dma_start3A_86, %dma_start3A_87] : memref<8x16384x128xf32, #tpu.memory_space<hbm>> -> memref<1x16384x128xf32, #tpu.memory_space<hbm>>
    %dma_start3A_89 = tpu.memref_squeeze %dma_start3A_88 : memref<1x16384x128xf32, #tpu.memory_space<hbm>> -> memref<16384x128xf32, #tpu.memory_space<hbm>>
    %dma_start3A_90 = arith.constant 0 : i32
    %dma_start3A_91 = arith.constant 0 : i32
    %dma_start3A_92 = tpu.memref_slice %dma_start3A_89[%dma_start3A_90, %dma_start3A_91] : memref<16384x128xf32, #tpu.memory_space<hbm>> -> memref<16384x128xf32, #tpu.memory_space<hbm>>
    tpu.enqueue_indirect_dma source(%arg11 : memref<128x128xf32, #tpu.memory_space<vmem>>) target(%dma_start3A_92 : memref<16384x128xf32, #tpu.memory_space<hbm>>) offsets(%dma_start3A_85 : memref<128xi32, #tpu.memory_space<vmem>>) semaphore(%arg12 : memref<!tpu.dma_semaphore, #tpu.memory_space<semaphore_mem>>)
    %dma_start3A_93 = arith.constant 49 : i32
    %dma_start3A_94 = arith.constant 0 : i32
    %dma_start3A_95 = tpu.memref_slice %arg6[%dma_start3A_93, %dma_start3A_94] : memref<54x128xi32, #tpu.memory_space<vmem>> -> memref<1x128xi32, #tpu.memory_space<vmem>>
    %dma_start3A_96 = tpu.memref_squeeze %dma_start3A_95 : memref<1x128xi32, #tpu.memory_space<vmem>> -> memref<128xi32, #tpu.memory_space<vmem>>
    %dma_start3A_97 = arith.constant 0 : i32
    %dma_start3A_98 = arith.constant 0 : i32
    %dma_start3A_99 = tpu.memref_slice %arg5[%select_n3A, %dma_start3A_97, %dma_start3A_98] : memref<8x16384x128xf32, #tpu.memory_space<hbm>> -> memref<1x16384x128xf32, #tpu.memory_space<hbm>>
    %dma_start3A_100 = tpu.memref_squeeze %dma_start3A_99 : memref<1x16384x128xf32, #tpu.memory_space<hbm>> -> memref<16384x128xf32, #tpu.memory_space<hbm>>
    %dma_start3A_101 = arith.constant 0 : i32
    %dma_start3A_102 = arith.constant 0 : i32
    %dma_start3A_103 = tpu.memref_slice %dma_start3A_100[%dma_start3A_101, %dma_start3A_102] : memref<16384x128xf32, #tpu.memory_space<hbm>> -> memref<16384x128xf32, #tpu.memory_space<hbm>>
    tpu.enqueue_indirect_dma source(%arg11 : memref<128x128xf32, #tpu.memory_space<vmem>>) target(%dma_start3A_103 : memref<16384x128xf32, #tpu.memory_space<hbm>>) offsets(%dma_start3A_96 : memref<128xi32, #tpu.memory_space<vmem>>) semaphore(%arg12 : memref<!tpu.dma_semaphore, #tpu.memory_space<semaphore_mem>>)
    %dma_start3A_104 = arith.constant 50 : i32
    %dma_start3A_105 = arith.constant 0 : i32
    %dma_start3A_106 = tpu.memref_slice %arg6[%dma_start3A_104, %dma_start3A_105] : memref<54x128xi32, #tpu.memory_space<vmem>> -> memref<1x128xi32, #tpu.memory_space<vmem>>
    %dma_start3A_107 = tpu.memref_squeeze %dma_start3A_106 : memref<1x128xi32, #tpu.memory_space<vmem>> -> memref<128xi32, #tpu.memory_space<vmem>>
    %dma_start3A_108 = arith.constant 0 : i32
    %dma_start3A_109 = arith.constant 0 : i32
    %dma_start3A_110 = tpu.memref_slice %arg5[%select_n3A, %dma_start3A_108, %dma_start3A_109] : memref<8x16384x128xf32, #tpu.memory_space<hbm>> -> memref<1x16384x128xf32, #tpu.memory_space<hbm>>
    %dma_start3A_111 = tpu.memref_squeeze %dma_start3A_110 : memref<1x16384x128xf32, #tpu.memory_space<hbm>> -> memref<16384x128xf32, #tpu.memory_space<hbm>>
    %dma_start3A_112 = arith.constant 0 : i32
    %dma_start3A_113 = arith.constant 0 : i32
    %dma_start3A_114 = tpu.memref_slice %dma_start3A_111[%dma_start3A_112, %dma_start3A_113] : memref<16384x128xf32, #tpu.memory_space<hbm>> -> memref<16384x128xf32, #tpu.memory_space<hbm>>
    tpu.enqueue_indirect_dma source(%arg11 : memref<128x128xf32, #tpu.memory_space<vmem>>) target(%dma_start3A_114 : memref<16384x128xf32, #tpu.memory_space<hbm>>) offsets(%dma_start3A_107 : memref<128xi32, #tpu.memory_space<vmem>>) semaphore(%arg12 : memref<!tpu.dma_semaphore, #tpu.memory_space<semaphore_mem>>)
    %dma_start3A_115 = arith.constant 51 : i32
    %dma_start3A_116 = arith.constant 0 : i32
    %dma_start3A_117 = tpu.memref_slice %arg6[%dma_start3A_115, %dma_start3A_116] : memref<54x128xi32, #tpu.memory_space<vmem>> -> memref<1x128xi32, #tpu.memory_space<vmem>>
    %dma_start3A_118 = tpu.memref_squeeze %dma_start3A_117 : memref<1x128xi32, #tpu.memory_space<vmem>> -> memref<128xi32, #tpu.memory_space<vmem>>
    %dma_start3A_119 = arith.constant 0 : i32
    %dma_start3A_120 = arith.constant 0 : i32
    %dma_start3A_121 = tpu.memref_slice %arg5[%select_n3A, %dma_start3A_119, %dma_start3A_120] : memref<8x16384x128xf32, #tpu.memory_space<hbm>> -> memref<1x16384x128xf32, #tpu.memory_space<hbm>>
    %dma_start3A_122 = tpu.memref_squeeze %dma_start3A_121 : memref<1x16384x128xf32, #tpu.memory_space<hbm>> -> memref<16384x128xf32, #tpu.memory_space<hbm>>
    %dma_start3A_123 = arith.constant 0 : i32
    %dma_start3A_124 = arith.constant 0 : i32
    %dma_start3A_125 = tpu.memref_slice %dma_start3A_122[%dma_start3A_123, %dma_start3A_124] : memref<16384x128xf32, #tpu.memory_space<hbm>> -> memref<16384x128xf32, #tpu.memory_space<hbm>>
    tpu.enqueue_indirect_dma source(%arg11 : memref<128x128xf32, #tpu.memory_space<vmem>>) target(%dma_start3A_125 : memref<16384x128xf32, #tpu.memory_space<hbm>>) offsets(%dma_start3A_118 : memref<128xi32, #tpu.memory_space<vmem>>) semaphore(%arg12 : memref<!tpu.dma_semaphore, #tpu.memory_space<semaphore_mem>>)
    %dma_start3A_126 = arith.constant 52 : i32
    %dma_start3A_127 = arith.constant 0 : i32
    %dma_start3A_128 = tpu.memref_slice %arg6[%dma_start3A_126, %dma_start3A_127] : memref<54x128xi32, #tpu.memory_space<vmem>> -> memref<1x128xi32, #tpu.memory_space<vmem>>
    %dma_start3A_129 = tpu.memref_squeeze %dma_start3A_128 : memref<1x128xi32, #tpu.memory_space<vmem>> -> memref<128xi32, #tpu.memory_space<vmem>>
    %dma_start3A_130 = arith.constant 0 : i32
    %dma_start3A_131 = arith.constant 0 : i32
    %dma_start3A_132 = tpu.memref_slice %arg5[%select_n3A, %dma_start3A_130, %dma_start3A_131] : memref<8x16384x128xf32, #tpu.memory_space<hbm>> -> memref<1x16384x128xf32, #tpu.memory_space<hbm>>
    %dma_start3A_133 = tpu.memref_squeeze %dma_start3A_132 : memref<1x16384x128xf32, #tpu.memory_space<hbm>> -> memref<16384x128xf32, #tpu.memory_space<hbm>>
    %dma_start3A_134 = arith.constant 0 : i32
    %dma_start3A_135 = arith.constant 0 : i32
    %dma_start3A_136 = tpu.memref_slice %dma_start3A_133[%dma_start3A_134, %dma_start3A_135] : memref<16384x128xf32, #tpu.memory_space<hbm>> -> memref<16384x128xf32, #tpu.memory_space<hbm>>
    tpu.enqueue_indirect_dma source(%arg11 : memref<128x128xf32, #tpu.memory_space<vmem>>) target(%dma_start3A_136 : memref<16384x128xf32, #tpu.memory_space<hbm>>) offsets(%dma_start3A_129 : memref<128xi32, #tpu.memory_space<vmem>>) semaphore(%arg12 : memref<!tpu.dma_semaphore, #tpu.memory_space<semaphore_mem>>)
    %dma_start3A_137 = arith.constant 53 : i32
    %dma_start3A_138 = arith.constant 0 : i32
    %dma_start3A_139 = tpu.memref_slice %arg6[%dma_start3A_137, %dma_start3A_138] : memref<54x128xi32, #tpu.memory_space<vmem>> -> memref<1x128xi32, #tpu.memory_space<vmem>>
    %dma_start3A_140 = tpu.memref_squeeze %dma_start3A_139 : memref<1x128xi32, #tpu.memory_space<vmem>> -> memref<128xi32, #tpu.memory_space<vmem>>
    %dma_start3A_141 = arith.constant 0 : i32
    %dma_start3A_142 = arith.constant 0 : i32
    %dma_start3A_143 = tpu.memref_slice %arg5[%select_n3A, %dma_start3A_141, %dma_start3A_142] : memref<8x16384x128xf32, #tpu.memory_space<hbm>> -> memref<1x16384x128xf32, #tpu.memory_space<hbm>>
    %dma_start3A_144 = tpu.memref_squeeze %dma_start3A_143 : memref<1x16384x128xf32, #tpu.memory_space<hbm>> -> memref<16384x128xf32, #tpu.memory_space<hbm>>
    %dma_start3A_145 = arith.constant 0 : i32
    %dma_start3A_146 = arith.constant 0 : i32
    %dma_start3A_147 = tpu.memref_slice %dma_start3A_144[%dma_start3A_145, %dma_start3A_146] : memref<16384x128xf32, #tpu.memory_space<hbm>> -> memref<16384x128xf32, #tpu.memory_space<hbm>>
    tpu.enqueue_indirect_dma source(%arg11 : memref<128x128xf32, #tpu.memory_space<vmem>>) target(%dma_start3A_147 : memref<16384x128xf32, #tpu.memory_space<hbm>>) offsets(%dma_start3A_140 : memref<128xi32, #tpu.memory_space<vmem>>) semaphore(%arg12 : memref<!tpu.dma_semaphore, #tpu.memory_space<semaphore_mem>>)
    %dma_start3A_148 = arith.constant 0 : i32
    %dma_start3A_149 = arith.constant 0 : i32
    %dma_start3A_150 = tpu.memref_slice %arg6[%dma_start3A_148, %dma_start3A_149] : memref<54x128xi32, #tpu.memory_space<vmem>> -> memref<1x128xi32, #tpu.memory_space<vmem>>
    %dma_start3A_151 = tpu.memref_squeeze %dma_start3A_150 : memref<1x128xi32, #tpu.memory_space<vmem>> -> memref<128xi32, #tpu.memory_space<vmem>>
    %dma_start3A_152 = arith.constant 0 : i32
    %dma_start3A_153 = arith.constant 0 : i32
    %dma_start3A_154 = tpu.memref_slice %arg2[%select_n3A, %dma_start3A_152, %dma_start3A_153] : memref<8x10621x128xf32, #tpu.memory_space<hbm>> -> memref<1x10621x128xf32, #tpu.memory_space<hbm>>
    %dma_start3A_155 = tpu.memref_squeeze %dma_start3A_154 : memref<1x10621x128xf32, #tpu.memory_space<hbm>> -> memref<10621x128xf32, #tpu.memory_space<hbm>>
    %dma_start3A_156 = arith.constant 0 : i32
    %dma_start3A_157 = arith.constant 0 : i32
    %dma_start3A_158 = tpu.memref_slice %dma_start3A_155[%dma_start3A_156, %dma_start3A_157] : memref<10621x128xf32, #tpu.memory_space<hbm>> -> memref<10621x128xf32, #tpu.memory_space<hbm>>
    tpu.enqueue_indirect_dma source(%dma_start3A_158 : memref<10621x128xf32, #tpu.memory_space<hbm>>) target(%arg7 : memref<128x128xf32, #tpu.memory_space<vmem>>) offsets(%dma_start3A_151 : memref<128xi32, #tpu.memory_space<vmem>>) semaphore(%arg9 : memref<!tpu.dma_semaphore, #tpu.memory_space<semaphore_mem>>)
    %dma_wait3A = arith.constant 0 : i32
    %dma_wait3A_159 = arith.constant 0 : i32
    %dma_wait3A_160 = tpu.memref_slice %arg6[%dma_wait3A, %dma_wait3A_159] : memref<54x128xi32, #tpu.memory_space<vmem>> -> memref<1x128xi32, #tpu.memory_space<vmem>>
    %dma_wait3A_161 = tpu.memref_squeeze %dma_wait3A_160 : memref<1x128xi32, #tpu.memory_space<vmem>> -> memref<128xi32, #tpu.memory_space<vmem>>
    %dma_wait3A_162 = arith.constant 0 : i32
    %dma_wait3A_163 = arith.constant 0 : i32
    %dma_wait3A_164 = tpu.memref_slice %arg2[%select_n3A, %dma_wait3A_162, %dma_wait3A_163] : memref<8x10621x128xf32, #tpu.memory_space<hbm>> -> memref<1x10621x128xf32, #tpu.memory_space<hbm>>
    %dma_wait3A_165 = tpu.memref_squeeze %dma_wait3A_164 : memref<1x10621x128xf32, #tpu.memory_space<hbm>> -> memref<10621x128xf32, #tpu.memory_space<hbm>>
    %dma_wait3A_166 = arith.constant 0 : i32
    %dma_wait3A_167 = arith.constant 0 : i32
    %dma_wait3A_168 = tpu.memref_slice %dma_wait3A_165[%dma_wait3A_166, %dma_wait3A_167] : memref<10621x128xf32, #tpu.memory_space<hbm>> -> memref<10621x128xf32, #tpu.memory_space<hbm>>
    tpu.wait_indirect_dma semaphore(%arg9 : memref<!tpu.dma_semaphore, #tpu.memory_space<semaphore_mem>>) src(%dma_wait3A_168 : memref<10621x128xf32, #tpu.memory_space<hbm>>) dst(%arg7 : memref<128x128xf32, #tpu.memory_space<vmem>>)
    %dma_start3A_169 = arith.constant 1 : i32
    %dma_start3A_170 = arith.constant 0 : i32
    %dma_start3A_171 = tpu.memref_slice %arg6[%dma_start3A_169, %dma_start3A_170] : memref<54x128xi32, #tpu.memory_space<vmem>> -> memref<1x128xi32, #tpu.memory_space<vmem>>
    %dma_start3A_172 = tpu.memref_squeeze %dma_start3A_171 : memref<1x128xi32, #tpu.memory_space<vmem>> -> memref<128xi32, #tpu.memory_space<vmem>>
    %dma_start3A_173 = arith.constant 0 : i32
    %dma_start3A_174 = arith.constant 0 : i32
    %dma_start3A_175 = tpu.memref_slice %arg5[%select_n3A, %dma_start3A_173, %dma_start3A_174] : memref<8x16384x128xf32, #tpu.memory_space<hbm>> -> memref<1x16384x128xf32, #tpu.memory_space<hbm>>
    %dma_start3A_176 = tpu.memref_squeeze %dma_start3A_175 : memref<1x16384x128xf32, #tpu.memory_space<hbm>> -> memref<16384x128xf32, #tpu.memory_space<hbm>>
    %dma_start3A_177 = arith.constant 0 : i32
    %dma_start3A_178 = arith.constant 0 : i32
    %dma_start3A_179 = tpu.memref_slice %dma_start3A_176[%dma_start3A_177, %dma_start3A_178] : memref<16384x128xf32, #tpu.memory_space<hbm>> -> memref<16384x128xf32, #tpu.memory_space<hbm>>
    tpu.enqueue_indirect_dma source(%arg7 : memref<128x128xf32, #tpu.memory_space<vmem>>) target(%dma_start3A_179 : memref<16384x128xf32, #tpu.memory_space<hbm>>) offsets(%dma_start3A_172 : memref<128xi32, #tpu.memory_space<vmem>>) semaphore(%arg10 : memref<!tpu.dma_semaphore, #tpu.memory_space<semaphore_mem>>)
    %dma_start3A_180 = arith.constant 2 : i32
    %dma_start3A_181 = arith.constant 0 : i32
    %dma_start3A_182 = tpu.memref_slice %arg6[%dma_start3A_180, %dma_start3A_181] : memref<54x128xi32, #tpu.memory_space<vmem>> -> memref<1x128xi32, #tpu.memory_space<vmem>>
    %dma_start3A_183 = tpu.memref_squeeze %dma_start3A_182 : memref<1x128xi32, #tpu.memory_space<vmem>> -> memref<128xi32, #tpu.memory_space<vmem>>
    %dma_start3A_184 = arith.constant 0 : i32
    %dma_start3A_185 = arith.constant 0 : i32
    %dma_start3A_186 = tpu.memref_slice %arg2[%select_n3A, %dma_start3A_184, %dma_start3A_185] : memref<8x10621x128xf32, #tpu.memory_space<hbm>> -> memref<1x10621x128xf32, #tpu.memory_space<hbm>>
    %dma_start3A_187 = tpu.memref_squeeze %dma_start3A_186 : memref<1x10621x128xf32, #tpu.memory_space<hbm>> -> memref<10621x128xf32, #tpu.memory_space<hbm>>
    %dma_start3A_188 = arith.constant 0 : i32
    %dma_start3A_189 = arith.constant 0 : i32
    %dma_start3A_190 = tpu.memref_slice %dma_start3A_187[%dma_start3A_188, %dma_start3A_189] : memref<10621x128xf32, #tpu.memory_space<hbm>> -> memref<10621x128xf32, #tpu.memory_space<hbm>>
    tpu.enqueue_indirect_dma source(%dma_start3A_190 : memref<10621x128xf32, #tpu.memory_space<hbm>>) target(%arg8 : memref<128x128xf32, #tpu.memory_space<vmem>>) offsets(%dma_start3A_183 : memref<128xi32, #tpu.memory_space<vmem>>) semaphore(%arg9 : memref<!tpu.dma_semaphore, #tpu.memory_space<semaphore_mem>>)
    %dma_wait3A_191 = arith.constant 2 : i32
    %dma_wait3A_192 = arith.constant 0 : i32
    %dma_wait3A_193 = tpu.memref_slice %arg6[%dma_wait3A_191, %dma_wait3A_192] : memref<54x128xi32, #tpu.memory_space<vmem>> -> memref<1x128xi32, #tpu.memory_space<vmem>>
    %dma_wait3A_194 = tpu.memref_squeeze %dma_wait3A_193 : memref<1x128xi32, #tpu.memory_space<vmem>> -> memref<128xi32, #tpu.memory_space<vmem>>
    %dma_wait3A_195 = arith.constant 0 : i32
    %dma_wait3A_196 = arith.constant 0 : i32
    %dma_wait3A_197 = tpu.memref_slice %arg2[%select_n3A, %dma_wait3A_195, %dma_wait3A_196] : memref<8x10621x128xf32, #tpu.memory_space<hbm>> -> memref<1x10621x128xf32, #tpu.memory_space<hbm>>
    %dma_wait3A_198 = tpu.memref_squeeze %dma_wait3A_197 : memref<1x10621x128xf32, #tpu.memory_space<hbm>> -> memref<10621x128xf32, #tpu.memory_space<hbm>>
    %dma_wait3A_199 = arith.constant 0 : i32
    %dma_wait3A_200 = arith.constant 0 : i32
    %dma_wait3A_201 = tpu.memref_slice %dma_wait3A_198[%dma_wait3A_199, %dma_wait3A_200] : memref<10621x128xf32, #tpu.memory_space<hbm>> -> memref<10621x128xf32, #tpu.memory_space<hbm>>
    tpu.wait_indirect_dma semaphore(%arg9 : memref<!tpu.dma_semaphore, #tpu.memory_space<semaphore_mem>>) src(%dma_wait3A_201 : memref<10621x128xf32, #tpu.memory_space<hbm>>) dst(%arg8 : memref<128x128xf32, #tpu.memory_space<vmem>>)
    %dma_start3A_202 = arith.constant 3 : i32
    %dma_start3A_203 = arith.constant 0 : i32
    %dma_start3A_204 = tpu.memref_slice %arg6[%dma_start3A_202, %dma_start3A_203] : memref<54x128xi32, #tpu.memory_space<vmem>> -> memref<1x128xi32, #tpu.memory_space<vmem>>
    %dma_start3A_205 = tpu.memref_squeeze %dma_start3A_204 : memref<1x128xi32, #tpu.memory_space<vmem>> -> memref<128xi32, #tpu.memory_space<vmem>>
    %dma_start3A_206 = arith.constant 0 : i32
    %dma_start3A_207 = arith.constant 0 : i32
    %dma_start3A_208 = tpu.memref_slice %arg5[%select_n3A, %dma_start3A_206, %dma_start3A_207] : memref<8x16384x128xf32, #tpu.memory_space<hbm>> -> memref<1x16384x128xf32, #tpu.memory_space<hbm>>
    %dma_start3A_209 = tpu.memref_squeeze %dma_start3A_208 : memref<1x16384x128xf32, #tpu.memory_space<hbm>> -> memref<16384x128xf32, #tpu.memory_space<hbm>>
    %dma_start3A_210 = arith.constant 0 : i32
    %dma_start3A_211 = arith.constant 0 : i32
    %dma_start3A_212 = tpu.memref_slice %dma_start3A_209[%dma_start3A_210, %dma_start3A_211] : memref<16384x128xf32, #tpu.memory_space<hbm>> -> memref<16384x128xf32, #tpu.memory_space<hbm>>
    tpu.enqueue_indirect_dma source(%arg8 : memref<128x128xf32, #tpu.memory_space<vmem>>) target(%dma_start3A_212 : memref<16384x128xf32, #tpu.memory_space<hbm>>) offsets(%dma_start3A_205 : memref<128xi32, #tpu.memory_space<vmem>>) semaphore(%arg10 : memref<!tpu.dma_semaphore, #tpu.memory_space<semaphore_mem>>)
    %dma_wait3A_213 = arith.constant 1 : i32
    %dma_wait3A_214 = arith.constant 0 : i32
    %dma_wait3A_215 = tpu.memref_slice %arg6[%dma_wait3A_213, %dma_wait3A_214] : memref<54x128xi32, #tpu.memory_space<vmem>> -> memref<1x128xi32, #tpu.memory_space<vmem>>
    %dma_wait3A_216 = tpu.memref_squeeze %dma_wait3A_215 : memref<1x128xi32, #tpu.memory_space<vmem>> -> memref<128xi32, #tpu.memory_space<vmem>>
    %dma_wait3A_217 = arith.constant 0 : i32
    %dma_wait3A_218 = arith.constant 0 : i32
    %dma_wait3A_219 = tpu.memref_slice %arg5[%select_n3A, %dma_wait3A_217, %dma_wait3A_218] : memref<8x16384x128xf32, #tpu.memory_space<hbm>> -> memref<1x16384x128xf32, #tpu.memory_space<hbm>>
    %dma_wait3A_220 = tpu.memref_squeeze %dma_wait3A_219 : memref<1x16384x128xf32, #tpu.memory_space<hbm>> -> memref<16384x128xf32, #tpu.memory_space<hbm>>
    %dma_wait3A_221 = arith.constant 0 : i32
    %dma_wait3A_222 = arith.constant 0 : i32
    %dma_wait3A_223 = tpu.memref_slice %dma_wait3A_220[%dma_wait3A_221, %dma_wait3A_222] : memref<16384x128xf32, #tpu.memory_space<hbm>> -> memref<16384x128xf32, #tpu.memory_space<hbm>>
    tpu.wait_indirect_dma semaphore(%arg10 : memref<!tpu.dma_semaphore, #tpu.memory_space<semaphore_mem>>) src(%arg7 : memref<128x128xf32, #tpu.memory_space<vmem>>) dst(%dma_wait3A_223 : memref<16384x128xf32, #tpu.memory_space<hbm>>)
    %dma_start3A_224 = arith.constant 4 : i32
    %dma_start3A_225 = arith.constant 0 : i32
    %dma_start3A_226 = tpu.memref_slice %arg6[%dma_start3A_224, %dma_start3A_225] : memref<54x128xi32, #tpu.memory_space<vmem>> -> memref<1x128xi32, #tpu.memory_space<vmem>>
    %dma_start3A_227 = tpu.memref_squeeze %dma_start3A_226 : memref<1x128xi32, #tpu.memory_space<vmem>> -> memref<128xi32, #tpu.memory_space<vmem>>
    %dma_start3A_228 = arith.constant 0 : i32
    %dma_start3A_229 = arith.constant 0 : i32
    %dma_start3A_230 = tpu.memref_slice %arg2[%select_n3A, %dma_start3A_228, %dma_start3A_229] : memref<8x10621x128xf32, #tpu.memory_space<hbm>> -> memref<1x10621x128xf32, #tpu.memory_space<hbm>>
    %dma_start3A_231 = tpu.memref_squeeze %dma_start3A_230 : memref<1x10621x128xf32, #tpu.memory_space<hbm>> -> memref<10621x128xf32, #tpu.memory_space<hbm>>
    %dma_start3A_232 = arith.constant 0 : i32
    %dma_start3A_233 = arith.constant 0 : i32
    %dma_start3A_234 = tpu.memref_slice %dma_start3A_231[%dma_start3A_232, %dma_start3A_233] : memref<10621x128xf32, #tpu.memory_space<hbm>> -> memref<10621x128xf32, #tpu.memory_space<hbm>>
    tpu.enqueue_indirect_dma source(%dma_start3A_234 : memref<10621x128xf32, #tpu.memory_space<hbm>>) target(%arg7 : memref<128x128xf32, #tpu.memory_space<vmem>>) offsets(%dma_start3A_227 : memref<128xi32, #tpu.memory_space<vmem>>) semaphore(%arg9 : memref<!tpu.dma_semaphore, #tpu.memory_space<semaphore_mem>>)
    %dma_wait3A_235 = arith.constant 4 : i32
    %dma_wait3A_236 = arith.constant 0 : i32
    %dma_wait3A_237 = tpu.memref_slice %arg6[%dma_wait3A_235, %dma_wait3A_236] : memref<54x128xi32, #tpu.memory_space<vmem>> -> memref<1x128xi32, #tpu.memory_space<vmem>>
    %dma_wait3A_238 = tpu.memref_squeeze %dma_wait3A_237 : memref<1x128xi32, #tpu.memory_space<vmem>> -> memref<128xi32, #tpu.memory_space<vmem>>
    %dma_wait3A_239 = arith.constant 0 : i32
    %dma_wait3A_240 = arith.constant 0 : i32
    %dma_wait3A_241 = tpu.memref_slice %arg2[%select_n3A, %dma_wait3A_239, %dma_wait3A_240] : memref<8x10621x128xf32, #tpu.memory_space<hbm>> -> memref<1x10621x128xf32, #tpu.memory_space<hbm>>
    %dma_wait3A_242 = tpu.memref_squeeze %dma_wait3A_241 : memref<1x10621x128xf32, #tpu.memory_space<hbm>> -> memref<10621x128xf32, #tpu.memory_space<hbm>>
    %dma_wait3A_243 = arith.constant 0 : i32
    %dma_wait3A_244 = arith.constant 0 : i32
    %dma_wait3A_245 = tpu.memref_slice %dma_wait3A_242[%dma_wait3A_243, %dma_wait3A_244] : memref<10621x128xf32, #tpu.memory_space<hbm>> -> memref<10621x128xf32, #tpu.memory_space<hbm>>
    tpu.wait_indirect_dma semaphore(%arg9 : memref<!tpu.dma_semaphore, #tpu.memory_space<semaphore_mem>>) src(%dma_wait3A_245 : memref<10621x128xf32, #tpu.memory_space<hbm>>) dst(%arg7 : memref<128x128xf32, #tpu.memory_space<vmem>>)
    %dma_start3A_246 = arith.constant 5 : i32
    %dma_start3A_247 = arith.constant 0 : i32
    %dma_start3A_248 = tpu.memref_slice %arg6[%dma_start3A_246, %dma_start3A_247] : memref<54x128xi32, #tpu.memory_space<vmem>> -> memref<1x128xi32, #tpu.memory_space<vmem>>
    %dma_start3A_249 = tpu.memref_squeeze %dma_start3A_248 : memref<1x128xi32, #tpu.memory_space<vmem>> -> memref<128xi32, #tpu.memory_space<vmem>>
    %dma_start3A_250 = arith.constant 0 : i32
    %dma_start3A_251 = arith.constant 0 : i32
    %dma_start3A_252 = tpu.memref_slice %arg5[%select_n3A, %dma_start3A_250, %dma_start3A_251] : memref<8x16384x128xf32, #tpu.memory_space<hbm>> -> memref<1x16384x128xf32, #tpu.memory_space<hbm>>
    %dma_start3A_253 = tpu.memref_squeeze %dma_start3A_252 : memref<1x16384x128xf32, #tpu.memory_space<hbm>> -> memref<16384x128xf32, #tpu.memory_space<hbm>>
    %dma_start3A_254 = arith.constant 0 : i32
    %dma_start3A_255 = arith.constant 0 : i32
    %dma_start3A_256 = tpu.memref_slice %dma_start3A_253[%dma_start3A_254, %dma_start3A_255] : memref<16384x128xf32, #tpu.memory_space<hbm>> -> memref<16384x128xf32, #tpu.memory_space<hbm>>
    tpu.enqueue_indirect_dma source(%arg7 : memref<128x128xf32, #tpu.memory_space<vmem>>) target(%dma_start3A_256 : memref<16384x128xf32, #tpu.memory_space<hbm>>) offsets(%dma_start3A_249 : memref<128xi32, #tpu.memory_space<vmem>>) semaphore(%arg10 : memref<!tpu.dma_semaphore, #tpu.memory_space<semaphore_mem>>)
    %dma_wait3A_257 = arith.constant 3 : i32
    %dma_wait3A_258 = arith.constant 0 : i32
    %dma_wait3A_259 = tpu.memref_slice %arg6[%dma_wait3A_257, %dma_wait3A_258] : memref<54x128xi32, #tpu.memory_space<vmem>> -> memref<1x128xi32, #tpu.memory_space<vmem>>
    %dma_wait3A_260 = tpu.memref_squeeze %dma_wait3A_259 : memref<1x128xi32, #tpu.memory_space<vmem>> -> memref<128xi32, #tpu.memory_space<vmem>>
    %dma_wait3A_261 = arith.constant 0 : i32
    %dma_wait3A_262 = arith.constant 0 : i32
    %dma_wait3A_263 = tpu.memref_slice %arg5[%select_n3A, %dma_wait3A_261, %dma_wait3A_262] : memref<8x16384x128xf32, #tpu.memory_space<hbm>> -> memref<1x16384x128xf32, #tpu.memory_space<hbm>>
    %dma_wait3A_264 = tpu.memref_squeeze %dma_wait3A_263 : memref<1x16384x128xf32, #tpu.memory_space<hbm>> -> memref<16384x128xf32, #tpu.memory_space<hbm>>
    %dma_wait3A_265 = arith.constant 0 : i32
    %dma_wait3A_266 = arith.constant 0 : i32
    %dma_wait3A_267 = tpu.memref_slice %dma_wait3A_264[%dma_wait3A_265, %dma_wait3A_266] : memref<16384x128xf32, #tpu.memory_space<hbm>> -> memref<16384x128xf32, #tpu.memory_space<hbm>>
    tpu.wait_indirect_dma semaphore(%arg10 : memref<!tpu.dma_semaphore, #tpu.memory_space<semaphore_mem>>) src(%arg8 : memref<128x128xf32, #tpu.memory_space<vmem>>) dst(%dma_wait3A_267 : memref<16384x128xf32, #tpu.memory_space<hbm>>)
    %dma_start3A_268 = arith.constant 6 : i32
    %dma_start3A_269 = arith.constant 0 : i32
    %dma_start3A_270 = tpu.memref_slice %arg6[%dma_start3A_268, %dma_start3A_269] : memref<54x128xi32, #tpu.memory_space<vmem>> -> memref<1x128xi32, #tpu.memory_space<vmem>>
    %dma_start3A_271 = tpu.memref_squeeze %dma_start3A_270 : memref<1x128xi32, #tpu.memory_space<vmem>> -> memref<128xi32, #tpu.memory_space<vmem>>
    %dma_start3A_272 = arith.constant 0 : i32
    %dma_start3A_273 = arith.constant 0 : i32
    %dma_start3A_274 = tpu.memref_slice %arg2[%select_n3A, %dma_start3A_272, %dma_start3A_273] : memref<8x10621x128xf32, #tpu.memory_space<hbm>> -> memref<1x10621x128xf32, #tpu.memory_space<hbm>>
    %dma_start3A_275 = tpu.memref_squeeze %dma_start3A_274 : memref<1x10621x128xf32, #tpu.memory_space<hbm>> -> memref<10621x128xf32, #tpu.memory_space<hbm>>
    %dma_start3A_276 = arith.constant 0 : i32
    %dma_start3A_277 = arith.constant 0 : i32
    %dma_start3A_278 = tpu.memref_slice %dma_start3A_275[%dma_start3A_276, %dma_start3A_277] : memref<10621x128xf32, #tpu.memory_space<hbm>> -> memref<10621x128xf32, #tpu.memory_space<hbm>>
    tpu.enqueue_indirect_dma source(%dma_start3A_278 : memref<10621x128xf32, #tpu.memory_space<hbm>>) target(%arg8 : memref<128x128xf32, #tpu.memory_space<vmem>>) offsets(%dma_start3A_271 : memref<128xi32, #tpu.memory_space<vmem>>) semaphore(%arg9 : memref<!tpu.dma_semaphore, #tpu.memory_space<semaphore_mem>>)
    %dma_wait3A_279 = arith.constant 6 : i32
    %dma_wait3A_280 = arith.constant 0 : i32
    %dma_wait3A_281 = tpu.memref_slice %arg6[%dma_wait3A_279, %dma_wait3A_280] : memref<54x128xi32, #tpu.memory_space<vmem>> -> memref<1x128xi32, #tpu.memory_space<vmem>>
    %dma_wait3A_282 = tpu.memref_squeeze %dma_wait3A_281 : memref<1x128xi32, #tpu.memory_space<vmem>> -> memref<128xi32, #tpu.memory_space<vmem>>
    %dma_wait3A_283 = arith.constant 0 : i32
    %dma_wait3A_284 = arith.constant 0 : i32
    %dma_wait3A_285 = tpu.memref_slice %arg2[%select_n3A, %dma_wait3A_283, %dma_wait3A_284] : memref<8x10621x128xf32, #tpu.memory_space<hbm>> -> memref<1x10621x128xf32, #tpu.memory_space<hbm>>
    %dma_wait3A_286 = tpu.memref_squeeze %dma_wait3A_285 : memref<1x10621x128xf32, #tpu.memory_space<hbm>> -> memref<10621x128xf32, #tpu.memory_space<hbm>>
    %dma_wait3A_287 = arith.constant 0 : i32
    %dma_wait3A_288 = arith.constant 0 : i32
    %dma_wait3A_289 = tpu.memref_slice %dma_wait3A_286[%dma_wait3A_287, %dma_wait3A_288] : memref<10621x128xf32, #tpu.memory_space<hbm>> -> memref<10621x128xf32, #tpu.memory_space<hbm>>
    tpu.wait_indirect_dma semaphore(%arg9 : memref<!tpu.dma_semaphore, #tpu.memory_space<semaphore_mem>>) src(%dma_wait3A_289 : memref<10621x128xf32, #tpu.memory_space<hbm>>) dst(%arg8 : memref<128x128xf32, #tpu.memory_space<vmem>>)
    %dma_start3A_290 = arith.constant 7 : i32
    %dma_start3A_291 = arith.constant 0 : i32
    %dma_start3A_292 = tpu.memref_slice %arg6[%dma_start3A_290, %dma_start3A_291] : memref<54x128xi32, #tpu.memory_space<vmem>> -> memref<1x128xi32, #tpu.memory_space<vmem>>
    %dma_start3A_293 = tpu.memref_squeeze %dma_start3A_292 : memref<1x128xi32, #tpu.memory_space<vmem>> -> memref<128xi32, #tpu.memory_space<vmem>>
    %dma_start3A_294 = arith.constant 0 : i32
    %dma_start3A_295 = arith.constant 0 : i32
    %dma_start3A_296 = tpu.memref_slice %arg5[%select_n3A, %dma_start3A_294, %dma_start3A_295] : memref<8x16384x128xf32, #tpu.memory_space<hbm>> -> memref<1x16384x128xf32, #tpu.memory_space<hbm>>
    %dma_start3A_297 = tpu.memref_squeeze %dma_start3A_296 : memref<1x16384x128xf32, #tpu.memory_space<hbm>> -> memref<16384x128xf32, #tpu.memory_space<hbm>>
    %dma_start3A_298 = arith.constant 0 : i32
    %dma_start3A_299 = arith.constant 0 : i32
    %dma_start3A_300 = tpu.memref_slice %dma_start3A_297[%dma_start3A_298, %dma_start3A_299] : memref<16384x128xf32, #tpu.memory_space<hbm>> -> memref<16384x128xf32, #tpu.memory_space<hbm>>
    tpu.enqueue_indirect_dma source(%arg8 : memref<128x128xf32, #tpu.memory_space<vmem>>) target(%dma_start3A_300 : memref<16384x128xf32, #tpu.memory_space<hbm>>) offsets(%dma_start3A_293 : memref<128xi32, #tpu.memory_space<vmem>>) semaphore(%arg10 : memref<!tpu.dma_semaphore, #tpu.memory_space<semaphore_mem>>)
    %dma_wait3A_301 = arith.constant 5 : i32
    %dma_wait3A_302 = arith.constant 0 : i32
    %dma_wait3A_303 = tpu.memref_slice %arg6[%dma_wait3A_301, %dma_wait3A_302] : memref<54x128xi32, #tpu.memory_space<vmem>> -> memref<1x128xi32, #tpu.memory_space<vmem>>
    %dma_wait3A_304 = tpu.memref_squeeze %dma_wait3A_303 : memref<1x128xi32, #tpu.memory_space<vmem>> -> memref<128xi32, #tpu.memory_space<vmem>>
    %dma_wait3A_305 = arith.constant 0 : i32
    %dma_wait3A_306 = arith.constant 0 : i32
    %dma_wait3A_307 = tpu.memref_slice %arg5[%select_n3A, %dma_wait3A_305, %dma_wait3A_306] : memref<8x16384x128xf32, #tpu.memory_space<hbm>> -> memref<1x16384x128xf32, #tpu.memory_space<hbm>>
    %dma_wait3A_308 = tpu.memref_squeeze %dma_wait3A_307 : memref<1x16384x128xf32, #tpu.memory_space<hbm>> -> memref<16384x128xf32, #tpu.memory_space<hbm>>
    %dma_wait3A_309 = arith.constant 0 : i32
    %dma_wait3A_310 = arith.constant 0 : i32
    %dma_wait3A_311 = tpu.memref_slice %dma_wait3A_308[%dma_wait3A_309, %dma_wait3A_310] : memref<16384x128xf32, #tpu.memory_space<hbm>> -> memref<16384x128xf32, #tpu.memory_space<hbm>>
    tpu.wait_indirect_dma semaphore(%arg10 : memref<!tpu.dma_semaphore, #tpu.memory_space<semaphore_mem>>) src(%arg7 : memref<128x128xf32, #tpu.memory_space<vmem>>) dst(%dma_wait3A_311 : memref<16384x128xf32, #tpu.memory_space<hbm>>)
    %dma_start3A_312 = arith.constant 8 : i32
    %dma_start3A_313 = arith.constant 0 : i32
    %dma_start3A_314 = tpu.memref_slice %arg6[%dma_start3A_312, %dma_start3A_313] : memref<54x128xi32, #tpu.memory_space<vmem>> -> memref<1x128xi32, #tpu.memory_space<vmem>>
    %dma_start3A_315 = tpu.memref_squeeze %dma_start3A_314 : memref<1x128xi32, #tpu.memory_space<vmem>> -> memref<128xi32, #tpu.memory_space<vmem>>
    %dma_start3A_316 = arith.constant 0 : i32
    %dma_start3A_317 = arith.constant 0 : i32
    %dma_start3A_318 = tpu.memref_slice %arg2[%select_n3A, %dma_start3A_316, %dma_start3A_317] : memref<8x10621x128xf32, #tpu.memory_space<hbm>> -> memref<1x10621x128xf32, #tpu.memory_space<hbm>>
    %dma_start3A_319 = tpu.memref_squeeze %dma_start3A_318 : memref<1x10621x128xf32, #tpu.memory_space<hbm>> -> memref<10621x128xf32, #tpu.memory_space<hbm>>
    %dma_start3A_320 = arith.constant 0 : i32
    %dma_start3A_321 = arith.constant 0 : i32
    %dma_start3A_322 = tpu.memref_slice %dma_start3A_319[%dma_start3A_320, %dma_start3A_321] : memref<10621x128xf32, #tpu.memory_space<hbm>> -> memref<10621x128xf32, #tpu.memory_space<hbm>>
    tpu.enqueue_indirect_dma source(%dma_start3A_322 : memref<10621x128xf32, #tpu.memory_space<hbm>>) target(%arg7 : memref<128x128xf32, #tpu.memory_space<vmem>>) offsets(%dma_start3A_315 : memref<128xi32, #tpu.memory_space<vmem>>) semaphore(%arg9 : memref<!tpu.dma_semaphore, #tpu.memory_space<semaphore_mem>>)
    %dma_wait3A_323 = arith.constant 8 : i32
    %dma_wait3A_324 = arith.constant 0 : i32
    %dma_wait3A_325 = tpu.memref_slice %arg6[%dma_wait3A_323, %dma_wait3A_324] : memref<54x128xi32, #tpu.memory_space<vmem>> -> memref<1x128xi32, #tpu.memory_space<vmem>>
    %dma_wait3A_326 = tpu.memref_squeeze %dma_wait3A_325 : memref<1x128xi32, #tpu.memory_space<vmem>> -> memref<128xi32, #tpu.memory_space<vmem>>
    %dma_wait3A_327 = arith.constant 0 : i32
    %dma_wait3A_328 = arith.constant 0 : i32
    %dma_wait3A_329 = tpu.memref_slice %arg2[%select_n3A, %dma_wait3A_327, %dma_wait3A_328] : memref<8x10621x128xf32, #tpu.memory_space<hbm>> -> memref<1x10621x128xf32, #tpu.memory_space<hbm>>
    %dma_wait3A_330 = tpu.memref_squeeze %dma_wait3A_329 : memref<1x10621x128xf32, #tpu.memory_space<hbm>> -> memref<10621x128xf32, #tpu.memory_space<hbm>>
    %dma_wait3A_331 = arith.constant 0 : i32
    %dma_wait3A_332 = arith.constant 0 : i32
    %dma_wait3A_333 = tpu.memref_slice %dma_wait3A_330[%dma_wait3A_331, %dma_wait3A_332] : memref<10621x128xf32, #tpu.memory_space<hbm>> -> memref<10621x128xf32, #tpu.memory_space<hbm>>
    tpu.wait_indirect_dma semaphore(%arg9 : memref<!tpu.dma_semaphore, #tpu.memory_space<semaphore_mem>>) src(%dma_wait3A_333 : memref<10621x128xf32, #tpu.memory_space<hbm>>) dst(%arg7 : memref<128x128xf32, #tpu.memory_space<vmem>>)
    %dma_start3A_334 = arith.constant 9 : i32
    %dma_start3A_335 = arith.constant 0 : i32
    %dma_start3A_336 = tpu.memref_slice %arg6[%dma_start3A_334, %dma_start3A_335] : memref<54x128xi32, #tpu.memory_space<vmem>> -> memref<1x128xi32, #tpu.memory_space<vmem>>
    %dma_start3A_337 = tpu.memref_squeeze %dma_start3A_336 : memref<1x128xi32, #tpu.memory_space<vmem>> -> memref<128xi32, #tpu.memory_space<vmem>>
    %dma_start3A_338 = arith.constant 0 : i32
    %dma_start3A_339 = arith.constant 0 : i32
    %dma_start3A_340 = tpu.memref_slice %arg5[%select_n3A, %dma_start3A_338, %dma_start3A_339] : memref<8x16384x128xf32, #tpu.memory_space<hbm>> -> memref<1x16384x128xf32, #tpu.memory_space<hbm>>
    %dma_start3A_341 = tpu.memref_squeeze %dma_start3A_340 : memref<1x16384x128xf32, #tpu.memory_space<hbm>> -> memref<16384x128xf32, #tpu.memory_space<hbm>>
    %dma_start3A_342 = arith.constant 0 : i32
    %dma_start3A_343 = arith.constant 0 : i32
    %dma_start3A_344 = tpu.memref_slice %dma_start3A_341[%dma_start3A_342, %dma_start3A_343] : memref<16384x128xf32, #tpu.memory_space<hbm>> -> memref<16384x128xf32, #tpu.memory_space<hbm>>
    tpu.enqueue_indirect_dma source(%arg7 : memref<128x128xf32, #tpu.memory_space<vmem>>) target(%dma_start3A_344 : memref<16384x128xf32, #tpu.memory_space<hbm>>) offsets(%dma_start3A_337 : memref<128xi32, #tpu.memory_space<vmem>>) semaphore(%arg10 : memref<!tpu.dma_semaphore, #tpu.memory_space<semaphore_mem>>)
    %dma_wait3A_345 = arith.constant 7 : i32
    %dma_wait3A_346 = arith.constant 0 : i32
    %dma_wait3A_347 = tpu.memref_slice %arg6[%dma_wait3A_345, %dma_wait3A_346] : memref<54x128xi32, #tpu.memory_space<vmem>> -> memref<1x128xi32, #tpu.memory_space<vmem>>
    %dma_wait3A_348 = tpu.memref_squeeze %dma_wait3A_347 : memref<1x128xi32, #tpu.memory_space<vmem>> -> memref<128xi32, #tpu.memory_space<vmem>>
    %dma_wait3A_349 = arith.constant 0 : i32
    %dma_wait3A_350 = arith.constant 0 : i32
    %dma_wait3A_351 = tpu.memref_slice %arg5[%select_n3A, %dma_wait3A_349, %dma_wait3A_350] : memref<8x16384x128xf32, #tpu.memory_space<hbm>> -> memref<1x16384x128xf32, #tpu.memory_space<hbm>>
    %dma_wait3A_352 = tpu.memref_squeeze %dma_wait3A_351 : memref<1x16384x128xf32, #tpu.memory_space<hbm>> -> memref<16384x128xf32, #tpu.memory_space<hbm>>
    %dma_wait3A_353 = arith.constant 0 : i32
    %dma_wait3A_354 = arith.constant 0 : i32
    %dma_wait3A_355 = tpu.memref_slice %dma_wait3A_352[%dma_wait3A_353, %dma_wait3A_354] : memref<16384x128xf32, #tpu.memory_space<hbm>> -> memref<16384x128xf32, #tpu.memory_space<hbm>>
    tpu.wait_indirect_dma semaphore(%arg10 : memref<!tpu.dma_semaphore, #tpu.memory_space<semaphore_mem>>) src(%arg8 : memref<128x128xf32, #tpu.memory_space<vmem>>) dst(%dma_wait3A_355 : memref<16384x128xf32, #tpu.memory_space<hbm>>)
    %dma_start3A_356 = arith.constant 10 : i32
    %dma_start3A_357 = arith.constant 0 : i32
    %dma_start3A_358 = tpu.memref_slice %arg6[%dma_start3A_356, %dma_start3A_357] : memref<54x128xi32, #tpu.memory_space<vmem>> -> memref<1x128xi32, #tpu.memory_space<vmem>>
    %dma_start3A_359 = tpu.memref_squeeze %dma_start3A_358 : memref<1x128xi32, #tpu.memory_space<vmem>> -> memref<128xi32, #tpu.memory_space<vmem>>
    %dma_start3A_360 = arith.constant 0 : i32
    %dma_start3A_361 = arith.constant 0 : i32
    %dma_start3A_362 = tpu.memref_slice %arg2[%select_n3A, %dma_start3A_360, %dma_start3A_361] : memref<8x10621x128xf32, #tpu.memory_space<hbm>> -> memref<1x10621x128xf32, #tpu.memory_space<hbm>>
    %dma_start3A_363 = tpu.memref_squeeze %dma_start3A_362 : memref<1x10621x128xf32, #tpu.memory_space<hbm>> -> memref<10621x128xf32, #tpu.memory_space<hbm>>
    %dma_start3A_364 = arith.constant 0 : i32
    %dma_start3A_365 = arith.constant 0 : i32
    %dma_start3A_366 = tpu.memref_slice %dma_start3A_363[%dma_start3A_364, %dma_start3A_365] : memref<10621x128xf32, #tpu.memory_space<hbm>> -> memref<10621x128xf32, #tpu.memory_space<hbm>>
    tpu.enqueue_indirect_dma source(%dma_start3A_366 : memref<10621x128xf32, #tpu.memory_space<hbm>>) target(%arg8 : memref<128x128xf32, #tpu.memory_space<vmem>>) offsets(%dma_start3A_359 : memref<128xi32, #tpu.memory_space<vmem>>) semaphore(%arg9 : memref<!tpu.dma_semaphore, #tpu.memory_space<semaphore_mem>>)
    %dma_wait3A_367 = arith.constant 10 : i32
    %dma_wait3A_368 = arith.constant 0 : i32
    %dma_wait3A_369 = tpu.memref_slice %arg6[%dma_wait3A_367, %dma_wait3A_368] : memref<54x128xi32, #tpu.memory_space<vmem>> -> memref<1x128xi32, #tpu.memory_space<vmem>>
    %dma_wait3A_370 = tpu.memref_squeeze %dma_wait3A_369 : memref<1x128xi32, #tpu.memory_space<vmem>> -> memref<128xi32, #tpu.memory_space<vmem>>
    %dma_wait3A_371 = arith.constant 0 : i32
    %dma_wait3A_372 = arith.constant 0 : i32
    %dma_wait3A_373 = tpu.memref_slice %arg2[%select_n3A, %dma_wait3A_371, %dma_wait3A_372] : memref<8x10621x128xf32, #tpu.memory_space<hbm>> -> memref<1x10621x128xf32, #tpu.memory_space<hbm>>
    %dma_wait3A_374 = tpu.memref_squeeze %dma_wait3A_373 : memref<1x10621x128xf32, #tpu.memory_space<hbm>> -> memref<10621x128xf32, #tpu.memory_space<hbm>>
    %dma_wait3A_375 = arith.constant 0 : i32
    %dma_wait3A_376 = arith.constant 0 : i32
    %dma_wait3A_377 = tpu.memref_slice %dma_wait3A_374[%dma_wait3A_375, %dma_wait3A_376] : memref<10621x128xf32, #tpu.memory_space<hbm>> -> memref<10621x128xf32, #tpu.memory_space<hbm>>
    tpu.wait_indirect_dma semaphore(%arg9 : memref<!tpu.dma_semaphore, #tpu.memory_space<semaphore_mem>>) src(%dma_wait3A_377 : memref<10621x128xf32, #tpu.memory_space<hbm>>) dst(%arg8 : memref<128x128xf32, #tpu.memory_space<vmem>>)
    %dma_start3A_378 = arith.constant 11 : i32
    %dma_start3A_379 = arith.constant 0 : i32
    %dma_start3A_380 = tpu.memref_slice %arg6[%dma_start3A_378, %dma_start3A_379] : memref<54x128xi32, #tpu.memory_space<vmem>> -> memref<1x128xi32, #tpu.memory_space<vmem>>
    %dma_start3A_381 = tpu.memref_squeeze %dma_start3A_380 : memref<1x128xi32, #tpu.memory_space<vmem>> -> memref<128xi32, #tpu.memory_space<vmem>>
    %dma_start3A_382 = arith.constant 0 : i32
    %dma_start3A_383 = arith.constant 0 : i32
    %dma_start3A_384 = tpu.memref_slice %arg5[%select_n3A, %dma_start3A_382, %dma_start3A_383] : memref<8x16384x128xf32, #tpu.memory_space<hbm>> -> memref<1x16384x128xf32, #tpu.memory_space<hbm>>
    %dma_start3A_385 = tpu.memref_squeeze %dma_start3A_384 : memref<1x16384x128xf32, #tpu.memory_space<hbm>> -> memref<16384x128xf32, #tpu.memory_space<hbm>>
    %dma_start3A_386 = arith.constant 0 : i32
    %dma_start3A_387 = arith.constant 0 : i32
    %dma_start3A_388 = tpu.memref_slice %dma_start3A_385[%dma_start3A_386, %dma_start3A_387] : memref<16384x128xf32, #tpu.memory_space<hbm>> -> memref<16384x128xf32, #tpu.memory_space<hbm>>
    tpu.enqueue_indirect_dma source(%arg8 : memref<128x128xf32, #tpu.memory_space<vmem>>) target(%dma_start3A_388 : memref<16384x128xf32, #tpu.memory_space<hbm>>) offsets(%dma_start3A_381 : memref<128xi32, #tpu.memory_space<vmem>>) semaphore(%arg10 : memref<!tpu.dma_semaphore, #tpu.memory_space<semaphore_mem>>)
    %dma_wait3A_389 = arith.constant 9 : i32
    %dma_wait3A_390 = arith.constant 0 : i32
    %dma_wait3A_391 = tpu.memref_slice %arg6[%dma_wait3A_389, %dma_wait3A_390] : memref<54x128xi32, #tpu.memory_space<vmem>> -> memref<1x128xi32, #tpu.memory_space<vmem>>
    %dma_wait3A_392 = tpu.memref_squeeze %dma_wait3A_391 : memref<1x128xi32, #tpu.memory_space<vmem>> -> memref<128xi32, #tpu.memory_space<vmem>>
    %dma_wait3A_393 = arith.constant 0 : i32
    %dma_wait3A_394 = arith.constant 0 : i32
    %dma_wait3A_395 = tpu.memref_slice %arg5[%select_n3A, %dma_wait3A_393, %dma_wait3A_394] : memref<8x16384x128xf32, #tpu.memory_space<hbm>> -> memref<1x16384x128xf32, #tpu.memory_space<hbm>>
    %dma_wait3A_396 = tpu.memref_squeeze %dma_wait3A_395 : memref<1x16384x128xf32, #tpu.memory_space<hbm>> -> memref<16384x128xf32, #tpu.memory_space<hbm>>
    %dma_wait3A_397 = arith.constant 0 : i32
    %dma_wait3A_398 = arith.constant 0 : i32
    %dma_wait3A_399 = tpu.memref_slice %dma_wait3A_396[%dma_wait3A_397, %dma_wait3A_398] : memref<16384x128xf32, #tpu.memory_space<hbm>> -> memref<16384x128xf32, #tpu.memory_space<hbm>>
    tpu.wait_indirect_dma semaphore(%arg10 : memref<!tpu.dma_semaphore, #tpu.memory_space<semaphore_mem>>) src(%arg7 : memref<128x128xf32, #tpu.memory_space<vmem>>) dst(%dma_wait3A_399 : memref<16384x128xf32, #tpu.memory_space<hbm>>)
    %dma_start3A_400 = arith.constant 12 : i32
    %dma_start3A_401 = arith.constant 0 : i32
    %dma_start3A_402 = tpu.memref_slice %arg6[%dma_start3A_400, %dma_start3A_401] : memref<54x128xi32, #tpu.memory_space<vmem>> -> memref<1x128xi32, #tpu.memory_space<vmem>>
    %dma_start3A_403 = tpu.memref_squeeze %dma_start3A_402 : memref<1x128xi32, #tpu.memory_space<vmem>> -> memref<128xi32, #tpu.memory_space<vmem>>
    %dma_start3A_404 = arith.constant 0 : i32
    %dma_start3A_405 = arith.constant 0 : i32
    %dma_start3A_406 = tpu.memref_slice %arg2[%select_n3A, %dma_start3A_404, %dma_start3A_405] : memref<8x10621x128xf32, #tpu.memory_space<hbm>> -> memref<1x10621x128xf32, #tpu.memory_space<hbm>>
    %dma_start3A_407 = tpu.memref_squeeze %dma_start3A_406 : memref<1x10621x128xf32, #tpu.memory_space<hbm>> -> memref<10621x128xf32, #tpu.memory_space<hbm>>
    %dma_start3A_408 = arith.constant 0 : i32
    %dma_start3A_409 = arith.constant 0 : i32
    %dma_start3A_410 = tpu.memref_slice %dma_start3A_407[%dma_start3A_408, %dma_start3A_409] : memref<10621x128xf32, #tpu.memory_space<hbm>> -> memref<10621x128xf32, #tpu.memory_space<hbm>>
    tpu.enqueue_indirect_dma source(%dma_start3A_410 : memref<10621x128xf32, #tpu.memory_space<hbm>>) target(%arg7 : memref<128x128xf32, #tpu.memory_space<vmem>>) offsets(%dma_start3A_403 : memref<128xi32, #tpu.memory_space<vmem>>) semaphore(%arg9 : memref<!tpu.dma_semaphore, #tpu.memory_space<semaphore_mem>>)
    %dma_wait3A_411 = arith.constant 12 : i32
    %dma_wait3A_412 = arith.constant 0 : i32
    %dma_wait3A_413 = tpu.memref_slice %arg6[%dma_wait3A_411, %dma_wait3A_412] : memref<54x128xi32, #tpu.memory_space<vmem>> -> memref<1x128xi32, #tpu.memory_space<vmem>>
    %dma_wait3A_414 = tpu.memref_squeeze %dma_wait3A_413 : memref<1x128xi32, #tpu.memory_space<vmem>> -> memref<128xi32, #tpu.memory_space<vmem>>
    %dma_wait3A_415 = arith.constant 0 : i32
    %dma_wait3A_416 = arith.constant 0 : i32
    %dma_wait3A_417 = tpu.memref_slice %arg2[%select_n3A, %dma_wait3A_415, %dma_wait3A_416] : memref<8x10621x128xf32, #tpu.memory_space<hbm>> -> memref<1x10621x128xf32, #tpu.memory_space<hbm>>
    %dma_wait3A_418 = tpu.memref_squeeze %dma_wait3A_417 : memref<1x10621x128xf32, #tpu.memory_space<hbm>> -> memref<10621x128xf32, #tpu.memory_space<hbm>>
    %dma_wait3A_419 = arith.constant 0 : i32
    %dma_wait3A_420 = arith.constant 0 : i32
    %dma_wait3A_421 = tpu.memref_slice %dma_wait3A_418[%dma_wait3A_419, %dma_wait3A_420] : memref<10621x128xf32, #tpu.memory_space<hbm>> -> memref<10621x128xf32, #tpu.memory_space<hbm>>
    tpu.wait_indirect_dma semaphore(%arg9 : memref<!tpu.dma_semaphore, #tpu.memory_space<semaphore_mem>>) src(%dma_wait3A_421 : memref<10621x128xf32, #tpu.memory_space<hbm>>) dst(%arg7 : memref<128x128xf32, #tpu.memory_space<vmem>>)
    %dma_start3A_422 = arith.constant 13 : i32
    %dma_start3A_423 = arith.constant 0 : i32
    %dma_start3A_424 = tpu.memref_slice %arg6[%dma_start3A_422, %dma_start3A_423] : memref<54x128xi32, #tpu.memory_space<vmem>> -> memref<1x128xi32, #tpu.memory_space<vmem>>
    %dma_start3A_425 = tpu.memref_squeeze %dma_start3A_424 : memref<1x128xi32, #tpu.memory_space<vmem>> -> memref<128xi32, #tpu.memory_space<vmem>>
    %dma_start3A_426 = arith.constant 0 : i32
    %dma_start3A_427 = arith.constant 0 : i32
    %dma_start3A_428 = tpu.memref_slice %arg5[%select_n3A, %dma_start3A_426, %dma_start3A_427] : memref<8x16384x128xf32, #tpu.memory_space<hbm>> -> memref<1x16384x128xf32, #tpu.memory_space<hbm>>
    %dma_start3A_429 = tpu.memref_squeeze %dma_start3A_428 : memref<1x16384x128xf32, #tpu.memory_space<hbm>> -> memref<16384x128xf32, #tpu.memory_space<hbm>>
    %dma_start3A_430 = arith.constant 0 : i32
    %dma_start3A_431 = arith.constant 0 : i32
    %dma_start3A_432 = tpu.memref_slice %dma_start3A_429[%dma_start3A_430, %dma_start3A_431] : memref<16384x128xf32, #tpu.memory_space<hbm>> -> memref<16384x128xf32, #tpu.memory_space<hbm>>
    tpu.enqueue_indirect_dma source(%arg7 : memref<128x128xf32, #tpu.memory_space<vmem>>) target(%dma_start3A_432 : memref<16384x128xf32, #tpu.memory_space<hbm>>) offsets(%dma_start3A_425 : memref<128xi32, #tpu.memory_space<vmem>>) semaphore(%arg10 : memref<!tpu.dma_semaphore, #tpu.memory_space<semaphore_mem>>)
    %dma_wait3A_433 = arith.constant 11 : i32
    %dma_wait3A_434 = arith.constant 0 : i32
    %dma_wait3A_435 = tpu.memref_slice %arg6[%dma_wait3A_433, %dma_wait3A_434] : memref<54x128xi32, #tpu.memory_space<vmem>> -> memref<1x128xi32, #tpu.memory_space<vmem>>
    %dma_wait3A_436 = tpu.memref_squeeze %dma_wait3A_435 : memref<1x128xi32, #tpu.memory_space<vmem>> -> memref<128xi32, #tpu.memory_space<vmem>>
    %dma_wait3A_437 = arith.constant 0 : i32
    %dma_wait3A_438 = arith.constant 0 : i32
    %dma_wait3A_439 = tpu.memref_slice %arg5[%select_n3A, %dma_wait3A_437, %dma_wait3A_438] : memref<8x16384x128xf32, #tpu.memory_space<hbm>> -> memref<1x16384x128xf32, #tpu.memory_space<hbm>>
    %dma_wait3A_440 = tpu.memref_squeeze %dma_wait3A_439 : memref<1x16384x128xf32, #tpu.memory_space<hbm>> -> memref<16384x128xf32, #tpu.memory_space<hbm>>
    %dma_wait3A_441 = arith.constant 0 : i32
    %dma_wait3A_442 = arith.constant 0 : i32
    %dma_wait3A_443 = tpu.memref_slice %dma_wait3A_440[%dma_wait3A_441, %dma_wait3A_442] : memref<16384x128xf32, #tpu.memory_space<hbm>> -> memref<16384x128xf32, #tpu.memory_space<hbm>>
    tpu.wait_indirect_dma semaphore(%arg10 : memref<!tpu.dma_semaphore, #tpu.memory_space<semaphore_mem>>) src(%arg8 : memref<128x128xf32, #tpu.memory_space<vmem>>) dst(%dma_wait3A_443 : memref<16384x128xf32, #tpu.memory_space<hbm>>)
    %dma_start3A_444 = arith.constant 14 : i32
    %dma_start3A_445 = arith.constant 0 : i32
    %dma_start3A_446 = tpu.memref_slice %arg6[%dma_start3A_444, %dma_start3A_445] : memref<54x128xi32, #tpu.memory_space<vmem>> -> memref<1x128xi32, #tpu.memory_space<vmem>>
    %dma_start3A_447 = tpu.memref_squeeze %dma_start3A_446 : memref<1x128xi32, #tpu.memory_space<vmem>> -> memref<128xi32, #tpu.memory_space<vmem>>
    %dma_start3A_448 = arith.constant 0 : i32
    %dma_start3A_449 = arith.constant 0 : i32
    %dma_start3A_450 = tpu.memref_slice %arg2[%select_n3A, %dma_start3A_448, %dma_start3A_449] : memref<8x10621x128xf32, #tpu.memory_space<hbm>> -> memref<1x10621x128xf32, #tpu.memory_space<hbm>>
    %dma_start3A_451 = tpu.memref_squeeze %dma_start3A_450 : memref<1x10621x128xf32, #tpu.memory_space<hbm>> -> memref<10621x128xf32, #tpu.memory_space<hbm>>
    %dma_start3A_452 = arith.constant 0 : i32
    %dma_start3A_453 = arith.constant 0 : i32
    %dma_start3A_454 = tpu.memref_slice %dma_start3A_451[%dma_start3A_452, %dma_start3A_453] : memref<10621x128xf32, #tpu.memory_space<hbm>> -> memref<10621x128xf32, #tpu.memory_space<hbm>>
    tpu.enqueue_indirect_dma source(%dma_start3A_454 : memref<10621x128xf32, #tpu.memory_space<hbm>>) target(%arg8 : memref<128x128xf32, #tpu.memory_space<vmem>>) offsets(%dma_start3A_447 : memref<128xi32, #tpu.memory_space<vmem>>) semaphore(%arg9 : memref<!tpu.dma_semaphore, #tpu.memory_space<semaphore_mem>>)
    %dma_wait3A_455 = arith.constant 14 : i32
    %dma_wait3A_456 = arith.constant 0 : i32
    %dma_wait3A_457 = tpu.memref_slice %arg6[%dma_wait3A_455, %dma_wait3A_456] : memref<54x128xi32, #tpu.memory_space<vmem>> -> memref<1x128xi32, #tpu.memory_space<vmem>>
    %dma_wait3A_458 = tpu.memref_squeeze %dma_wait3A_457 : memref<1x128xi32, #tpu.memory_space<vmem>> -> memref<128xi32, #tpu.memory_space<vmem>>
    %dma_wait3A_459 = arith.constant 0 : i32
    %dma_wait3A_460 = arith.constant 0 : i32
    %dma_wait3A_461 = tpu.memref_slice %arg2[%select_n3A, %dma_wait3A_459, %dma_wait3A_460] : memref<8x10621x128xf32, #tpu.memory_space<hbm>> -> memref<1x10621x128xf32, #tpu.memory_space<hbm>>
    %dma_wait3A_462 = tpu.memref_squeeze %dma_wait3A_461 : memref<1x10621x128xf32, #tpu.memory_space<hbm>> -> memref<10621x128xf32, #tpu.memory_space<hbm>>
    %dma_wait3A_463 = arith.constant 0 : i32
    %dma_wait3A_464 = arith.constant 0 : i32
    %dma_wait3A_465 = tpu.memref_slice %dma_wait3A_462[%dma_wait3A_463, %dma_wait3A_464] : memref<10621x128xf32, #tpu.memory_space<hbm>> -> memref<10621x128xf32, #tpu.memory_space<hbm>>
    tpu.wait_indirect_dma semaphore(%arg9 : memref<!tpu.dma_semaphore, #tpu.memory_space<semaphore_mem>>) src(%dma_wait3A_465 : memref<10621x128xf32, #tpu.memory_space<hbm>>) dst(%arg8 : memref<128x128xf32, #tpu.memory_space<vmem>>)
    %dma_start3A_466 = arith.constant 15 : i32
    %dma_start3A_467 = arith.constant 0 : i32
    %dma_start3A_468 = tpu.memref_slice %arg6[%dma_start3A_466, %dma_start3A_467] : memref<54x128xi32, #tpu.memory_space<vmem>> -> memref<1x128xi32, #tpu.memory_space<vmem>>
    %dma_start3A_469 = tpu.memref_squeeze %dma_start3A_468 : memref<1x128xi32, #tpu.memory_space<vmem>> -> memref<128xi32, #tpu.memory_space<vmem>>
    %dma_start3A_470 = arith.constant 0 : i32
    %dma_start3A_471 = arith.constant 0 : i32
    %dma_start3A_472 = tpu.memref_slice %arg5[%select_n3A, %dma_start3A_470, %dma_start3A_471] : memref<8x16384x128xf32, #tpu.memory_space<hbm>> -> memref<1x16384x128xf32, #tpu.memory_space<hbm>>
    %dma_start3A_473 = tpu.memref_squeeze %dma_start3A_472 : memref<1x16384x128xf32, #tpu.memory_space<hbm>> -> memref<16384x128xf32, #tpu.memory_space<hbm>>
    %dma_start3A_474 = arith.constant 0 : i32
    %dma_start3A_475 = arith.constant 0 : i32
    %dma_start3A_476 = tpu.memref_slice %dma_start3A_473[%dma_start3A_474, %dma_start3A_475] : memref<16384x128xf32, #tpu.memory_space<hbm>> -> memref<16384x128xf32, #tpu.memory_space<hbm>>
    tpu.enqueue_indirect_dma source(%arg8 : memref<128x128xf32, #tpu.memory_space<vmem>>) target(%dma_start3A_476 : memref<16384x128xf32, #tpu.memory_space<hbm>>) offsets(%dma_start3A_469 : memref<128xi32, #tpu.memory_space<vmem>>) semaphore(%arg10 : memref<!tpu.dma_semaphore, #tpu.memory_space<semaphore_mem>>)
    %dma_wait3A_477 = arith.constant 13 : i32
    %dma_wait3A_478 = arith.constant 0 : i32
    %dma_wait3A_479 = tpu.memref_slice %arg6[%dma_wait3A_477, %dma_wait3A_478] : memref<54x128xi32, #tpu.memory_space<vmem>> -> memref<1x128xi32, #tpu.memory_space<vmem>>
    %dma_wait3A_480 = tpu.memref_squeeze %dma_wait3A_479 : memref<1x128xi32, #tpu.memory_space<vmem>> -> memref<128xi32, #tpu.memory_space<vmem>>
    %dma_wait3A_481 = arith.constant 0 : i32
    %dma_wait3A_482 = arith.constant 0 : i32
    %dma_wait3A_483 = tpu.memref_slice %arg5[%select_n3A, %dma_wait3A_481, %dma_wait3A_482] : memref<8x16384x128xf32, #tpu.memory_space<hbm>> -> memref<1x16384x128xf32, #tpu.memory_space<hbm>>
    %dma_wait3A_484 = tpu.memref_squeeze %dma_wait3A_483 : memref<1x16384x128xf32, #tpu.memory_space<hbm>> -> memref<16384x128xf32, #tpu.memory_space<hbm>>
    %dma_wait3A_485 = arith.constant 0 : i32
    %dma_wait3A_486 = arith.constant 0 : i32
    %dma_wait3A_487 = tpu.memref_slice %dma_wait3A_484[%dma_wait3A_485, %dma_wait3A_486] : memref<16384x128xf32, #tpu.memory_space<hbm>> -> memref<16384x128xf32, #tpu.memory_space<hbm>>
    tpu.wait_indirect_dma semaphore(%arg10 : memref<!tpu.dma_semaphore, #tpu.memory_space<semaphore_mem>>) src(%arg7 : memref<128x128xf32, #tpu.memory_space<vmem>>) dst(%dma_wait3A_487 : memref<16384x128xf32, #tpu.memory_space<hbm>>)
    %dma_start3A_488 = arith.constant 16 : i32
    %dma_start3A_489 = arith.constant 0 : i32
    %dma_start3A_490 = tpu.memref_slice %arg6[%dma_start3A_488, %dma_start3A_489] : memref<54x128xi32, #tpu.memory_space<vmem>> -> memref<1x128xi32, #tpu.memory_space<vmem>>
    %dma_start3A_491 = tpu.memref_squeeze %dma_start3A_490 : memref<1x128xi32, #tpu.memory_space<vmem>> -> memref<128xi32, #tpu.memory_space<vmem>>
    %dma_start3A_492 = arith.constant 0 : i32
    %dma_start3A_493 = arith.constant 0 : i32
    %dma_start3A_494 = tpu.memref_slice %arg2[%select_n3A, %dma_start3A_492, %dma_start3A_493] : memref<8x10621x128xf32, #tpu.memory_space<hbm>> -> memref<1x10621x128xf32, #tpu.memory_space<hbm>>
    %dma_start3A_495 = tpu.memref_squeeze %dma_start3A_494 : memref<1x10621x128xf32, #tpu.memory_space<hbm>> -> memref<10621x128xf32, #tpu.memory_space<hbm>>
    %dma_start3A_496 = arith.constant 0 : i32
    %dma_start3A_497 = arith.constant 0 : i32
    %dma_start3A_498 = tpu.memref_slice %dma_start3A_495[%dma_start3A_496, %dma_start3A_497] : memref<10621x128xf32, #tpu.memory_space<hbm>> -> memref<10621x128xf32, #tpu.memory_space<hbm>>
    tpu.enqueue_indirect_dma source(%dma_start3A_498 : memref<10621x128xf32, #tpu.memory_space<hbm>>) target(%arg7 : memref<128x128xf32, #tpu.memory_space<vmem>>) offsets(%dma_start3A_491 : memref<128xi32, #tpu.memory_space<vmem>>) semaphore(%arg9 : memref<!tpu.dma_semaphore, #tpu.memory_space<semaphore_mem>>)
    %dma_wait3A_499 = arith.constant 16 : i32
    %dma_wait3A_500 = arith.constant 0 : i32
    %dma_wait3A_501 = tpu.memref_slice %arg6[%dma_wait3A_499, %dma_wait3A_500] : memref<54x128xi32, #tpu.memory_space<vmem>> -> memref<1x128xi32, #tpu.memory_space<vmem>>
    %dma_wait3A_502 = tpu.memref_squeeze %dma_wait3A_501 : memref<1x128xi32, #tpu.memory_space<vmem>> -> memref<128xi32, #tpu.memory_space<vmem>>
    %dma_wait3A_503 = arith.constant 0 : i32
    %dma_wait3A_504 = arith.constant 0 : i32
    %dma_wait3A_505 = tpu.memref_slice %arg2[%select_n3A, %dma_wait3A_503, %dma_wait3A_504] : memref<8x10621x128xf32, #tpu.memory_space<hbm>> -> memref<1x10621x128xf32, #tpu.memory_space<hbm>>
    %dma_wait3A_506 = tpu.memref_squeeze %dma_wait3A_505 : memref<1x10621x128xf32, #tpu.memory_space<hbm>> -> memref<10621x128xf32, #tpu.memory_space<hbm>>
    %dma_wait3A_507 = arith.constant 0 : i32
    %dma_wait3A_508 = arith.constant 0 : i32
    %dma_wait3A_509 = tpu.memref_slice %dma_wait3A_506[%dma_wait3A_507, %dma_wait3A_508] : memref<10621x128xf32, #tpu.memory_space<hbm>> -> memref<10621x128xf32, #tpu.memory_space<hbm>>
    tpu.wait_indirect_dma semaphore(%arg9 : memref<!tpu.dma_semaphore, #tpu.memory_space<semaphore_mem>>) src(%dma_wait3A_509 : memref<10621x128xf32, #tpu.memory_space<hbm>>) dst(%arg7 : memref<128x128xf32, #tpu.memory_space<vmem>>)
    %dma_start3A_510 = arith.constant 17 : i32
    %dma_start3A_511 = arith.constant 0 : i32
    %dma_start3A_512 = tpu.memref_slice %arg6[%dma_start3A_510, %dma_start3A_511] : memref<54x128xi32, #tpu.memory_space<vmem>> -> memref<1x128xi32, #tpu.memory_space<vmem>>
    %dma_start3A_513 = tpu.memref_squeeze %dma_start3A_512 : memref<1x128xi32, #tpu.memory_space<vmem>> -> memref<128xi32, #tpu.memory_space<vmem>>
    %dma_start3A_514 = arith.constant 0 : i32
    %dma_start3A_515 = arith.constant 0 : i32
    %dma_start3A_516 = tpu.memref_slice %arg5[%select_n3A, %dma_start3A_514, %dma_start3A_515] : memref<8x16384x128xf32, #tpu.memory_space<hbm>> -> memref<1x16384x128xf32, #tpu.memory_space<hbm>>
    %dma_start3A_517 = tpu.memref_squeeze %dma_start3A_516 : memref<1x16384x128xf32, #tpu.memory_space<hbm>> -> memref<16384x128xf32, #tpu.memory_space<hbm>>
    %dma_start3A_518 = arith.constant 0 : i32
    %dma_start3A_519 = arith.constant 0 : i32
    %dma_start3A_520 = tpu.memref_slice %dma_start3A_517[%dma_start3A_518, %dma_start3A_519] : memref<16384x128xf32, #tpu.memory_space<hbm>> -> memref<16384x128xf32, #tpu.memory_space<hbm>>
    tpu.enqueue_indirect_dma source(%arg7 : memref<128x128xf32, #tpu.memory_space<vmem>>) target(%dma_start3A_520 : memref<16384x128xf32, #tpu.memory_space<hbm>>) offsets(%dma_start3A_513 : memref<128xi32, #tpu.memory_space<vmem>>) semaphore(%arg10 : memref<!tpu.dma_semaphore, #tpu.memory_space<semaphore_mem>>)
    %dma_wait3A_521 = arith.constant 15 : i32
    %dma_wait3A_522 = arith.constant 0 : i32
    %dma_wait3A_523 = tpu.memref_slice %arg6[%dma_wait3A_521, %dma_wait3A_522] : memref<54x128xi32, #tpu.memory_space<vmem>> -> memref<1x128xi32, #tpu.memory_space<vmem>>
    %dma_wait3A_524 = tpu.memref_squeeze %dma_wait3A_523 : memref<1x128xi32, #tpu.memory_space<vmem>> -> memref<128xi32, #tpu.memory_space<vmem>>
    %dma_wait3A_525 = arith.constant 0 : i32
    %dma_wait3A_526 = arith.constant 0 : i32
    %dma_wait3A_527 = tpu.memref_slice %arg5[%select_n3A, %dma_wait3A_525, %dma_wait3A_526] : memref<8x16384x128xf32, #tpu.memory_space<hbm>> -> memref<1x16384x128xf32, #tpu.memory_space<hbm>>
    %dma_wait3A_528 = tpu.memref_squeeze %dma_wait3A_527 : memref<1x16384x128xf32, #tpu.memory_space<hbm>> -> memref<16384x128xf32, #tpu.memory_space<hbm>>
    %dma_wait3A_529 = arith.constant 0 : i32
    %dma_wait3A_530 = arith.constant 0 : i32
    %dma_wait3A_531 = tpu.memref_slice %dma_wait3A_528[%dma_wait3A_529, %dma_wait3A_530] : memref<16384x128xf32, #tpu.memory_space<hbm>> -> memref<16384x128xf32, #tpu.memory_space<hbm>>
    tpu.wait_indirect_dma semaphore(%arg10 : memref<!tpu.dma_semaphore, #tpu.memory_space<semaphore_mem>>) src(%arg8 : memref<128x128xf32, #tpu.memory_space<vmem>>) dst(%dma_wait3A_531 : memref<16384x128xf32, #tpu.memory_space<hbm>>)
    %dma_start3A_532 = arith.constant 18 : i32
    %dma_start3A_533 = arith.constant 0 : i32
    %dma_start3A_534 = tpu.memref_slice %arg6[%dma_start3A_532, %dma_start3A_533] : memref<54x128xi32, #tpu.memory_space<vmem>> -> memref<1x128xi32, #tpu.memory_space<vmem>>
    %dma_start3A_535 = tpu.memref_squeeze %dma_start3A_534 : memref<1x128xi32, #tpu.memory_space<vmem>> -> memref<128xi32, #tpu.memory_space<vmem>>
    %dma_start3A_536 = arith.constant 0 : i32
    %dma_start3A_537 = arith.constant 0 : i32
    %dma_start3A_538 = tpu.memref_slice %arg2[%select_n3A, %dma_start3A_536, %dma_start3A_537] : memref<8x10621x128xf32, #tpu.memory_space<hbm>> -> memref<1x10621x128xf32, #tpu.memory_space<hbm>>
    %dma_start3A_539 = tpu.memref_squeeze %dma_start3A_538 : memref<1x10621x128xf32, #tpu.memory_space<hbm>> -> memref<10621x128xf32, #tpu.memory_space<hbm>>
    %dma_start3A_540 = arith.constant 0 : i32
    %dma_start3A_541 = arith.constant 0 : i32
    %dma_start3A_542 = tpu.memref_slice %dma_start3A_539[%dma_start3A_540, %dma_start3A_541] : memref<10621x128xf32, #tpu.memory_space<hbm>> -> memref<10621x128xf32, #tpu.memory_space<hbm>>
    tpu.enqueue_indirect_dma source(%dma_start3A_542 : memref<10621x128xf32, #tpu.memory_space<hbm>>) target(%arg8 : memref<128x128xf32, #tpu.memory_space<vmem>>) offsets(%dma_start3A_535 : memref<128xi32, #tpu.memory_space<vmem>>) semaphore(%arg9 : memref<!tpu.dma_semaphore, #tpu.memory_space<semaphore_mem>>)
    %dma_wait3A_543 = arith.constant 18 : i32
    %dma_wait3A_544 = arith.constant 0 : i32
    %dma_wait3A_545 = tpu.memref_slice %arg6[%dma_wait3A_543, %dma_wait3A_544] : memref<54x128xi32, #tpu.memory_space<vmem>> -> memref<1x128xi32, #tpu.memory_space<vmem>>
    %dma_wait3A_546 = tpu.memref_squeeze %dma_wait3A_545 : memref<1x128xi32, #tpu.memory_space<vmem>> -> memref<128xi32, #tpu.memory_space<vmem>>
    %dma_wait3A_547 = arith.constant 0 : i32
    %dma_wait3A_548 = arith.constant 0 : i32
    %dma_wait3A_549 = tpu.memref_slice %arg2[%select_n3A, %dma_wait3A_547, %dma_wait3A_548] : memref<8x10621x128xf32, #tpu.memory_space<hbm>> -> memref<1x10621x128xf32, #tpu.memory_space<hbm>>
    %dma_wait3A_550 = tpu.memref_squeeze %dma_wait3A_549 : memref<1x10621x128xf32, #tpu.memory_space<hbm>> -> memref<10621x128xf32, #tpu.memory_space<hbm>>
    %dma_wait3A_551 = arith.constant 0 : i32
    %dma_wait3A_552 = arith.constant 0 : i32
    %dma_wait3A_553 = tpu.memref_slice %dma_wait3A_550[%dma_wait3A_551, %dma_wait3A_552] : memref<10621x128xf32, #tpu.memory_space<hbm>> -> memref<10621x128xf32, #tpu.memory_space<hbm>>
    tpu.wait_indirect_dma semaphore(%arg9 : memref<!tpu.dma_semaphore, #tpu.memory_space<semaphore_mem>>) src(%dma_wait3A_553 : memref<10621x128xf32, #tpu.memory_space<hbm>>) dst(%arg8 : memref<128x128xf32, #tpu.memory_space<vmem>>)
    %dma_start3A_554 = arith.constant 19 : i32
    %dma_start3A_555 = arith.constant 0 : i32
    %dma_start3A_556 = tpu.memref_slice %arg6[%dma_start3A_554, %dma_start3A_555] : memref<54x128xi32, #tpu.memory_space<vmem>> -> memref<1x128xi32, #tpu.memory_space<vmem>>
    %dma_start3A_557 = tpu.memref_squeeze %dma_start3A_556 : memref<1x128xi32, #tpu.memory_space<vmem>> -> memref<128xi32, #tpu.memory_space<vmem>>
    %dma_start3A_558 = arith.constant 0 : i32
    %dma_start3A_559 = arith.constant 0 : i32
    %dma_start3A_560 = tpu.memref_slice %arg5[%select_n3A, %dma_start3A_558, %dma_start3A_559] : memref<8x16384x128xf32, #tpu.memory_space<hbm>> -> memref<1x16384x128xf32, #tpu.memory_space<hbm>>
    %dma_start3A_561 = tpu.memref_squeeze %dma_start3A_560 : memref<1x16384x128xf32, #tpu.memory_space<hbm>> -> memref<16384x128xf32, #tpu.memory_space<hbm>>
    %dma_start3A_562 = arith.constant 0 : i32
    %dma_start3A_563 = arith.constant 0 : i32
    %dma_start3A_564 = tpu.memref_slice %dma_start3A_561[%dma_start3A_562, %dma_start3A_563] : memref<16384x128xf32, #tpu.memory_space<hbm>> -> memref<16384x128xf32, #tpu.memory_space<hbm>>
    tpu.enqueue_indirect_dma source(%arg8 : memref<128x128xf32, #tpu.memory_space<vmem>>) target(%dma_start3A_564 : memref<16384x128xf32, #tpu.memory_space<hbm>>) offsets(%dma_start3A_557 : memref<128xi32, #tpu.memory_space<vmem>>) semaphore(%arg10 : memref<!tpu.dma_semaphore, #tpu.memory_space<semaphore_mem>>)
    %dma_wait3A_565 = arith.constant 17 : i32
    %dma_wait3A_566 = arith.constant 0 : i32
    %dma_wait3A_567 = tpu.memref_slice %arg6[%dma_wait3A_565, %dma_wait3A_566] : memref<54x128xi32, #tpu.memory_space<vmem>> -> memref<1x128xi32, #tpu.memory_space<vmem>>
    %dma_wait3A_568 = tpu.memref_squeeze %dma_wait3A_567 : memref<1x128xi32, #tpu.memory_space<vmem>> -> memref<128xi32, #tpu.memory_space<vmem>>
    %dma_wait3A_569 = arith.constant 0 : i32
    %dma_wait3A_570 = arith.constant 0 : i32
    %dma_wait3A_571 = tpu.memref_slice %arg5[%select_n3A, %dma_wait3A_569, %dma_wait3A_570] : memref<8x16384x128xf32, #tpu.memory_space<hbm>> -> memref<1x16384x128xf32, #tpu.memory_space<hbm>>
    %dma_wait3A_572 = tpu.memref_squeeze %dma_wait3A_571 : memref<1x16384x128xf32, #tpu.memory_space<hbm>> -> memref<16384x128xf32, #tpu.memory_space<hbm>>
    %dma_wait3A_573 = arith.constant 0 : i32
    %dma_wait3A_574 = arith.constant 0 : i32
    %dma_wait3A_575 = tpu.memref_slice %dma_wait3A_572[%dma_wait3A_573, %dma_wait3A_574] : memref<16384x128xf32, #tpu.memory_space<hbm>> -> memref<16384x128xf32, #tpu.memory_space<hbm>>
    tpu.wait_indirect_dma semaphore(%arg10 : memref<!tpu.dma_semaphore, #tpu.memory_space<semaphore_mem>>) src(%arg7 : memref<128x128xf32, #tpu.memory_space<vmem>>) dst(%dma_wait3A_575 : memref<16384x128xf32, #tpu.memory_space<hbm>>)
    %dma_start3A_576 = arith.constant 20 : i32
    %dma_start3A_577 = arith.constant 0 : i32
    %dma_start3A_578 = tpu.memref_slice %arg6[%dma_start3A_576, %dma_start3A_577] : memref<54x128xi32, #tpu.memory_space<vmem>> -> memref<1x128xi32, #tpu.memory_space<vmem>>
    %dma_start3A_579 = tpu.memref_squeeze %dma_start3A_578 : memref<1x128xi32, #tpu.memory_space<vmem>> -> memref<128xi32, #tpu.memory_space<vmem>>
    %dma_start3A_580 = arith.constant 0 : i32
    %dma_start3A_581 = arith.constant 0 : i32
    %dma_start3A_582 = tpu.memref_slice %arg2[%select_n3A, %dma_start3A_580, %dma_start3A_581] : memref<8x10621x128xf32, #tpu.memory_space<hbm>> -> memref<1x10621x128xf32, #tpu.memory_space<hbm>>
    %dma_start3A_583 = tpu.memref_squeeze %dma_start3A_582 : memref<1x10621x128xf32, #tpu.memory_space<hbm>> -> memref<10621x128xf32, #tpu.memory_space<hbm>>
    %dma_start3A_584 = arith.constant 0 : i32
    %dma_start3A_585 = arith.constant 0 : i32
    %dma_start3A_586 = tpu.memref_slice %dma_start3A_583[%dma_start3A_584, %dma_start3A_585] : memref<10621x128xf32, #tpu.memory_space<hbm>> -> memref<10621x128xf32, #tpu.memory_space<hbm>>
    tpu.enqueue_indirect_dma source(%dma_start3A_586 : memref<10621x128xf32, #tpu.memory_space<hbm>>) target(%arg7 : memref<128x128xf32, #tpu.memory_space<vmem>>) offsets(%dma_start3A_579 : memref<128xi32, #tpu.memory_space<vmem>>) semaphore(%arg9 : memref<!tpu.dma_semaphore, #tpu.memory_space<semaphore_mem>>)
    %dma_wait3A_587 = arith.constant 20 : i32
    %dma_wait3A_588 = arith.constant 0 : i32
    %dma_wait3A_589 = tpu.memref_slice %arg6[%dma_wait3A_587, %dma_wait3A_588] : memref<54x128xi32, #tpu.memory_space<vmem>> -> memref<1x128xi32, #tpu.memory_space<vmem>>
    %dma_wait3A_590 = tpu.memref_squeeze %dma_wait3A_589 : memref<1x128xi32, #tpu.memory_space<vmem>> -> memref<128xi32, #tpu.memory_space<vmem>>
    %dma_wait3A_591 = arith.constant 0 : i32
    %dma_wait3A_592 = arith.constant 0 : i32
    %dma_wait3A_593 = tpu.memref_slice %arg2[%select_n3A, %dma_wait3A_591, %dma_wait3A_592] : memref<8x10621x128xf32, #tpu.memory_space<hbm>> -> memref<1x10621x128xf32, #tpu.memory_space<hbm>>
    %dma_wait3A_594 = tpu.memref_squeeze %dma_wait3A_593 : memref<1x10621x128xf32, #tpu.memory_space<hbm>> -> memref<10621x128xf32, #tpu.memory_space<hbm>>
    %dma_wait3A_595 = arith.constant 0 : i32
    %dma_wait3A_596 = arith.constant 0 : i32
    %dma_wait3A_597 = tpu.memref_slice %dma_wait3A_594[%dma_wait3A_595, %dma_wait3A_596] : memref<10621x128xf32, #tpu.memory_space<hbm>> -> memref<10621x128xf32, #tpu.memory_space<hbm>>
    tpu.wait_indirect_dma semaphore(%arg9 : memref<!tpu.dma_semaphore, #tpu.memory_space<semaphore_mem>>) src(%dma_wait3A_597 : memref<10621x128xf32, #tpu.memory_space<hbm>>) dst(%arg7 : memref<128x128xf32, #tpu.memory_space<vmem>>)
    %dma_start3A_598 = arith.constant 21 : i32
    %dma_start3A_599 = arith.constant 0 : i32
    %dma_start3A_600 = tpu.memref_slice %arg6[%dma_start3A_598, %dma_start3A_599] : memref<54x128xi32, #tpu.memory_space<vmem>> -> memref<1x128xi32, #tpu.memory_space<vmem>>
    %dma_start3A_601 = tpu.memref_squeeze %dma_start3A_600 : memref<1x128xi32, #tpu.memory_space<vmem>> -> memref<128xi32, #tpu.memory_space<vmem>>
    %dma_start3A_602 = arith.constant 0 : i32
    %dma_start3A_603 = arith.constant 0 : i32
    %dma_start3A_604 = tpu.memref_slice %arg5[%select_n3A, %dma_start3A_602, %dma_start3A_603] : memref<8x16384x128xf32, #tpu.memory_space<hbm>> -> memref<1x16384x128xf32, #tpu.memory_space<hbm>>
    %dma_start3A_605 = tpu.memref_squeeze %dma_start3A_604 : memref<1x16384x128xf32, #tpu.memory_space<hbm>> -> memref<16384x128xf32, #tpu.memory_space<hbm>>
    %dma_start3A_606 = arith.constant 0 : i32
    %dma_start3A_607 = arith.constant 0 : i32
    %dma_start3A_608 = tpu.memref_slice %dma_start3A_605[%dma_start3A_606, %dma_start3A_607] : memref<16384x128xf32, #tpu.memory_space<hbm>> -> memref<16384x128xf32, #tpu.memory_space<hbm>>
    tpu.enqueue_indirect_dma source(%arg7 : memref<128x128xf32, #tpu.memory_space<vmem>>) target(%dma_start3A_608 : memref<16384x128xf32, #tpu.memory_space<hbm>>) offsets(%dma_start3A_601 : memref<128xi32, #tpu.memory_space<vmem>>) semaphore(%arg10 : memref<!tpu.dma_semaphore, #tpu.memory_space<semaphore_mem>>)
    %dma_wait3A_609 = arith.constant 19 : i32
    %dma_wait3A_610 = arith.constant 0 : i32
    %dma_wait3A_611 = tpu.memref_slice %arg6[%dma_wait3A_609, %dma_wait3A_610] : memref<54x128xi32, #tpu.memory_space<vmem>> -> memref<1x128xi32, #tpu.memory_space<vmem>>
    %dma_wait3A_612 = tpu.memref_squeeze %dma_wait3A_611 : memref<1x128xi32, #tpu.memory_space<vmem>> -> memref<128xi32, #tpu.memory_space<vmem>>
    %dma_wait3A_613 = arith.constant 0 : i32
    %dma_wait3A_614 = arith.constant 0 : i32
    %dma_wait3A_615 = tpu.memref_slice %arg5[%select_n3A, %dma_wait3A_613, %dma_wait3A_614] : memref<8x16384x128xf32, #tpu.memory_space<hbm>> -> memref<1x16384x128xf32, #tpu.memory_space<hbm>>
    %dma_wait3A_616 = tpu.memref_squeeze %dma_wait3A_615 : memref<1x16384x128xf32, #tpu.memory_space<hbm>> -> memref<16384x128xf32, #tpu.memory_space<hbm>>
    %dma_wait3A_617 = arith.constant 0 : i32
    %dma_wait3A_618 = arith.constant 0 : i32
    %dma_wait3A_619 = tpu.memref_slice %dma_wait3A_616[%dma_wait3A_617, %dma_wait3A_618] : memref<16384x128xf32, #tpu.memory_space<hbm>> -> memref<16384x128xf32, #tpu.memory_space<hbm>>
    tpu.wait_indirect_dma semaphore(%arg10 : memref<!tpu.dma_semaphore, #tpu.memory_space<semaphore_mem>>) src(%arg8 : memref<128x128xf32, #tpu.memory_space<vmem>>) dst(%dma_wait3A_619 : memref<16384x128xf32, #tpu.memory_space<hbm>>)
    %dma_start3A_620 = arith.constant 22 : i32
    %dma_start3A_621 = arith.constant 0 : i32
    %dma_start3A_622 = tpu.memref_slice %arg6[%dma_start3A_620, %dma_start3A_621] : memref<54x128xi32, #tpu.memory_space<vmem>> -> memref<1x128xi32, #tpu.memory_space<vmem>>
    %dma_start3A_623 = tpu.memref_squeeze %dma_start3A_622 : memref<1x128xi32, #tpu.memory_space<vmem>> -> memref<128xi32, #tpu.memory_space<vmem>>
    %dma_start3A_624 = arith.constant 0 : i32
    %dma_start3A_625 = arith.constant 0 : i32
    %dma_start3A_626 = tpu.memref_slice %arg2[%select_n3A, %dma_start3A_624, %dma_start3A_625] : memref<8x10621x128xf32, #tpu.memory_space<hbm>> -> memref<1x10621x128xf32, #tpu.memory_space<hbm>>
    %dma_start3A_627 = tpu.memref_squeeze %dma_start3A_626 : memref<1x10621x128xf32, #tpu.memory_space<hbm>> -> memref<10621x128xf32, #tpu.memory_space<hbm>>
    %dma_start3A_628 = arith.constant 0 : i32
    %dma_start3A_629 = arith.constant 0 : i32
    %dma_start3A_630 = tpu.memref_slice %dma_start3A_627[%dma_start3A_628, %dma_start3A_629] : memref<10621x128xf32, #tpu.memory_space<hbm>> -> memref<10621x128xf32, #tpu.memory_space<hbm>>
    tpu.enqueue_indirect_dma source(%dma_start3A_630 : memref<10621x128xf32, #tpu.memory_space<hbm>>) target(%arg8 : memref<128x128xf32, #tpu.memory_space<vmem>>) offsets(%dma_start3A_623 : memref<128xi32, #tpu.memory_space<vmem>>) semaphore(%arg9 : memref<!tpu.dma_semaphore, #tpu.memory_space<semaphore_mem>>)
    %dma_wait3A_631 = arith.constant 22 : i32
    %dma_wait3A_632 = arith.constant 0 : i32
    %dma_wait3A_633 = tpu.memref_slice %arg6[%dma_wait3A_631, %dma_wait3A_632] : memref<54x128xi32, #tpu.memory_space<vmem>> -> memref<1x128xi32, #tpu.memory_space<vmem>>
    %dma_wait3A_634 = tpu.memref_squeeze %dma_wait3A_633 : memref<1x128xi32, #tpu.memory_space<vmem>> -> memref<128xi32, #tpu.memory_space<vmem>>
    %dma_wait3A_635 = arith.constant 0 : i32
    %dma_wait3A_636 = arith.constant 0 : i32
    %dma_wait3A_637 = tpu.memref_slice %arg2[%select_n3A, %dma_wait3A_635, %dma_wait3A_636] : memref<8x10621x128xf32, #tpu.memory_space<hbm>> -> memref<1x10621x128xf32, #tpu.memory_space<hbm>>
    %dma_wait3A_638 = tpu.memref_squeeze %dma_wait3A_637 : memref<1x10621x128xf32, #tpu.memory_space<hbm>> -> memref<10621x128xf32, #tpu.memory_space<hbm>>
    %dma_wait3A_639 = arith.constant 0 : i32
    %dma_wait3A_640 = arith.constant 0 : i32
    %dma_wait3A_641 = tpu.memref_slice %dma_wait3A_638[%dma_wait3A_639, %dma_wait3A_640] : memref<10621x128xf32, #tpu.memory_space<hbm>> -> memref<10621x128xf32, #tpu.memory_space<hbm>>
    tpu.wait_indirect_dma semaphore(%arg9 : memref<!tpu.dma_semaphore, #tpu.memory_space<semaphore_mem>>) src(%dma_wait3A_641 : memref<10621x128xf32, #tpu.memory_space<hbm>>) dst(%arg8 : memref<128x128xf32, #tpu.memory_space<vmem>>)
    %dma_start3A_642 = arith.constant 23 : i32
    %dma_start3A_643 = arith.constant 0 : i32
    %dma_start3A_644 = tpu.memref_slice %arg6[%dma_start3A_642, %dma_start3A_643] : memref<54x128xi32, #tpu.memory_space<vmem>> -> memref<1x128xi32, #tpu.memory_space<vmem>>
    %dma_start3A_645 = tpu.memref_squeeze %dma_start3A_644 : memref<1x128xi32, #tpu.memory_space<vmem>> -> memref<128xi32, #tpu.memory_space<vmem>>
    %dma_start3A_646 = arith.constant 0 : i32
    %dma_start3A_647 = arith.constant 0 : i32
    %dma_start3A_648 = tpu.memref_slice %arg5[%select_n3A, %dma_start3A_646, %dma_start3A_647] : memref<8x16384x128xf32, #tpu.memory_space<hbm>> -> memref<1x16384x128xf32, #tpu.memory_space<hbm>>
    %dma_start3A_649 = tpu.memref_squeeze %dma_start3A_648 : memref<1x16384x128xf32, #tpu.memory_space<hbm>> -> memref<16384x128xf32, #tpu.memory_space<hbm>>
    %dma_start3A_650 = arith.constant 0 : i32
    %dma_start3A_651 = arith.constant 0 : i32
    %dma_start3A_652 = tpu.memref_slice %dma_start3A_649[%dma_start3A_650, %dma_start3A_651] : memref<16384x128xf32, #tpu.memory_space<hbm>> -> memref<16384x128xf32, #tpu.memory_space<hbm>>
    tpu.enqueue_indirect_dma source(%arg8 : memref<128x128xf32, #tpu.memory_space<vmem>>) target(%dma_start3A_652 : memref<16384x128xf32, #tpu.memory_space<hbm>>) offsets(%dma_start3A_645 : memref<128xi32, #tpu.memory_space<vmem>>) semaphore(%arg10 : memref<!tpu.dma_semaphore, #tpu.memory_space<semaphore_mem>>)
    %dma_wait3A_653 = arith.constant 21 : i32
    %dma_wait3A_654 = arith.constant 0 : i32
    %dma_wait3A_655 = tpu.memref_slice %arg6[%dma_wait3A_653, %dma_wait3A_654] : memref<54x128xi32, #tpu.memory_space<vmem>> -> memref<1x128xi32, #tpu.memory_space<vmem>>
    %dma_wait3A_656 = tpu.memref_squeeze %dma_wait3A_655 : memref<1x128xi32, #tpu.memory_space<vmem>> -> memref<128xi32, #tpu.memory_space<vmem>>
    %dma_wait3A_657 = arith.constant 0 : i32
    %dma_wait3A_658 = arith.constant 0 : i32
    %dma_wait3A_659 = tpu.memref_slice %arg5[%select_n3A, %dma_wait3A_657, %dma_wait3A_658] : memref<8x16384x128xf32, #tpu.memory_space<hbm>> -> memref<1x16384x128xf32, #tpu.memory_space<hbm>>
    %dma_wait3A_660 = tpu.memref_squeeze %dma_wait3A_659 : memref<1x16384x128xf32, #tpu.memory_space<hbm>> -> memref<16384x128xf32, #tpu.memory_space<hbm>>
    %dma_wait3A_661 = arith.constant 0 : i32
    %dma_wait3A_662 = arith.constant 0 : i32
    %dma_wait3A_663 = tpu.memref_slice %dma_wait3A_660[%dma_wait3A_661, %dma_wait3A_662] : memref<16384x128xf32, #tpu.memory_space<hbm>> -> memref<16384x128xf32, #tpu.memory_space<hbm>>
    tpu.wait_indirect_dma semaphore(%arg10 : memref<!tpu.dma_semaphore, #tpu.memory_space<semaphore_mem>>) src(%arg7 : memref<128x128xf32, #tpu.memory_space<vmem>>) dst(%dma_wait3A_663 : memref<16384x128xf32, #tpu.memory_space<hbm>>)
    %dma_start3A_664 = arith.constant 24 : i32
    %dma_start3A_665 = arith.constant 0 : i32
    %dma_start3A_666 = tpu.memref_slice %arg6[%dma_start3A_664, %dma_start3A_665] : memref<54x128xi32, #tpu.memory_space<vmem>> -> memref<1x128xi32, #tpu.memory_space<vmem>>
    %dma_start3A_667 = tpu.memref_squeeze %dma_start3A_666 : memref<1x128xi32, #tpu.memory_space<vmem>> -> memref<128xi32, #tpu.memory_space<vmem>>
    %dma_start3A_668 = arith.constant 0 : i32
    %dma_start3A_669 = arith.constant 0 : i32
    %dma_start3A_670 = tpu.memref_slice %arg2[%select_n3A, %dma_start3A_668, %dma_start3A_669] : memref<8x10621x128xf32, #tpu.memory_space<hbm>> -> memref<1x10621x128xf32, #tpu.memory_space<hbm>>
    %dma_start3A_671 = tpu.memref_squeeze %dma_start3A_670 : memref<1x10621x128xf32, #tpu.memory_space<hbm>> -> memref<10621x128xf32, #tpu.memory_space<hbm>>
    %dma_start3A_672 = arith.constant 0 : i32
    %dma_start3A_673 = arith.constant 0 : i32
    %dma_start3A_674 = tpu.memref_slice %dma_start3A_671[%dma_start3A_672, %dma_start3A_673] : memref<10621x128xf32, #tpu.memory_space<hbm>> -> memref<10621x128xf32, #tpu.memory_space<hbm>>
    tpu.enqueue_indirect_dma source(%dma_start3A_674 : memref<10621x128xf32, #tpu.memory_space<hbm>>) target(%arg7 : memref<128x128xf32, #tpu.memory_space<vmem>>) offsets(%dma_start3A_667 : memref<128xi32, #tpu.memory_space<vmem>>) semaphore(%arg9 : memref<!tpu.dma_semaphore, #tpu.memory_space<semaphore_mem>>)
    %dma_wait3A_675 = arith.constant 24 : i32
    %dma_wait3A_676 = arith.constant 0 : i32
    %dma_wait3A_677 = tpu.memref_slice %arg6[%dma_wait3A_675, %dma_wait3A_676] : memref<54x128xi32, #tpu.memory_space<vmem>> -> memref<1x128xi32, #tpu.memory_space<vmem>>
    %dma_wait3A_678 = tpu.memref_squeeze %dma_wait3A_677 : memref<1x128xi32, #tpu.memory_space<vmem>> -> memref<128xi32, #tpu.memory_space<vmem>>
    %dma_wait3A_679 = arith.constant 0 : i32
    %dma_wait3A_680 = arith.constant 0 : i32
    %dma_wait3A_681 = tpu.memref_slice %arg2[%select_n3A, %dma_wait3A_679, %dma_wait3A_680] : memref<8x10621x128xf32, #tpu.memory_space<hbm>> -> memref<1x10621x128xf32, #tpu.memory_space<hbm>>
    %dma_wait3A_682 = tpu.memref_squeeze %dma_wait3A_681 : memref<1x10621x128xf32, #tpu.memory_space<hbm>> -> memref<10621x128xf32, #tpu.memory_space<hbm>>
    %dma_wait3A_683 = arith.constant 0 : i32
    %dma_wait3A_684 = arith.constant 0 : i32
    %dma_wait3A_685 = tpu.memref_slice %dma_wait3A_682[%dma_wait3A_683, %dma_wait3A_684] : memref<10621x128xf32, #tpu.memory_space<hbm>> -> memref<10621x128xf32, #tpu.memory_space<hbm>>
    tpu.wait_indirect_dma semaphore(%arg9 : memref<!tpu.dma_semaphore, #tpu.memory_space<semaphore_mem>>) src(%dma_wait3A_685 : memref<10621x128xf32, #tpu.memory_space<hbm>>) dst(%arg7 : memref<128x128xf32, #tpu.memory_space<vmem>>)
    %dma_start3A_686 = arith.constant 25 : i32
    %dma_start3A_687 = arith.constant 0 : i32
    %dma_start3A_688 = tpu.memref_slice %arg6[%dma_start3A_686, %dma_start3A_687] : memref<54x128xi32, #tpu.memory_space<vmem>> -> memref<1x128xi32, #tpu.memory_space<vmem>>
    %dma_start3A_689 = tpu.memref_squeeze %dma_start3A_688 : memref<1x128xi32, #tpu.memory_space<vmem>> -> memref<128xi32, #tpu.memory_space<vmem>>
    %dma_start3A_690 = arith.constant 0 : i32
    %dma_start3A_691 = arith.constant 0 : i32
    %dma_start3A_692 = tpu.memref_slice %arg5[%select_n3A, %dma_start3A_690, %dma_start3A_691] : memref<8x16384x128xf32, #tpu.memory_space<hbm>> -> memref<1x16384x128xf32, #tpu.memory_space<hbm>>
    %dma_start3A_693 = tpu.memref_squeeze %dma_start3A_692 : memref<1x16384x128xf32, #tpu.memory_space<hbm>> -> memref<16384x128xf32, #tpu.memory_space<hbm>>
    %dma_start3A_694 = arith.constant 0 : i32
    %dma_start3A_695 = arith.constant 0 : i32
    %dma_start3A_696 = tpu.memref_slice %dma_start3A_693[%dma_start3A_694, %dma_start3A_695] : memref<16384x128xf32, #tpu.memory_space<hbm>> -> memref<16384x128xf32, #tpu.memory_space<hbm>>
    tpu.enqueue_indirect_dma source(%arg7 : memref<128x128xf32, #tpu.memory_space<vmem>>) target(%dma_start3A_696 : memref<16384x128xf32, #tpu.memory_space<hbm>>) offsets(%dma_start3A_689 : memref<128xi32, #tpu.memory_space<vmem>>) semaphore(%arg10 : memref<!tpu.dma_semaphore, #tpu.memory_space<semaphore_mem>>)
    %dma_wait3A_697 = arith.constant 23 : i32
    %dma_wait3A_698 = arith.constant 0 : i32
    %dma_wait3A_699 = tpu.memref_slice %arg6[%dma_wait3A_697, %dma_wait3A_698] : memref<54x128xi32, #tpu.memory_space<vmem>> -> memref<1x128xi32, #tpu.memory_space<vmem>>
    %dma_wait3A_700 = tpu.memref_squeeze %dma_wait3A_699 : memref<1x128xi32, #tpu.memory_space<vmem>> -> memref<128xi32, #tpu.memory_space<vmem>>
    %dma_wait3A_701 = arith.constant 0 : i32
    %dma_wait3A_702 = arith.constant 0 : i32
    %dma_wait3A_703 = tpu.memref_slice %arg5[%select_n3A, %dma_wait3A_701, %dma_wait3A_702] : memref<8x16384x128xf32, #tpu.memory_space<hbm>> -> memref<1x16384x128xf32, #tpu.memory_space<hbm>>
    %dma_wait3A_704 = tpu.memref_squeeze %dma_wait3A_703 : memref<1x16384x128xf32, #tpu.memory_space<hbm>> -> memref<16384x128xf32, #tpu.memory_space<hbm>>
    %dma_wait3A_705 = arith.constant 0 : i32
    %dma_wait3A_706 = arith.constant 0 : i32
    %dma_wait3A_707 = tpu.memref_slice %dma_wait3A_704[%dma_wait3A_705, %dma_wait3A_706] : memref<16384x128xf32, #tpu.memory_space<hbm>> -> memref<16384x128xf32, #tpu.memory_space<hbm>>
    tpu.wait_indirect_dma semaphore(%arg10 : memref<!tpu.dma_semaphore, #tpu.memory_space<semaphore_mem>>) src(%arg8 : memref<128x128xf32, #tpu.memory_space<vmem>>) dst(%dma_wait3A_707 : memref<16384x128xf32, #tpu.memory_space<hbm>>)
    %dma_start3A_708 = arith.constant 26 : i32
    %dma_start3A_709 = arith.constant 0 : i32
    %dma_start3A_710 = tpu.memref_slice %arg6[%dma_start3A_708, %dma_start3A_709] : memref<54x128xi32, #tpu.memory_space<vmem>> -> memref<1x128xi32, #tpu.memory_space<vmem>>
    %dma_start3A_711 = tpu.memref_squeeze %dma_start3A_710 : memref<1x128xi32, #tpu.memory_space<vmem>> -> memref<128xi32, #tpu.memory_space<vmem>>
    %dma_start3A_712 = arith.constant 0 : i32
    %dma_start3A_713 = arith.constant 0 : i32
    %dma_start3A_714 = tpu.memref_slice %arg2[%select_n3A, %dma_start3A_712, %dma_start3A_713] : memref<8x10621x128xf32, #tpu.memory_space<hbm>> -> memref<1x10621x128xf32, #tpu.memory_space<hbm>>
    %dma_start3A_715 = tpu.memref_squeeze %dma_start3A_714 : memref<1x10621x128xf32, #tpu.memory_space<hbm>> -> memref<10621x128xf32, #tpu.memory_space<hbm>>
    %dma_start3A_716 = arith.constant 0 : i32
    %dma_start3A_717 = arith.constant 0 : i32
    %dma_start3A_718 = tpu.memref_slice %dma_start3A_715[%dma_start3A_716, %dma_start3A_717] : memref<10621x128xf32, #tpu.memory_space<hbm>> -> memref<10621x128xf32, #tpu.memory_space<hbm>>
    tpu.enqueue_indirect_dma source(%dma_start3A_718 : memref<10621x128xf32, #tpu.memory_space<hbm>>) target(%arg8 : memref<128x128xf32, #tpu.memory_space<vmem>>) offsets(%dma_start3A_711 : memref<128xi32, #tpu.memory_space<vmem>>) semaphore(%arg9 : memref<!tpu.dma_semaphore, #tpu.memory_space<semaphore_mem>>)
    %dma_wait3A_719 = arith.constant 26 : i32
    %dma_wait3A_720 = arith.constant 0 : i32
    %dma_wait3A_721 = tpu.memref_slice %arg6[%dma_wait3A_719, %dma_wait3A_720] : memref<54x128xi32, #tpu.memory_space<vmem>> -> memref<1x128xi32, #tpu.memory_space<vmem>>
    %dma_wait3A_722 = tpu.memref_squeeze %dma_wait3A_721 : memref<1x128xi32, #tpu.memory_space<vmem>> -> memref<128xi32, #tpu.memory_space<vmem>>
    %dma_wait3A_723 = arith.constant 0 : i32
    %dma_wait3A_724 = arith.constant 0 : i32
    %dma_wait3A_725 = tpu.memref_slice %arg2[%select_n3A, %dma_wait3A_723, %dma_wait3A_724] : memref<8x10621x128xf32, #tpu.memory_space<hbm>> -> memref<1x10621x128xf32, #tpu.memory_space<hbm>>
    %dma_wait3A_726 = tpu.memref_squeeze %dma_wait3A_725 : memref<1x10621x128xf32, #tpu.memory_space<hbm>> -> memref<10621x128xf32, #tpu.memory_space<hbm>>
    %dma_wait3A_727 = arith.constant 0 : i32
    %dma_wait3A_728 = arith.constant 0 : i32
    %dma_wait3A_729 = tpu.memref_slice %dma_wait3A_726[%dma_wait3A_727, %dma_wait3A_728] : memref<10621x128xf32, #tpu.memory_space<hbm>> -> memref<10621x128xf32, #tpu.memory_space<hbm>>
    tpu.wait_indirect_dma semaphore(%arg9 : memref<!tpu.dma_semaphore, #tpu.memory_space<semaphore_mem>>) src(%dma_wait3A_729 : memref<10621x128xf32, #tpu.memory_space<hbm>>) dst(%arg8 : memref<128x128xf32, #tpu.memory_space<vmem>>)
    %dma_start3A_730 = arith.constant 27 : i32
    %dma_start3A_731 = arith.constant 0 : i32
    %dma_start3A_732 = tpu.memref_slice %arg6[%dma_start3A_730, %dma_start3A_731] : memref<54x128xi32, #tpu.memory_space<vmem>> -> memref<1x128xi32, #tpu.memory_space<vmem>>
    %dma_start3A_733 = tpu.memref_squeeze %dma_start3A_732 : memref<1x128xi32, #tpu.memory_space<vmem>> -> memref<128xi32, #tpu.memory_space<vmem>>
    %dma_start3A_734 = arith.constant 0 : i32
    %dma_start3A_735 = arith.constant 0 : i32
    %dma_start3A_736 = tpu.memref_slice %arg5[%select_n3A, %dma_start3A_734, %dma_start3A_735] : memref<8x16384x128xf32, #tpu.memory_space<hbm>> -> memref<1x16384x128xf32, #tpu.memory_space<hbm>>
    %dma_start3A_737 = tpu.memref_squeeze %dma_start3A_736 : memref<1x16384x128xf32, #tpu.memory_space<hbm>> -> memref<16384x128xf32, #tpu.memory_space<hbm>>
    %dma_start3A_738 = arith.constant 0 : i32
    %dma_start3A_739 = arith.constant 0 : i32
    %dma_start3A_740 = tpu.memref_slice %dma_start3A_737[%dma_start3A_738, %dma_start3A_739] : memref<16384x128xf32, #tpu.memory_space<hbm>> -> memref<16384x128xf32, #tpu.memory_space<hbm>>
    tpu.enqueue_indirect_dma source(%arg8 : memref<128x128xf32, #tpu.memory_space<vmem>>) target(%dma_start3A_740 : memref<16384x128xf32, #tpu.memory_space<hbm>>) offsets(%dma_start3A_733 : memref<128xi32, #tpu.memory_space<vmem>>) semaphore(%arg10 : memref<!tpu.dma_semaphore, #tpu.memory_space<semaphore_mem>>)
    %dma_wait3A_741 = arith.constant 25 : i32
    %dma_wait3A_742 = arith.constant 0 : i32
    %dma_wait3A_743 = tpu.memref_slice %arg6[%dma_wait3A_741, %dma_wait3A_742] : memref<54x128xi32, #tpu.memory_space<vmem>> -> memref<1x128xi32, #tpu.memory_space<vmem>>
    %dma_wait3A_744 = tpu.memref_squeeze %dma_wait3A_743 : memref<1x128xi32, #tpu.memory_space<vmem>> -> memref<128xi32, #tpu.memory_space<vmem>>
    %dma_wait3A_745 = arith.constant 0 : i32
    %dma_wait3A_746 = arith.constant 0 : i32
    %dma_wait3A_747 = tpu.memref_slice %arg5[%select_n3A, %dma_wait3A_745, %dma_wait3A_746] : memref<8x16384x128xf32, #tpu.memory_space<hbm>> -> memref<1x16384x128xf32, #tpu.memory_space<hbm>>
    %dma_wait3A_748 = tpu.memref_squeeze %dma_wait3A_747 : memref<1x16384x128xf32, #tpu.memory_space<hbm>> -> memref<16384x128xf32, #tpu.memory_space<hbm>>
    %dma_wait3A_749 = arith.constant 0 : i32
    %dma_wait3A_750 = arith.constant 0 : i32
    %dma_wait3A_751 = tpu.memref_slice %dma_wait3A_748[%dma_wait3A_749, %dma_wait3A_750] : memref<16384x128xf32, #tpu.memory_space<hbm>> -> memref<16384x128xf32, #tpu.memory_space<hbm>>
    tpu.wait_indirect_dma semaphore(%arg10 : memref<!tpu.dma_semaphore, #tpu.memory_space<semaphore_mem>>) src(%arg7 : memref<128x128xf32, #tpu.memory_space<vmem>>) dst(%dma_wait3A_751 : memref<16384x128xf32, #tpu.memory_space<hbm>>)
    %dma_start3A_752 = arith.constant 28 : i32
    %dma_start3A_753 = arith.constant 0 : i32
    %dma_start3A_754 = tpu.memref_slice %arg6[%dma_start3A_752, %dma_start3A_753] : memref<54x128xi32, #tpu.memory_space<vmem>> -> memref<1x128xi32, #tpu.memory_space<vmem>>
    %dma_start3A_755 = tpu.memref_squeeze %dma_start3A_754 : memref<1x128xi32, #tpu.memory_space<vmem>> -> memref<128xi32, #tpu.memory_space<vmem>>
    %dma_start3A_756 = arith.constant 0 : i32
    %dma_start3A_757 = arith.constant 0 : i32
    %dma_start3A_758 = tpu.memref_slice %arg2[%select_n3A, %dma_start3A_756, %dma_start3A_757] : memref<8x10621x128xf32, #tpu.memory_space<hbm>> -> memref<1x10621x128xf32, #tpu.memory_space<hbm>>
    %dma_start3A_759 = tpu.memref_squeeze %dma_start3A_758 : memref<1x10621x128xf32, #tpu.memory_space<hbm>> -> memref<10621x128xf32, #tpu.memory_space<hbm>>
    %dma_start3A_760 = arith.constant 0 : i32
    %dma_start3A_761 = arith.constant 0 : i32
    %dma_start3A_762 = tpu.memref_slice %dma_start3A_759[%dma_start3A_760, %dma_start3A_761] : memref<10621x128xf32, #tpu.memory_space<hbm>> -> memref<10621x128xf32, #tpu.memory_space<hbm>>
    tpu.enqueue_indirect_dma source(%dma_start3A_762 : memref<10621x128xf32, #tpu.memory_space<hbm>>) target(%arg7 : memref<128x128xf32, #tpu.memory_space<vmem>>) offsets(%dma_start3A_755 : memref<128xi32, #tpu.memory_space<vmem>>) semaphore(%arg9 : memref<!tpu.dma_semaphore, #tpu.memory_space<semaphore_mem>>)
    %dma_wait3A_763 = arith.constant 28 : i32
    %dma_wait3A_764 = arith.constant 0 : i32
    %dma_wait3A_765 = tpu.memref_slice %arg6[%dma_wait3A_763, %dma_wait3A_764] : memref<54x128xi32, #tpu.memory_space<vmem>> -> memref<1x128xi32, #tpu.memory_space<vmem>>
    %dma_wait3A_766 = tpu.memref_squeeze %dma_wait3A_765 : memref<1x128xi32, #tpu.memory_space<vmem>> -> memref<128xi32, #tpu.memory_space<vmem>>
    %dma_wait3A_767 = arith.constant 0 : i32
    %dma_wait3A_768 = arith.constant 0 : i32
    %dma_wait3A_769 = tpu.memref_slice %arg2[%select_n3A, %dma_wait3A_767, %dma_wait3A_768] : memref<8x10621x128xf32, #tpu.memory_space<hbm>> -> memref<1x10621x128xf32, #tpu.memory_space<hbm>>
    %dma_wait3A_770 = tpu.memref_squeeze %dma_wait3A_769 : memref<1x10621x128xf32, #tpu.memory_space<hbm>> -> memref<10621x128xf32, #tpu.memory_space<hbm>>
    %dma_wait3A_771 = arith.constant 0 : i32
    %dma_wait3A_772 = arith.constant 0 : i32
    %dma_wait3A_773 = tpu.memref_slice %dma_wait3A_770[%dma_wait3A_771, %dma_wait3A_772] : memref<10621x128xf32, #tpu.memory_space<hbm>> -> memref<10621x128xf32, #tpu.memory_space<hbm>>
    tpu.wait_indirect_dma semaphore(%arg9 : memref<!tpu.dma_semaphore, #tpu.memory_space<semaphore_mem>>) src(%dma_wait3A_773 : memref<10621x128xf32, #tpu.memory_space<hbm>>) dst(%arg7 : memref<128x128xf32, #tpu.memory_space<vmem>>)
    %dma_start3A_774 = arith.constant 29 : i32
    %dma_start3A_775 = arith.constant 0 : i32
    %dma_start3A_776 = tpu.memref_slice %arg6[%dma_start3A_774, %dma_start3A_775] : memref<54x128xi32, #tpu.memory_space<vmem>> -> memref<1x128xi32, #tpu.memory_space<vmem>>
    %dma_start3A_777 = tpu.memref_squeeze %dma_start3A_776 : memref<1x128xi32, #tpu.memory_space<vmem>> -> memref<128xi32, #tpu.memory_space<vmem>>
    %dma_start3A_778 = arith.constant 0 : i32
    %dma_start3A_779 = arith.constant 0 : i32
    %dma_start3A_780 = tpu.memref_slice %arg5[%select_n3A, %dma_start3A_778, %dma_start3A_779] : memref<8x16384x128xf32, #tpu.memory_space<hbm>> -> memref<1x16384x128xf32, #tpu.memory_space<hbm>>
    %dma_start3A_781 = tpu.memref_squeeze %dma_start3A_780 : memref<1x16384x128xf32, #tpu.memory_space<hbm>> -> memref<16384x128xf32, #tpu.memory_space<hbm>>
    %dma_start3A_782 = arith.constant 0 : i32
    %dma_start3A_783 = arith.constant 0 : i32
    %dma_start3A_784 = tpu.memref_slice %dma_start3A_781[%dma_start3A_782, %dma_start3A_783] : memref<16384x128xf32, #tpu.memory_space<hbm>> -> memref<16384x128xf32, #tpu.memory_space<hbm>>
    tpu.enqueue_indirect_dma source(%arg7 : memref<128x128xf32, #tpu.memory_space<vmem>>) target(%dma_start3A_784 : memref<16384x128xf32, #tpu.memory_space<hbm>>) offsets(%dma_start3A_777 : memref<128xi32, #tpu.memory_space<vmem>>) semaphore(%arg10 : memref<!tpu.dma_semaphore, #tpu.memory_space<semaphore_mem>>)
    %dma_wait3A_785 = arith.constant 27 : i32
    %dma_wait3A_786 = arith.constant 0 : i32
    %dma_wait3A_787 = tpu.memref_slice %arg6[%dma_wait3A_785, %dma_wait3A_786] : memref<54x128xi32, #tpu.memory_space<vmem>> -> memref<1x128xi32, #tpu.memory_space<vmem>>
    %dma_wait3A_788 = tpu.memref_squeeze %dma_wait3A_787 : memref<1x128xi32, #tpu.memory_space<vmem>> -> memref<128xi32, #tpu.memory_space<vmem>>
    %dma_wait3A_789 = arith.constant 0 : i32
    %dma_wait3A_790 = arith.constant 0 : i32
    %dma_wait3A_791 = tpu.memref_slice %arg5[%select_n3A, %dma_wait3A_789, %dma_wait3A_790] : memref<8x16384x128xf32, #tpu.memory_space<hbm>> -> memref<1x16384x128xf32, #tpu.memory_space<hbm>>
    %dma_wait3A_792 = tpu.memref_squeeze %dma_wait3A_791 : memref<1x16384x128xf32, #tpu.memory_space<hbm>> -> memref<16384x128xf32, #tpu.memory_space<hbm>>
    %dma_wait3A_793 = arith.constant 0 : i32
    %dma_wait3A_794 = arith.constant 0 : i32
    %dma_wait3A_795 = tpu.memref_slice %dma_wait3A_792[%dma_wait3A_793, %dma_wait3A_794] : memref<16384x128xf32, #tpu.memory_space<hbm>> -> memref<16384x128xf32, #tpu.memory_space<hbm>>
    tpu.wait_indirect_dma semaphore(%arg10 : memref<!tpu.dma_semaphore, #tpu.memory_space<semaphore_mem>>) src(%arg8 : memref<128x128xf32, #tpu.memory_space<vmem>>) dst(%dma_wait3A_795 : memref<16384x128xf32, #tpu.memory_space<hbm>>)
    %dma_start3A_796 = arith.constant 30 : i32
    %dma_start3A_797 = arith.constant 0 : i32
    %dma_start3A_798 = tpu.memref_slice %arg6[%dma_start3A_796, %dma_start3A_797] : memref<54x128xi32, #tpu.memory_space<vmem>> -> memref<1x128xi32, #tpu.memory_space<vmem>>
    %dma_start3A_799 = tpu.memref_squeeze %dma_start3A_798 : memref<1x128xi32, #tpu.memory_space<vmem>> -> memref<128xi32, #tpu.memory_space<vmem>>
    %dma_start3A_800 = arith.constant 0 : i32
    %dma_start3A_801 = arith.constant 0 : i32
    %dma_start3A_802 = tpu.memref_slice %arg2[%select_n3A, %dma_start3A_800, %dma_start3A_801] : memref<8x10621x128xf32, #tpu.memory_space<hbm>> -> memref<1x10621x128xf32, #tpu.memory_space<hbm>>
    %dma_start3A_803 = tpu.memref_squeeze %dma_start3A_802 : memref<1x10621x128xf32, #tpu.memory_space<hbm>> -> memref<10621x128xf32, #tpu.memory_space<hbm>>
    %dma_start3A_804 = arith.constant 0 : i32
    %dma_start3A_805 = arith.constant 0 : i32
    %dma_start3A_806 = tpu.memref_slice %dma_start3A_803[%dma_start3A_804, %dma_start3A_805] : memref<10621x128xf32, #tpu.memory_space<hbm>> -> memref<10621x128xf32, #tpu.memory_space<hbm>>
    tpu.enqueue_indirect_dma source(%dma_start3A_806 : memref<10621x128xf32, #tpu.memory_space<hbm>>) target(%arg8 : memref<128x128xf32, #tpu.memory_space<vmem>>) offsets(%dma_start3A_799 : memref<128xi32, #tpu.memory_space<vmem>>) semaphore(%arg9 : memref<!tpu.dma_semaphore, #tpu.memory_space<semaphore_mem>>)
    %dma_wait3A_807 = arith.constant 30 : i32
    %dma_wait3A_808 = arith.constant 0 : i32
    %dma_wait3A_809 = tpu.memref_slice %arg6[%dma_wait3A_807, %dma_wait3A_808] : memref<54x128xi32, #tpu.memory_space<vmem>> -> memref<1x128xi32, #tpu.memory_space<vmem>>
    %dma_wait3A_810 = tpu.memref_squeeze %dma_wait3A_809 : memref<1x128xi32, #tpu.memory_space<vmem>> -> memref<128xi32, #tpu.memory_space<vmem>>
    %dma_wait3A_811 = arith.constant 0 : i32
    %dma_wait3A_812 = arith.constant 0 : i32
    %dma_wait3A_813 = tpu.memref_slice %arg2[%select_n3A, %dma_wait3A_811, %dma_wait3A_812] : memref<8x10621x128xf32, #tpu.memory_space<hbm>> -> memref<1x10621x128xf32, #tpu.memory_space<hbm>>
    %dma_wait3A_814 = tpu.memref_squeeze %dma_wait3A_813 : memref<1x10621x128xf32, #tpu.memory_space<hbm>> -> memref<10621x128xf32, #tpu.memory_space<hbm>>
    %dma_wait3A_815 = arith.constant 0 : i32
    %dma_wait3A_816 = arith.constant 0 : i32
    %dma_wait3A_817 = tpu.memref_slice %dma_wait3A_814[%dma_wait3A_815, %dma_wait3A_816] : memref<10621x128xf32, #tpu.memory_space<hbm>> -> memref<10621x128xf32, #tpu.memory_space<hbm>>
    tpu.wait_indirect_dma semaphore(%arg9 : memref<!tpu.dma_semaphore, #tpu.memory_space<semaphore_mem>>) src(%dma_wait3A_817 : memref<10621x128xf32, #tpu.memory_space<hbm>>) dst(%arg8 : memref<128x128xf32, #tpu.memory_space<vmem>>)
    %dma_start3A_818 = arith.constant 31 : i32
    %dma_start3A_819 = arith.constant 0 : i32
    %dma_start3A_820 = tpu.memref_slice %arg6[%dma_start3A_818, %dma_start3A_819] : memref<54x128xi32, #tpu.memory_space<vmem>> -> memref<1x128xi32, #tpu.memory_space<vmem>>
    %dma_start3A_821 = tpu.memref_squeeze %dma_start3A_820 : memref<1x128xi32, #tpu.memory_space<vmem>> -> memref<128xi32, #tpu.memory_space<vmem>>
    %dma_start3A_822 = arith.constant 0 : i32
    %dma_start3A_823 = arith.constant 0 : i32
    %dma_start3A_824 = tpu.memref_slice %arg5[%select_n3A, %dma_start3A_822, %dma_start3A_823] : memref<8x16384x128xf32, #tpu.memory_space<hbm>> -> memref<1x16384x128xf32, #tpu.memory_space<hbm>>
    %dma_start3A_825 = tpu.memref_squeeze %dma_start3A_824 : memref<1x16384x128xf32, #tpu.memory_space<hbm>> -> memref<16384x128xf32, #tpu.memory_space<hbm>>
    %dma_start3A_826 = arith.constant 0 : i32
    %dma_start3A_827 = arith.constant 0 : i32
    %dma_start3A_828 = tpu.memref_slice %dma_start3A_825[%dma_start3A_826, %dma_start3A_827] : memref<16384x128xf32, #tpu.memory_space<hbm>> -> memref<16384x128xf32, #tpu.memory_space<hbm>>
    tpu.enqueue_indirect_dma source(%arg8 : memref<128x128xf32, #tpu.memory_space<vmem>>) target(%dma_start3A_828 : memref<16384x128xf32, #tpu.memory_space<hbm>>) offsets(%dma_start3A_821 : memref<128xi32, #tpu.memory_space<vmem>>) semaphore(%arg10 : memref<!tpu.dma_semaphore, #tpu.memory_space<semaphore_mem>>)
    %dma_wait3A_829 = arith.constant 29 : i32
    %dma_wait3A_830 = arith.constant 0 : i32
    %dma_wait3A_831 = tpu.memref_slice %arg6[%dma_wait3A_829, %dma_wait3A_830] : memref<54x128xi32, #tpu.memory_space<vmem>> -> memref<1x128xi32, #tpu.memory_space<vmem>>
    %dma_wait3A_832 = tpu.memref_squeeze %dma_wait3A_831 : memref<1x128xi32, #tpu.memory_space<vmem>> -> memref<128xi32, #tpu.memory_space<vmem>>
    %dma_wait3A_833 = arith.constant 0 : i32
    %dma_wait3A_834 = arith.constant 0 : i32
    %dma_wait3A_835 = tpu.memref_slice %arg5[%select_n3A, %dma_wait3A_833, %dma_wait3A_834] : memref<8x16384x128xf32, #tpu.memory_space<hbm>> -> memref<1x16384x128xf32, #tpu.memory_space<hbm>>
    %dma_wait3A_836 = tpu.memref_squeeze %dma_wait3A_835 : memref<1x16384x128xf32, #tpu.memory_space<hbm>> -> memref<16384x128xf32, #tpu.memory_space<hbm>>
    %dma_wait3A_837 = arith.constant 0 : i32
    %dma_wait3A_838 = arith.constant 0 : i32
    %dma_wait3A_839 = tpu.memref_slice %dma_wait3A_836[%dma_wait3A_837, %dma_wait3A_838] : memref<16384x128xf32, #tpu.memory_space<hbm>> -> memref<16384x128xf32, #tpu.memory_space<hbm>>
    tpu.wait_indirect_dma semaphore(%arg10 : memref<!tpu.dma_semaphore, #tpu.memory_space<semaphore_mem>>) src(%arg7 : memref<128x128xf32, #tpu.memory_space<vmem>>) dst(%dma_wait3A_839 : memref<16384x128xf32, #tpu.memory_space<hbm>>)
    %dma_start3A_840 = arith.constant 32 : i32
    %dma_start3A_841 = arith.constant 0 : i32
    %dma_start3A_842 = tpu.memref_slice %arg6[%dma_start3A_840, %dma_start3A_841] : memref<54x128xi32, #tpu.memory_space<vmem>> -> memref<1x128xi32, #tpu.memory_space<vmem>>
    %dma_start3A_843 = tpu.memref_squeeze %dma_start3A_842 : memref<1x128xi32, #tpu.memory_space<vmem>> -> memref<128xi32, #tpu.memory_space<vmem>>
    %dma_start3A_844 = arith.constant 0 : i32
    %dma_start3A_845 = arith.constant 0 : i32
    %dma_start3A_846 = tpu.memref_slice %arg2[%select_n3A, %dma_start3A_844, %dma_start3A_845] : memref<8x10621x128xf32, #tpu.memory_space<hbm>> -> memref<1x10621x128xf32, #tpu.memory_space<hbm>>
    %dma_start3A_847 = tpu.memref_squeeze %dma_start3A_846 : memref<1x10621x128xf32, #tpu.memory_space<hbm>> -> memref<10621x128xf32, #tpu.memory_space<hbm>>
    %dma_start3A_848 = arith.constant 0 : i32
    %dma_start3A_849 = arith.constant 0 : i32
    %dma_start3A_850 = tpu.memref_slice %dma_start3A_847[%dma_start3A_848, %dma_start3A_849] : memref<10621x128xf32, #tpu.memory_space<hbm>> -> memref<10621x128xf32, #tpu.memory_space<hbm>>
    tpu.enqueue_indirect_dma source(%dma_start3A_850 : memref<10621x128xf32, #tpu.memory_space<hbm>>) target(%arg7 : memref<128x128xf32, #tpu.memory_space<vmem>>) offsets(%dma_start3A_843 : memref<128xi32, #tpu.memory_space<vmem>>) semaphore(%arg9 : memref<!tpu.dma_semaphore, #tpu.memory_space<semaphore_mem>>)
    %dma_wait3A_851 = arith.constant 32 : i32
    %dma_wait3A_852 = arith.constant 0 : i32
    %dma_wait3A_853 = tpu.memref_slice %arg6[%dma_wait3A_851, %dma_wait3A_852] : memref<54x128xi32, #tpu.memory_space<vmem>> -> memref<1x128xi32, #tpu.memory_space<vmem>>
    %dma_wait3A_854 = tpu.memref_squeeze %dma_wait3A_853 : memref<1x128xi32, #tpu.memory_space<vmem>> -> memref<128xi32, #tpu.memory_space<vmem>>
    %dma_wait3A_855 = arith.constant 0 : i32
    %dma_wait3A_856 = arith.constant 0 : i32
    %dma_wait3A_857 = tpu.memref_slice %arg2[%select_n3A, %dma_wait3A_855, %dma_wait3A_856] : memref<8x10621x128xf32, #tpu.memory_space<hbm>> -> memref<1x10621x128xf32, #tpu.memory_space<hbm>>
    %dma_wait3A_858 = tpu.memref_squeeze %dma_wait3A_857 : memref<1x10621x128xf32, #tpu.memory_space<hbm>> -> memref<10621x128xf32, #tpu.memory_space<hbm>>
    %dma_wait3A_859 = arith.constant 0 : i32
    %dma_wait3A_860 = arith.constant 0 : i32
    %dma_wait3A_861 = tpu.memref_slice %dma_wait3A_858[%dma_wait3A_859, %dma_wait3A_860] : memref<10621x128xf32, #tpu.memory_space<hbm>> -> memref<10621x128xf32, #tpu.memory_space<hbm>>
    tpu.wait_indirect_dma semaphore(%arg9 : memref<!tpu.dma_semaphore, #tpu.memory_space<semaphore_mem>>) src(%dma_wait3A_861 : memref<10621x128xf32, #tpu.memory_space<hbm>>) dst(%arg7 : memref<128x128xf32, #tpu.memory_space<vmem>>)
    %dma_start3A_862 = arith.constant 33 : i32
    %dma_start3A_863 = arith.constant 0 : i32
    %dma_start3A_864 = tpu.memref_slice %arg6[%dma_start3A_862, %dma_start3A_863] : memref<54x128xi32, #tpu.memory_space<vmem>> -> memref<1x128xi32, #tpu.memory_space<vmem>>
    %dma_start3A_865 = tpu.memref_squeeze %dma_start3A_864 : memref<1x128xi32, #tpu.memory_space<vmem>> -> memref<128xi32, #tpu.memory_space<vmem>>
    %dma_start3A_866 = arith.constant 0 : i32
    %dma_start3A_867 = arith.constant 0 : i32
    %dma_start3A_868 = tpu.memref_slice %arg5[%select_n3A, %dma_start3A_866, %dma_start3A_867] : memref<8x16384x128xf32, #tpu.memory_space<hbm>> -> memref<1x16384x128xf32, #tpu.memory_space<hbm>>
    %dma_start3A_869 = tpu.memref_squeeze %dma_start3A_868 : memref<1x16384x128xf32, #tpu.memory_space<hbm>> -> memref<16384x128xf32, #tpu.memory_space<hbm>>
    %dma_start3A_870 = arith.constant 0 : i32
    %dma_start3A_871 = arith.constant 0 : i32
    %dma_start3A_872 = tpu.memref_slice %dma_start3A_869[%dma_start3A_870, %dma_start3A_871] : memref<16384x128xf32, #tpu.memory_space<hbm>> -> memref<16384x128xf32, #tpu.memory_space<hbm>>
    tpu.enqueue_indirect_dma source(%arg7 : memref<128x128xf32, #tpu.memory_space<vmem>>) target(%dma_start3A_872 : memref<16384x128xf32, #tpu.memory_space<hbm>>) offsets(%dma_start3A_865 : memref<128xi32, #tpu.memory_space<vmem>>) semaphore(%arg10 : memref<!tpu.dma_semaphore, #tpu.memory_space<semaphore_mem>>)
    %dma_wait3A_873 = arith.constant 31 : i32
    %dma_wait3A_874 = arith.constant 0 : i32
    %dma_wait3A_875 = tpu.memref_slice %arg6[%dma_wait3A_873, %dma_wait3A_874] : memref<54x128xi32, #tpu.memory_space<vmem>> -> memref<1x128xi32, #tpu.memory_space<vmem>>
    %dma_wait3A_876 = tpu.memref_squeeze %dma_wait3A_875 : memref<1x128xi32, #tpu.memory_space<vmem>> -> memref<128xi32, #tpu.memory_space<vmem>>
    %dma_wait3A_877 = arith.constant 0 : i32
    %dma_wait3A_878 = arith.constant 0 : i32
    %dma_wait3A_879 = tpu.memref_slice %arg5[%select_n3A, %dma_wait3A_877, %dma_wait3A_878] : memref<8x16384x128xf32, #tpu.memory_space<hbm>> -> memref<1x16384x128xf32, #tpu.memory_space<hbm>>
    %dma_wait3A_880 = tpu.memref_squeeze %dma_wait3A_879 : memref<1x16384x128xf32, #tpu.memory_space<hbm>> -> memref<16384x128xf32, #tpu.memory_space<hbm>>
    %dma_wait3A_881 = arith.constant 0 : i32
    %dma_wait3A_882 = arith.constant 0 : i32
    %dma_wait3A_883 = tpu.memref_slice %dma_wait3A_880[%dma_wait3A_881, %dma_wait3A_882] : memref<16384x128xf32, #tpu.memory_space<hbm>> -> memref<16384x128xf32, #tpu.memory_space<hbm>>
    tpu.wait_indirect_dma semaphore(%arg10 : memref<!tpu.dma_semaphore, #tpu.memory_space<semaphore_mem>>) src(%arg8 : memref<128x128xf32, #tpu.memory_space<vmem>>) dst(%dma_wait3A_883 : memref<16384x128xf32, #tpu.memory_space<hbm>>)
    %dma_start3A_884 = arith.constant 34 : i32
    %dma_start3A_885 = arith.constant 0 : i32
    %dma_start3A_886 = tpu.memref_slice %arg6[%dma_start3A_884, %dma_start3A_885] : memref<54x128xi32, #tpu.memory_space<vmem>> -> memref<1x128xi32, #tpu.memory_space<vmem>>
    %dma_start3A_887 = tpu.memref_squeeze %dma_start3A_886 : memref<1x128xi32, #tpu.memory_space<vmem>> -> memref<128xi32, #tpu.memory_space<vmem>>
    %dma_start3A_888 = arith.constant 0 : i32
    %dma_start3A_889 = arith.constant 0 : i32
    %dma_start3A_890 = tpu.memref_slice %arg2[%select_n3A, %dma_start3A_888, %dma_start3A_889] : memref<8x10621x128xf32, #tpu.memory_space<hbm>> -> memref<1x10621x128xf32, #tpu.memory_space<hbm>>
    %dma_start3A_891 = tpu.memref_squeeze %dma_start3A_890 : memref<1x10621x128xf32, #tpu.memory_space<hbm>> -> memref<10621x128xf32, #tpu.memory_space<hbm>>
    %dma_start3A_892 = arith.constant 0 : i32
    %dma_start3A_893 = arith.constant 0 : i32
    %dma_start3A_894 = tpu.memref_slice %dma_start3A_891[%dma_start3A_892, %dma_start3A_893] : memref<10621x128xf32, #tpu.memory_space<hbm>> -> memref<10621x128xf32, #tpu.memory_space<hbm>>
    tpu.enqueue_indirect_dma source(%dma_start3A_894 : memref<10621x128xf32, #tpu.memory_space<hbm>>) target(%arg8 : memref<128x128xf32, #tpu.memory_space<vmem>>) offsets(%dma_start3A_887 : memref<128xi32, #tpu.memory_space<vmem>>) semaphore(%arg9 : memref<!tpu.dma_semaphore, #tpu.memory_space<semaphore_mem>>)
    %dma_wait3A_895 = arith.constant 34 : i32
    %dma_wait3A_896 = arith.constant 0 : i32
    %dma_wait3A_897 = tpu.memref_slice %arg6[%dma_wait3A_895, %dma_wait3A_896] : memref<54x128xi32, #tpu.memory_space<vmem>> -> memref<1x128xi32, #tpu.memory_space<vmem>>
    %dma_wait3A_898 = tpu.memref_squeeze %dma_wait3A_897 : memref<1x128xi32, #tpu.memory_space<vmem>> -> memref<128xi32, #tpu.memory_space<vmem>>
    %dma_wait3A_899 = arith.constant 0 : i32
    %dma_wait3A_900 = arith.constant 0 : i32
    %dma_wait3A_901 = tpu.memref_slice %arg2[%select_n3A, %dma_wait3A_899, %dma_wait3A_900] : memref<8x10621x128xf32, #tpu.memory_space<hbm>> -> memref<1x10621x128xf32, #tpu.memory_space<hbm>>
    %dma_wait3A_902 = tpu.memref_squeeze %dma_wait3A_901 : memref<1x10621x128xf32, #tpu.memory_space<hbm>> -> memref<10621x128xf32, #tpu.memory_space<hbm>>
    %dma_wait3A_903 = arith.constant 0 : i32
    %dma_wait3A_904 = arith.constant 0 : i32
    %dma_wait3A_905 = tpu.memref_slice %dma_wait3A_902[%dma_wait3A_903, %dma_wait3A_904] : memref<10621x128xf32, #tpu.memory_space<hbm>> -> memref<10621x128xf32, #tpu.memory_space<hbm>>
    tpu.wait_indirect_dma semaphore(%arg9 : memref<!tpu.dma_semaphore, #tpu.memory_space<semaphore_mem>>) src(%dma_wait3A_905 : memref<10621x128xf32, #tpu.memory_space<hbm>>) dst(%arg8 : memref<128x128xf32, #tpu.memory_space<vmem>>)
    %dma_start3A_906 = arith.constant 35 : i32
    %dma_start3A_907 = arith.constant 0 : i32
    %dma_start3A_908 = tpu.memref_slice %arg6[%dma_start3A_906, %dma_start3A_907] : memref<54x128xi32, #tpu.memory_space<vmem>> -> memref<1x128xi32, #tpu.memory_space<vmem>>
    %dma_start3A_909 = tpu.memref_squeeze %dma_start3A_908 : memref<1x128xi32, #tpu.memory_space<vmem>> -> memref<128xi32, #tpu.memory_space<vmem>>
    %dma_start3A_910 = arith.constant 0 : i32
    %dma_start3A_911 = arith.constant 0 : i32
    %dma_start3A_912 = tpu.memref_slice %arg5[%select_n3A, %dma_start3A_910, %dma_start3A_911] : memref<8x16384x128xf32, #tpu.memory_space<hbm>> -> memref<1x16384x128xf32, #tpu.memory_space<hbm>>
    %dma_start3A_913 = tpu.memref_squeeze %dma_start3A_912 : memref<1x16384x128xf32, #tpu.memory_space<hbm>> -> memref<16384x128xf32, #tpu.memory_space<hbm>>
    %dma_start3A_914 = arith.constant 0 : i32
    %dma_start3A_915 = arith.constant 0 : i32
    %dma_start3A_916 = tpu.memref_slice %dma_start3A_913[%dma_start3A_914, %dma_start3A_915] : memref<16384x128xf32, #tpu.memory_space<hbm>> -> memref<16384x128xf32, #tpu.memory_space<hbm>>
    tpu.enqueue_indirect_dma source(%arg8 : memref<128x128xf32, #tpu.memory_space<vmem>>) target(%dma_start3A_916 : memref<16384x128xf32, #tpu.memory_space<hbm>>) offsets(%dma_start3A_909 : memref<128xi32, #tpu.memory_space<vmem>>) semaphore(%arg10 : memref<!tpu.dma_semaphore, #tpu.memory_space<semaphore_mem>>)
    %dma_wait3A_917 = arith.constant 33 : i32
    %dma_wait3A_918 = arith.constant 0 : i32
    %dma_wait3A_919 = tpu.memref_slice %arg6[%dma_wait3A_917, %dma_wait3A_918] : memref<54x128xi32, #tpu.memory_space<vmem>> -> memref<1x128xi32, #tpu.memory_space<vmem>>
    %dma_wait3A_920 = tpu.memref_squeeze %dma_wait3A_919 : memref<1x128xi32, #tpu.memory_space<vmem>> -> memref<128xi32, #tpu.memory_space<vmem>>
    %dma_wait3A_921 = arith.constant 0 : i32
    %dma_wait3A_922 = arith.constant 0 : i32
    %dma_wait3A_923 = tpu.memref_slice %arg5[%select_n3A, %dma_wait3A_921, %dma_wait3A_922] : memref<8x16384x128xf32, #tpu.memory_space<hbm>> -> memref<1x16384x128xf32, #tpu.memory_space<hbm>>
    %dma_wait3A_924 = tpu.memref_squeeze %dma_wait3A_923 : memref<1x16384x128xf32, #tpu.memory_space<hbm>> -> memref<16384x128xf32, #tpu.memory_space<hbm>>
    %dma_wait3A_925 = arith.constant 0 : i32
    %dma_wait3A_926 = arith.constant 0 : i32
    %dma_wait3A_927 = tpu.memref_slice %dma_wait3A_924[%dma_wait3A_925, %dma_wait3A_926] : memref<16384x128xf32, #tpu.memory_space<hbm>> -> memref<16384x128xf32, #tpu.memory_space<hbm>>
    tpu.wait_indirect_dma semaphore(%arg10 : memref<!tpu.dma_semaphore, #tpu.memory_space<semaphore_mem>>) src(%arg7 : memref<128x128xf32, #tpu.memory_space<vmem>>) dst(%dma_wait3A_927 : memref<16384x128xf32, #tpu.memory_space<hbm>>)
    %dma_start3A_928 = arith.constant 36 : i32
    %dma_start3A_929 = arith.constant 0 : i32
    %dma_start3A_930 = tpu.memref_slice %arg6[%dma_start3A_928, %dma_start3A_929] : memref<54x128xi32, #tpu.memory_space<vmem>> -> memref<1x128xi32, #tpu.memory_space<vmem>>
    %dma_start3A_931 = tpu.memref_squeeze %dma_start3A_930 : memref<1x128xi32, #tpu.memory_space<vmem>> -> memref<128xi32, #tpu.memory_space<vmem>>
    %dma_start3A_932 = arith.constant 0 : i32
    %dma_start3A_933 = arith.constant 0 : i32
    %dma_start3A_934 = tpu.memref_slice %arg2[%select_n3A, %dma_start3A_932, %dma_start3A_933] : memref<8x10621x128xf32, #tpu.memory_space<hbm>> -> memref<1x10621x128xf32, #tpu.memory_space<hbm>>
    %dma_start3A_935 = tpu.memref_squeeze %dma_start3A_934 : memref<1x10621x128xf32, #tpu.memory_space<hbm>> -> memref<10621x128xf32, #tpu.memory_space<hbm>>
    %dma_start3A_936 = arith.constant 0 : i32
    %dma_start3A_937 = arith.constant 0 : i32
    %dma_start3A_938 = tpu.memref_slice %dma_start3A_935[%dma_start3A_936, %dma_start3A_937] : memref<10621x128xf32, #tpu.memory_space<hbm>> -> memref<10621x128xf32, #tpu.memory_space<hbm>>
    tpu.enqueue_indirect_dma source(%dma_start3A_938 : memref<10621x128xf32, #tpu.memory_space<hbm>>) target(%arg7 : memref<128x128xf32, #tpu.memory_space<vmem>>) offsets(%dma_start3A_931 : memref<128xi32, #tpu.memory_space<vmem>>) semaphore(%arg9 : memref<!tpu.dma_semaphore, #tpu.memory_space<semaphore_mem>>)
    %dma_wait3A_939 = arith.constant 36 : i32
    %dma_wait3A_940 = arith.constant 0 : i32
    %dma_wait3A_941 = tpu.memref_slice %arg6[%dma_wait3A_939, %dma_wait3A_940] : memref<54x128xi32, #tpu.memory_space<vmem>> -> memref<1x128xi32, #tpu.memory_space<vmem>>
    %dma_wait3A_942 = tpu.memref_squeeze %dma_wait3A_941 : memref<1x128xi32, #tpu.memory_space<vmem>> -> memref<128xi32, #tpu.memory_space<vmem>>
    %dma_wait3A_943 = arith.constant 0 : i32
    %dma_wait3A_944 = arith.constant 0 : i32
    %dma_wait3A_945 = tpu.memref_slice %arg2[%select_n3A, %dma_wait3A_943, %dma_wait3A_944] : memref<8x10621x128xf32, #tpu.memory_space<hbm>> -> memref<1x10621x128xf32, #tpu.memory_space<hbm>>
    %dma_wait3A_946 = tpu.memref_squeeze %dma_wait3A_945 : memref<1x10621x128xf32, #tpu.memory_space<hbm>> -> memref<10621x128xf32, #tpu.memory_space<hbm>>
    %dma_wait3A_947 = arith.constant 0 : i32
    %dma_wait3A_948 = arith.constant 0 : i32
    %dma_wait3A_949 = tpu.memref_slice %dma_wait3A_946[%dma_wait3A_947, %dma_wait3A_948] : memref<10621x128xf32, #tpu.memory_space<hbm>> -> memref<10621x128xf32, #tpu.memory_space<hbm>>
    tpu.wait_indirect_dma semaphore(%arg9 : memref<!tpu.dma_semaphore, #tpu.memory_space<semaphore_mem>>) src(%dma_wait3A_949 : memref<10621x128xf32, #tpu.memory_space<hbm>>) dst(%arg7 : memref<128x128xf32, #tpu.memory_space<vmem>>)
    %dma_start3A_950 = arith.constant 37 : i32
    %dma_start3A_951 = arith.constant 0 : i32
    %dma_start3A_952 = tpu.memref_slice %arg6[%dma_start3A_950, %dma_start3A_951] : memref<54x128xi32, #tpu.memory_space<vmem>> -> memref<1x128xi32, #tpu.memory_space<vmem>>
    %dma_start3A_953 = tpu.memref_squeeze %dma_start3A_952 : memref<1x128xi32, #tpu.memory_space<vmem>> -> memref<128xi32, #tpu.memory_space<vmem>>
    %dma_start3A_954 = arith.constant 0 : i32
    %dma_start3A_955 = arith.constant 0 : i32
    %dma_start3A_956 = tpu.memref_slice %arg5[%select_n3A, %dma_start3A_954, %dma_start3A_955] : memref<8x16384x128xf32, #tpu.memory_space<hbm>> -> memref<1x16384x128xf32, #tpu.memory_space<hbm>>
    %dma_start3A_957 = tpu.memref_squeeze %dma_start3A_956 : memref<1x16384x128xf32, #tpu.memory_space<hbm>> -> memref<16384x128xf32, #tpu.memory_space<hbm>>
    %dma_start3A_958 = arith.constant 0 : i32
    %dma_start3A_959 = arith.constant 0 : i32
    %dma_start3A_960 = tpu.memref_slice %dma_start3A_957[%dma_start3A_958, %dma_start3A_959] : memref<16384x128xf32, #tpu.memory_space<hbm>> -> memref<16384x128xf32, #tpu.memory_space<hbm>>
    tpu.enqueue_indirect_dma source(%arg7 : memref<128x128xf32, #tpu.memory_space<vmem>>) target(%dma_start3A_960 : memref<16384x128xf32, #tpu.memory_space<hbm>>) offsets(%dma_start3A_953 : memref<128xi32, #tpu.memory_space<vmem>>) semaphore(%arg10 : memref<!tpu.dma_semaphore, #tpu.memory_space<semaphore_mem>>)
    %dma_wait3A_961 = arith.constant 35 : i32
    %dma_wait3A_962 = arith.constant 0 : i32
    %dma_wait3A_963 = tpu.memref_slice %arg6[%dma_wait3A_961, %dma_wait3A_962] : memref<54x128xi32, #tpu.memory_space<vmem>> -> memref<1x128xi32, #tpu.memory_space<vmem>>
    %dma_wait3A_964 = tpu.memref_squeeze %dma_wait3A_963 : memref<1x128xi32, #tpu.memory_space<vmem>> -> memref<128xi32, #tpu.memory_space<vmem>>
    %dma_wait3A_965 = arith.constant 0 : i32
    %dma_wait3A_966 = arith.constant 0 : i32
    %dma_wait3A_967 = tpu.memref_slice %arg5[%select_n3A, %dma_wait3A_965, %dma_wait3A_966] : memref<8x16384x128xf32, #tpu.memory_space<hbm>> -> memref<1x16384x128xf32, #tpu.memory_space<hbm>>
    %dma_wait3A_968 = tpu.memref_squeeze %dma_wait3A_967 : memref<1x16384x128xf32, #tpu.memory_space<hbm>> -> memref<16384x128xf32, #tpu.memory_space<hbm>>
    %dma_wait3A_969 = arith.constant 0 : i32
    %dma_wait3A_970 = arith.constant 0 : i32
    %dma_wait3A_971 = tpu.memref_slice %dma_wait3A_968[%dma_wait3A_969, %dma_wait3A_970] : memref<16384x128xf32, #tpu.memory_space<hbm>> -> memref<16384x128xf32, #tpu.memory_space<hbm>>
    tpu.wait_indirect_dma semaphore(%arg10 : memref<!tpu.dma_semaphore, #tpu.memory_space<semaphore_mem>>) src(%arg8 : memref<128x128xf32, #tpu.memory_space<vmem>>) dst(%dma_wait3A_971 : memref<16384x128xf32, #tpu.memory_space<hbm>>)
    %dma_start3A_972 = arith.constant 38 : i32
    %dma_start3A_973 = arith.constant 0 : i32
    %dma_start3A_974 = tpu.memref_slice %arg6[%dma_start3A_972, %dma_start3A_973] : memref<54x128xi32, #tpu.memory_space<vmem>> -> memref<1x128xi32, #tpu.memory_space<vmem>>
    %dma_start3A_975 = tpu.memref_squeeze %dma_start3A_974 : memref<1x128xi32, #tpu.memory_space<vmem>> -> memref<128xi32, #tpu.memory_space<vmem>>
    %dma_start3A_976 = arith.constant 0 : i32
    %dma_start3A_977 = arith.constant 0 : i32
    %dma_start3A_978 = tpu.memref_slice %arg2[%select_n3A, %dma_start3A_976, %dma_start3A_977] : memref<8x10621x128xf32, #tpu.memory_space<hbm>> -> memref<1x10621x128xf32, #tpu.memory_space<hbm>>
    %dma_start3A_979 = tpu.memref_squeeze %dma_start3A_978 : memref<1x10621x128xf32, #tpu.memory_space<hbm>> -> memref<10621x128xf32, #tpu.memory_space<hbm>>
    %dma_start3A_980 = arith.constant 0 : i32
    %dma_start3A_981 = arith.constant 0 : i32
    %dma_start3A_982 = tpu.memref_slice %dma_start3A_979[%dma_start3A_980, %dma_start3A_981] : memref<10621x128xf32, #tpu.memory_space<hbm>> -> memref<10621x128xf32, #tpu.memory_space<hbm>>
    tpu.enqueue_indirect_dma source(%dma_start3A_982 : memref<10621x128xf32, #tpu.memory_space<hbm>>) target(%arg8 : memref<128x128xf32, #tpu.memory_space<vmem>>) offsets(%dma_start3A_975 : memref<128xi32, #tpu.memory_space<vmem>>) semaphore(%arg9 : memref<!tpu.dma_semaphore, #tpu.memory_space<semaphore_mem>>)
    %dma_wait3A_983 = arith.constant 38 : i32
    %dma_wait3A_984 = arith.constant 0 : i32
    %dma_wait3A_985 = tpu.memref_slice %arg6[%dma_wait3A_983, %dma_wait3A_984] : memref<54x128xi32, #tpu.memory_space<vmem>> -> memref<1x128xi32, #tpu.memory_space<vmem>>
    %dma_wait3A_986 = tpu.memref_squeeze %dma_wait3A_985 : memref<1x128xi32, #tpu.memory_space<vmem>> -> memref<128xi32, #tpu.memory_space<vmem>>
    %dma_wait3A_987 = arith.constant 0 : i32
    %dma_wait3A_988 = arith.constant 0 : i32
    %dma_wait3A_989 = tpu.memref_slice %arg2[%select_n3A, %dma_wait3A_987, %dma_wait3A_988] : memref<8x10621x128xf32, #tpu.memory_space<hbm>> -> memref<1x10621x128xf32, #tpu.memory_space<hbm>>
    %dma_wait3A_990 = tpu.memref_squeeze %dma_wait3A_989 : memref<1x10621x128xf32, #tpu.memory_space<hbm>> -> memref<10621x128xf32, #tpu.memory_space<hbm>>
    %dma_wait3A_991 = arith.constant 0 : i32
    %dma_wait3A_992 = arith.constant 0 : i32
    %dma_wait3A_993 = tpu.memref_slice %dma_wait3A_990[%dma_wait3A_991, %dma_wait3A_992] : memref<10621x128xf32, #tpu.memory_space<hbm>> -> memref<10621x128xf32, #tpu.memory_space<hbm>>
    tpu.wait_indirect_dma semaphore(%arg9 : memref<!tpu.dma_semaphore, #tpu.memory_space<semaphore_mem>>) src(%dma_wait3A_993 : memref<10621x128xf32, #tpu.memory_space<hbm>>) dst(%arg8 : memref<128x128xf32, #tpu.memory_space<vmem>>)
    %dma_start3A_994 = arith.constant 39 : i32
    %dma_start3A_995 = arith.constant 0 : i32
    %dma_start3A_996 = tpu.memref_slice %arg6[%dma_start3A_994, %dma_start3A_995] : memref<54x128xi32, #tpu.memory_space<vmem>> -> memref<1x128xi32, #tpu.memory_space<vmem>>
    %dma_start3A_997 = tpu.memref_squeeze %dma_start3A_996 : memref<1x128xi32, #tpu.memory_space<vmem>> -> memref<128xi32, #tpu.memory_space<vmem>>
    %dma_start3A_998 = arith.constant 0 : i32
    %dma_start3A_999 = arith.constant 0 : i32
    %dma_start3A_1000 = tpu.memref_slice %arg5[%select_n3A, %dma_start3A_998, %dma_start3A_999] : memref<8x16384x128xf32, #tpu.memory_space<hbm>> -> memref<1x16384x128xf32, #tpu.memory_space<hbm>>
    %dma_start3A_1001 = tpu.memref_squeeze %dma_start3A_1000 : memref<1x16384x128xf32, #tpu.memory_space<hbm>> -> memref<16384x128xf32, #tpu.memory_space<hbm>>
    %dma_start3A_1002 = arith.constant 0 : i32
    %dma_start3A_1003 = arith.constant 0 : i32
    %dma_start3A_1004 = tpu.memref_slice %dma_start3A_1001[%dma_start3A_1002, %dma_start3A_1003] : memref<16384x128xf32, #tpu.memory_space<hbm>> -> memref<16384x128xf32, #tpu.memory_space<hbm>>
    tpu.enqueue_indirect_dma source(%arg8 : memref<128x128xf32, #tpu.memory_space<vmem>>) target(%dma_start3A_1004 : memref<16384x128xf32, #tpu.memory_space<hbm>>) offsets(%dma_start3A_997 : memref<128xi32, #tpu.memory_space<vmem>>) semaphore(%arg10 : memref<!tpu.dma_semaphore, #tpu.memory_space<semaphore_mem>>)
    %dma_wait3A_1005 = arith.constant 37 : i32
    %dma_wait3A_1006 = arith.constant 0 : i32
    %dma_wait3A_1007 = tpu.memref_slice %arg6[%dma_wait3A_1005, %dma_wait3A_1006] : memref<54x128xi32, #tpu.memory_space<vmem>> -> memref<1x128xi32, #tpu.memory_space<vmem>>
    %dma_wait3A_1008 = tpu.memref_squeeze %dma_wait3A_1007 : memref<1x128xi32, #tpu.memory_space<vmem>> -> memref<128xi32, #tpu.memory_space<vmem>>
    %dma_wait3A_1009 = arith.constant 0 : i32
    %dma_wait3A_1010 = arith.constant 0 : i32
    %dma_wait3A_1011 = tpu.memref_slice %arg5[%select_n3A, %dma_wait3A_1009, %dma_wait3A_1010] : memref<8x16384x128xf32, #tpu.memory_space<hbm>> -> memref<1x16384x128xf32, #tpu.memory_space<hbm>>
    %dma_wait3A_1012 = tpu.memref_squeeze %dma_wait3A_1011 : memref<1x16384x128xf32, #tpu.memory_space<hbm>> -> memref<16384x128xf32, #tpu.memory_space<hbm>>
    %dma_wait3A_1013 = arith.constant 0 : i32
    %dma_wait3A_1014 = arith.constant 0 : i32
    %dma_wait3A_1015 = tpu.memref_slice %dma_wait3A_1012[%dma_wait3A_1013, %dma_wait3A_1014] : memref<16384x128xf32, #tpu.memory_space<hbm>> -> memref<16384x128xf32, #tpu.memory_space<hbm>>
    tpu.wait_indirect_dma semaphore(%arg10 : memref<!tpu.dma_semaphore, #tpu.memory_space<semaphore_mem>>) src(%arg7 : memref<128x128xf32, #tpu.memory_space<vmem>>) dst(%dma_wait3A_1015 : memref<16384x128xf32, #tpu.memory_space<hbm>>)
    %dma_start3A_1016 = arith.constant 40 : i32
    %dma_start3A_1017 = arith.constant 0 : i32
    %dma_start3A_1018 = tpu.memref_slice %arg6[%dma_start3A_1016, %dma_start3A_1017] : memref<54x128xi32, #tpu.memory_space<vmem>> -> memref<1x128xi32, #tpu.memory_space<vmem>>
    %dma_start3A_1019 = tpu.memref_squeeze %dma_start3A_1018 : memref<1x128xi32, #tpu.memory_space<vmem>> -> memref<128xi32, #tpu.memory_space<vmem>>
    %dma_start3A_1020 = arith.constant 0 : i32
    %dma_start3A_1021 = arith.constant 0 : i32
    %dma_start3A_1022 = tpu.memref_slice %arg2[%select_n3A, %dma_start3A_1020, %dma_start3A_1021] : memref<8x10621x128xf32, #tpu.memory_space<hbm>> -> memref<1x10621x128xf32, #tpu.memory_space<hbm>>
    %dma_start3A_1023 = tpu.memref_squeeze %dma_start3A_1022 : memref<1x10621x128xf32, #tpu.memory_space<hbm>> -> memref<10621x128xf32, #tpu.memory_space<hbm>>
    %dma_start3A_1024 = arith.constant 0 : i32
    %dma_start3A_1025 = arith.constant 0 : i32
    %dma_start3A_1026 = tpu.memref_slice %dma_start3A_1023[%dma_start3A_1024, %dma_start3A_1025] : memref<10621x128xf32, #tpu.memory_space<hbm>> -> memref<10621x128xf32, #tpu.memory_space<hbm>>
    tpu.enqueue_indirect_dma source(%dma_start3A_1026 : memref<10621x128xf32, #tpu.memory_space<hbm>>) target(%arg7 : memref<128x128xf32, #tpu.memory_space<vmem>>) offsets(%dma_start3A_1019 : memref<128xi32, #tpu.memory_space<vmem>>) semaphore(%arg9 : memref<!tpu.dma_semaphore, #tpu.memory_space<semaphore_mem>>)
    %dma_wait3A_1027 = arith.constant 40 : i32
    %dma_wait3A_1028 = arith.constant 0 : i32
    %dma_wait3A_1029 = tpu.memref_slice %arg6[%dma_wait3A_1027, %dma_wait3A_1028] : memref<54x128xi32, #tpu.memory_space<vmem>> -> memref<1x128xi32, #tpu.memory_space<vmem>>
    %dma_wait3A_1030 = tpu.memref_squeeze %dma_wait3A_1029 : memref<1x128xi32, #tpu.memory_space<vmem>> -> memref<128xi32, #tpu.memory_space<vmem>>
    %dma_wait3A_1031 = arith.constant 0 : i32
    %dma_wait3A_1032 = arith.constant 0 : i32
    %dma_wait3A_1033 = tpu.memref_slice %arg2[%select_n3A, %dma_wait3A_1031, %dma_wait3A_1032] : memref<8x10621x128xf32, #tpu.memory_space<hbm>> -> memref<1x10621x128xf32, #tpu.memory_space<hbm>>
    %dma_wait3A_1034 = tpu.memref_squeeze %dma_wait3A_1033 : memref<1x10621x128xf32, #tpu.memory_space<hbm>> -> memref<10621x128xf32, #tpu.memory_space<hbm>>
    %dma_wait3A_1035 = arith.constant 0 : i32
    %dma_wait3A_1036 = arith.constant 0 : i32
    %dma_wait3A_1037 = tpu.memref_slice %dma_wait3A_1034[%dma_wait3A_1035, %dma_wait3A_1036] : memref<10621x128xf32, #tpu.memory_space<hbm>> -> memref<10621x128xf32, #tpu.memory_space<hbm>>
    tpu.wait_indirect_dma semaphore(%arg9 : memref<!tpu.dma_semaphore, #tpu.memory_space<semaphore_mem>>) src(%dma_wait3A_1037 : memref<10621x128xf32, #tpu.memory_space<hbm>>) dst(%arg7 : memref<128x128xf32, #tpu.memory_space<vmem>>)
    %dma_start3A_1038 = arith.constant 41 : i32
    %dma_start3A_1039 = arith.constant 0 : i32
    %dma_start3A_1040 = tpu.memref_slice %arg6[%dma_start3A_1038, %dma_start3A_1039] : memref<54x128xi32, #tpu.memory_space<vmem>> -> memref<1x128xi32, #tpu.memory_space<vmem>>
    %dma_start3A_1041 = tpu.memref_squeeze %dma_start3A_1040 : memref<1x128xi32, #tpu.memory_space<vmem>> -> memref<128xi32, #tpu.memory_space<vmem>>
    %dma_start3A_1042 = arith.constant 0 : i32
    %dma_start3A_1043 = arith.constant 0 : i32
    %dma_start3A_1044 = tpu.memref_slice %arg5[%select_n3A, %dma_start3A_1042, %dma_start3A_1043] : memref<8x16384x128xf32, #tpu.memory_space<hbm>> -> memref<1x16384x128xf32, #tpu.memory_space<hbm>>
    %dma_start3A_1045 = tpu.memref_squeeze %dma_start3A_1044 : memref<1x16384x128xf32, #tpu.memory_space<hbm>> -> memref<16384x128xf32, #tpu.memory_space<hbm>>
    %dma_start3A_1046 = arith.constant 0 : i32
    %dma_start3A_1047 = arith.constant 0 : i32
    %dma_start3A_1048 = tpu.memref_slice %dma_start3A_1045[%dma_start3A_1046, %dma_start3A_1047] : memref<16384x128xf32, #tpu.memory_space<hbm>> -> memref<16384x128xf32, #tpu.memory_space<hbm>>
    tpu.enqueue_indirect_dma source(%arg7 : memref<128x128xf32, #tpu.memory_space<vmem>>) target(%dma_start3A_1048 : memref<16384x128xf32, #tpu.memory_space<hbm>>) offsets(%dma_start3A_1041 : memref<128xi32, #tpu.memory_space<vmem>>) semaphore(%arg10 : memref<!tpu.dma_semaphore, #tpu.memory_space<semaphore_mem>>)
    %dma_wait3A_1049 = arith.constant 39 : i32
    %dma_wait3A_1050 = arith.constant 0 : i32
    %dma_wait3A_1051 = tpu.memref_slice %arg6[%dma_wait3A_1049, %dma_wait3A_1050] : memref<54x128xi32, #tpu.memory_space<vmem>> -> memref<1x128xi32, #tpu.memory_space<vmem>>
    %dma_wait3A_1052 = tpu.memref_squeeze %dma_wait3A_1051 : memref<1x128xi32, #tpu.memory_space<vmem>> -> memref<128xi32, #tpu.memory_space<vmem>>
    %dma_wait3A_1053 = arith.constant 0 : i32
    %dma_wait3A_1054 = arith.constant 0 : i32
    %dma_wait3A_1055 = tpu.memref_slice %arg5[%select_n3A, %dma_wait3A_1053, %dma_wait3A_1054] : memref<8x16384x128xf32, #tpu.memory_space<hbm>> -> memref<1x16384x128xf32, #tpu.memory_space<hbm>>
    %dma_wait3A_1056 = tpu.memref_squeeze %dma_wait3A_1055 : memref<1x16384x128xf32, #tpu.memory_space<hbm>> -> memref<16384x128xf32, #tpu.memory_space<hbm>>
    %dma_wait3A_1057 = arith.constant 0 : i32
    %dma_wait3A_1058 = arith.constant 0 : i32
    %dma_wait3A_1059 = tpu.memref_slice %dma_wait3A_1056[%dma_wait3A_1057, %dma_wait3A_1058] : memref<16384x128xf32, #tpu.memory_space<hbm>> -> memref<16384x128xf32, #tpu.memory_space<hbm>>
    tpu.wait_indirect_dma semaphore(%arg10 : memref<!tpu.dma_semaphore, #tpu.memory_space<semaphore_mem>>) src(%arg8 : memref<128x128xf32, #tpu.memory_space<vmem>>) dst(%dma_wait3A_1059 : memref<16384x128xf32, #tpu.memory_space<hbm>>)
    %dma_wait3A_1060 = arith.constant 41 : i32
    %dma_wait3A_1061 = arith.constant 0 : i32
    %dma_wait3A_1062 = tpu.memref_slice %arg6[%dma_wait3A_1060, %dma_wait3A_1061] : memref<54x128xi32, #tpu.memory_space<vmem>> -> memref<1x128xi32, #tpu.memory_space<vmem>>
    %dma_wait3A_1063 = tpu.memref_squeeze %dma_wait3A_1062 : memref<1x128xi32, #tpu.memory_space<vmem>> -> memref<128xi32, #tpu.memory_space<vmem>>
    %dma_wait3A_1064 = arith.constant 0 : i32
    %dma_wait3A_1065 = arith.constant 0 : i32
    %dma_wait3A_1066 = tpu.memref_slice %arg5[%select_n3A, %dma_wait3A_1064, %dma_wait3A_1065] : memref<8x16384x128xf32, #tpu.memory_space<hbm>> -> memref<1x16384x128xf32, #tpu.memory_space<hbm>>
    %dma_wait3A_1067 = tpu.memref_squeeze %dma_wait3A_1066 : memref<1x16384x128xf32, #tpu.memory_space<hbm>> -> memref<16384x128xf32, #tpu.memory_space<hbm>>
    %dma_wait3A_1068 = arith.constant 0 : i32
    %dma_wait3A_1069 = arith.constant 0 : i32
    %dma_wait3A_1070 = tpu.memref_slice %dma_wait3A_1067[%dma_wait3A_1068, %dma_wait3A_1069] : memref<16384x128xf32, #tpu.memory_space<hbm>> -> memref<16384x128xf32, #tpu.memory_space<hbm>>
    tpu.wait_indirect_dma semaphore(%arg10 : memref<!tpu.dma_semaphore, #tpu.memory_space<semaphore_mem>>) src(%arg7 : memref<128x128xf32, #tpu.memory_space<vmem>>) dst(%dma_wait3A_1070 : memref<16384x128xf32, #tpu.memory_space<hbm>>)
    %dma_wait3A_1071 = arith.constant 42 : i32
    %dma_wait3A_1072 = arith.constant 0 : i32
    %dma_wait3A_1073 = tpu.memref_slice %arg6[%dma_wait3A_1071, %dma_wait3A_1072] : memref<54x128xi32, #tpu.memory_space<vmem>> -> memref<1x128xi32, #tpu.memory_space<vmem>>
    %dma_wait3A_1074 = tpu.memref_squeeze %dma_wait3A_1073 : memref<1x128xi32, #tpu.memory_space<vmem>> -> memref<128xi32, #tpu.memory_space<vmem>>
    %dma_wait3A_1075 = arith.constant 0 : i32
    %dma_wait3A_1076 = arith.constant 0 : i32
    %dma_wait3A_1077 = tpu.memref_slice %arg5[%select_n3A, %dma_wait3A_1075, %dma_wait3A_1076] : memref<8x16384x128xf32, #tpu.memory_space<hbm>> -> memref<1x16384x128xf32, #tpu.memory_space<hbm>>
    %dma_wait3A_1078 = tpu.memref_squeeze %dma_wait3A_1077 : memref<1x16384x128xf32, #tpu.memory_space<hbm>> -> memref<16384x128xf32, #tpu.memory_space<hbm>>
    %dma_wait3A_1079 = arith.constant 0 : i32
    %dma_wait3A_1080 = arith.constant 0 : i32
    %dma_wait3A_1081 = tpu.memref_slice %dma_wait3A_1078[%dma_wait3A_1079, %dma_wait3A_1080] : memref<16384x128xf32, #tpu.memory_space<hbm>> -> memref<16384x128xf32, #tpu.memory_space<hbm>>
    tpu.wait_indirect_dma semaphore(%arg12 : memref<!tpu.dma_semaphore, #tpu.memory_space<semaphore_mem>>) src(%arg11 : memref<128x128xf32, #tpu.memory_space<vmem>>) dst(%dma_wait3A_1081 : memref<16384x128xf32, #tpu.memory_space<hbm>>)
    %dma_wait3A_1082 = arith.constant 43 : i32
    %dma_wait3A_1083 = arith.constant 0 : i32
    %dma_wait3A_1084 = tpu.memref_slice %arg6[%dma_wait3A_1082, %dma_wait3A_1083] : memref<54x128xi32, #tpu.memory_space<vmem>> -> memref<1x128xi32, #tpu.memory_space<vmem>>
    %dma_wait3A_1085 = tpu.memref_squeeze %dma_wait3A_1084 : memref<1x128xi32, #tpu.memory_space<vmem>> -> memref<128xi32, #tpu.memory_space<vmem>>
    %dma_wait3A_1086 = arith.constant 0 : i32
    %dma_wait3A_1087 = arith.constant 0 : i32
    %dma_wait3A_1088 = tpu.memref_slice %arg5[%select_n3A, %dma_wait3A_1086, %dma_wait3A_1087] : memref<8x16384x128xf32, #tpu.memory_space<hbm>> -> memref<1x16384x128xf32, #tpu.memory_space<hbm>>
    %dma_wait3A_1089 = tpu.memref_squeeze %dma_wait3A_1088 : memref<1x16384x128xf32, #tpu.memory_space<hbm>> -> memref<16384x128xf32, #tpu.memory_space<hbm>>
    %dma_wait3A_1090 = arith.constant 0 : i32
    %dma_wait3A_1091 = arith.constant 0 : i32
    %dma_wait3A_1092 = tpu.memref_slice %dma_wait3A_1089[%dma_wait3A_1090, %dma_wait3A_1091] : memref<16384x128xf32, #tpu.memory_space<hbm>> -> memref<16384x128xf32, #tpu.memory_space<hbm>>
    tpu.wait_indirect_dma semaphore(%arg12 : memref<!tpu.dma_semaphore, #tpu.memory_space<semaphore_mem>>) src(%arg11 : memref<128x128xf32, #tpu.memory_space<vmem>>) dst(%dma_wait3A_1092 : memref<16384x128xf32, #tpu.memory_space<hbm>>)
    %dma_wait3A_1093 = arith.constant 44 : i32
    %dma_wait3A_1094 = arith.constant 0 : i32
    %dma_wait3A_1095 = tpu.memref_slice %arg6[%dma_wait3A_1093, %dma_wait3A_1094] : memref<54x128xi32, #tpu.memory_space<vmem>> -> memref<1x128xi32, #tpu.memory_space<vmem>>
    %dma_wait3A_1096 = tpu.memref_squeeze %dma_wait3A_1095 : memref<1x128xi32, #tpu.memory_space<vmem>> -> memref<128xi32, #tpu.memory_space<vmem>>
    %dma_wait3A_1097 = arith.constant 0 : i32
    %dma_wait3A_1098 = arith.constant 0 : i32
    %dma_wait3A_1099 = tpu.memref_slice %arg5[%select_n3A, %dma_wait3A_1097, %dma_wait3A_1098] : memref<8x16384x128xf32, #tpu.memory_space<hbm>> -> memref<1x16384x128xf32, #tpu.memory_space<hbm>>
    %dma_wait3A_1100 = tpu.memref_squeeze %dma_wait3A_1099 : memref<1x16384x128xf32, #tpu.memory_space<hbm>> -> memref<16384x128xf32, #tpu.memory_space<hbm>>
    %dma_wait3A_1101 = arith.constant 0 : i32
    %dma_wait3A_1102 = arith.constant 0 : i32
    %dma_wait3A_1103 = tpu.memref_slice %dma_wait3A_1100[%dma_wait3A_1101, %dma_wait3A_1102] : memref<16384x128xf32, #tpu.memory_space<hbm>> -> memref<16384x128xf32, #tpu.memory_space<hbm>>
    tpu.wait_indirect_dma semaphore(%arg12 : memref<!tpu.dma_semaphore, #tpu.memory_space<semaphore_mem>>) src(%arg11 : memref<128x128xf32, #tpu.memory_space<vmem>>) dst(%dma_wait3A_1103 : memref<16384x128xf32, #tpu.memory_space<hbm>>)
    %dma_wait3A_1104 = arith.constant 45 : i32
    %dma_wait3A_1105 = arith.constant 0 : i32
    %dma_wait3A_1106 = tpu.memref_slice %arg6[%dma_wait3A_1104, %dma_wait3A_1105] : memref<54x128xi32, #tpu.memory_space<vmem>> -> memref<1x128xi32, #tpu.memory_space<vmem>>
    %dma_wait3A_1107 = tpu.memref_squeeze %dma_wait3A_1106 : memref<1x128xi32, #tpu.memory_space<vmem>> -> memref<128xi32, #tpu.memory_space<vmem>>
    %dma_wait3A_1108 = arith.constant 0 : i32
    %dma_wait3A_1109 = arith.constant 0 : i32
    %dma_wait3A_1110 = tpu.memref_slice %arg5[%select_n3A, %dma_wait3A_1108, %dma_wait3A_1109] : memref<8x16384x128xf32, #tpu.memory_space<hbm>> -> memref<1x16384x128xf32, #tpu.memory_space<hbm>>
    %dma_wait3A_1111 = tpu.memref_squeeze %dma_wait3A_1110 : memref<1x16384x128xf32, #tpu.memory_space<hbm>> -> memref<16384x128xf32, #tpu.memory_space<hbm>>
    %dma_wait3A_1112 = arith.constant 0 : i32
    %dma_wait3A_1113 = arith.constant 0 : i32
    %dma_wait3A_1114 = tpu.memref_slice %dma_wait3A_1111[%dma_wait3A_1112, %dma_wait3A_1113] : memref<16384x128xf32, #tpu.memory_space<hbm>> -> memref<16384x128xf32, #tpu.memory_space<hbm>>
    tpu.wait_indirect_dma semaphore(%arg12 : memref<!tpu.dma_semaphore, #tpu.memory_space<semaphore_mem>>) src(%arg11 : memref<128x128xf32, #tpu.memory_space<vmem>>) dst(%dma_wait3A_1114 : memref<16384x128xf32, #tpu.memory_space<hbm>>)
    %dma_wait3A_1115 = arith.constant 46 : i32
    %dma_wait3A_1116 = arith.constant 0 : i32
    %dma_wait3A_1117 = tpu.memref_slice %arg6[%dma_wait3A_1115, %dma_wait3A_1116] : memref<54x128xi32, #tpu.memory_space<vmem>> -> memref<1x128xi32, #tpu.memory_space<vmem>>
    %dma_wait3A_1118 = tpu.memref_squeeze %dma_wait3A_1117 : memref<1x128xi32, #tpu.memory_space<vmem>> -> memref<128xi32, #tpu.memory_space<vmem>>
    %dma_wait3A_1119 = arith.constant 0 : i32
    %dma_wait3A_1120 = arith.constant 0 : i32
    %dma_wait3A_1121 = tpu.memref_slice %arg5[%select_n3A, %dma_wait3A_1119, %dma_wait3A_1120] : memref<8x16384x128xf32, #tpu.memory_space<hbm>> -> memref<1x16384x128xf32, #tpu.memory_space<hbm>>
    %dma_wait3A_1122 = tpu.memref_squeeze %dma_wait3A_1121 : memref<1x16384x128xf32, #tpu.memory_space<hbm>> -> memref<16384x128xf32, #tpu.memory_space<hbm>>
    %dma_wait3A_1123 = arith.constant 0 : i32
    %dma_wait3A_1124 = arith.constant 0 : i32
    %dma_wait3A_1125 = tpu.memref_slice %dma_wait3A_1122[%dma_wait3A_1123, %dma_wait3A_1124] : memref<16384x128xf32, #tpu.memory_space<hbm>> -> memref<16384x128xf32, #tpu.memory_space<hbm>>
    tpu.wait_indirect_dma semaphore(%arg12 : memref<!tpu.dma_semaphore, #tpu.memory_space<semaphore_mem>>) src(%arg11 : memref<128x128xf32, #tpu.memory_space<vmem>>) dst(%dma_wait3A_1125 : memref<16384x128xf32, #tpu.memory_space<hbm>>)
    %dma_wait3A_1126 = arith.constant 47 : i32
    %dma_wait3A_1127 = arith.constant 0 : i32
    %dma_wait3A_1128 = tpu.memref_slice %arg6[%dma_wait3A_1126, %dma_wait3A_1127] : memref<54x128xi32, #tpu.memory_space<vmem>> -> memref<1x128xi32, #tpu.memory_space<vmem>>
    %dma_wait3A_1129 = tpu.memref_squeeze %dma_wait3A_1128 : memref<1x128xi32, #tpu.memory_space<vmem>> -> memref<128xi32, #tpu.memory_space<vmem>>
    %dma_wait3A_1130 = arith.constant 0 : i32
    %dma_wait3A_1131 = arith.constant 0 : i32
    %dma_wait3A_1132 = tpu.memref_slice %arg5[%select_n3A, %dma_wait3A_1130, %dma_wait3A_1131] : memref<8x16384x128xf32, #tpu.memory_space<hbm>> -> memref<1x16384x128xf32, #tpu.memory_space<hbm>>
    %dma_wait3A_1133 = tpu.memref_squeeze %dma_wait3A_1132 : memref<1x16384x128xf32, #tpu.memory_space<hbm>> -> memref<16384x128xf32, #tpu.memory_space<hbm>>
    %dma_wait3A_1134 = arith.constant 0 : i32
    %dma_wait3A_1135 = arith.constant 0 : i32
    %dma_wait3A_1136 = tpu.memref_slice %dma_wait3A_1133[%dma_wait3A_1134, %dma_wait3A_1135] : memref<16384x128xf32, #tpu.memory_space<hbm>> -> memref<16384x128xf32, #tpu.memory_space<hbm>>
    tpu.wait_indirect_dma semaphore(%arg12 : memref<!tpu.dma_semaphore, #tpu.memory_space<semaphore_mem>>) src(%arg11 : memref<128x128xf32, #tpu.memory_space<vmem>>) dst(%dma_wait3A_1136 : memref<16384x128xf32, #tpu.memory_space<hbm>>)
    %dma_wait3A_1137 = arith.constant 48 : i32
    %dma_wait3A_1138 = arith.constant 0 : i32
    %dma_wait3A_1139 = tpu.memref_slice %arg6[%dma_wait3A_1137, %dma_wait3A_1138] : memref<54x128xi32, #tpu.memory_space<vmem>> -> memref<1x128xi32, #tpu.memory_space<vmem>>
    %dma_wait3A_1140 = tpu.memref_squeeze %dma_wait3A_1139 : memref<1x128xi32, #tpu.memory_space<vmem>> -> memref<128xi32, #tpu.memory_space<vmem>>
    %dma_wait3A_1141 = arith.constant 0 : i32
    %dma_wait3A_1142 = arith.constant 0 : i32
    %dma_wait3A_1143 = tpu.memref_slice %arg5[%select_n3A, %dma_wait3A_1141, %dma_wait3A_1142] : memref<8x16384x128xf32, #tpu.memory_space<hbm>> -> memref<1x16384x128xf32, #tpu.memory_space<hbm>>
    %dma_wait3A_1144 = tpu.memref_squeeze %dma_wait3A_1143 : memref<1x16384x128xf32, #tpu.memory_space<hbm>> -> memref<16384x128xf32, #tpu.memory_space<hbm>>
    %dma_wait3A_1145 = arith.constant 0 : i32
    %dma_wait3A_1146 = arith.constant 0 : i32
    %dma_wait3A_1147 = tpu.memref_slice %dma_wait3A_1144[%dma_wait3A_1145, %dma_wait3A_1146] : memref<16384x128xf32, #tpu.memory_space<hbm>> -> memref<16384x128xf32, #tpu.memory_space<hbm>>
    tpu.wait_indirect_dma semaphore(%arg12 : memref<!tpu.dma_semaphore, #tpu.memory_space<semaphore_mem>>) src(%arg11 : memref<128x128xf32, #tpu.memory_space<vmem>>) dst(%dma_wait3A_1147 : memref<16384x128xf32, #tpu.memory_space<hbm>>)
    %dma_wait3A_1148 = arith.constant 49 : i32
    %dma_wait3A_1149 = arith.constant 0 : i32
    %dma_wait3A_1150 = tpu.memref_slice %arg6[%dma_wait3A_1148, %dma_wait3A_1149] : memref<54x128xi32, #tpu.memory_space<vmem>> -> memref<1x128xi32, #tpu.memory_space<vmem>>
    %dma_wait3A_1151 = tpu.memref_squeeze %dma_wait3A_1150 : memref<1x128xi32, #tpu.memory_space<vmem>> -> memref<128xi32, #tpu.memory_space<vmem>>
    %dma_wait3A_1152 = arith.constant 0 : i32
    %dma_wait3A_1153 = arith.constant 0 : i32
    %dma_wait3A_1154 = tpu.memref_slice %arg5[%select_n3A, %dma_wait3A_1152, %dma_wait3A_1153] : memref<8x16384x128xf32, #tpu.memory_space<hbm>> -> memref<1x16384x128xf32, #tpu.memory_space<hbm>>
    %dma_wait3A_1155 = tpu.memref_squeeze %dma_wait3A_1154 : memref<1x16384x128xf32, #tpu.memory_space<hbm>> -> memref<16384x128xf32, #tpu.memory_space<hbm>>
    %dma_wait3A_1156 = arith.constant 0 : i32
    %dma_wait3A_1157 = arith.constant 0 : i32
    %dma_wait3A_1158 = tpu.memref_slice %dma_wait3A_1155[%dma_wait3A_1156, %dma_wait3A_1157] : memref<16384x128xf32, #tpu.memory_space<hbm>> -> memref<16384x128xf32, #tpu.memory_space<hbm>>
    tpu.wait_indirect_dma semaphore(%arg12 : memref<!tpu.dma_semaphore, #tpu.memory_space<semaphore_mem>>) src(%arg11 : memref<128x128xf32, #tpu.memory_space<vmem>>) dst(%dma_wait3A_1158 : memref<16384x128xf32, #tpu.memory_space<hbm>>)
    %dma_wait3A_1159 = arith.constant 50 : i32
    %dma_wait3A_1160 = arith.constant 0 : i32
    %dma_wait3A_1161 = tpu.memref_slice %arg6[%dma_wait3A_1159, %dma_wait3A_1160] : memref<54x128xi32, #tpu.memory_space<vmem>> -> memref<1x128xi32, #tpu.memory_space<vmem>>
    %dma_wait3A_1162 = tpu.memref_squeeze %dma_wait3A_1161 : memref<1x128xi32, #tpu.memory_space<vmem>> -> memref<128xi32, #tpu.memory_space<vmem>>
    %dma_wait3A_1163 = arith.constant 0 : i32
    %dma_wait3A_1164 = arith.constant 0 : i32
    %dma_wait3A_1165 = tpu.memref_slice %arg5[%select_n3A, %dma_wait3A_1163, %dma_wait3A_1164] : memref<8x16384x128xf32, #tpu.memory_space<hbm>> -> memref<1x16384x128xf32, #tpu.memory_space<hbm>>
    %dma_wait3A_1166 = tpu.memref_squeeze %dma_wait3A_1165 : memref<1x16384x128xf32, #tpu.memory_space<hbm>> -> memref<16384x128xf32, #tpu.memory_space<hbm>>
    %dma_wait3A_1167 = arith.constant 0 : i32
    %dma_wait3A_1168 = arith.constant 0 : i32
    %dma_wait3A_1169 = tpu.memref_slice %dma_wait3A_1166[%dma_wait3A_1167, %dma_wait3A_1168] : memref<16384x128xf32, #tpu.memory_space<hbm>> -> memref<16384x128xf32, #tpu.memory_space<hbm>>
    tpu.wait_indirect_dma semaphore(%arg12 : memref<!tpu.dma_semaphore, #tpu.memory_space<semaphore_mem>>) src(%arg11 : memref<128x128xf32, #tpu.memory_space<vmem>>) dst(%dma_wait3A_1169 : memref<16384x128xf32, #tpu.memory_space<hbm>>)
    %dma_wait3A_1170 = arith.constant 51 : i32
    %dma_wait3A_1171 = arith.constant 0 : i32
    %dma_wait3A_1172 = tpu.memref_slice %arg6[%dma_wait3A_1170, %dma_wait3A_1171] : memref<54x128xi32, #tpu.memory_space<vmem>> -> memref<1x128xi32, #tpu.memory_space<vmem>>
    %dma_wait3A_1173 = tpu.memref_squeeze %dma_wait3A_1172 : memref<1x128xi32, #tpu.memory_space<vmem>> -> memref<128xi32, #tpu.memory_space<vmem>>
    %dma_wait3A_1174 = arith.constant 0 : i32
    %dma_wait3A_1175 = arith.constant 0 : i32
    %dma_wait3A_1176 = tpu.memref_slice %arg5[%select_n3A, %dma_wait3A_1174, %dma_wait3A_1175] : memref<8x16384x128xf32, #tpu.memory_space<hbm>> -> memref<1x16384x128xf32, #tpu.memory_space<hbm>>
    %dma_wait3A_1177 = tpu.memref_squeeze %dma_wait3A_1176 : memref<1x16384x128xf32, #tpu.memory_space<hbm>> -> memref<16384x128xf32, #tpu.memory_space<hbm>>
    %dma_wait3A_1178 = arith.constant 0 : i32
    %dma_wait3A_1179 = arith.constant 0 : i32
    %dma_wait3A_1180 = tpu.memref_slice %dma_wait3A_1177[%dma_wait3A_1178, %dma_wait3A_1179] : memref<16384x128xf32, #tpu.memory_space<hbm>> -> memref<16384x128xf32, #tpu.memory_space<hbm>>
    tpu.wait_indirect_dma semaphore(%arg12 : memref<!tpu.dma_semaphore, #tpu.memory_space<semaphore_mem>>) src(%arg11 : memref<128x128xf32, #tpu.memory_space<vmem>>) dst(%dma_wait3A_1180 : memref<16384x128xf32, #tpu.memory_space<hbm>>)
    %dma_wait3A_1181 = arith.constant 52 : i32
    %dma_wait3A_1182 = arith.constant 0 : i32
    %dma_wait3A_1183 = tpu.memref_slice %arg6[%dma_wait3A_1181, %dma_wait3A_1182] : memref<54x128xi32, #tpu.memory_space<vmem>> -> memref<1x128xi32, #tpu.memory_space<vmem>>
    %dma_wait3A_1184 = tpu.memref_squeeze %dma_wait3A_1183 : memref<1x128xi32, #tpu.memory_space<vmem>> -> memref<128xi32, #tpu.memory_space<vmem>>
    %dma_wait3A_1185 = arith.constant 0 : i32
    %dma_wait3A_1186 = arith.constant 0 : i32
    %dma_wait3A_1187 = tpu.memref_slice %arg5[%select_n3A, %dma_wait3A_1185, %dma_wait3A_1186] : memref<8x16384x128xf32, #tpu.memory_space<hbm>> -> memref<1x16384x128xf32, #tpu.memory_space<hbm>>
    %dma_wait3A_1188 = tpu.memref_squeeze %dma_wait3A_1187 : memref<1x16384x128xf32, #tpu.memory_space<hbm>> -> memref<16384x128xf32, #tpu.memory_space<hbm>>
    %dma_wait3A_1189 = arith.constant 0 : i32
    %dma_wait3A_1190 = arith.constant 0 : i32
    %dma_wait3A_1191 = tpu.memref_slice %dma_wait3A_1188[%dma_wait3A_1189, %dma_wait3A_1190] : memref<16384x128xf32, #tpu.memory_space<hbm>> -> memref<16384x128xf32, #tpu.memory_space<hbm>>
    tpu.wait_indirect_dma semaphore(%arg12 : memref<!tpu.dma_semaphore, #tpu.memory_space<semaphore_mem>>) src(%arg11 : memref<128x128xf32, #tpu.memory_space<vmem>>) dst(%dma_wait3A_1191 : memref<16384x128xf32, #tpu.memory_space<hbm>>)
    %dma_wait3A_1192 = arith.constant 53 : i32
    %dma_wait3A_1193 = arith.constant 0 : i32
    %dma_wait3A_1194 = tpu.memref_slice %arg6[%dma_wait3A_1192, %dma_wait3A_1193] : memref<54x128xi32, #tpu.memory_space<vmem>> -> memref<1x128xi32, #tpu.memory_space<vmem>>
    %dma_wait3A_1195 = tpu.memref_squeeze %dma_wait3A_1194 : memref<1x128xi32, #tpu.memory_space<vmem>> -> memref<128xi32, #tpu.memory_space<vmem>>
    %dma_wait3A_1196 = arith.constant 0 : i32
    %dma_wait3A_1197 = arith.constant 0 : i32
    %dma_wait3A_1198 = tpu.memref_slice %arg5[%select_n3A, %dma_wait3A_1196, %dma_wait3A_1197] : memref<8x16384x128xf32, #tpu.memory_space<hbm>> -> memref<1x16384x128xf32, #tpu.memory_space<hbm>>
    %dma_wait3A_1199 = tpu.memref_squeeze %dma_wait3A_1198 : memref<1x16384x128xf32, #tpu.memory_space<hbm>> -> memref<16384x128xf32, #tpu.memory_space<hbm>>
    %dma_wait3A_1200 = arith.constant 0 : i32
    %dma_wait3A_1201 = arith.constant 0 : i32
    %dma_wait3A_1202 = tpu.memref_slice %dma_wait3A_1199[%dma_wait3A_1200, %dma_wait3A_1201] : memref<16384x128xf32, #tpu.memory_space<hbm>> -> memref<16384x128xf32, #tpu.memory_space<hbm>>
    tpu.wait_indirect_dma semaphore(%arg12 : memref<!tpu.dma_semaphore, #tpu.memory_space<semaphore_mem>>) src(%arg11 : memref<128x128xf32, #tpu.memory_space<vmem>>) dst(%dma_wait3A_1202 : memref<16384x128xf32, #tpu.memory_space<hbm>>)
    return
  }
}

#map = affine_map<(d0, d1) -> (0, 0, 0)>
module attributes {stable_mosaic.version = 14 : i64} {
  func.func @mover(%arg0: i32, %arg1: i32, %arg2: memref<8x16384x128xf32, #tpu.memory_space<hbm>>, %arg3: memref<32x42x128xi32, #tpu.memory_space<hbm>>, %arg4: memref<8x10621x128xf32, #tpu.memory_space<hbm>>, %arg5: memref<42x128xi32, #tpu.memory_space<vmem>>, %arg6: memref<128x128xf32, #tpu.memory_space<vmem>>, %arg7: memref<128x128xf32, #tpu.memory_space<vmem>>, %arg8: memref<!tpu.dma_semaphore, #tpu.memory_space<semaphore_mem>>, %arg9: memref<!tpu.dma_semaphore, #tpu.memory_space<semaphore_mem>>) attributes {dimension_semantics = [#tpu.dimension_semantics<core_parallel>, #tpu.dimension_semantics<subcore_parallel>], iteration_bounds = array<i64: 2, 16>, scalar_prefetch = 0 : i64, scratch_operands = 5 : i64, tpu.core_type = #tpu.core_type<sc_vector_subcore>, window_params = [{transform_indices = #map}, {transform_indices = #map}, {transform_indices = #map}]} {
    %mul3A = arith.constant 2 : i32
    %mul3A_0 = arith.muli %arg1, %mul3A : i32
    %add3A = arith.addi %mul3A_0, %arg0 : i32
    "tpu.region"() ({
      %run_scoped3A = tpu.sem_alloc : memref<!tpu.dma_semaphore, #tpu.memory_space<semaphore_mem>>
      %dma_start3A_939 = arith.constant 0 : i32
      %dma_start3A_940 = arith.constant 0 : i32
      %dma_start3A_941 = tpu.memref_slice %arg3[%add3A, %dma_start3A_939, %dma_start3A_940] : memref<32x42x128xi32, #tpu.memory_space<hbm>> -> memref<1x42x128xi32, #tpu.memory_space<hbm>>
      %dma_start3A_942 = tpu.memref_squeeze %dma_start3A_941 : memref<1x42x128xi32, #tpu.memory_space<hbm>> -> memref<42x128xi32, #tpu.memory_space<hbm>>
      %dma_start3A_943 = arith.constant 0 : i32
      %dma_start3A_944 = arith.constant 0 : i32
      %dma_start3A_945 = tpu.memref_slice %arg3[%add3A, %dma_start3A_943, %dma_start3A_944] : memref<32x42x128xi32, #tpu.memory_space<hbm>> -> memref<1x42x128xi32, #tpu.memory_space<hbm>>
      %dma_start3A_946 = tpu.memref_squeeze %dma_start3A_945 : memref<1x42x128xi32, #tpu.memory_space<hbm>> -> memref<42x128xi32, #tpu.memory_space<hbm>>
      tpu.enqueue_dma source(%dma_start3A_946 : memref<42x128xi32, #tpu.memory_space<hbm>>) target(%arg5 : memref<42x128xi32, #tpu.memory_space<vmem>>) target_semaphore(%run_scoped3A : memref<!tpu.dma_semaphore, #tpu.memory_space<semaphore_mem>>)
      %dma_wait3A_947 = arith.constant 0 : i32
      %dma_wait3A_948 = arith.constant 0 : i32
      %dma_wait3A_949 = tpu.memref_slice %arg3[%add3A, %dma_wait3A_947, %dma_wait3A_948] : memref<32x42x128xi32, #tpu.memory_space<hbm>> -> memref<1x42x128xi32, #tpu.memory_space<hbm>>
      %dma_wait3A_950 = tpu.memref_squeeze %dma_wait3A_949 : memref<1x42x128xi32, #tpu.memory_space<hbm>> -> memref<42x128xi32, #tpu.memory_space<hbm>>
      %dma_wait3A_951 = arith.constant 0 : i32
      %dma_wait3A_952 = arith.constant 0 : i32
      %dma_wait3A_953 = tpu.memref_slice %arg3[%add3A, %dma_wait3A_951, %dma_wait3A_952] : memref<32x42x128xi32, #tpu.memory_space<hbm>> -> memref<1x42x128xi32, #tpu.memory_space<hbm>>
      %dma_wait3A_954 = tpu.memref_squeeze %dma_wait3A_953 : memref<1x42x128xi32, #tpu.memory_space<hbm>> -> memref<42x128xi32, #tpu.memory_space<hbm>>
      tpu.wait_dma2 semaphore(%run_scoped3A : memref<!tpu.dma_semaphore, #tpu.memory_space<semaphore_mem>>) src(%dma_wait3A_954 : memref<42x128xi32, #tpu.memory_space<hbm>>) dst(%arg5 : memref<42x128xi32, #tpu.memory_space<vmem>>)
      tpu.yield
    }) : () -> ()
    %jit3A = arith.constant 4 : i32
    %div3A = arith.divsi %add3A, %jit3A : i32
    %sign3A = arith.constant 0 : i32
    %sign3A_1 = arith.cmpi sgt, %add3A, %sign3A : i32
    %sign3A_2 = arith.extui %sign3A_1 : i1 to i32
    %sign3A_3 = arith.constant 0 : i32
    %sign3A_4 = arith.cmpi slt, %add3A, %sign3A_3 : i32
    %sign3A_5 = arith.extui %sign3A_4 : i1 to i32
    %sign3A_6 = arith.subi %sign3A_2, %sign3A_5 : i32
    %sign3A_7 = arith.constant 0 : i32
    %sign3A_8 = arith.cmpi sgt, %jit3A, %sign3A_7 : i32
    %sign3A_9 = arith.extui %sign3A_8 : i1 to i32
    %sign3A_10 = arith.constant 0 : i32
    %sign3A_11 = arith.cmpi slt, %jit3A, %sign3A_10 : i32
    %sign3A_12 = arith.extui %sign3A_11 : i1 to i32
    %sign3A_13 = arith.subi %sign3A_9, %sign3A_12 : i32
    %ne3A = arith.cmpi ne, %sign3A_6, %sign3A_13 : i32
    %rem3A = arith.remsi %add3A, %jit3A : i32
    %ne3A_14 = arith.constant 0 : i32
    %ne3A_15 = arith.cmpi ne, %rem3A, %ne3A_14 : i32
    %and3A = arith.andi %ne3A, %ne3A_15 : i1
    %sub3A = arith.constant 1 : i32
    %sub3A_16 = arith.subi %div3A, %sub3A : i32
    %select_n3A = arith.select %and3A, %sub3A_16, %div3A : i32
    %dma_start3A = arith.constant 0 : i32
    %dma_start3A_17 = arith.constant 0 : i32
    %dma_start3A_18 = tpu.memref_slice %arg5[%dma_start3A, %dma_start3A_17] : memref<42x128xi32, #tpu.memory_space<vmem>> -> memref<1x128xi32, #tpu.memory_space<vmem>>
    %dma_start3A_19 = tpu.memref_squeeze %dma_start3A_18 : memref<1x128xi32, #tpu.memory_space<vmem>> -> memref<128xi32, #tpu.memory_space<vmem>>
    %dma_start3A_20 = arith.constant 0 : i32
    %dma_start3A_21 = arith.constant 0 : i32
    %dma_start3A_22 = tpu.memref_slice %arg2[%select_n3A, %dma_start3A_20, %dma_start3A_21] : memref<8x16384x128xf32, #tpu.memory_space<hbm>> -> memref<1x16384x128xf32, #tpu.memory_space<hbm>>
    %dma_start3A_23 = tpu.memref_squeeze %dma_start3A_22 : memref<1x16384x128xf32, #tpu.memory_space<hbm>> -> memref<16384x128xf32, #tpu.memory_space<hbm>>
    %dma_start3A_24 = arith.constant 0 : i32
    %dma_start3A_25 = arith.constant 0 : i32
    %dma_start3A_26 = tpu.memref_slice %dma_start3A_23[%dma_start3A_24, %dma_start3A_25] : memref<16384x128xf32, #tpu.memory_space<hbm>> -> memref<16384x128xf32, #tpu.memory_space<hbm>>
    tpu.enqueue_indirect_dma source(%dma_start3A_26 : memref<16384x128xf32, #tpu.memory_space<hbm>>) target(%arg6 : memref<128x128xf32, #tpu.memory_space<vmem>>) offsets(%dma_start3A_19 : memref<128xi32, #tpu.memory_space<vmem>>) semaphore(%arg8 : memref<!tpu.dma_semaphore, #tpu.memory_space<semaphore_mem>>)
    %dma_wait3A = arith.constant 0 : i32
    %dma_wait3A_27 = arith.constant 0 : i32
    %dma_wait3A_28 = tpu.memref_slice %arg5[%dma_wait3A, %dma_wait3A_27] : memref<42x128xi32, #tpu.memory_space<vmem>> -> memref<1x128xi32, #tpu.memory_space<vmem>>
    %dma_wait3A_29 = tpu.memref_squeeze %dma_wait3A_28 : memref<1x128xi32, #tpu.memory_space<vmem>> -> memref<128xi32, #tpu.memory_space<vmem>>
    %dma_wait3A_30 = arith.constant 0 : i32
    %dma_wait3A_31 = arith.constant 0 : i32
    %dma_wait3A_32 = tpu.memref_slice %arg2[%select_n3A, %dma_wait3A_30, %dma_wait3A_31] : memref<8x16384x128xf32, #tpu.memory_space<hbm>> -> memref<1x16384x128xf32, #tpu.memory_space<hbm>>
    %dma_wait3A_33 = tpu.memref_squeeze %dma_wait3A_32 : memref<1x16384x128xf32, #tpu.memory_space<hbm>> -> memref<16384x128xf32, #tpu.memory_space<hbm>>
    %dma_wait3A_34 = arith.constant 0 : i32
    %dma_wait3A_35 = arith.constant 0 : i32
    %dma_wait3A_36 = tpu.memref_slice %dma_wait3A_33[%dma_wait3A_34, %dma_wait3A_35] : memref<16384x128xf32, #tpu.memory_space<hbm>> -> memref<16384x128xf32, #tpu.memory_space<hbm>>
    tpu.wait_indirect_dma semaphore(%arg8 : memref<!tpu.dma_semaphore, #tpu.memory_space<semaphore_mem>>) src(%dma_wait3A_36 : memref<16384x128xf32, #tpu.memory_space<hbm>>) dst(%arg6 : memref<128x128xf32, #tpu.memory_space<vmem>>)
    %dma_start3A_37 = arith.constant 1 : i32
    %dma_start3A_38 = arith.constant 0 : i32
    %dma_start3A_39 = tpu.memref_slice %arg5[%dma_start3A_37, %dma_start3A_38] : memref<42x128xi32, #tpu.memory_space<vmem>> -> memref<1x128xi32, #tpu.memory_space<vmem>>
    %dma_start3A_40 = tpu.memref_squeeze %dma_start3A_39 : memref<1x128xi32, #tpu.memory_space<vmem>> -> memref<128xi32, #tpu.memory_space<vmem>>
    %dma_start3A_41 = arith.constant 0 : i32
    %dma_start3A_42 = arith.constant 0 : i32
    %dma_start3A_43 = tpu.memref_slice %arg4[%select_n3A, %dma_start3A_41, %dma_start3A_42] : memref<8x10621x128xf32, #tpu.memory_space<hbm>> -> memref<1x10621x128xf32, #tpu.memory_space<hbm>>
    %dma_start3A_44 = tpu.memref_squeeze %dma_start3A_43 : memref<1x10621x128xf32, #tpu.memory_space<hbm>> -> memref<10621x128xf32, #tpu.memory_space<hbm>>
    %dma_start3A_45 = arith.constant 0 : i32
    %dma_start3A_46 = arith.constant 0 : i32
    %dma_start3A_47 = tpu.memref_slice %dma_start3A_44[%dma_start3A_45, %dma_start3A_46] : memref<10621x128xf32, #tpu.memory_space<hbm>> -> memref<10621x128xf32, #tpu.memory_space<hbm>>
    tpu.enqueue_indirect_dma source(%arg6 : memref<128x128xf32, #tpu.memory_space<vmem>>) target(%dma_start3A_47 : memref<10621x128xf32, #tpu.memory_space<hbm>>) offsets(%dma_start3A_40 : memref<128xi32, #tpu.memory_space<vmem>>) semaphore(%arg9 : memref<!tpu.dma_semaphore, #tpu.memory_space<semaphore_mem>>)
    %dma_start3A_48 = arith.constant 2 : i32
    %dma_start3A_49 = arith.constant 0 : i32
    %dma_start3A_50 = tpu.memref_slice %arg5[%dma_start3A_48, %dma_start3A_49] : memref<42x128xi32, #tpu.memory_space<vmem>> -> memref<1x128xi32, #tpu.memory_space<vmem>>
    %dma_start3A_51 = tpu.memref_squeeze %dma_start3A_50 : memref<1x128xi32, #tpu.memory_space<vmem>> -> memref<128xi32, #tpu.memory_space<vmem>>
    %dma_start3A_52 = arith.constant 0 : i32
    %dma_start3A_53 = arith.constant 0 : i32
    %dma_start3A_54 = tpu.memref_slice %arg2[%select_n3A, %dma_start3A_52, %dma_start3A_53] : memref<8x16384x128xf32, #tpu.memory_space<hbm>> -> memref<1x16384x128xf32, #tpu.memory_space<hbm>>
    %dma_start3A_55 = tpu.memref_squeeze %dma_start3A_54 : memref<1x16384x128xf32, #tpu.memory_space<hbm>> -> memref<16384x128xf32, #tpu.memory_space<hbm>>
    %dma_start3A_56 = arith.constant 0 : i32
    %dma_start3A_57 = arith.constant 0 : i32
    %dma_start3A_58 = tpu.memref_slice %dma_start3A_55[%dma_start3A_56, %dma_start3A_57] : memref<16384x128xf32, #tpu.memory_space<hbm>> -> memref<16384x128xf32, #tpu.memory_space<hbm>>
    tpu.enqueue_indirect_dma source(%dma_start3A_58 : memref<16384x128xf32, #tpu.memory_space<hbm>>) target(%arg7 : memref<128x128xf32, #tpu.memory_space<vmem>>) offsets(%dma_start3A_51 : memref<128xi32, #tpu.memory_space<vmem>>) semaphore(%arg8 : memref<!tpu.dma_semaphore, #tpu.memory_space<semaphore_mem>>)
    %dma_wait3A_59 = arith.constant 2 : i32
    %dma_wait3A_60 = arith.constant 0 : i32
    %dma_wait3A_61 = tpu.memref_slice %arg5[%dma_wait3A_59, %dma_wait3A_60] : memref<42x128xi32, #tpu.memory_space<vmem>> -> memref<1x128xi32, #tpu.memory_space<vmem>>
    %dma_wait3A_62 = tpu.memref_squeeze %dma_wait3A_61 : memref<1x128xi32, #tpu.memory_space<vmem>> -> memref<128xi32, #tpu.memory_space<vmem>>
    %dma_wait3A_63 = arith.constant 0 : i32
    %dma_wait3A_64 = arith.constant 0 : i32
    %dma_wait3A_65 = tpu.memref_slice %arg2[%select_n3A, %dma_wait3A_63, %dma_wait3A_64] : memref<8x16384x128xf32, #tpu.memory_space<hbm>> -> memref<1x16384x128xf32, #tpu.memory_space<hbm>>
    %dma_wait3A_66 = tpu.memref_squeeze %dma_wait3A_65 : memref<1x16384x128xf32, #tpu.memory_space<hbm>> -> memref<16384x128xf32, #tpu.memory_space<hbm>>
    %dma_wait3A_67 = arith.constant 0 : i32
    %dma_wait3A_68 = arith.constant 0 : i32
    %dma_wait3A_69 = tpu.memref_slice %dma_wait3A_66[%dma_wait3A_67, %dma_wait3A_68] : memref<16384x128xf32, #tpu.memory_space<hbm>> -> memref<16384x128xf32, #tpu.memory_space<hbm>>
    tpu.wait_indirect_dma semaphore(%arg8 : memref<!tpu.dma_semaphore, #tpu.memory_space<semaphore_mem>>) src(%dma_wait3A_69 : memref<16384x128xf32, #tpu.memory_space<hbm>>) dst(%arg7 : memref<128x128xf32, #tpu.memory_space<vmem>>)
    %dma_start3A_70 = arith.constant 3 : i32
    %dma_start3A_71 = arith.constant 0 : i32
    %dma_start3A_72 = tpu.memref_slice %arg5[%dma_start3A_70, %dma_start3A_71] : memref<42x128xi32, #tpu.memory_space<vmem>> -> memref<1x128xi32, #tpu.memory_space<vmem>>
    %dma_start3A_73 = tpu.memref_squeeze %dma_start3A_72 : memref<1x128xi32, #tpu.memory_space<vmem>> -> memref<128xi32, #tpu.memory_space<vmem>>
    %dma_start3A_74 = arith.constant 0 : i32
    %dma_start3A_75 = arith.constant 0 : i32
    %dma_start3A_76 = tpu.memref_slice %arg4[%select_n3A, %dma_start3A_74, %dma_start3A_75] : memref<8x10621x128xf32, #tpu.memory_space<hbm>> -> memref<1x10621x128xf32, #tpu.memory_space<hbm>>
    %dma_start3A_77 = tpu.memref_squeeze %dma_start3A_76 : memref<1x10621x128xf32, #tpu.memory_space<hbm>> -> memref<10621x128xf32, #tpu.memory_space<hbm>>
    %dma_start3A_78 = arith.constant 0 : i32
    %dma_start3A_79 = arith.constant 0 : i32
    %dma_start3A_80 = tpu.memref_slice %dma_start3A_77[%dma_start3A_78, %dma_start3A_79] : memref<10621x128xf32, #tpu.memory_space<hbm>> -> memref<10621x128xf32, #tpu.memory_space<hbm>>
    tpu.enqueue_indirect_dma source(%arg7 : memref<128x128xf32, #tpu.memory_space<vmem>>) target(%dma_start3A_80 : memref<10621x128xf32, #tpu.memory_space<hbm>>) offsets(%dma_start3A_73 : memref<128xi32, #tpu.memory_space<vmem>>) semaphore(%arg9 : memref<!tpu.dma_semaphore, #tpu.memory_space<semaphore_mem>>)
    %dma_wait3A_81 = arith.constant 1 : i32
    %dma_wait3A_82 = arith.constant 0 : i32
    %dma_wait3A_83 = tpu.memref_slice %arg5[%dma_wait3A_81, %dma_wait3A_82] : memref<42x128xi32, #tpu.memory_space<vmem>> -> memref<1x128xi32, #tpu.memory_space<vmem>>
    %dma_wait3A_84 = tpu.memref_squeeze %dma_wait3A_83 : memref<1x128xi32, #tpu.memory_space<vmem>> -> memref<128xi32, #tpu.memory_space<vmem>>
    %dma_wait3A_85 = arith.constant 0 : i32
    %dma_wait3A_86 = arith.constant 0 : i32
    %dma_wait3A_87 = tpu.memref_slice %arg4[%select_n3A, %dma_wait3A_85, %dma_wait3A_86] : memref<8x10621x128xf32, #tpu.memory_space<hbm>> -> memref<1x10621x128xf32, #tpu.memory_space<hbm>>
    %dma_wait3A_88 = tpu.memref_squeeze %dma_wait3A_87 : memref<1x10621x128xf32, #tpu.memory_space<hbm>> -> memref<10621x128xf32, #tpu.memory_space<hbm>>
    %dma_wait3A_89 = arith.constant 0 : i32
    %dma_wait3A_90 = arith.constant 0 : i32
    %dma_wait3A_91 = tpu.memref_slice %dma_wait3A_88[%dma_wait3A_89, %dma_wait3A_90] : memref<10621x128xf32, #tpu.memory_space<hbm>> -> memref<10621x128xf32, #tpu.memory_space<hbm>>
    tpu.wait_indirect_dma semaphore(%arg9 : memref<!tpu.dma_semaphore, #tpu.memory_space<semaphore_mem>>) src(%arg6 : memref<128x128xf32, #tpu.memory_space<vmem>>) dst(%dma_wait3A_91 : memref<10621x128xf32, #tpu.memory_space<hbm>>)
    %dma_start3A_92 = arith.constant 4 : i32
    %dma_start3A_93 = arith.constant 0 : i32
    %dma_start3A_94 = tpu.memref_slice %arg5[%dma_start3A_92, %dma_start3A_93] : memref<42x128xi32, #tpu.memory_space<vmem>> -> memref<1x128xi32, #tpu.memory_space<vmem>>
    %dma_start3A_95 = tpu.memref_squeeze %dma_start3A_94 : memref<1x128xi32, #tpu.memory_space<vmem>> -> memref<128xi32, #tpu.memory_space<vmem>>
    %dma_start3A_96 = arith.constant 0 : i32
    %dma_start3A_97 = arith.constant 0 : i32
    %dma_start3A_98 = tpu.memref_slice %arg2[%select_n3A, %dma_start3A_96, %dma_start3A_97] : memref<8x16384x128xf32, #tpu.memory_space<hbm>> -> memref<1x16384x128xf32, #tpu.memory_space<hbm>>
    %dma_start3A_99 = tpu.memref_squeeze %dma_start3A_98 : memref<1x16384x128xf32, #tpu.memory_space<hbm>> -> memref<16384x128xf32, #tpu.memory_space<hbm>>
    %dma_start3A_100 = arith.constant 0 : i32
    %dma_start3A_101 = arith.constant 0 : i32
    %dma_start3A_102 = tpu.memref_slice %dma_start3A_99[%dma_start3A_100, %dma_start3A_101] : memref<16384x128xf32, #tpu.memory_space<hbm>> -> memref<16384x128xf32, #tpu.memory_space<hbm>>
    tpu.enqueue_indirect_dma source(%dma_start3A_102 : memref<16384x128xf32, #tpu.memory_space<hbm>>) target(%arg6 : memref<128x128xf32, #tpu.memory_space<vmem>>) offsets(%dma_start3A_95 : memref<128xi32, #tpu.memory_space<vmem>>) semaphore(%arg8 : memref<!tpu.dma_semaphore, #tpu.memory_space<semaphore_mem>>)
    %dma_wait3A_103 = arith.constant 4 : i32
    %dma_wait3A_104 = arith.constant 0 : i32
    %dma_wait3A_105 = tpu.memref_slice %arg5[%dma_wait3A_103, %dma_wait3A_104] : memref<42x128xi32, #tpu.memory_space<vmem>> -> memref<1x128xi32, #tpu.memory_space<vmem>>
    %dma_wait3A_106 = tpu.memref_squeeze %dma_wait3A_105 : memref<1x128xi32, #tpu.memory_space<vmem>> -> memref<128xi32, #tpu.memory_space<vmem>>
    %dma_wait3A_107 = arith.constant 0 : i32
    %dma_wait3A_108 = arith.constant 0 : i32
    %dma_wait3A_109 = tpu.memref_slice %arg2[%select_n3A, %dma_wait3A_107, %dma_wait3A_108] : memref<8x16384x128xf32, #tpu.memory_space<hbm>> -> memref<1x16384x128xf32, #tpu.memory_space<hbm>>
    %dma_wait3A_110 = tpu.memref_squeeze %dma_wait3A_109 : memref<1x16384x128xf32, #tpu.memory_space<hbm>> -> memref<16384x128xf32, #tpu.memory_space<hbm>>
    %dma_wait3A_111 = arith.constant 0 : i32
    %dma_wait3A_112 = arith.constant 0 : i32
    %dma_wait3A_113 = tpu.memref_slice %dma_wait3A_110[%dma_wait3A_111, %dma_wait3A_112] : memref<16384x128xf32, #tpu.memory_space<hbm>> -> memref<16384x128xf32, #tpu.memory_space<hbm>>
    tpu.wait_indirect_dma semaphore(%arg8 : memref<!tpu.dma_semaphore, #tpu.memory_space<semaphore_mem>>) src(%dma_wait3A_113 : memref<16384x128xf32, #tpu.memory_space<hbm>>) dst(%arg6 : memref<128x128xf32, #tpu.memory_space<vmem>>)
    %dma_start3A_114 = arith.constant 5 : i32
    %dma_start3A_115 = arith.constant 0 : i32
    %dma_start3A_116 = tpu.memref_slice %arg5[%dma_start3A_114, %dma_start3A_115] : memref<42x128xi32, #tpu.memory_space<vmem>> -> memref<1x128xi32, #tpu.memory_space<vmem>>
    %dma_start3A_117 = tpu.memref_squeeze %dma_start3A_116 : memref<1x128xi32, #tpu.memory_space<vmem>> -> memref<128xi32, #tpu.memory_space<vmem>>
    %dma_start3A_118 = arith.constant 0 : i32
    %dma_start3A_119 = arith.constant 0 : i32
    %dma_start3A_120 = tpu.memref_slice %arg4[%select_n3A, %dma_start3A_118, %dma_start3A_119] : memref<8x10621x128xf32, #tpu.memory_space<hbm>> -> memref<1x10621x128xf32, #tpu.memory_space<hbm>>
    %dma_start3A_121 = tpu.memref_squeeze %dma_start3A_120 : memref<1x10621x128xf32, #tpu.memory_space<hbm>> -> memref<10621x128xf32, #tpu.memory_space<hbm>>
    %dma_start3A_122 = arith.constant 0 : i32
    %dma_start3A_123 = arith.constant 0 : i32
    %dma_start3A_124 = tpu.memref_slice %dma_start3A_121[%dma_start3A_122, %dma_start3A_123] : memref<10621x128xf32, #tpu.memory_space<hbm>> -> memref<10621x128xf32, #tpu.memory_space<hbm>>
    tpu.enqueue_indirect_dma source(%arg6 : memref<128x128xf32, #tpu.memory_space<vmem>>) target(%dma_start3A_124 : memref<10621x128xf32, #tpu.memory_space<hbm>>) offsets(%dma_start3A_117 : memref<128xi32, #tpu.memory_space<vmem>>) semaphore(%arg9 : memref<!tpu.dma_semaphore, #tpu.memory_space<semaphore_mem>>)
    %dma_wait3A_125 = arith.constant 3 : i32
    %dma_wait3A_126 = arith.constant 0 : i32
    %dma_wait3A_127 = tpu.memref_slice %arg5[%dma_wait3A_125, %dma_wait3A_126] : memref<42x128xi32, #tpu.memory_space<vmem>> -> memref<1x128xi32, #tpu.memory_space<vmem>>
    %dma_wait3A_128 = tpu.memref_squeeze %dma_wait3A_127 : memref<1x128xi32, #tpu.memory_space<vmem>> -> memref<128xi32, #tpu.memory_space<vmem>>
    %dma_wait3A_129 = arith.constant 0 : i32
    %dma_wait3A_130 = arith.constant 0 : i32
    %dma_wait3A_131 = tpu.memref_slice %arg4[%select_n3A, %dma_wait3A_129, %dma_wait3A_130] : memref<8x10621x128xf32, #tpu.memory_space<hbm>> -> memref<1x10621x128xf32, #tpu.memory_space<hbm>>
    %dma_wait3A_132 = tpu.memref_squeeze %dma_wait3A_131 : memref<1x10621x128xf32, #tpu.memory_space<hbm>> -> memref<10621x128xf32, #tpu.memory_space<hbm>>
    %dma_wait3A_133 = arith.constant 0 : i32
    %dma_wait3A_134 = arith.constant 0 : i32
    %dma_wait3A_135 = tpu.memref_slice %dma_wait3A_132[%dma_wait3A_133, %dma_wait3A_134] : memref<10621x128xf32, #tpu.memory_space<hbm>> -> memref<10621x128xf32, #tpu.memory_space<hbm>>
    tpu.wait_indirect_dma semaphore(%arg9 : memref<!tpu.dma_semaphore, #tpu.memory_space<semaphore_mem>>) src(%arg7 : memref<128x128xf32, #tpu.memory_space<vmem>>) dst(%dma_wait3A_135 : memref<10621x128xf32, #tpu.memory_space<hbm>>)
    %dma_start3A_136 = arith.constant 6 : i32
    %dma_start3A_137 = arith.constant 0 : i32
    %dma_start3A_138 = tpu.memref_slice %arg5[%dma_start3A_136, %dma_start3A_137] : memref<42x128xi32, #tpu.memory_space<vmem>> -> memref<1x128xi32, #tpu.memory_space<vmem>>
    %dma_start3A_139 = tpu.memref_squeeze %dma_start3A_138 : memref<1x128xi32, #tpu.memory_space<vmem>> -> memref<128xi32, #tpu.memory_space<vmem>>
    %dma_start3A_140 = arith.constant 0 : i32
    %dma_start3A_141 = arith.constant 0 : i32
    %dma_start3A_142 = tpu.memref_slice %arg2[%select_n3A, %dma_start3A_140, %dma_start3A_141] : memref<8x16384x128xf32, #tpu.memory_space<hbm>> -> memref<1x16384x128xf32, #tpu.memory_space<hbm>>
    %dma_start3A_143 = tpu.memref_squeeze %dma_start3A_142 : memref<1x16384x128xf32, #tpu.memory_space<hbm>> -> memref<16384x128xf32, #tpu.memory_space<hbm>>
    %dma_start3A_144 = arith.constant 0 : i32
    %dma_start3A_145 = arith.constant 0 : i32
    %dma_start3A_146 = tpu.memref_slice %dma_start3A_143[%dma_start3A_144, %dma_start3A_145] : memref<16384x128xf32, #tpu.memory_space<hbm>> -> memref<16384x128xf32, #tpu.memory_space<hbm>>
    tpu.enqueue_indirect_dma source(%dma_start3A_146 : memref<16384x128xf32, #tpu.memory_space<hbm>>) target(%arg7 : memref<128x128xf32, #tpu.memory_space<vmem>>) offsets(%dma_start3A_139 : memref<128xi32, #tpu.memory_space<vmem>>) semaphore(%arg8 : memref<!tpu.dma_semaphore, #tpu.memory_space<semaphore_mem>>)
    %dma_wait3A_147 = arith.constant 6 : i32
    %dma_wait3A_148 = arith.constant 0 : i32
    %dma_wait3A_149 = tpu.memref_slice %arg5[%dma_wait3A_147, %dma_wait3A_148] : memref<42x128xi32, #tpu.memory_space<vmem>> -> memref<1x128xi32, #tpu.memory_space<vmem>>
    %dma_wait3A_150 = tpu.memref_squeeze %dma_wait3A_149 : memref<1x128xi32, #tpu.memory_space<vmem>> -> memref<128xi32, #tpu.memory_space<vmem>>
    %dma_wait3A_151 = arith.constant 0 : i32
    %dma_wait3A_152 = arith.constant 0 : i32
    %dma_wait3A_153 = tpu.memref_slice %arg2[%select_n3A, %dma_wait3A_151, %dma_wait3A_152] : memref<8x16384x128xf32, #tpu.memory_space<hbm>> -> memref<1x16384x128xf32, #tpu.memory_space<hbm>>
    %dma_wait3A_154 = tpu.memref_squeeze %dma_wait3A_153 : memref<1x16384x128xf32, #tpu.memory_space<hbm>> -> memref<16384x128xf32, #tpu.memory_space<hbm>>
    %dma_wait3A_155 = arith.constant 0 : i32
    %dma_wait3A_156 = arith.constant 0 : i32
    %dma_wait3A_157 = tpu.memref_slice %dma_wait3A_154[%dma_wait3A_155, %dma_wait3A_156] : memref<16384x128xf32, #tpu.memory_space<hbm>> -> memref<16384x128xf32, #tpu.memory_space<hbm>>
    tpu.wait_indirect_dma semaphore(%arg8 : memref<!tpu.dma_semaphore, #tpu.memory_space<semaphore_mem>>) src(%dma_wait3A_157 : memref<16384x128xf32, #tpu.memory_space<hbm>>) dst(%arg7 : memref<128x128xf32, #tpu.memory_space<vmem>>)
    %dma_start3A_158 = arith.constant 7 : i32
    %dma_start3A_159 = arith.constant 0 : i32
    %dma_start3A_160 = tpu.memref_slice %arg5[%dma_start3A_158, %dma_start3A_159] : memref<42x128xi32, #tpu.memory_space<vmem>> -> memref<1x128xi32, #tpu.memory_space<vmem>>
    %dma_start3A_161 = tpu.memref_squeeze %dma_start3A_160 : memref<1x128xi32, #tpu.memory_space<vmem>> -> memref<128xi32, #tpu.memory_space<vmem>>
    %dma_start3A_162 = arith.constant 0 : i32
    %dma_start3A_163 = arith.constant 0 : i32
    %dma_start3A_164 = tpu.memref_slice %arg4[%select_n3A, %dma_start3A_162, %dma_start3A_163] : memref<8x10621x128xf32, #tpu.memory_space<hbm>> -> memref<1x10621x128xf32, #tpu.memory_space<hbm>>
    %dma_start3A_165 = tpu.memref_squeeze %dma_start3A_164 : memref<1x10621x128xf32, #tpu.memory_space<hbm>> -> memref<10621x128xf32, #tpu.memory_space<hbm>>
    %dma_start3A_166 = arith.constant 0 : i32
    %dma_start3A_167 = arith.constant 0 : i32
    %dma_start3A_168 = tpu.memref_slice %dma_start3A_165[%dma_start3A_166, %dma_start3A_167] : memref<10621x128xf32, #tpu.memory_space<hbm>> -> memref<10621x128xf32, #tpu.memory_space<hbm>>
    tpu.enqueue_indirect_dma source(%arg7 : memref<128x128xf32, #tpu.memory_space<vmem>>) target(%dma_start3A_168 : memref<10621x128xf32, #tpu.memory_space<hbm>>) offsets(%dma_start3A_161 : memref<128xi32, #tpu.memory_space<vmem>>) semaphore(%arg9 : memref<!tpu.dma_semaphore, #tpu.memory_space<semaphore_mem>>)
    %dma_wait3A_169 = arith.constant 5 : i32
    %dma_wait3A_170 = arith.constant 0 : i32
    %dma_wait3A_171 = tpu.memref_slice %arg5[%dma_wait3A_169, %dma_wait3A_170] : memref<42x128xi32, #tpu.memory_space<vmem>> -> memref<1x128xi32, #tpu.memory_space<vmem>>
    %dma_wait3A_172 = tpu.memref_squeeze %dma_wait3A_171 : memref<1x128xi32, #tpu.memory_space<vmem>> -> memref<128xi32, #tpu.memory_space<vmem>>
    %dma_wait3A_173 = arith.constant 0 : i32
    %dma_wait3A_174 = arith.constant 0 : i32
    %dma_wait3A_175 = tpu.memref_slice %arg4[%select_n3A, %dma_wait3A_173, %dma_wait3A_174] : memref<8x10621x128xf32, #tpu.memory_space<hbm>> -> memref<1x10621x128xf32, #tpu.memory_space<hbm>>
    %dma_wait3A_176 = tpu.memref_squeeze %dma_wait3A_175 : memref<1x10621x128xf32, #tpu.memory_space<hbm>> -> memref<10621x128xf32, #tpu.memory_space<hbm>>
    %dma_wait3A_177 = arith.constant 0 : i32
    %dma_wait3A_178 = arith.constant 0 : i32
    %dma_wait3A_179 = tpu.memref_slice %dma_wait3A_176[%dma_wait3A_177, %dma_wait3A_178] : memref<10621x128xf32, #tpu.memory_space<hbm>> -> memref<10621x128xf32, #tpu.memory_space<hbm>>
    tpu.wait_indirect_dma semaphore(%arg9 : memref<!tpu.dma_semaphore, #tpu.memory_space<semaphore_mem>>) src(%arg6 : memref<128x128xf32, #tpu.memory_space<vmem>>) dst(%dma_wait3A_179 : memref<10621x128xf32, #tpu.memory_space<hbm>>)
    %dma_start3A_180 = arith.constant 8 : i32
    %dma_start3A_181 = arith.constant 0 : i32
    %dma_start3A_182 = tpu.memref_slice %arg5[%dma_start3A_180, %dma_start3A_181] : memref<42x128xi32, #tpu.memory_space<vmem>> -> memref<1x128xi32, #tpu.memory_space<vmem>>
    %dma_start3A_183 = tpu.memref_squeeze %dma_start3A_182 : memref<1x128xi32, #tpu.memory_space<vmem>> -> memref<128xi32, #tpu.memory_space<vmem>>
    %dma_start3A_184 = arith.constant 0 : i32
    %dma_start3A_185 = arith.constant 0 : i32
    %dma_start3A_186 = tpu.memref_slice %arg2[%select_n3A, %dma_start3A_184, %dma_start3A_185] : memref<8x16384x128xf32, #tpu.memory_space<hbm>> -> memref<1x16384x128xf32, #tpu.memory_space<hbm>>
    %dma_start3A_187 = tpu.memref_squeeze %dma_start3A_186 : memref<1x16384x128xf32, #tpu.memory_space<hbm>> -> memref<16384x128xf32, #tpu.memory_space<hbm>>
    %dma_start3A_188 = arith.constant 0 : i32
    %dma_start3A_189 = arith.constant 0 : i32
    %dma_start3A_190 = tpu.memref_slice %dma_start3A_187[%dma_start3A_188, %dma_start3A_189] : memref<16384x128xf32, #tpu.memory_space<hbm>> -> memref<16384x128xf32, #tpu.memory_space<hbm>>
    tpu.enqueue_indirect_dma source(%dma_start3A_190 : memref<16384x128xf32, #tpu.memory_space<hbm>>) target(%arg6 : memref<128x128xf32, #tpu.memory_space<vmem>>) offsets(%dma_start3A_183 : memref<128xi32, #tpu.memory_space<vmem>>) semaphore(%arg8 : memref<!tpu.dma_semaphore, #tpu.memory_space<semaphore_mem>>)
    %dma_wait3A_191 = arith.constant 8 : i32
    %dma_wait3A_192 = arith.constant 0 : i32
    %dma_wait3A_193 = tpu.memref_slice %arg5[%dma_wait3A_191, %dma_wait3A_192] : memref<42x128xi32, #tpu.memory_space<vmem>> -> memref<1x128xi32, #tpu.memory_space<vmem>>
    %dma_wait3A_194 = tpu.memref_squeeze %dma_wait3A_193 : memref<1x128xi32, #tpu.memory_space<vmem>> -> memref<128xi32, #tpu.memory_space<vmem>>
    %dma_wait3A_195 = arith.constant 0 : i32
    %dma_wait3A_196 = arith.constant 0 : i32
    %dma_wait3A_197 = tpu.memref_slice %arg2[%select_n3A, %dma_wait3A_195, %dma_wait3A_196] : memref<8x16384x128xf32, #tpu.memory_space<hbm>> -> memref<1x16384x128xf32, #tpu.memory_space<hbm>>
    %dma_wait3A_198 = tpu.memref_squeeze %dma_wait3A_197 : memref<1x16384x128xf32, #tpu.memory_space<hbm>> -> memref<16384x128xf32, #tpu.memory_space<hbm>>
    %dma_wait3A_199 = arith.constant 0 : i32
    %dma_wait3A_200 = arith.constant 0 : i32
    %dma_wait3A_201 = tpu.memref_slice %dma_wait3A_198[%dma_wait3A_199, %dma_wait3A_200] : memref<16384x128xf32, #tpu.memory_space<hbm>> -> memref<16384x128xf32, #tpu.memory_space<hbm>>
    tpu.wait_indirect_dma semaphore(%arg8 : memref<!tpu.dma_semaphore, #tpu.memory_space<semaphore_mem>>) src(%dma_wait3A_201 : memref<16384x128xf32, #tpu.memory_space<hbm>>) dst(%arg6 : memref<128x128xf32, #tpu.memory_space<vmem>>)
    %dma_start3A_202 = arith.constant 9 : i32
    %dma_start3A_203 = arith.constant 0 : i32
    %dma_start3A_204 = tpu.memref_slice %arg5[%dma_start3A_202, %dma_start3A_203] : memref<42x128xi32, #tpu.memory_space<vmem>> -> memref<1x128xi32, #tpu.memory_space<vmem>>
    %dma_start3A_205 = tpu.memref_squeeze %dma_start3A_204 : memref<1x128xi32, #tpu.memory_space<vmem>> -> memref<128xi32, #tpu.memory_space<vmem>>
    %dma_start3A_206 = arith.constant 0 : i32
    %dma_start3A_207 = arith.constant 0 : i32
    %dma_start3A_208 = tpu.memref_slice %arg4[%select_n3A, %dma_start3A_206, %dma_start3A_207] : memref<8x10621x128xf32, #tpu.memory_space<hbm>> -> memref<1x10621x128xf32, #tpu.memory_space<hbm>>
    %dma_start3A_209 = tpu.memref_squeeze %dma_start3A_208 : memref<1x10621x128xf32, #tpu.memory_space<hbm>> -> memref<10621x128xf32, #tpu.memory_space<hbm>>
    %dma_start3A_210 = arith.constant 0 : i32
    %dma_start3A_211 = arith.constant 0 : i32
    %dma_start3A_212 = tpu.memref_slice %dma_start3A_209[%dma_start3A_210, %dma_start3A_211] : memref<10621x128xf32, #tpu.memory_space<hbm>> -> memref<10621x128xf32, #tpu.memory_space<hbm>>
    tpu.enqueue_indirect_dma source(%arg6 : memref<128x128xf32, #tpu.memory_space<vmem>>) target(%dma_start3A_212 : memref<10621x128xf32, #tpu.memory_space<hbm>>) offsets(%dma_start3A_205 : memref<128xi32, #tpu.memory_space<vmem>>) semaphore(%arg9 : memref<!tpu.dma_semaphore, #tpu.memory_space<semaphore_mem>>)
    %dma_wait3A_213 = arith.constant 7 : i32
    %dma_wait3A_214 = arith.constant 0 : i32
    %dma_wait3A_215 = tpu.memref_slice %arg5[%dma_wait3A_213, %dma_wait3A_214] : memref<42x128xi32, #tpu.memory_space<vmem>> -> memref<1x128xi32, #tpu.memory_space<vmem>>
    %dma_wait3A_216 = tpu.memref_squeeze %dma_wait3A_215 : memref<1x128xi32, #tpu.memory_space<vmem>> -> memref<128xi32, #tpu.memory_space<vmem>>
    %dma_wait3A_217 = arith.constant 0 : i32
    %dma_wait3A_218 = arith.constant 0 : i32
    %dma_wait3A_219 = tpu.memref_slice %arg4[%select_n3A, %dma_wait3A_217, %dma_wait3A_218] : memref<8x10621x128xf32, #tpu.memory_space<hbm>> -> memref<1x10621x128xf32, #tpu.memory_space<hbm>>
    %dma_wait3A_220 = tpu.memref_squeeze %dma_wait3A_219 : memref<1x10621x128xf32, #tpu.memory_space<hbm>> -> memref<10621x128xf32, #tpu.memory_space<hbm>>
    %dma_wait3A_221 = arith.constant 0 : i32
    %dma_wait3A_222 = arith.constant 0 : i32
    %dma_wait3A_223 = tpu.memref_slice %dma_wait3A_220[%dma_wait3A_221, %dma_wait3A_222] : memref<10621x128xf32, #tpu.memory_space<hbm>> -> memref<10621x128xf32, #tpu.memory_space<hbm>>
    tpu.wait_indirect_dma semaphore(%arg9 : memref<!tpu.dma_semaphore, #tpu.memory_space<semaphore_mem>>) src(%arg7 : memref<128x128xf32, #tpu.memory_space<vmem>>) dst(%dma_wait3A_223 : memref<10621x128xf32, #tpu.memory_space<hbm>>)
    %dma_start3A_224 = arith.constant 10 : i32
    %dma_start3A_225 = arith.constant 0 : i32
    %dma_start3A_226 = tpu.memref_slice %arg5[%dma_start3A_224, %dma_start3A_225] : memref<42x128xi32, #tpu.memory_space<vmem>> -> memref<1x128xi32, #tpu.memory_space<vmem>>
    %dma_start3A_227 = tpu.memref_squeeze %dma_start3A_226 : memref<1x128xi32, #tpu.memory_space<vmem>> -> memref<128xi32, #tpu.memory_space<vmem>>
    %dma_start3A_228 = arith.constant 0 : i32
    %dma_start3A_229 = arith.constant 0 : i32
    %dma_start3A_230 = tpu.memref_slice %arg2[%select_n3A, %dma_start3A_228, %dma_start3A_229] : memref<8x16384x128xf32, #tpu.memory_space<hbm>> -> memref<1x16384x128xf32, #tpu.memory_space<hbm>>
    %dma_start3A_231 = tpu.memref_squeeze %dma_start3A_230 : memref<1x16384x128xf32, #tpu.memory_space<hbm>> -> memref<16384x128xf32, #tpu.memory_space<hbm>>
    %dma_start3A_232 = arith.constant 0 : i32
    %dma_start3A_233 = arith.constant 0 : i32
    %dma_start3A_234 = tpu.memref_slice %dma_start3A_231[%dma_start3A_232, %dma_start3A_233] : memref<16384x128xf32, #tpu.memory_space<hbm>> -> memref<16384x128xf32, #tpu.memory_space<hbm>>
    tpu.enqueue_indirect_dma source(%dma_start3A_234 : memref<16384x128xf32, #tpu.memory_space<hbm>>) target(%arg7 : memref<128x128xf32, #tpu.memory_space<vmem>>) offsets(%dma_start3A_227 : memref<128xi32, #tpu.memory_space<vmem>>) semaphore(%arg8 : memref<!tpu.dma_semaphore, #tpu.memory_space<semaphore_mem>>)
    %dma_wait3A_235 = arith.constant 10 : i32
    %dma_wait3A_236 = arith.constant 0 : i32
    %dma_wait3A_237 = tpu.memref_slice %arg5[%dma_wait3A_235, %dma_wait3A_236] : memref<42x128xi32, #tpu.memory_space<vmem>> -> memref<1x128xi32, #tpu.memory_space<vmem>>
    %dma_wait3A_238 = tpu.memref_squeeze %dma_wait3A_237 : memref<1x128xi32, #tpu.memory_space<vmem>> -> memref<128xi32, #tpu.memory_space<vmem>>
    %dma_wait3A_239 = arith.constant 0 : i32
    %dma_wait3A_240 = arith.constant 0 : i32
    %dma_wait3A_241 = tpu.memref_slice %arg2[%select_n3A, %dma_wait3A_239, %dma_wait3A_240] : memref<8x16384x128xf32, #tpu.memory_space<hbm>> -> memref<1x16384x128xf32, #tpu.memory_space<hbm>>
    %dma_wait3A_242 = tpu.memref_squeeze %dma_wait3A_241 : memref<1x16384x128xf32, #tpu.memory_space<hbm>> -> memref<16384x128xf32, #tpu.memory_space<hbm>>
    %dma_wait3A_243 = arith.constant 0 : i32
    %dma_wait3A_244 = arith.constant 0 : i32
    %dma_wait3A_245 = tpu.memref_slice %dma_wait3A_242[%dma_wait3A_243, %dma_wait3A_244] : memref<16384x128xf32, #tpu.memory_space<hbm>> -> memref<16384x128xf32, #tpu.memory_space<hbm>>
    tpu.wait_indirect_dma semaphore(%arg8 : memref<!tpu.dma_semaphore, #tpu.memory_space<semaphore_mem>>) src(%dma_wait3A_245 : memref<16384x128xf32, #tpu.memory_space<hbm>>) dst(%arg7 : memref<128x128xf32, #tpu.memory_space<vmem>>)
    %dma_start3A_246 = arith.constant 11 : i32
    %dma_start3A_247 = arith.constant 0 : i32
    %dma_start3A_248 = tpu.memref_slice %arg5[%dma_start3A_246, %dma_start3A_247] : memref<42x128xi32, #tpu.memory_space<vmem>> -> memref<1x128xi32, #tpu.memory_space<vmem>>
    %dma_start3A_249 = tpu.memref_squeeze %dma_start3A_248 : memref<1x128xi32, #tpu.memory_space<vmem>> -> memref<128xi32, #tpu.memory_space<vmem>>
    %dma_start3A_250 = arith.constant 0 : i32
    %dma_start3A_251 = arith.constant 0 : i32
    %dma_start3A_252 = tpu.memref_slice %arg4[%select_n3A, %dma_start3A_250, %dma_start3A_251] : memref<8x10621x128xf32, #tpu.memory_space<hbm>> -> memref<1x10621x128xf32, #tpu.memory_space<hbm>>
    %dma_start3A_253 = tpu.memref_squeeze %dma_start3A_252 : memref<1x10621x128xf32, #tpu.memory_space<hbm>> -> memref<10621x128xf32, #tpu.memory_space<hbm>>
    %dma_start3A_254 = arith.constant 0 : i32
    %dma_start3A_255 = arith.constant 0 : i32
    %dma_start3A_256 = tpu.memref_slice %dma_start3A_253[%dma_start3A_254, %dma_start3A_255] : memref<10621x128xf32, #tpu.memory_space<hbm>> -> memref<10621x128xf32, #tpu.memory_space<hbm>>
    tpu.enqueue_indirect_dma source(%arg7 : memref<128x128xf32, #tpu.memory_space<vmem>>) target(%dma_start3A_256 : memref<10621x128xf32, #tpu.memory_space<hbm>>) offsets(%dma_start3A_249 : memref<128xi32, #tpu.memory_space<vmem>>) semaphore(%arg9 : memref<!tpu.dma_semaphore, #tpu.memory_space<semaphore_mem>>)
    %dma_wait3A_257 = arith.constant 9 : i32
    %dma_wait3A_258 = arith.constant 0 : i32
    %dma_wait3A_259 = tpu.memref_slice %arg5[%dma_wait3A_257, %dma_wait3A_258] : memref<42x128xi32, #tpu.memory_space<vmem>> -> memref<1x128xi32, #tpu.memory_space<vmem>>
    %dma_wait3A_260 = tpu.memref_squeeze %dma_wait3A_259 : memref<1x128xi32, #tpu.memory_space<vmem>> -> memref<128xi32, #tpu.memory_space<vmem>>
    %dma_wait3A_261 = arith.constant 0 : i32
    %dma_wait3A_262 = arith.constant 0 : i32
    %dma_wait3A_263 = tpu.memref_slice %arg4[%select_n3A, %dma_wait3A_261, %dma_wait3A_262] : memref<8x10621x128xf32, #tpu.memory_space<hbm>> -> memref<1x10621x128xf32, #tpu.memory_space<hbm>>
    %dma_wait3A_264 = tpu.memref_squeeze %dma_wait3A_263 : memref<1x10621x128xf32, #tpu.memory_space<hbm>> -> memref<10621x128xf32, #tpu.memory_space<hbm>>
    %dma_wait3A_265 = arith.constant 0 : i32
    %dma_wait3A_266 = arith.constant 0 : i32
    %dma_wait3A_267 = tpu.memref_slice %dma_wait3A_264[%dma_wait3A_265, %dma_wait3A_266] : memref<10621x128xf32, #tpu.memory_space<hbm>> -> memref<10621x128xf32, #tpu.memory_space<hbm>>
    tpu.wait_indirect_dma semaphore(%arg9 : memref<!tpu.dma_semaphore, #tpu.memory_space<semaphore_mem>>) src(%arg6 : memref<128x128xf32, #tpu.memory_space<vmem>>) dst(%dma_wait3A_267 : memref<10621x128xf32, #tpu.memory_space<hbm>>)
    %dma_start3A_268 = arith.constant 12 : i32
    %dma_start3A_269 = arith.constant 0 : i32
    %dma_start3A_270 = tpu.memref_slice %arg5[%dma_start3A_268, %dma_start3A_269] : memref<42x128xi32, #tpu.memory_space<vmem>> -> memref<1x128xi32, #tpu.memory_space<vmem>>
    %dma_start3A_271 = tpu.memref_squeeze %dma_start3A_270 : memref<1x128xi32, #tpu.memory_space<vmem>> -> memref<128xi32, #tpu.memory_space<vmem>>
    %dma_start3A_272 = arith.constant 0 : i32
    %dma_start3A_273 = arith.constant 0 : i32
    %dma_start3A_274 = tpu.memref_slice %arg2[%select_n3A, %dma_start3A_272, %dma_start3A_273] : memref<8x16384x128xf32, #tpu.memory_space<hbm>> -> memref<1x16384x128xf32, #tpu.memory_space<hbm>>
    %dma_start3A_275 = tpu.memref_squeeze %dma_start3A_274 : memref<1x16384x128xf32, #tpu.memory_space<hbm>> -> memref<16384x128xf32, #tpu.memory_space<hbm>>
    %dma_start3A_276 = arith.constant 0 : i32
    %dma_start3A_277 = arith.constant 0 : i32
    %dma_start3A_278 = tpu.memref_slice %dma_start3A_275[%dma_start3A_276, %dma_start3A_277] : memref<16384x128xf32, #tpu.memory_space<hbm>> -> memref<16384x128xf32, #tpu.memory_space<hbm>>
    tpu.enqueue_indirect_dma source(%dma_start3A_278 : memref<16384x128xf32, #tpu.memory_space<hbm>>) target(%arg6 : memref<128x128xf32, #tpu.memory_space<vmem>>) offsets(%dma_start3A_271 : memref<128xi32, #tpu.memory_space<vmem>>) semaphore(%arg8 : memref<!tpu.dma_semaphore, #tpu.memory_space<semaphore_mem>>)
    %dma_wait3A_279 = arith.constant 12 : i32
    %dma_wait3A_280 = arith.constant 0 : i32
    %dma_wait3A_281 = tpu.memref_slice %arg5[%dma_wait3A_279, %dma_wait3A_280] : memref<42x128xi32, #tpu.memory_space<vmem>> -> memref<1x128xi32, #tpu.memory_space<vmem>>
    %dma_wait3A_282 = tpu.memref_squeeze %dma_wait3A_281 : memref<1x128xi32, #tpu.memory_space<vmem>> -> memref<128xi32, #tpu.memory_space<vmem>>
    %dma_wait3A_283 = arith.constant 0 : i32
    %dma_wait3A_284 = arith.constant 0 : i32
    %dma_wait3A_285 = tpu.memref_slice %arg2[%select_n3A, %dma_wait3A_283, %dma_wait3A_284] : memref<8x16384x128xf32, #tpu.memory_space<hbm>> -> memref<1x16384x128xf32, #tpu.memory_space<hbm>>
    %dma_wait3A_286 = tpu.memref_squeeze %dma_wait3A_285 : memref<1x16384x128xf32, #tpu.memory_space<hbm>> -> memref<16384x128xf32, #tpu.memory_space<hbm>>
    %dma_wait3A_287 = arith.constant 0 : i32
    %dma_wait3A_288 = arith.constant 0 : i32
    %dma_wait3A_289 = tpu.memref_slice %dma_wait3A_286[%dma_wait3A_287, %dma_wait3A_288] : memref<16384x128xf32, #tpu.memory_space<hbm>> -> memref<16384x128xf32, #tpu.memory_space<hbm>>
    tpu.wait_indirect_dma semaphore(%arg8 : memref<!tpu.dma_semaphore, #tpu.memory_space<semaphore_mem>>) src(%dma_wait3A_289 : memref<16384x128xf32, #tpu.memory_space<hbm>>) dst(%arg6 : memref<128x128xf32, #tpu.memory_space<vmem>>)
    %dma_start3A_290 = arith.constant 13 : i32
    %dma_start3A_291 = arith.constant 0 : i32
    %dma_start3A_292 = tpu.memref_slice %arg5[%dma_start3A_290, %dma_start3A_291] : memref<42x128xi32, #tpu.memory_space<vmem>> -> memref<1x128xi32, #tpu.memory_space<vmem>>
    %dma_start3A_293 = tpu.memref_squeeze %dma_start3A_292 : memref<1x128xi32, #tpu.memory_space<vmem>> -> memref<128xi32, #tpu.memory_space<vmem>>
    %dma_start3A_294 = arith.constant 0 : i32
    %dma_start3A_295 = arith.constant 0 : i32
    %dma_start3A_296 = tpu.memref_slice %arg4[%select_n3A, %dma_start3A_294, %dma_start3A_295] : memref<8x10621x128xf32, #tpu.memory_space<hbm>> -> memref<1x10621x128xf32, #tpu.memory_space<hbm>>
    %dma_start3A_297 = tpu.memref_squeeze %dma_start3A_296 : memref<1x10621x128xf32, #tpu.memory_space<hbm>> -> memref<10621x128xf32, #tpu.memory_space<hbm>>
    %dma_start3A_298 = arith.constant 0 : i32
    %dma_start3A_299 = arith.constant 0 : i32
    %dma_start3A_300 = tpu.memref_slice %dma_start3A_297[%dma_start3A_298, %dma_start3A_299] : memref<10621x128xf32, #tpu.memory_space<hbm>> -> memref<10621x128xf32, #tpu.memory_space<hbm>>
    tpu.enqueue_indirect_dma source(%arg6 : memref<128x128xf32, #tpu.memory_space<vmem>>) target(%dma_start3A_300 : memref<10621x128xf32, #tpu.memory_space<hbm>>) offsets(%dma_start3A_293 : memref<128xi32, #tpu.memory_space<vmem>>) semaphore(%arg9 : memref<!tpu.dma_semaphore, #tpu.memory_space<semaphore_mem>>)
    %dma_wait3A_301 = arith.constant 11 : i32
    %dma_wait3A_302 = arith.constant 0 : i32
    %dma_wait3A_303 = tpu.memref_slice %arg5[%dma_wait3A_301, %dma_wait3A_302] : memref<42x128xi32, #tpu.memory_space<vmem>> -> memref<1x128xi32, #tpu.memory_space<vmem>>
    %dma_wait3A_304 = tpu.memref_squeeze %dma_wait3A_303 : memref<1x128xi32, #tpu.memory_space<vmem>> -> memref<128xi32, #tpu.memory_space<vmem>>
    %dma_wait3A_305 = arith.constant 0 : i32
    %dma_wait3A_306 = arith.constant 0 : i32
    %dma_wait3A_307 = tpu.memref_slice %arg4[%select_n3A, %dma_wait3A_305, %dma_wait3A_306] : memref<8x10621x128xf32, #tpu.memory_space<hbm>> -> memref<1x10621x128xf32, #tpu.memory_space<hbm>>
    %dma_wait3A_308 = tpu.memref_squeeze %dma_wait3A_307 : memref<1x10621x128xf32, #tpu.memory_space<hbm>> -> memref<10621x128xf32, #tpu.memory_space<hbm>>
    %dma_wait3A_309 = arith.constant 0 : i32
    %dma_wait3A_310 = arith.constant 0 : i32
    %dma_wait3A_311 = tpu.memref_slice %dma_wait3A_308[%dma_wait3A_309, %dma_wait3A_310] : memref<10621x128xf32, #tpu.memory_space<hbm>> -> memref<10621x128xf32, #tpu.memory_space<hbm>>
    tpu.wait_indirect_dma semaphore(%arg9 : memref<!tpu.dma_semaphore, #tpu.memory_space<semaphore_mem>>) src(%arg7 : memref<128x128xf32, #tpu.memory_space<vmem>>) dst(%dma_wait3A_311 : memref<10621x128xf32, #tpu.memory_space<hbm>>)
    %dma_start3A_312 = arith.constant 14 : i32
    %dma_start3A_313 = arith.constant 0 : i32
    %dma_start3A_314 = tpu.memref_slice %arg5[%dma_start3A_312, %dma_start3A_313] : memref<42x128xi32, #tpu.memory_space<vmem>> -> memref<1x128xi32, #tpu.memory_space<vmem>>
    %dma_start3A_315 = tpu.memref_squeeze %dma_start3A_314 : memref<1x128xi32, #tpu.memory_space<vmem>> -> memref<128xi32, #tpu.memory_space<vmem>>
    %dma_start3A_316 = arith.constant 0 : i32
    %dma_start3A_317 = arith.constant 0 : i32
    %dma_start3A_318 = tpu.memref_slice %arg2[%select_n3A, %dma_start3A_316, %dma_start3A_317] : memref<8x16384x128xf32, #tpu.memory_space<hbm>> -> memref<1x16384x128xf32, #tpu.memory_space<hbm>>
    %dma_start3A_319 = tpu.memref_squeeze %dma_start3A_318 : memref<1x16384x128xf32, #tpu.memory_space<hbm>> -> memref<16384x128xf32, #tpu.memory_space<hbm>>
    %dma_start3A_320 = arith.constant 0 : i32
    %dma_start3A_321 = arith.constant 0 : i32
    %dma_start3A_322 = tpu.memref_slice %dma_start3A_319[%dma_start3A_320, %dma_start3A_321] : memref<16384x128xf32, #tpu.memory_space<hbm>> -> memref<16384x128xf32, #tpu.memory_space<hbm>>
    tpu.enqueue_indirect_dma source(%dma_start3A_322 : memref<16384x128xf32, #tpu.memory_space<hbm>>) target(%arg7 : memref<128x128xf32, #tpu.memory_space<vmem>>) offsets(%dma_start3A_315 : memref<128xi32, #tpu.memory_space<vmem>>) semaphore(%arg8 : memref<!tpu.dma_semaphore, #tpu.memory_space<semaphore_mem>>)
    %dma_wait3A_323 = arith.constant 14 : i32
    %dma_wait3A_324 = arith.constant 0 : i32
    %dma_wait3A_325 = tpu.memref_slice %arg5[%dma_wait3A_323, %dma_wait3A_324] : memref<42x128xi32, #tpu.memory_space<vmem>> -> memref<1x128xi32, #tpu.memory_space<vmem>>
    %dma_wait3A_326 = tpu.memref_squeeze %dma_wait3A_325 : memref<1x128xi32, #tpu.memory_space<vmem>> -> memref<128xi32, #tpu.memory_space<vmem>>
    %dma_wait3A_327 = arith.constant 0 : i32
    %dma_wait3A_328 = arith.constant 0 : i32
    %dma_wait3A_329 = tpu.memref_slice %arg2[%select_n3A, %dma_wait3A_327, %dma_wait3A_328] : memref<8x16384x128xf32, #tpu.memory_space<hbm>> -> memref<1x16384x128xf32, #tpu.memory_space<hbm>>
    %dma_wait3A_330 = tpu.memref_squeeze %dma_wait3A_329 : memref<1x16384x128xf32, #tpu.memory_space<hbm>> -> memref<16384x128xf32, #tpu.memory_space<hbm>>
    %dma_wait3A_331 = arith.constant 0 : i32
    %dma_wait3A_332 = arith.constant 0 : i32
    %dma_wait3A_333 = tpu.memref_slice %dma_wait3A_330[%dma_wait3A_331, %dma_wait3A_332] : memref<16384x128xf32, #tpu.memory_space<hbm>> -> memref<16384x128xf32, #tpu.memory_space<hbm>>
    tpu.wait_indirect_dma semaphore(%arg8 : memref<!tpu.dma_semaphore, #tpu.memory_space<semaphore_mem>>) src(%dma_wait3A_333 : memref<16384x128xf32, #tpu.memory_space<hbm>>) dst(%arg7 : memref<128x128xf32, #tpu.memory_space<vmem>>)
    %dma_start3A_334 = arith.constant 15 : i32
    %dma_start3A_335 = arith.constant 0 : i32
    %dma_start3A_336 = tpu.memref_slice %arg5[%dma_start3A_334, %dma_start3A_335] : memref<42x128xi32, #tpu.memory_space<vmem>> -> memref<1x128xi32, #tpu.memory_space<vmem>>
    %dma_start3A_337 = tpu.memref_squeeze %dma_start3A_336 : memref<1x128xi32, #tpu.memory_space<vmem>> -> memref<128xi32, #tpu.memory_space<vmem>>
    %dma_start3A_338 = arith.constant 0 : i32
    %dma_start3A_339 = arith.constant 0 : i32
    %dma_start3A_340 = tpu.memref_slice %arg4[%select_n3A, %dma_start3A_338, %dma_start3A_339] : memref<8x10621x128xf32, #tpu.memory_space<hbm>> -> memref<1x10621x128xf32, #tpu.memory_space<hbm>>
    %dma_start3A_341 = tpu.memref_squeeze %dma_start3A_340 : memref<1x10621x128xf32, #tpu.memory_space<hbm>> -> memref<10621x128xf32, #tpu.memory_space<hbm>>
    %dma_start3A_342 = arith.constant 0 : i32
    %dma_start3A_343 = arith.constant 0 : i32
    %dma_start3A_344 = tpu.memref_slice %dma_start3A_341[%dma_start3A_342, %dma_start3A_343] : memref<10621x128xf32, #tpu.memory_space<hbm>> -> memref<10621x128xf32, #tpu.memory_space<hbm>>
    tpu.enqueue_indirect_dma source(%arg7 : memref<128x128xf32, #tpu.memory_space<vmem>>) target(%dma_start3A_344 : memref<10621x128xf32, #tpu.memory_space<hbm>>) offsets(%dma_start3A_337 : memref<128xi32, #tpu.memory_space<vmem>>) semaphore(%arg9 : memref<!tpu.dma_semaphore, #tpu.memory_space<semaphore_mem>>)
    %dma_wait3A_345 = arith.constant 13 : i32
    %dma_wait3A_346 = arith.constant 0 : i32
    %dma_wait3A_347 = tpu.memref_slice %arg5[%dma_wait3A_345, %dma_wait3A_346] : memref<42x128xi32, #tpu.memory_space<vmem>> -> memref<1x128xi32, #tpu.memory_space<vmem>>
    %dma_wait3A_348 = tpu.memref_squeeze %dma_wait3A_347 : memref<1x128xi32, #tpu.memory_space<vmem>> -> memref<128xi32, #tpu.memory_space<vmem>>
    %dma_wait3A_349 = arith.constant 0 : i32
    %dma_wait3A_350 = arith.constant 0 : i32
    %dma_wait3A_351 = tpu.memref_slice %arg4[%select_n3A, %dma_wait3A_349, %dma_wait3A_350] : memref<8x10621x128xf32, #tpu.memory_space<hbm>> -> memref<1x10621x128xf32, #tpu.memory_space<hbm>>
    %dma_wait3A_352 = tpu.memref_squeeze %dma_wait3A_351 : memref<1x10621x128xf32, #tpu.memory_space<hbm>> -> memref<10621x128xf32, #tpu.memory_space<hbm>>
    %dma_wait3A_353 = arith.constant 0 : i32
    %dma_wait3A_354 = arith.constant 0 : i32
    %dma_wait3A_355 = tpu.memref_slice %dma_wait3A_352[%dma_wait3A_353, %dma_wait3A_354] : memref<10621x128xf32, #tpu.memory_space<hbm>> -> memref<10621x128xf32, #tpu.memory_space<hbm>>
    tpu.wait_indirect_dma semaphore(%arg9 : memref<!tpu.dma_semaphore, #tpu.memory_space<semaphore_mem>>) src(%arg6 : memref<128x128xf32, #tpu.memory_space<vmem>>) dst(%dma_wait3A_355 : memref<10621x128xf32, #tpu.memory_space<hbm>>)
    %dma_start3A_356 = arith.constant 16 : i32
    %dma_start3A_357 = arith.constant 0 : i32
    %dma_start3A_358 = tpu.memref_slice %arg5[%dma_start3A_356, %dma_start3A_357] : memref<42x128xi32, #tpu.memory_space<vmem>> -> memref<1x128xi32, #tpu.memory_space<vmem>>
    %dma_start3A_359 = tpu.memref_squeeze %dma_start3A_358 : memref<1x128xi32, #tpu.memory_space<vmem>> -> memref<128xi32, #tpu.memory_space<vmem>>
    %dma_start3A_360 = arith.constant 0 : i32
    %dma_start3A_361 = arith.constant 0 : i32
    %dma_start3A_362 = tpu.memref_slice %arg2[%select_n3A, %dma_start3A_360, %dma_start3A_361] : memref<8x16384x128xf32, #tpu.memory_space<hbm>> -> memref<1x16384x128xf32, #tpu.memory_space<hbm>>
    %dma_start3A_363 = tpu.memref_squeeze %dma_start3A_362 : memref<1x16384x128xf32, #tpu.memory_space<hbm>> -> memref<16384x128xf32, #tpu.memory_space<hbm>>
    %dma_start3A_364 = arith.constant 0 : i32
    %dma_start3A_365 = arith.constant 0 : i32
    %dma_start3A_366 = tpu.memref_slice %dma_start3A_363[%dma_start3A_364, %dma_start3A_365] : memref<16384x128xf32, #tpu.memory_space<hbm>> -> memref<16384x128xf32, #tpu.memory_space<hbm>>
    tpu.enqueue_indirect_dma source(%dma_start3A_366 : memref<16384x128xf32, #tpu.memory_space<hbm>>) target(%arg6 : memref<128x128xf32, #tpu.memory_space<vmem>>) offsets(%dma_start3A_359 : memref<128xi32, #tpu.memory_space<vmem>>) semaphore(%arg8 : memref<!tpu.dma_semaphore, #tpu.memory_space<semaphore_mem>>)
    %dma_wait3A_367 = arith.constant 16 : i32
    %dma_wait3A_368 = arith.constant 0 : i32
    %dma_wait3A_369 = tpu.memref_slice %arg5[%dma_wait3A_367, %dma_wait3A_368] : memref<42x128xi32, #tpu.memory_space<vmem>> -> memref<1x128xi32, #tpu.memory_space<vmem>>
    %dma_wait3A_370 = tpu.memref_squeeze %dma_wait3A_369 : memref<1x128xi32, #tpu.memory_space<vmem>> -> memref<128xi32, #tpu.memory_space<vmem>>
    %dma_wait3A_371 = arith.constant 0 : i32
    %dma_wait3A_372 = arith.constant 0 : i32
    %dma_wait3A_373 = tpu.memref_slice %arg2[%select_n3A, %dma_wait3A_371, %dma_wait3A_372] : memref<8x16384x128xf32, #tpu.memory_space<hbm>> -> memref<1x16384x128xf32, #tpu.memory_space<hbm>>
    %dma_wait3A_374 = tpu.memref_squeeze %dma_wait3A_373 : memref<1x16384x128xf32, #tpu.memory_space<hbm>> -> memref<16384x128xf32, #tpu.memory_space<hbm>>
    %dma_wait3A_375 = arith.constant 0 : i32
    %dma_wait3A_376 = arith.constant 0 : i32
    %dma_wait3A_377 = tpu.memref_slice %dma_wait3A_374[%dma_wait3A_375, %dma_wait3A_376] : memref<16384x128xf32, #tpu.memory_space<hbm>> -> memref<16384x128xf32, #tpu.memory_space<hbm>>
    tpu.wait_indirect_dma semaphore(%arg8 : memref<!tpu.dma_semaphore, #tpu.memory_space<semaphore_mem>>) src(%dma_wait3A_377 : memref<16384x128xf32, #tpu.memory_space<hbm>>) dst(%arg6 : memref<128x128xf32, #tpu.memory_space<vmem>>)
    %dma_start3A_378 = arith.constant 17 : i32
    %dma_start3A_379 = arith.constant 0 : i32
    %dma_start3A_380 = tpu.memref_slice %arg5[%dma_start3A_378, %dma_start3A_379] : memref<42x128xi32, #tpu.memory_space<vmem>> -> memref<1x128xi32, #tpu.memory_space<vmem>>
    %dma_start3A_381 = tpu.memref_squeeze %dma_start3A_380 : memref<1x128xi32, #tpu.memory_space<vmem>> -> memref<128xi32, #tpu.memory_space<vmem>>
    %dma_start3A_382 = arith.constant 0 : i32
    %dma_start3A_383 = arith.constant 0 : i32
    %dma_start3A_384 = tpu.memref_slice %arg4[%select_n3A, %dma_start3A_382, %dma_start3A_383] : memref<8x10621x128xf32, #tpu.memory_space<hbm>> -> memref<1x10621x128xf32, #tpu.memory_space<hbm>>
    %dma_start3A_385 = tpu.memref_squeeze %dma_start3A_384 : memref<1x10621x128xf32, #tpu.memory_space<hbm>> -> memref<10621x128xf32, #tpu.memory_space<hbm>>
    %dma_start3A_386 = arith.constant 0 : i32
    %dma_start3A_387 = arith.constant 0 : i32
    %dma_start3A_388 = tpu.memref_slice %dma_start3A_385[%dma_start3A_386, %dma_start3A_387] : memref<10621x128xf32, #tpu.memory_space<hbm>> -> memref<10621x128xf32, #tpu.memory_space<hbm>>
    tpu.enqueue_indirect_dma source(%arg6 : memref<128x128xf32, #tpu.memory_space<vmem>>) target(%dma_start3A_388 : memref<10621x128xf32, #tpu.memory_space<hbm>>) offsets(%dma_start3A_381 : memref<128xi32, #tpu.memory_space<vmem>>) semaphore(%arg9 : memref<!tpu.dma_semaphore, #tpu.memory_space<semaphore_mem>>)
    %dma_wait3A_389 = arith.constant 15 : i32
    %dma_wait3A_390 = arith.constant 0 : i32
    %dma_wait3A_391 = tpu.memref_slice %arg5[%dma_wait3A_389, %dma_wait3A_390] : memref<42x128xi32, #tpu.memory_space<vmem>> -> memref<1x128xi32, #tpu.memory_space<vmem>>
    %dma_wait3A_392 = tpu.memref_squeeze %dma_wait3A_391 : memref<1x128xi32, #tpu.memory_space<vmem>> -> memref<128xi32, #tpu.memory_space<vmem>>
    %dma_wait3A_393 = arith.constant 0 : i32
    %dma_wait3A_394 = arith.constant 0 : i32
    %dma_wait3A_395 = tpu.memref_slice %arg4[%select_n3A, %dma_wait3A_393, %dma_wait3A_394] : memref<8x10621x128xf32, #tpu.memory_space<hbm>> -> memref<1x10621x128xf32, #tpu.memory_space<hbm>>
    %dma_wait3A_396 = tpu.memref_squeeze %dma_wait3A_395 : memref<1x10621x128xf32, #tpu.memory_space<hbm>> -> memref<10621x128xf32, #tpu.memory_space<hbm>>
    %dma_wait3A_397 = arith.constant 0 : i32
    %dma_wait3A_398 = arith.constant 0 : i32
    %dma_wait3A_399 = tpu.memref_slice %dma_wait3A_396[%dma_wait3A_397, %dma_wait3A_398] : memref<10621x128xf32, #tpu.memory_space<hbm>> -> memref<10621x128xf32, #tpu.memory_space<hbm>>
    tpu.wait_indirect_dma semaphore(%arg9 : memref<!tpu.dma_semaphore, #tpu.memory_space<semaphore_mem>>) src(%arg7 : memref<128x128xf32, #tpu.memory_space<vmem>>) dst(%dma_wait3A_399 : memref<10621x128xf32, #tpu.memory_space<hbm>>)
    %dma_start3A_400 = arith.constant 18 : i32
    %dma_start3A_401 = arith.constant 0 : i32
    %dma_start3A_402 = tpu.memref_slice %arg5[%dma_start3A_400, %dma_start3A_401] : memref<42x128xi32, #tpu.memory_space<vmem>> -> memref<1x128xi32, #tpu.memory_space<vmem>>
    %dma_start3A_403 = tpu.memref_squeeze %dma_start3A_402 : memref<1x128xi32, #tpu.memory_space<vmem>> -> memref<128xi32, #tpu.memory_space<vmem>>
    %dma_start3A_404 = arith.constant 0 : i32
    %dma_start3A_405 = arith.constant 0 : i32
    %dma_start3A_406 = tpu.memref_slice %arg2[%select_n3A, %dma_start3A_404, %dma_start3A_405] : memref<8x16384x128xf32, #tpu.memory_space<hbm>> -> memref<1x16384x128xf32, #tpu.memory_space<hbm>>
    %dma_start3A_407 = tpu.memref_squeeze %dma_start3A_406 : memref<1x16384x128xf32, #tpu.memory_space<hbm>> -> memref<16384x128xf32, #tpu.memory_space<hbm>>
    %dma_start3A_408 = arith.constant 0 : i32
    %dma_start3A_409 = arith.constant 0 : i32
    %dma_start3A_410 = tpu.memref_slice %dma_start3A_407[%dma_start3A_408, %dma_start3A_409] : memref<16384x128xf32, #tpu.memory_space<hbm>> -> memref<16384x128xf32, #tpu.memory_space<hbm>>
    tpu.enqueue_indirect_dma source(%dma_start3A_410 : memref<16384x128xf32, #tpu.memory_space<hbm>>) target(%arg7 : memref<128x128xf32, #tpu.memory_space<vmem>>) offsets(%dma_start3A_403 : memref<128xi32, #tpu.memory_space<vmem>>) semaphore(%arg8 : memref<!tpu.dma_semaphore, #tpu.memory_space<semaphore_mem>>)
    %dma_wait3A_411 = arith.constant 18 : i32
    %dma_wait3A_412 = arith.constant 0 : i32
    %dma_wait3A_413 = tpu.memref_slice %arg5[%dma_wait3A_411, %dma_wait3A_412] : memref<42x128xi32, #tpu.memory_space<vmem>> -> memref<1x128xi32, #tpu.memory_space<vmem>>
    %dma_wait3A_414 = tpu.memref_squeeze %dma_wait3A_413 : memref<1x128xi32, #tpu.memory_space<vmem>> -> memref<128xi32, #tpu.memory_space<vmem>>
    %dma_wait3A_415 = arith.constant 0 : i32
    %dma_wait3A_416 = arith.constant 0 : i32
    %dma_wait3A_417 = tpu.memref_slice %arg2[%select_n3A, %dma_wait3A_415, %dma_wait3A_416] : memref<8x16384x128xf32, #tpu.memory_space<hbm>> -> memref<1x16384x128xf32, #tpu.memory_space<hbm>>
    %dma_wait3A_418 = tpu.memref_squeeze %dma_wait3A_417 : memref<1x16384x128xf32, #tpu.memory_space<hbm>> -> memref<16384x128xf32, #tpu.memory_space<hbm>>
    %dma_wait3A_419 = arith.constant 0 : i32
    %dma_wait3A_420 = arith.constant 0 : i32
    %dma_wait3A_421 = tpu.memref_slice %dma_wait3A_418[%dma_wait3A_419, %dma_wait3A_420] : memref<16384x128xf32, #tpu.memory_space<hbm>> -> memref<16384x128xf32, #tpu.memory_space<hbm>>
    tpu.wait_indirect_dma semaphore(%arg8 : memref<!tpu.dma_semaphore, #tpu.memory_space<semaphore_mem>>) src(%dma_wait3A_421 : memref<16384x128xf32, #tpu.memory_space<hbm>>) dst(%arg7 : memref<128x128xf32, #tpu.memory_space<vmem>>)
    %dma_start3A_422 = arith.constant 19 : i32
    %dma_start3A_423 = arith.constant 0 : i32
    %dma_start3A_424 = tpu.memref_slice %arg5[%dma_start3A_422, %dma_start3A_423] : memref<42x128xi32, #tpu.memory_space<vmem>> -> memref<1x128xi32, #tpu.memory_space<vmem>>
    %dma_start3A_425 = tpu.memref_squeeze %dma_start3A_424 : memref<1x128xi32, #tpu.memory_space<vmem>> -> memref<128xi32, #tpu.memory_space<vmem>>
    %dma_start3A_426 = arith.constant 0 : i32
    %dma_start3A_427 = arith.constant 0 : i32
    %dma_start3A_428 = tpu.memref_slice %arg4[%select_n3A, %dma_start3A_426, %dma_start3A_427] : memref<8x10621x128xf32, #tpu.memory_space<hbm>> -> memref<1x10621x128xf32, #tpu.memory_space<hbm>>
    %dma_start3A_429 = tpu.memref_squeeze %dma_start3A_428 : memref<1x10621x128xf32, #tpu.memory_space<hbm>> -> memref<10621x128xf32, #tpu.memory_space<hbm>>
    %dma_start3A_430 = arith.constant 0 : i32
    %dma_start3A_431 = arith.constant 0 : i32
    %dma_start3A_432 = tpu.memref_slice %dma_start3A_429[%dma_start3A_430, %dma_start3A_431] : memref<10621x128xf32, #tpu.memory_space<hbm>> -> memref<10621x128xf32, #tpu.memory_space<hbm>>
    tpu.enqueue_indirect_dma source(%arg7 : memref<128x128xf32, #tpu.memory_space<vmem>>) target(%dma_start3A_432 : memref<10621x128xf32, #tpu.memory_space<hbm>>) offsets(%dma_start3A_425 : memref<128xi32, #tpu.memory_space<vmem>>) semaphore(%arg9 : memref<!tpu.dma_semaphore, #tpu.memory_space<semaphore_mem>>)
    %dma_wait3A_433 = arith.constant 17 : i32
    %dma_wait3A_434 = arith.constant 0 : i32
    %dma_wait3A_435 = tpu.memref_slice %arg5[%dma_wait3A_433, %dma_wait3A_434] : memref<42x128xi32, #tpu.memory_space<vmem>> -> memref<1x128xi32, #tpu.memory_space<vmem>>
    %dma_wait3A_436 = tpu.memref_squeeze %dma_wait3A_435 : memref<1x128xi32, #tpu.memory_space<vmem>> -> memref<128xi32, #tpu.memory_space<vmem>>
    %dma_wait3A_437 = arith.constant 0 : i32
    %dma_wait3A_438 = arith.constant 0 : i32
    %dma_wait3A_439 = tpu.memref_slice %arg4[%select_n3A, %dma_wait3A_437, %dma_wait3A_438] : memref<8x10621x128xf32, #tpu.memory_space<hbm>> -> memref<1x10621x128xf32, #tpu.memory_space<hbm>>
    %dma_wait3A_440 = tpu.memref_squeeze %dma_wait3A_439 : memref<1x10621x128xf32, #tpu.memory_space<hbm>> -> memref<10621x128xf32, #tpu.memory_space<hbm>>
    %dma_wait3A_441 = arith.constant 0 : i32
    %dma_wait3A_442 = arith.constant 0 : i32
    %dma_wait3A_443 = tpu.memref_slice %dma_wait3A_440[%dma_wait3A_441, %dma_wait3A_442] : memref<10621x128xf32, #tpu.memory_space<hbm>> -> memref<10621x128xf32, #tpu.memory_space<hbm>>
    tpu.wait_indirect_dma semaphore(%arg9 : memref<!tpu.dma_semaphore, #tpu.memory_space<semaphore_mem>>) src(%arg6 : memref<128x128xf32, #tpu.memory_space<vmem>>) dst(%dma_wait3A_443 : memref<10621x128xf32, #tpu.memory_space<hbm>>)
    %dma_start3A_444 = arith.constant 20 : i32
    %dma_start3A_445 = arith.constant 0 : i32
    %dma_start3A_446 = tpu.memref_slice %arg5[%dma_start3A_444, %dma_start3A_445] : memref<42x128xi32, #tpu.memory_space<vmem>> -> memref<1x128xi32, #tpu.memory_space<vmem>>
    %dma_start3A_447 = tpu.memref_squeeze %dma_start3A_446 : memref<1x128xi32, #tpu.memory_space<vmem>> -> memref<128xi32, #tpu.memory_space<vmem>>
    %dma_start3A_448 = arith.constant 0 : i32
    %dma_start3A_449 = arith.constant 0 : i32
    %dma_start3A_450 = tpu.memref_slice %arg2[%select_n3A, %dma_start3A_448, %dma_start3A_449] : memref<8x16384x128xf32, #tpu.memory_space<hbm>> -> memref<1x16384x128xf32, #tpu.memory_space<hbm>>
    %dma_start3A_451 = tpu.memref_squeeze %dma_start3A_450 : memref<1x16384x128xf32, #tpu.memory_space<hbm>> -> memref<16384x128xf32, #tpu.memory_space<hbm>>
    %dma_start3A_452 = arith.constant 0 : i32
    %dma_start3A_453 = arith.constant 0 : i32
    %dma_start3A_454 = tpu.memref_slice %dma_start3A_451[%dma_start3A_452, %dma_start3A_453] : memref<16384x128xf32, #tpu.memory_space<hbm>> -> memref<16384x128xf32, #tpu.memory_space<hbm>>
    tpu.enqueue_indirect_dma source(%dma_start3A_454 : memref<16384x128xf32, #tpu.memory_space<hbm>>) target(%arg6 : memref<128x128xf32, #tpu.memory_space<vmem>>) offsets(%dma_start3A_447 : memref<128xi32, #tpu.memory_space<vmem>>) semaphore(%arg8 : memref<!tpu.dma_semaphore, #tpu.memory_space<semaphore_mem>>)
    %dma_wait3A_455 = arith.constant 20 : i32
    %dma_wait3A_456 = arith.constant 0 : i32
    %dma_wait3A_457 = tpu.memref_slice %arg5[%dma_wait3A_455, %dma_wait3A_456] : memref<42x128xi32, #tpu.memory_space<vmem>> -> memref<1x128xi32, #tpu.memory_space<vmem>>
    %dma_wait3A_458 = tpu.memref_squeeze %dma_wait3A_457 : memref<1x128xi32, #tpu.memory_space<vmem>> -> memref<128xi32, #tpu.memory_space<vmem>>
    %dma_wait3A_459 = arith.constant 0 : i32
    %dma_wait3A_460 = arith.constant 0 : i32
    %dma_wait3A_461 = tpu.memref_slice %arg2[%select_n3A, %dma_wait3A_459, %dma_wait3A_460] : memref<8x16384x128xf32, #tpu.memory_space<hbm>> -> memref<1x16384x128xf32, #tpu.memory_space<hbm>>
    %dma_wait3A_462 = tpu.memref_squeeze %dma_wait3A_461 : memref<1x16384x128xf32, #tpu.memory_space<hbm>> -> memref<16384x128xf32, #tpu.memory_space<hbm>>
    %dma_wait3A_463 = arith.constant 0 : i32
    %dma_wait3A_464 = arith.constant 0 : i32
    %dma_wait3A_465 = tpu.memref_slice %dma_wait3A_462[%dma_wait3A_463, %dma_wait3A_464] : memref<16384x128xf32, #tpu.memory_space<hbm>> -> memref<16384x128xf32, #tpu.memory_space<hbm>>
    tpu.wait_indirect_dma semaphore(%arg8 : memref<!tpu.dma_semaphore, #tpu.memory_space<semaphore_mem>>) src(%dma_wait3A_465 : memref<16384x128xf32, #tpu.memory_space<hbm>>) dst(%arg6 : memref<128x128xf32, #tpu.memory_space<vmem>>)
    %dma_start3A_466 = arith.constant 21 : i32
    %dma_start3A_467 = arith.constant 0 : i32
    %dma_start3A_468 = tpu.memref_slice %arg5[%dma_start3A_466, %dma_start3A_467] : memref<42x128xi32, #tpu.memory_space<vmem>> -> memref<1x128xi32, #tpu.memory_space<vmem>>
    %dma_start3A_469 = tpu.memref_squeeze %dma_start3A_468 : memref<1x128xi32, #tpu.memory_space<vmem>> -> memref<128xi32, #tpu.memory_space<vmem>>
    %dma_start3A_470 = arith.constant 0 : i32
    %dma_start3A_471 = arith.constant 0 : i32
    %dma_start3A_472 = tpu.memref_slice %arg4[%select_n3A, %dma_start3A_470, %dma_start3A_471] : memref<8x10621x128xf32, #tpu.memory_space<hbm>> -> memref<1x10621x128xf32, #tpu.memory_space<hbm>>
    %dma_start3A_473 = tpu.memref_squeeze %dma_start3A_472 : memref<1x10621x128xf32, #tpu.memory_space<hbm>> -> memref<10621x128xf32, #tpu.memory_space<hbm>>
    %dma_start3A_474 = arith.constant 0 : i32
    %dma_start3A_475 = arith.constant 0 : i32
    %dma_start3A_476 = tpu.memref_slice %dma_start3A_473[%dma_start3A_474, %dma_start3A_475] : memref<10621x128xf32, #tpu.memory_space<hbm>> -> memref<10621x128xf32, #tpu.memory_space<hbm>>
    tpu.enqueue_indirect_dma source(%arg6 : memref<128x128xf32, #tpu.memory_space<vmem>>) target(%dma_start3A_476 : memref<10621x128xf32, #tpu.memory_space<hbm>>) offsets(%dma_start3A_469 : memref<128xi32, #tpu.memory_space<vmem>>) semaphore(%arg9 : memref<!tpu.dma_semaphore, #tpu.memory_space<semaphore_mem>>)
    %dma_wait3A_477 = arith.constant 19 : i32
    %dma_wait3A_478 = arith.constant 0 : i32
    %dma_wait3A_479 = tpu.memref_slice %arg5[%dma_wait3A_477, %dma_wait3A_478] : memref<42x128xi32, #tpu.memory_space<vmem>> -> memref<1x128xi32, #tpu.memory_space<vmem>>
    %dma_wait3A_480 = tpu.memref_squeeze %dma_wait3A_479 : memref<1x128xi32, #tpu.memory_space<vmem>> -> memref<128xi32, #tpu.memory_space<vmem>>
    %dma_wait3A_481 = arith.constant 0 : i32
    %dma_wait3A_482 = arith.constant 0 : i32
    %dma_wait3A_483 = tpu.memref_slice %arg4[%select_n3A, %dma_wait3A_481, %dma_wait3A_482] : memref<8x10621x128xf32, #tpu.memory_space<hbm>> -> memref<1x10621x128xf32, #tpu.memory_space<hbm>>
    %dma_wait3A_484 = tpu.memref_squeeze %dma_wait3A_483 : memref<1x10621x128xf32, #tpu.memory_space<hbm>> -> memref<10621x128xf32, #tpu.memory_space<hbm>>
    %dma_wait3A_485 = arith.constant 0 : i32
    %dma_wait3A_486 = arith.constant 0 : i32
    %dma_wait3A_487 = tpu.memref_slice %dma_wait3A_484[%dma_wait3A_485, %dma_wait3A_486] : memref<10621x128xf32, #tpu.memory_space<hbm>> -> memref<10621x128xf32, #tpu.memory_space<hbm>>
    tpu.wait_indirect_dma semaphore(%arg9 : memref<!tpu.dma_semaphore, #tpu.memory_space<semaphore_mem>>) src(%arg7 : memref<128x128xf32, #tpu.memory_space<vmem>>) dst(%dma_wait3A_487 : memref<10621x128xf32, #tpu.memory_space<hbm>>)
    %dma_start3A_488 = arith.constant 22 : i32
    %dma_start3A_489 = arith.constant 0 : i32
    %dma_start3A_490 = tpu.memref_slice %arg5[%dma_start3A_488, %dma_start3A_489] : memref<42x128xi32, #tpu.memory_space<vmem>> -> memref<1x128xi32, #tpu.memory_space<vmem>>
    %dma_start3A_491 = tpu.memref_squeeze %dma_start3A_490 : memref<1x128xi32, #tpu.memory_space<vmem>> -> memref<128xi32, #tpu.memory_space<vmem>>
    %dma_start3A_492 = arith.constant 0 : i32
    %dma_start3A_493 = arith.constant 0 : i32
    %dma_start3A_494 = tpu.memref_slice %arg2[%select_n3A, %dma_start3A_492, %dma_start3A_493] : memref<8x16384x128xf32, #tpu.memory_space<hbm>> -> memref<1x16384x128xf32, #tpu.memory_space<hbm>>
    %dma_start3A_495 = tpu.memref_squeeze %dma_start3A_494 : memref<1x16384x128xf32, #tpu.memory_space<hbm>> -> memref<16384x128xf32, #tpu.memory_space<hbm>>
    %dma_start3A_496 = arith.constant 0 : i32
    %dma_start3A_497 = arith.constant 0 : i32
    %dma_start3A_498 = tpu.memref_slice %dma_start3A_495[%dma_start3A_496, %dma_start3A_497] : memref<16384x128xf32, #tpu.memory_space<hbm>> -> memref<16384x128xf32, #tpu.memory_space<hbm>>
    tpu.enqueue_indirect_dma source(%dma_start3A_498 : memref<16384x128xf32, #tpu.memory_space<hbm>>) target(%arg7 : memref<128x128xf32, #tpu.memory_space<vmem>>) offsets(%dma_start3A_491 : memref<128xi32, #tpu.memory_space<vmem>>) semaphore(%arg8 : memref<!tpu.dma_semaphore, #tpu.memory_space<semaphore_mem>>)
    %dma_wait3A_499 = arith.constant 22 : i32
    %dma_wait3A_500 = arith.constant 0 : i32
    %dma_wait3A_501 = tpu.memref_slice %arg5[%dma_wait3A_499, %dma_wait3A_500] : memref<42x128xi32, #tpu.memory_space<vmem>> -> memref<1x128xi32, #tpu.memory_space<vmem>>
    %dma_wait3A_502 = tpu.memref_squeeze %dma_wait3A_501 : memref<1x128xi32, #tpu.memory_space<vmem>> -> memref<128xi32, #tpu.memory_space<vmem>>
    %dma_wait3A_503 = arith.constant 0 : i32
    %dma_wait3A_504 = arith.constant 0 : i32
    %dma_wait3A_505 = tpu.memref_slice %arg2[%select_n3A, %dma_wait3A_503, %dma_wait3A_504] : memref<8x16384x128xf32, #tpu.memory_space<hbm>> -> memref<1x16384x128xf32, #tpu.memory_space<hbm>>
    %dma_wait3A_506 = tpu.memref_squeeze %dma_wait3A_505 : memref<1x16384x128xf32, #tpu.memory_space<hbm>> -> memref<16384x128xf32, #tpu.memory_space<hbm>>
    %dma_wait3A_507 = arith.constant 0 : i32
    %dma_wait3A_508 = arith.constant 0 : i32
    %dma_wait3A_509 = tpu.memref_slice %dma_wait3A_506[%dma_wait3A_507, %dma_wait3A_508] : memref<16384x128xf32, #tpu.memory_space<hbm>> -> memref<16384x128xf32, #tpu.memory_space<hbm>>
    tpu.wait_indirect_dma semaphore(%arg8 : memref<!tpu.dma_semaphore, #tpu.memory_space<semaphore_mem>>) src(%dma_wait3A_509 : memref<16384x128xf32, #tpu.memory_space<hbm>>) dst(%arg7 : memref<128x128xf32, #tpu.memory_space<vmem>>)
    %dma_start3A_510 = arith.constant 23 : i32
    %dma_start3A_511 = arith.constant 0 : i32
    %dma_start3A_512 = tpu.memref_slice %arg5[%dma_start3A_510, %dma_start3A_511] : memref<42x128xi32, #tpu.memory_space<vmem>> -> memref<1x128xi32, #tpu.memory_space<vmem>>
    %dma_start3A_513 = tpu.memref_squeeze %dma_start3A_512 : memref<1x128xi32, #tpu.memory_space<vmem>> -> memref<128xi32, #tpu.memory_space<vmem>>
    %dma_start3A_514 = arith.constant 0 : i32
    %dma_start3A_515 = arith.constant 0 : i32
    %dma_start3A_516 = tpu.memref_slice %arg4[%select_n3A, %dma_start3A_514, %dma_start3A_515] : memref<8x10621x128xf32, #tpu.memory_space<hbm>> -> memref<1x10621x128xf32, #tpu.memory_space<hbm>>
    %dma_start3A_517 = tpu.memref_squeeze %dma_start3A_516 : memref<1x10621x128xf32, #tpu.memory_space<hbm>> -> memref<10621x128xf32, #tpu.memory_space<hbm>>
    %dma_start3A_518 = arith.constant 0 : i32
    %dma_start3A_519 = arith.constant 0 : i32
    %dma_start3A_520 = tpu.memref_slice %dma_start3A_517[%dma_start3A_518, %dma_start3A_519] : memref<10621x128xf32, #tpu.memory_space<hbm>> -> memref<10621x128xf32, #tpu.memory_space<hbm>>
    tpu.enqueue_indirect_dma source(%arg7 : memref<128x128xf32, #tpu.memory_space<vmem>>) target(%dma_start3A_520 : memref<10621x128xf32, #tpu.memory_space<hbm>>) offsets(%dma_start3A_513 : memref<128xi32, #tpu.memory_space<vmem>>) semaphore(%arg9 : memref<!tpu.dma_semaphore, #tpu.memory_space<semaphore_mem>>)
    %dma_wait3A_521 = arith.constant 21 : i32
    %dma_wait3A_522 = arith.constant 0 : i32
    %dma_wait3A_523 = tpu.memref_slice %arg5[%dma_wait3A_521, %dma_wait3A_522] : memref<42x128xi32, #tpu.memory_space<vmem>> -> memref<1x128xi32, #tpu.memory_space<vmem>>
    %dma_wait3A_524 = tpu.memref_squeeze %dma_wait3A_523 : memref<1x128xi32, #tpu.memory_space<vmem>> -> memref<128xi32, #tpu.memory_space<vmem>>
    %dma_wait3A_525 = arith.constant 0 : i32
    %dma_wait3A_526 = arith.constant 0 : i32
    %dma_wait3A_527 = tpu.memref_slice %arg4[%select_n3A, %dma_wait3A_525, %dma_wait3A_526] : memref<8x10621x128xf32, #tpu.memory_space<hbm>> -> memref<1x10621x128xf32, #tpu.memory_space<hbm>>
    %dma_wait3A_528 = tpu.memref_squeeze %dma_wait3A_527 : memref<1x10621x128xf32, #tpu.memory_space<hbm>> -> memref<10621x128xf32, #tpu.memory_space<hbm>>
    %dma_wait3A_529 = arith.constant 0 : i32
    %dma_wait3A_530 = arith.constant 0 : i32
    %dma_wait3A_531 = tpu.memref_slice %dma_wait3A_528[%dma_wait3A_529, %dma_wait3A_530] : memref<10621x128xf32, #tpu.memory_space<hbm>> -> memref<10621x128xf32, #tpu.memory_space<hbm>>
    tpu.wait_indirect_dma semaphore(%arg9 : memref<!tpu.dma_semaphore, #tpu.memory_space<semaphore_mem>>) src(%arg6 : memref<128x128xf32, #tpu.memory_space<vmem>>) dst(%dma_wait3A_531 : memref<10621x128xf32, #tpu.memory_space<hbm>>)
    %dma_start3A_532 = arith.constant 24 : i32
    %dma_start3A_533 = arith.constant 0 : i32
    %dma_start3A_534 = tpu.memref_slice %arg5[%dma_start3A_532, %dma_start3A_533] : memref<42x128xi32, #tpu.memory_space<vmem>> -> memref<1x128xi32, #tpu.memory_space<vmem>>
    %dma_start3A_535 = tpu.memref_squeeze %dma_start3A_534 : memref<1x128xi32, #tpu.memory_space<vmem>> -> memref<128xi32, #tpu.memory_space<vmem>>
    %dma_start3A_536 = arith.constant 0 : i32
    %dma_start3A_537 = arith.constant 0 : i32
    %dma_start3A_538 = tpu.memref_slice %arg2[%select_n3A, %dma_start3A_536, %dma_start3A_537] : memref<8x16384x128xf32, #tpu.memory_space<hbm>> -> memref<1x16384x128xf32, #tpu.memory_space<hbm>>
    %dma_start3A_539 = tpu.memref_squeeze %dma_start3A_538 : memref<1x16384x128xf32, #tpu.memory_space<hbm>> -> memref<16384x128xf32, #tpu.memory_space<hbm>>
    %dma_start3A_540 = arith.constant 0 : i32
    %dma_start3A_541 = arith.constant 0 : i32
    %dma_start3A_542 = tpu.memref_slice %dma_start3A_539[%dma_start3A_540, %dma_start3A_541] : memref<16384x128xf32, #tpu.memory_space<hbm>> -> memref<16384x128xf32, #tpu.memory_space<hbm>>
    tpu.enqueue_indirect_dma source(%dma_start3A_542 : memref<16384x128xf32, #tpu.memory_space<hbm>>) target(%arg6 : memref<128x128xf32, #tpu.memory_space<vmem>>) offsets(%dma_start3A_535 : memref<128xi32, #tpu.memory_space<vmem>>) semaphore(%arg8 : memref<!tpu.dma_semaphore, #tpu.memory_space<semaphore_mem>>)
    %dma_wait3A_543 = arith.constant 24 : i32
    %dma_wait3A_544 = arith.constant 0 : i32
    %dma_wait3A_545 = tpu.memref_slice %arg5[%dma_wait3A_543, %dma_wait3A_544] : memref<42x128xi32, #tpu.memory_space<vmem>> -> memref<1x128xi32, #tpu.memory_space<vmem>>
    %dma_wait3A_546 = tpu.memref_squeeze %dma_wait3A_545 : memref<1x128xi32, #tpu.memory_space<vmem>> -> memref<128xi32, #tpu.memory_space<vmem>>
    %dma_wait3A_547 = arith.constant 0 : i32
    %dma_wait3A_548 = arith.constant 0 : i32
    %dma_wait3A_549 = tpu.memref_slice %arg2[%select_n3A, %dma_wait3A_547, %dma_wait3A_548] : memref<8x16384x128xf32, #tpu.memory_space<hbm>> -> memref<1x16384x128xf32, #tpu.memory_space<hbm>>
    %dma_wait3A_550 = tpu.memref_squeeze %dma_wait3A_549 : memref<1x16384x128xf32, #tpu.memory_space<hbm>> -> memref<16384x128xf32, #tpu.memory_space<hbm>>
    %dma_wait3A_551 = arith.constant 0 : i32
    %dma_wait3A_552 = arith.constant 0 : i32
    %dma_wait3A_553 = tpu.memref_slice %dma_wait3A_550[%dma_wait3A_551, %dma_wait3A_552] : memref<16384x128xf32, #tpu.memory_space<hbm>> -> memref<16384x128xf32, #tpu.memory_space<hbm>>
    tpu.wait_indirect_dma semaphore(%arg8 : memref<!tpu.dma_semaphore, #tpu.memory_space<semaphore_mem>>) src(%dma_wait3A_553 : memref<16384x128xf32, #tpu.memory_space<hbm>>) dst(%arg6 : memref<128x128xf32, #tpu.memory_space<vmem>>)
    %dma_start3A_554 = arith.constant 25 : i32
    %dma_start3A_555 = arith.constant 0 : i32
    %dma_start3A_556 = tpu.memref_slice %arg5[%dma_start3A_554, %dma_start3A_555] : memref<42x128xi32, #tpu.memory_space<vmem>> -> memref<1x128xi32, #tpu.memory_space<vmem>>
    %dma_start3A_557 = tpu.memref_squeeze %dma_start3A_556 : memref<1x128xi32, #tpu.memory_space<vmem>> -> memref<128xi32, #tpu.memory_space<vmem>>
    %dma_start3A_558 = arith.constant 0 : i32
    %dma_start3A_559 = arith.constant 0 : i32
    %dma_start3A_560 = tpu.memref_slice %arg4[%select_n3A, %dma_start3A_558, %dma_start3A_559] : memref<8x10621x128xf32, #tpu.memory_space<hbm>> -> memref<1x10621x128xf32, #tpu.memory_space<hbm>>
    %dma_start3A_561 = tpu.memref_squeeze %dma_start3A_560 : memref<1x10621x128xf32, #tpu.memory_space<hbm>> -> memref<10621x128xf32, #tpu.memory_space<hbm>>
    %dma_start3A_562 = arith.constant 0 : i32
    %dma_start3A_563 = arith.constant 0 : i32
    %dma_start3A_564 = tpu.memref_slice %dma_start3A_561[%dma_start3A_562, %dma_start3A_563] : memref<10621x128xf32, #tpu.memory_space<hbm>> -> memref<10621x128xf32, #tpu.memory_space<hbm>>
    tpu.enqueue_indirect_dma source(%arg6 : memref<128x128xf32, #tpu.memory_space<vmem>>) target(%dma_start3A_564 : memref<10621x128xf32, #tpu.memory_space<hbm>>) offsets(%dma_start3A_557 : memref<128xi32, #tpu.memory_space<vmem>>) semaphore(%arg9 : memref<!tpu.dma_semaphore, #tpu.memory_space<semaphore_mem>>)
    %dma_wait3A_565 = arith.constant 23 : i32
    %dma_wait3A_566 = arith.constant 0 : i32
    %dma_wait3A_567 = tpu.memref_slice %arg5[%dma_wait3A_565, %dma_wait3A_566] : memref<42x128xi32, #tpu.memory_space<vmem>> -> memref<1x128xi32, #tpu.memory_space<vmem>>
    %dma_wait3A_568 = tpu.memref_squeeze %dma_wait3A_567 : memref<1x128xi32, #tpu.memory_space<vmem>> -> memref<128xi32, #tpu.memory_space<vmem>>
    %dma_wait3A_569 = arith.constant 0 : i32
    %dma_wait3A_570 = arith.constant 0 : i32
    %dma_wait3A_571 = tpu.memref_slice %arg4[%select_n3A, %dma_wait3A_569, %dma_wait3A_570] : memref<8x10621x128xf32, #tpu.memory_space<hbm>> -> memref<1x10621x128xf32, #tpu.memory_space<hbm>>
    %dma_wait3A_572 = tpu.memref_squeeze %dma_wait3A_571 : memref<1x10621x128xf32, #tpu.memory_space<hbm>> -> memref<10621x128xf32, #tpu.memory_space<hbm>>
    %dma_wait3A_573 = arith.constant 0 : i32
    %dma_wait3A_574 = arith.constant 0 : i32
    %dma_wait3A_575 = tpu.memref_slice %dma_wait3A_572[%dma_wait3A_573, %dma_wait3A_574] : memref<10621x128xf32, #tpu.memory_space<hbm>> -> memref<10621x128xf32, #tpu.memory_space<hbm>>
    tpu.wait_indirect_dma semaphore(%arg9 : memref<!tpu.dma_semaphore, #tpu.memory_space<semaphore_mem>>) src(%arg7 : memref<128x128xf32, #tpu.memory_space<vmem>>) dst(%dma_wait3A_575 : memref<10621x128xf32, #tpu.memory_space<hbm>>)
    %dma_start3A_576 = arith.constant 26 : i32
    %dma_start3A_577 = arith.constant 0 : i32
    %dma_start3A_578 = tpu.memref_slice %arg5[%dma_start3A_576, %dma_start3A_577] : memref<42x128xi32, #tpu.memory_space<vmem>> -> memref<1x128xi32, #tpu.memory_space<vmem>>
    %dma_start3A_579 = tpu.memref_squeeze %dma_start3A_578 : memref<1x128xi32, #tpu.memory_space<vmem>> -> memref<128xi32, #tpu.memory_space<vmem>>
    %dma_start3A_580 = arith.constant 0 : i32
    %dma_start3A_581 = arith.constant 0 : i32
    %dma_start3A_582 = tpu.memref_slice %arg2[%select_n3A, %dma_start3A_580, %dma_start3A_581] : memref<8x16384x128xf32, #tpu.memory_space<hbm>> -> memref<1x16384x128xf32, #tpu.memory_space<hbm>>
    %dma_start3A_583 = tpu.memref_squeeze %dma_start3A_582 : memref<1x16384x128xf32, #tpu.memory_space<hbm>> -> memref<16384x128xf32, #tpu.memory_space<hbm>>
    %dma_start3A_584 = arith.constant 0 : i32
    %dma_start3A_585 = arith.constant 0 : i32
    %dma_start3A_586 = tpu.memref_slice %dma_start3A_583[%dma_start3A_584, %dma_start3A_585] : memref<16384x128xf32, #tpu.memory_space<hbm>> -> memref<16384x128xf32, #tpu.memory_space<hbm>>
    tpu.enqueue_indirect_dma source(%dma_start3A_586 : memref<16384x128xf32, #tpu.memory_space<hbm>>) target(%arg7 : memref<128x128xf32, #tpu.memory_space<vmem>>) offsets(%dma_start3A_579 : memref<128xi32, #tpu.memory_space<vmem>>) semaphore(%arg8 : memref<!tpu.dma_semaphore, #tpu.memory_space<semaphore_mem>>)
    %dma_wait3A_587 = arith.constant 26 : i32
    %dma_wait3A_588 = arith.constant 0 : i32
    %dma_wait3A_589 = tpu.memref_slice %arg5[%dma_wait3A_587, %dma_wait3A_588] : memref<42x128xi32, #tpu.memory_space<vmem>> -> memref<1x128xi32, #tpu.memory_space<vmem>>
    %dma_wait3A_590 = tpu.memref_squeeze %dma_wait3A_589 : memref<1x128xi32, #tpu.memory_space<vmem>> -> memref<128xi32, #tpu.memory_space<vmem>>
    %dma_wait3A_591 = arith.constant 0 : i32
    %dma_wait3A_592 = arith.constant 0 : i32
    %dma_wait3A_593 = tpu.memref_slice %arg2[%select_n3A, %dma_wait3A_591, %dma_wait3A_592] : memref<8x16384x128xf32, #tpu.memory_space<hbm>> -> memref<1x16384x128xf32, #tpu.memory_space<hbm>>
    %dma_wait3A_594 = tpu.memref_squeeze %dma_wait3A_593 : memref<1x16384x128xf32, #tpu.memory_space<hbm>> -> memref<16384x128xf32, #tpu.memory_space<hbm>>
    %dma_wait3A_595 = arith.constant 0 : i32
    %dma_wait3A_596 = arith.constant 0 : i32
    %dma_wait3A_597 = tpu.memref_slice %dma_wait3A_594[%dma_wait3A_595, %dma_wait3A_596] : memref<16384x128xf32, #tpu.memory_space<hbm>> -> memref<16384x128xf32, #tpu.memory_space<hbm>>
    tpu.wait_indirect_dma semaphore(%arg8 : memref<!tpu.dma_semaphore, #tpu.memory_space<semaphore_mem>>) src(%dma_wait3A_597 : memref<16384x128xf32, #tpu.memory_space<hbm>>) dst(%arg7 : memref<128x128xf32, #tpu.memory_space<vmem>>)
    %dma_start3A_598 = arith.constant 27 : i32
    %dma_start3A_599 = arith.constant 0 : i32
    %dma_start3A_600 = tpu.memref_slice %arg5[%dma_start3A_598, %dma_start3A_599] : memref<42x128xi32, #tpu.memory_space<vmem>> -> memref<1x128xi32, #tpu.memory_space<vmem>>
    %dma_start3A_601 = tpu.memref_squeeze %dma_start3A_600 : memref<1x128xi32, #tpu.memory_space<vmem>> -> memref<128xi32, #tpu.memory_space<vmem>>
    %dma_start3A_602 = arith.constant 0 : i32
    %dma_start3A_603 = arith.constant 0 : i32
    %dma_start3A_604 = tpu.memref_slice %arg4[%select_n3A, %dma_start3A_602, %dma_start3A_603] : memref<8x10621x128xf32, #tpu.memory_space<hbm>> -> memref<1x10621x128xf32, #tpu.memory_space<hbm>>
    %dma_start3A_605 = tpu.memref_squeeze %dma_start3A_604 : memref<1x10621x128xf32, #tpu.memory_space<hbm>> -> memref<10621x128xf32, #tpu.memory_space<hbm>>
    %dma_start3A_606 = arith.constant 0 : i32
    %dma_start3A_607 = arith.constant 0 : i32
    %dma_start3A_608 = tpu.memref_slice %dma_start3A_605[%dma_start3A_606, %dma_start3A_607] : memref<10621x128xf32, #tpu.memory_space<hbm>> -> memref<10621x128xf32, #tpu.memory_space<hbm>>
    tpu.enqueue_indirect_dma source(%arg7 : memref<128x128xf32, #tpu.memory_space<vmem>>) target(%dma_start3A_608 : memref<10621x128xf32, #tpu.memory_space<hbm>>) offsets(%dma_start3A_601 : memref<128xi32, #tpu.memory_space<vmem>>) semaphore(%arg9 : memref<!tpu.dma_semaphore, #tpu.memory_space<semaphore_mem>>)
    %dma_wait3A_609 = arith.constant 25 : i32
    %dma_wait3A_610 = arith.constant 0 : i32
    %dma_wait3A_611 = tpu.memref_slice %arg5[%dma_wait3A_609, %dma_wait3A_610] : memref<42x128xi32, #tpu.memory_space<vmem>> -> memref<1x128xi32, #tpu.memory_space<vmem>>
    %dma_wait3A_612 = tpu.memref_squeeze %dma_wait3A_611 : memref<1x128xi32, #tpu.memory_space<vmem>> -> memref<128xi32, #tpu.memory_space<vmem>>
    %dma_wait3A_613 = arith.constant 0 : i32
    %dma_wait3A_614 = arith.constant 0 : i32
    %dma_wait3A_615 = tpu.memref_slice %arg4[%select_n3A, %dma_wait3A_613, %dma_wait3A_614] : memref<8x10621x128xf32, #tpu.memory_space<hbm>> -> memref<1x10621x128xf32, #tpu.memory_space<hbm>>
    %dma_wait3A_616 = tpu.memref_squeeze %dma_wait3A_615 : memref<1x10621x128xf32, #tpu.memory_space<hbm>> -> memref<10621x128xf32, #tpu.memory_space<hbm>>
    %dma_wait3A_617 = arith.constant 0 : i32
    %dma_wait3A_618 = arith.constant 0 : i32
    %dma_wait3A_619 = tpu.memref_slice %dma_wait3A_616[%dma_wait3A_617, %dma_wait3A_618] : memref<10621x128xf32, #tpu.memory_space<hbm>> -> memref<10621x128xf32, #tpu.memory_space<hbm>>
    tpu.wait_indirect_dma semaphore(%arg9 : memref<!tpu.dma_semaphore, #tpu.memory_space<semaphore_mem>>) src(%arg6 : memref<128x128xf32, #tpu.memory_space<vmem>>) dst(%dma_wait3A_619 : memref<10621x128xf32, #tpu.memory_space<hbm>>)
    %dma_start3A_620 = arith.constant 28 : i32
    %dma_start3A_621 = arith.constant 0 : i32
    %dma_start3A_622 = tpu.memref_slice %arg5[%dma_start3A_620, %dma_start3A_621] : memref<42x128xi32, #tpu.memory_space<vmem>> -> memref<1x128xi32, #tpu.memory_space<vmem>>
    %dma_start3A_623 = tpu.memref_squeeze %dma_start3A_622 : memref<1x128xi32, #tpu.memory_space<vmem>> -> memref<128xi32, #tpu.memory_space<vmem>>
    %dma_start3A_624 = arith.constant 0 : i32
    %dma_start3A_625 = arith.constant 0 : i32
    %dma_start3A_626 = tpu.memref_slice %arg2[%select_n3A, %dma_start3A_624, %dma_start3A_625] : memref<8x16384x128xf32, #tpu.memory_space<hbm>> -> memref<1x16384x128xf32, #tpu.memory_space<hbm>>
    %dma_start3A_627 = tpu.memref_squeeze %dma_start3A_626 : memref<1x16384x128xf32, #tpu.memory_space<hbm>> -> memref<16384x128xf32, #tpu.memory_space<hbm>>
    %dma_start3A_628 = arith.constant 0 : i32
    %dma_start3A_629 = arith.constant 0 : i32
    %dma_start3A_630 = tpu.memref_slice %dma_start3A_627[%dma_start3A_628, %dma_start3A_629] : memref<16384x128xf32, #tpu.memory_space<hbm>> -> memref<16384x128xf32, #tpu.memory_space<hbm>>
    tpu.enqueue_indirect_dma source(%dma_start3A_630 : memref<16384x128xf32, #tpu.memory_space<hbm>>) target(%arg6 : memref<128x128xf32, #tpu.memory_space<vmem>>) offsets(%dma_start3A_623 : memref<128xi32, #tpu.memory_space<vmem>>) semaphore(%arg8 : memref<!tpu.dma_semaphore, #tpu.memory_space<semaphore_mem>>)
    %dma_wait3A_631 = arith.constant 28 : i32
    %dma_wait3A_632 = arith.constant 0 : i32
    %dma_wait3A_633 = tpu.memref_slice %arg5[%dma_wait3A_631, %dma_wait3A_632] : memref<42x128xi32, #tpu.memory_space<vmem>> -> memref<1x128xi32, #tpu.memory_space<vmem>>
    %dma_wait3A_634 = tpu.memref_squeeze %dma_wait3A_633 : memref<1x128xi32, #tpu.memory_space<vmem>> -> memref<128xi32, #tpu.memory_space<vmem>>
    %dma_wait3A_635 = arith.constant 0 : i32
    %dma_wait3A_636 = arith.constant 0 : i32
    %dma_wait3A_637 = tpu.memref_slice %arg2[%select_n3A, %dma_wait3A_635, %dma_wait3A_636] : memref<8x16384x128xf32, #tpu.memory_space<hbm>> -> memref<1x16384x128xf32, #tpu.memory_space<hbm>>
    %dma_wait3A_638 = tpu.memref_squeeze %dma_wait3A_637 : memref<1x16384x128xf32, #tpu.memory_space<hbm>> -> memref<16384x128xf32, #tpu.memory_space<hbm>>
    %dma_wait3A_639 = arith.constant 0 : i32
    %dma_wait3A_640 = arith.constant 0 : i32
    %dma_wait3A_641 = tpu.memref_slice %dma_wait3A_638[%dma_wait3A_639, %dma_wait3A_640] : memref<16384x128xf32, #tpu.memory_space<hbm>> -> memref<16384x128xf32, #tpu.memory_space<hbm>>
    tpu.wait_indirect_dma semaphore(%arg8 : memref<!tpu.dma_semaphore, #tpu.memory_space<semaphore_mem>>) src(%dma_wait3A_641 : memref<16384x128xf32, #tpu.memory_space<hbm>>) dst(%arg6 : memref<128x128xf32, #tpu.memory_space<vmem>>)
    %dma_start3A_642 = arith.constant 29 : i32
    %dma_start3A_643 = arith.constant 0 : i32
    %dma_start3A_644 = tpu.memref_slice %arg5[%dma_start3A_642, %dma_start3A_643] : memref<42x128xi32, #tpu.memory_space<vmem>> -> memref<1x128xi32, #tpu.memory_space<vmem>>
    %dma_start3A_645 = tpu.memref_squeeze %dma_start3A_644 : memref<1x128xi32, #tpu.memory_space<vmem>> -> memref<128xi32, #tpu.memory_space<vmem>>
    %dma_start3A_646 = arith.constant 0 : i32
    %dma_start3A_647 = arith.constant 0 : i32
    %dma_start3A_648 = tpu.memref_slice %arg4[%select_n3A, %dma_start3A_646, %dma_start3A_647] : memref<8x10621x128xf32, #tpu.memory_space<hbm>> -> memref<1x10621x128xf32, #tpu.memory_space<hbm>>
    %dma_start3A_649 = tpu.memref_squeeze %dma_start3A_648 : memref<1x10621x128xf32, #tpu.memory_space<hbm>> -> memref<10621x128xf32, #tpu.memory_space<hbm>>
    %dma_start3A_650 = arith.constant 0 : i32
    %dma_start3A_651 = arith.constant 0 : i32
    %dma_start3A_652 = tpu.memref_slice %dma_start3A_649[%dma_start3A_650, %dma_start3A_651] : memref<10621x128xf32, #tpu.memory_space<hbm>> -> memref<10621x128xf32, #tpu.memory_space<hbm>>
    tpu.enqueue_indirect_dma source(%arg6 : memref<128x128xf32, #tpu.memory_space<vmem>>) target(%dma_start3A_652 : memref<10621x128xf32, #tpu.memory_space<hbm>>) offsets(%dma_start3A_645 : memref<128xi32, #tpu.memory_space<vmem>>) semaphore(%arg9 : memref<!tpu.dma_semaphore, #tpu.memory_space<semaphore_mem>>)
    %dma_wait3A_653 = arith.constant 27 : i32
    %dma_wait3A_654 = arith.constant 0 : i32
    %dma_wait3A_655 = tpu.memref_slice %arg5[%dma_wait3A_653, %dma_wait3A_654] : memref<42x128xi32, #tpu.memory_space<vmem>> -> memref<1x128xi32, #tpu.memory_space<vmem>>
    %dma_wait3A_656 = tpu.memref_squeeze %dma_wait3A_655 : memref<1x128xi32, #tpu.memory_space<vmem>> -> memref<128xi32, #tpu.memory_space<vmem>>
    %dma_wait3A_657 = arith.constant 0 : i32
    %dma_wait3A_658 = arith.constant 0 : i32
    %dma_wait3A_659 = tpu.memref_slice %arg4[%select_n3A, %dma_wait3A_657, %dma_wait3A_658] : memref<8x10621x128xf32, #tpu.memory_space<hbm>> -> memref<1x10621x128xf32, #tpu.memory_space<hbm>>
    %dma_wait3A_660 = tpu.memref_squeeze %dma_wait3A_659 : memref<1x10621x128xf32, #tpu.memory_space<hbm>> -> memref<10621x128xf32, #tpu.memory_space<hbm>>
    %dma_wait3A_661 = arith.constant 0 : i32
    %dma_wait3A_662 = arith.constant 0 : i32
    %dma_wait3A_663 = tpu.memref_slice %dma_wait3A_660[%dma_wait3A_661, %dma_wait3A_662] : memref<10621x128xf32, #tpu.memory_space<hbm>> -> memref<10621x128xf32, #tpu.memory_space<hbm>>
    tpu.wait_indirect_dma semaphore(%arg9 : memref<!tpu.dma_semaphore, #tpu.memory_space<semaphore_mem>>) src(%arg7 : memref<128x128xf32, #tpu.memory_space<vmem>>) dst(%dma_wait3A_663 : memref<10621x128xf32, #tpu.memory_space<hbm>>)
    %dma_start3A_664 = arith.constant 30 : i32
    %dma_start3A_665 = arith.constant 0 : i32
    %dma_start3A_666 = tpu.memref_slice %arg5[%dma_start3A_664, %dma_start3A_665] : memref<42x128xi32, #tpu.memory_space<vmem>> -> memref<1x128xi32, #tpu.memory_space<vmem>>
    %dma_start3A_667 = tpu.memref_squeeze %dma_start3A_666 : memref<1x128xi32, #tpu.memory_space<vmem>> -> memref<128xi32, #tpu.memory_space<vmem>>
    %dma_start3A_668 = arith.constant 0 : i32
    %dma_start3A_669 = arith.constant 0 : i32
    %dma_start3A_670 = tpu.memref_slice %arg2[%select_n3A, %dma_start3A_668, %dma_start3A_669] : memref<8x16384x128xf32, #tpu.memory_space<hbm>> -> memref<1x16384x128xf32, #tpu.memory_space<hbm>>
    %dma_start3A_671 = tpu.memref_squeeze %dma_start3A_670 : memref<1x16384x128xf32, #tpu.memory_space<hbm>> -> memref<16384x128xf32, #tpu.memory_space<hbm>>
    %dma_start3A_672 = arith.constant 0 : i32
    %dma_start3A_673 = arith.constant 0 : i32
    %dma_start3A_674 = tpu.memref_slice %dma_start3A_671[%dma_start3A_672, %dma_start3A_673] : memref<16384x128xf32, #tpu.memory_space<hbm>> -> memref<16384x128xf32, #tpu.memory_space<hbm>>
    tpu.enqueue_indirect_dma source(%dma_start3A_674 : memref<16384x128xf32, #tpu.memory_space<hbm>>) target(%arg7 : memref<128x128xf32, #tpu.memory_space<vmem>>) offsets(%dma_start3A_667 : memref<128xi32, #tpu.memory_space<vmem>>) semaphore(%arg8 : memref<!tpu.dma_semaphore, #tpu.memory_space<semaphore_mem>>)
    %dma_wait3A_675 = arith.constant 30 : i32
    %dma_wait3A_676 = arith.constant 0 : i32
    %dma_wait3A_677 = tpu.memref_slice %arg5[%dma_wait3A_675, %dma_wait3A_676] : memref<42x128xi32, #tpu.memory_space<vmem>> -> memref<1x128xi32, #tpu.memory_space<vmem>>
    %dma_wait3A_678 = tpu.memref_squeeze %dma_wait3A_677 : memref<1x128xi32, #tpu.memory_space<vmem>> -> memref<128xi32, #tpu.memory_space<vmem>>
    %dma_wait3A_679 = arith.constant 0 : i32
    %dma_wait3A_680 = arith.constant 0 : i32
    %dma_wait3A_681 = tpu.memref_slice %arg2[%select_n3A, %dma_wait3A_679, %dma_wait3A_680] : memref<8x16384x128xf32, #tpu.memory_space<hbm>> -> memref<1x16384x128xf32, #tpu.memory_space<hbm>>
    %dma_wait3A_682 = tpu.memref_squeeze %dma_wait3A_681 : memref<1x16384x128xf32, #tpu.memory_space<hbm>> -> memref<16384x128xf32, #tpu.memory_space<hbm>>
    %dma_wait3A_683 = arith.constant 0 : i32
    %dma_wait3A_684 = arith.constant 0 : i32
    %dma_wait3A_685 = tpu.memref_slice %dma_wait3A_682[%dma_wait3A_683, %dma_wait3A_684] : memref<16384x128xf32, #tpu.memory_space<hbm>> -> memref<16384x128xf32, #tpu.memory_space<hbm>>
    tpu.wait_indirect_dma semaphore(%arg8 : memref<!tpu.dma_semaphore, #tpu.memory_space<semaphore_mem>>) src(%dma_wait3A_685 : memref<16384x128xf32, #tpu.memory_space<hbm>>) dst(%arg7 : memref<128x128xf32, #tpu.memory_space<vmem>>)
    %dma_start3A_686 = arith.constant 31 : i32
    %dma_start3A_687 = arith.constant 0 : i32
    %dma_start3A_688 = tpu.memref_slice %arg5[%dma_start3A_686, %dma_start3A_687] : memref<42x128xi32, #tpu.memory_space<vmem>> -> memref<1x128xi32, #tpu.memory_space<vmem>>
    %dma_start3A_689 = tpu.memref_squeeze %dma_start3A_688 : memref<1x128xi32, #tpu.memory_space<vmem>> -> memref<128xi32, #tpu.memory_space<vmem>>
    %dma_start3A_690 = arith.constant 0 : i32
    %dma_start3A_691 = arith.constant 0 : i32
    %dma_start3A_692 = tpu.memref_slice %arg4[%select_n3A, %dma_start3A_690, %dma_start3A_691] : memref<8x10621x128xf32, #tpu.memory_space<hbm>> -> memref<1x10621x128xf32, #tpu.memory_space<hbm>>
    %dma_start3A_693 = tpu.memref_squeeze %dma_start3A_692 : memref<1x10621x128xf32, #tpu.memory_space<hbm>> -> memref<10621x128xf32, #tpu.memory_space<hbm>>
    %dma_start3A_694 = arith.constant 0 : i32
    %dma_start3A_695 = arith.constant 0 : i32
    %dma_start3A_696 = tpu.memref_slice %dma_start3A_693[%dma_start3A_694, %dma_start3A_695] : memref<10621x128xf32, #tpu.memory_space<hbm>> -> memref<10621x128xf32, #tpu.memory_space<hbm>>
    tpu.enqueue_indirect_dma source(%arg7 : memref<128x128xf32, #tpu.memory_space<vmem>>) target(%dma_start3A_696 : memref<10621x128xf32, #tpu.memory_space<hbm>>) offsets(%dma_start3A_689 : memref<128xi32, #tpu.memory_space<vmem>>) semaphore(%arg9 : memref<!tpu.dma_semaphore, #tpu.memory_space<semaphore_mem>>)
    %dma_wait3A_697 = arith.constant 29 : i32
    %dma_wait3A_698 = arith.constant 0 : i32
    %dma_wait3A_699 = tpu.memref_slice %arg5[%dma_wait3A_697, %dma_wait3A_698] : memref<42x128xi32, #tpu.memory_space<vmem>> -> memref<1x128xi32, #tpu.memory_space<vmem>>
    %dma_wait3A_700 = tpu.memref_squeeze %dma_wait3A_699 : memref<1x128xi32, #tpu.memory_space<vmem>> -> memref<128xi32, #tpu.memory_space<vmem>>
    %dma_wait3A_701 = arith.constant 0 : i32
    %dma_wait3A_702 = arith.constant 0 : i32
    %dma_wait3A_703 = tpu.memref_slice %arg4[%select_n3A, %dma_wait3A_701, %dma_wait3A_702] : memref<8x10621x128xf32, #tpu.memory_space<hbm>> -> memref<1x10621x128xf32, #tpu.memory_space<hbm>>
    %dma_wait3A_704 = tpu.memref_squeeze %dma_wait3A_703 : memref<1x10621x128xf32, #tpu.memory_space<hbm>> -> memref<10621x128xf32, #tpu.memory_space<hbm>>
    %dma_wait3A_705 = arith.constant 0 : i32
    %dma_wait3A_706 = arith.constant 0 : i32
    %dma_wait3A_707 = tpu.memref_slice %dma_wait3A_704[%dma_wait3A_705, %dma_wait3A_706] : memref<10621x128xf32, #tpu.memory_space<hbm>> -> memref<10621x128xf32, #tpu.memory_space<hbm>>
    tpu.wait_indirect_dma semaphore(%arg9 : memref<!tpu.dma_semaphore, #tpu.memory_space<semaphore_mem>>) src(%arg6 : memref<128x128xf32, #tpu.memory_space<vmem>>) dst(%dma_wait3A_707 : memref<10621x128xf32, #tpu.memory_space<hbm>>)
    %dma_start3A_708 = arith.constant 32 : i32
    %dma_start3A_709 = arith.constant 0 : i32
    %dma_start3A_710 = tpu.memref_slice %arg5[%dma_start3A_708, %dma_start3A_709] : memref<42x128xi32, #tpu.memory_space<vmem>> -> memref<1x128xi32, #tpu.memory_space<vmem>>
    %dma_start3A_711 = tpu.memref_squeeze %dma_start3A_710 : memref<1x128xi32, #tpu.memory_space<vmem>> -> memref<128xi32, #tpu.memory_space<vmem>>
    %dma_start3A_712 = arith.constant 0 : i32
    %dma_start3A_713 = arith.constant 0 : i32
    %dma_start3A_714 = tpu.memref_slice %arg2[%select_n3A, %dma_start3A_712, %dma_start3A_713] : memref<8x16384x128xf32, #tpu.memory_space<hbm>> -> memref<1x16384x128xf32, #tpu.memory_space<hbm>>
    %dma_start3A_715 = tpu.memref_squeeze %dma_start3A_714 : memref<1x16384x128xf32, #tpu.memory_space<hbm>> -> memref<16384x128xf32, #tpu.memory_space<hbm>>
    %dma_start3A_716 = arith.constant 0 : i32
    %dma_start3A_717 = arith.constant 0 : i32
    %dma_start3A_718 = tpu.memref_slice %dma_start3A_715[%dma_start3A_716, %dma_start3A_717] : memref<16384x128xf32, #tpu.memory_space<hbm>> -> memref<16384x128xf32, #tpu.memory_space<hbm>>
    tpu.enqueue_indirect_dma source(%dma_start3A_718 : memref<16384x128xf32, #tpu.memory_space<hbm>>) target(%arg6 : memref<128x128xf32, #tpu.memory_space<vmem>>) offsets(%dma_start3A_711 : memref<128xi32, #tpu.memory_space<vmem>>) semaphore(%arg8 : memref<!tpu.dma_semaphore, #tpu.memory_space<semaphore_mem>>)
    %dma_wait3A_719 = arith.constant 32 : i32
    %dma_wait3A_720 = arith.constant 0 : i32
    %dma_wait3A_721 = tpu.memref_slice %arg5[%dma_wait3A_719, %dma_wait3A_720] : memref<42x128xi32, #tpu.memory_space<vmem>> -> memref<1x128xi32, #tpu.memory_space<vmem>>
    %dma_wait3A_722 = tpu.memref_squeeze %dma_wait3A_721 : memref<1x128xi32, #tpu.memory_space<vmem>> -> memref<128xi32, #tpu.memory_space<vmem>>
    %dma_wait3A_723 = arith.constant 0 : i32
    %dma_wait3A_724 = arith.constant 0 : i32
    %dma_wait3A_725 = tpu.memref_slice %arg2[%select_n3A, %dma_wait3A_723, %dma_wait3A_724] : memref<8x16384x128xf32, #tpu.memory_space<hbm>> -> memref<1x16384x128xf32, #tpu.memory_space<hbm>>
    %dma_wait3A_726 = tpu.memref_squeeze %dma_wait3A_725 : memref<1x16384x128xf32, #tpu.memory_space<hbm>> -> memref<16384x128xf32, #tpu.memory_space<hbm>>
    %dma_wait3A_727 = arith.constant 0 : i32
    %dma_wait3A_728 = arith.constant 0 : i32
    %dma_wait3A_729 = tpu.memref_slice %dma_wait3A_726[%dma_wait3A_727, %dma_wait3A_728] : memref<16384x128xf32, #tpu.memory_space<hbm>> -> memref<16384x128xf32, #tpu.memory_space<hbm>>
    tpu.wait_indirect_dma semaphore(%arg8 : memref<!tpu.dma_semaphore, #tpu.memory_space<semaphore_mem>>) src(%dma_wait3A_729 : memref<16384x128xf32, #tpu.memory_space<hbm>>) dst(%arg6 : memref<128x128xf32, #tpu.memory_space<vmem>>)
    %dma_start3A_730 = arith.constant 33 : i32
    %dma_start3A_731 = arith.constant 0 : i32
    %dma_start3A_732 = tpu.memref_slice %arg5[%dma_start3A_730, %dma_start3A_731] : memref<42x128xi32, #tpu.memory_space<vmem>> -> memref<1x128xi32, #tpu.memory_space<vmem>>
    %dma_start3A_733 = tpu.memref_squeeze %dma_start3A_732 : memref<1x128xi32, #tpu.memory_space<vmem>> -> memref<128xi32, #tpu.memory_space<vmem>>
    %dma_start3A_734 = arith.constant 0 : i32
    %dma_start3A_735 = arith.constant 0 : i32
    %dma_start3A_736 = tpu.memref_slice %arg4[%select_n3A, %dma_start3A_734, %dma_start3A_735] : memref<8x10621x128xf32, #tpu.memory_space<hbm>> -> memref<1x10621x128xf32, #tpu.memory_space<hbm>>
    %dma_start3A_737 = tpu.memref_squeeze %dma_start3A_736 : memref<1x10621x128xf32, #tpu.memory_space<hbm>> -> memref<10621x128xf32, #tpu.memory_space<hbm>>
    %dma_start3A_738 = arith.constant 0 : i32
    %dma_start3A_739 = arith.constant 0 : i32
    %dma_start3A_740 = tpu.memref_slice %dma_start3A_737[%dma_start3A_738, %dma_start3A_739] : memref<10621x128xf32, #tpu.memory_space<hbm>> -> memref<10621x128xf32, #tpu.memory_space<hbm>>
    tpu.enqueue_indirect_dma source(%arg6 : memref<128x128xf32, #tpu.memory_space<vmem>>) target(%dma_start3A_740 : memref<10621x128xf32, #tpu.memory_space<hbm>>) offsets(%dma_start3A_733 : memref<128xi32, #tpu.memory_space<vmem>>) semaphore(%arg9 : memref<!tpu.dma_semaphore, #tpu.memory_space<semaphore_mem>>)
    %dma_wait3A_741 = arith.constant 31 : i32
    %dma_wait3A_742 = arith.constant 0 : i32
    %dma_wait3A_743 = tpu.memref_slice %arg5[%dma_wait3A_741, %dma_wait3A_742] : memref<42x128xi32, #tpu.memory_space<vmem>> -> memref<1x128xi32, #tpu.memory_space<vmem>>
    %dma_wait3A_744 = tpu.memref_squeeze %dma_wait3A_743 : memref<1x128xi32, #tpu.memory_space<vmem>> -> memref<128xi32, #tpu.memory_space<vmem>>
    %dma_wait3A_745 = arith.constant 0 : i32
    %dma_wait3A_746 = arith.constant 0 : i32
    %dma_wait3A_747 = tpu.memref_slice %arg4[%select_n3A, %dma_wait3A_745, %dma_wait3A_746] : memref<8x10621x128xf32, #tpu.memory_space<hbm>> -> memref<1x10621x128xf32, #tpu.memory_space<hbm>>
    %dma_wait3A_748 = tpu.memref_squeeze %dma_wait3A_747 : memref<1x10621x128xf32, #tpu.memory_space<hbm>> -> memref<10621x128xf32, #tpu.memory_space<hbm>>
    %dma_wait3A_749 = arith.constant 0 : i32
    %dma_wait3A_750 = arith.constant 0 : i32
    %dma_wait3A_751 = tpu.memref_slice %dma_wait3A_748[%dma_wait3A_749, %dma_wait3A_750] : memref<10621x128xf32, #tpu.memory_space<hbm>> -> memref<10621x128xf32, #tpu.memory_space<hbm>>
    tpu.wait_indirect_dma semaphore(%arg9 : memref<!tpu.dma_semaphore, #tpu.memory_space<semaphore_mem>>) src(%arg7 : memref<128x128xf32, #tpu.memory_space<vmem>>) dst(%dma_wait3A_751 : memref<10621x128xf32, #tpu.memory_space<hbm>>)
    %dma_start3A_752 = arith.constant 34 : i32
    %dma_start3A_753 = arith.constant 0 : i32
    %dma_start3A_754 = tpu.memref_slice %arg5[%dma_start3A_752, %dma_start3A_753] : memref<42x128xi32, #tpu.memory_space<vmem>> -> memref<1x128xi32, #tpu.memory_space<vmem>>
    %dma_start3A_755 = tpu.memref_squeeze %dma_start3A_754 : memref<1x128xi32, #tpu.memory_space<vmem>> -> memref<128xi32, #tpu.memory_space<vmem>>
    %dma_start3A_756 = arith.constant 0 : i32
    %dma_start3A_757 = arith.constant 0 : i32
    %dma_start3A_758 = tpu.memref_slice %arg2[%select_n3A, %dma_start3A_756, %dma_start3A_757] : memref<8x16384x128xf32, #tpu.memory_space<hbm>> -> memref<1x16384x128xf32, #tpu.memory_space<hbm>>
    %dma_start3A_759 = tpu.memref_squeeze %dma_start3A_758 : memref<1x16384x128xf32, #tpu.memory_space<hbm>> -> memref<16384x128xf32, #tpu.memory_space<hbm>>
    %dma_start3A_760 = arith.constant 0 : i32
    %dma_start3A_761 = arith.constant 0 : i32
    %dma_start3A_762 = tpu.memref_slice %dma_start3A_759[%dma_start3A_760, %dma_start3A_761] : memref<16384x128xf32, #tpu.memory_space<hbm>> -> memref<16384x128xf32, #tpu.memory_space<hbm>>
    tpu.enqueue_indirect_dma source(%dma_start3A_762 : memref<16384x128xf32, #tpu.memory_space<hbm>>) target(%arg7 : memref<128x128xf32, #tpu.memory_space<vmem>>) offsets(%dma_start3A_755 : memref<128xi32, #tpu.memory_space<vmem>>) semaphore(%arg8 : memref<!tpu.dma_semaphore, #tpu.memory_space<semaphore_mem>>)
    %dma_wait3A_763 = arith.constant 34 : i32
    %dma_wait3A_764 = arith.constant 0 : i32
    %dma_wait3A_765 = tpu.memref_slice %arg5[%dma_wait3A_763, %dma_wait3A_764] : memref<42x128xi32, #tpu.memory_space<vmem>> -> memref<1x128xi32, #tpu.memory_space<vmem>>
    %dma_wait3A_766 = tpu.memref_squeeze %dma_wait3A_765 : memref<1x128xi32, #tpu.memory_space<vmem>> -> memref<128xi32, #tpu.memory_space<vmem>>
    %dma_wait3A_767 = arith.constant 0 : i32
    %dma_wait3A_768 = arith.constant 0 : i32
    %dma_wait3A_769 = tpu.memref_slice %arg2[%select_n3A, %dma_wait3A_767, %dma_wait3A_768] : memref<8x16384x128xf32, #tpu.memory_space<hbm>> -> memref<1x16384x128xf32, #tpu.memory_space<hbm>>
    %dma_wait3A_770 = tpu.memref_squeeze %dma_wait3A_769 : memref<1x16384x128xf32, #tpu.memory_space<hbm>> -> memref<16384x128xf32, #tpu.memory_space<hbm>>
    %dma_wait3A_771 = arith.constant 0 : i32
    %dma_wait3A_772 = arith.constant 0 : i32
    %dma_wait3A_773 = tpu.memref_slice %dma_wait3A_770[%dma_wait3A_771, %dma_wait3A_772] : memref<16384x128xf32, #tpu.memory_space<hbm>> -> memref<16384x128xf32, #tpu.memory_space<hbm>>
    tpu.wait_indirect_dma semaphore(%arg8 : memref<!tpu.dma_semaphore, #tpu.memory_space<semaphore_mem>>) src(%dma_wait3A_773 : memref<16384x128xf32, #tpu.memory_space<hbm>>) dst(%arg7 : memref<128x128xf32, #tpu.memory_space<vmem>>)
    %dma_start3A_774 = arith.constant 35 : i32
    %dma_start3A_775 = arith.constant 0 : i32
    %dma_start3A_776 = tpu.memref_slice %arg5[%dma_start3A_774, %dma_start3A_775] : memref<42x128xi32, #tpu.memory_space<vmem>> -> memref<1x128xi32, #tpu.memory_space<vmem>>
    %dma_start3A_777 = tpu.memref_squeeze %dma_start3A_776 : memref<1x128xi32, #tpu.memory_space<vmem>> -> memref<128xi32, #tpu.memory_space<vmem>>
    %dma_start3A_778 = arith.constant 0 : i32
    %dma_start3A_779 = arith.constant 0 : i32
    %dma_start3A_780 = tpu.memref_slice %arg4[%select_n3A, %dma_start3A_778, %dma_start3A_779] : memref<8x10621x128xf32, #tpu.memory_space<hbm>> -> memref<1x10621x128xf32, #tpu.memory_space<hbm>>
    %dma_start3A_781 = tpu.memref_squeeze %dma_start3A_780 : memref<1x10621x128xf32, #tpu.memory_space<hbm>> -> memref<10621x128xf32, #tpu.memory_space<hbm>>
    %dma_start3A_782 = arith.constant 0 : i32
    %dma_start3A_783 = arith.constant 0 : i32
    %dma_start3A_784 = tpu.memref_slice %dma_start3A_781[%dma_start3A_782, %dma_start3A_783] : memref<10621x128xf32, #tpu.memory_space<hbm>> -> memref<10621x128xf32, #tpu.memory_space<hbm>>
    tpu.enqueue_indirect_dma source(%arg7 : memref<128x128xf32, #tpu.memory_space<vmem>>) target(%dma_start3A_784 : memref<10621x128xf32, #tpu.memory_space<hbm>>) offsets(%dma_start3A_777 : memref<128xi32, #tpu.memory_space<vmem>>) semaphore(%arg9 : memref<!tpu.dma_semaphore, #tpu.memory_space<semaphore_mem>>)
    %dma_wait3A_785 = arith.constant 33 : i32
    %dma_wait3A_786 = arith.constant 0 : i32
    %dma_wait3A_787 = tpu.memref_slice %arg5[%dma_wait3A_785, %dma_wait3A_786] : memref<42x128xi32, #tpu.memory_space<vmem>> -> memref<1x128xi32, #tpu.memory_space<vmem>>
    %dma_wait3A_788 = tpu.memref_squeeze %dma_wait3A_787 : memref<1x128xi32, #tpu.memory_space<vmem>> -> memref<128xi32, #tpu.memory_space<vmem>>
    %dma_wait3A_789 = arith.constant 0 : i32
    %dma_wait3A_790 = arith.constant 0 : i32
    %dma_wait3A_791 = tpu.memref_slice %arg4[%select_n3A, %dma_wait3A_789, %dma_wait3A_790] : memref<8x10621x128xf32, #tpu.memory_space<hbm>> -> memref<1x10621x128xf32, #tpu.memory_space<hbm>>
    %dma_wait3A_792 = tpu.memref_squeeze %dma_wait3A_791 : memref<1x10621x128xf32, #tpu.memory_space<hbm>> -> memref<10621x128xf32, #tpu.memory_space<hbm>>
    %dma_wait3A_793 = arith.constant 0 : i32
    %dma_wait3A_794 = arith.constant 0 : i32
    %dma_wait3A_795 = tpu.memref_slice %dma_wait3A_792[%dma_wait3A_793, %dma_wait3A_794] : memref<10621x128xf32, #tpu.memory_space<hbm>> -> memref<10621x128xf32, #tpu.memory_space<hbm>>
    tpu.wait_indirect_dma semaphore(%arg9 : memref<!tpu.dma_semaphore, #tpu.memory_space<semaphore_mem>>) src(%arg6 : memref<128x128xf32, #tpu.memory_space<vmem>>) dst(%dma_wait3A_795 : memref<10621x128xf32, #tpu.memory_space<hbm>>)
    %dma_start3A_796 = arith.constant 36 : i32
    %dma_start3A_797 = arith.constant 0 : i32
    %dma_start3A_798 = tpu.memref_slice %arg5[%dma_start3A_796, %dma_start3A_797] : memref<42x128xi32, #tpu.memory_space<vmem>> -> memref<1x128xi32, #tpu.memory_space<vmem>>
    %dma_start3A_799 = tpu.memref_squeeze %dma_start3A_798 : memref<1x128xi32, #tpu.memory_space<vmem>> -> memref<128xi32, #tpu.memory_space<vmem>>
    %dma_start3A_800 = arith.constant 0 : i32
    %dma_start3A_801 = arith.constant 0 : i32
    %dma_start3A_802 = tpu.memref_slice %arg2[%select_n3A, %dma_start3A_800, %dma_start3A_801] : memref<8x16384x128xf32, #tpu.memory_space<hbm>> -> memref<1x16384x128xf32, #tpu.memory_space<hbm>>
    %dma_start3A_803 = tpu.memref_squeeze %dma_start3A_802 : memref<1x16384x128xf32, #tpu.memory_space<hbm>> -> memref<16384x128xf32, #tpu.memory_space<hbm>>
    %dma_start3A_804 = arith.constant 0 : i32
    %dma_start3A_805 = arith.constant 0 : i32
    %dma_start3A_806 = tpu.memref_slice %dma_start3A_803[%dma_start3A_804, %dma_start3A_805] : memref<16384x128xf32, #tpu.memory_space<hbm>> -> memref<16384x128xf32, #tpu.memory_space<hbm>>
    tpu.enqueue_indirect_dma source(%dma_start3A_806 : memref<16384x128xf32, #tpu.memory_space<hbm>>) target(%arg6 : memref<128x128xf32, #tpu.memory_space<vmem>>) offsets(%dma_start3A_799 : memref<128xi32, #tpu.memory_space<vmem>>) semaphore(%arg8 : memref<!tpu.dma_semaphore, #tpu.memory_space<semaphore_mem>>)
    %dma_wait3A_807 = arith.constant 36 : i32
    %dma_wait3A_808 = arith.constant 0 : i32
    %dma_wait3A_809 = tpu.memref_slice %arg5[%dma_wait3A_807, %dma_wait3A_808] : memref<42x128xi32, #tpu.memory_space<vmem>> -> memref<1x128xi32, #tpu.memory_space<vmem>>
    %dma_wait3A_810 = tpu.memref_squeeze %dma_wait3A_809 : memref<1x128xi32, #tpu.memory_space<vmem>> -> memref<128xi32, #tpu.memory_space<vmem>>
    %dma_wait3A_811 = arith.constant 0 : i32
    %dma_wait3A_812 = arith.constant 0 : i32
    %dma_wait3A_813 = tpu.memref_slice %arg2[%select_n3A, %dma_wait3A_811, %dma_wait3A_812] : memref<8x16384x128xf32, #tpu.memory_space<hbm>> -> memref<1x16384x128xf32, #tpu.memory_space<hbm>>
    %dma_wait3A_814 = tpu.memref_squeeze %dma_wait3A_813 : memref<1x16384x128xf32, #tpu.memory_space<hbm>> -> memref<16384x128xf32, #tpu.memory_space<hbm>>
    %dma_wait3A_815 = arith.constant 0 : i32
    %dma_wait3A_816 = arith.constant 0 : i32
    %dma_wait3A_817 = tpu.memref_slice %dma_wait3A_814[%dma_wait3A_815, %dma_wait3A_816] : memref<16384x128xf32, #tpu.memory_space<hbm>> -> memref<16384x128xf32, #tpu.memory_space<hbm>>
    tpu.wait_indirect_dma semaphore(%arg8 : memref<!tpu.dma_semaphore, #tpu.memory_space<semaphore_mem>>) src(%dma_wait3A_817 : memref<16384x128xf32, #tpu.memory_space<hbm>>) dst(%arg6 : memref<128x128xf32, #tpu.memory_space<vmem>>)
    %dma_start3A_818 = arith.constant 37 : i32
    %dma_start3A_819 = arith.constant 0 : i32
    %dma_start3A_820 = tpu.memref_slice %arg5[%dma_start3A_818, %dma_start3A_819] : memref<42x128xi32, #tpu.memory_space<vmem>> -> memref<1x128xi32, #tpu.memory_space<vmem>>
    %dma_start3A_821 = tpu.memref_squeeze %dma_start3A_820 : memref<1x128xi32, #tpu.memory_space<vmem>> -> memref<128xi32, #tpu.memory_space<vmem>>
    %dma_start3A_822 = arith.constant 0 : i32
    %dma_start3A_823 = arith.constant 0 : i32
    %dma_start3A_824 = tpu.memref_slice %arg4[%select_n3A, %dma_start3A_822, %dma_start3A_823] : memref<8x10621x128xf32, #tpu.memory_space<hbm>> -> memref<1x10621x128xf32, #tpu.memory_space<hbm>>
    %dma_start3A_825 = tpu.memref_squeeze %dma_start3A_824 : memref<1x10621x128xf32, #tpu.memory_space<hbm>> -> memref<10621x128xf32, #tpu.memory_space<hbm>>
    %dma_start3A_826 = arith.constant 0 : i32
    %dma_start3A_827 = arith.constant 0 : i32
    %dma_start3A_828 = tpu.memref_slice %dma_start3A_825[%dma_start3A_826, %dma_start3A_827] : memref<10621x128xf32, #tpu.memory_space<hbm>> -> memref<10621x128xf32, #tpu.memory_space<hbm>>
    tpu.enqueue_indirect_dma source(%arg6 : memref<128x128xf32, #tpu.memory_space<vmem>>) target(%dma_start3A_828 : memref<10621x128xf32, #tpu.memory_space<hbm>>) offsets(%dma_start3A_821 : memref<128xi32, #tpu.memory_space<vmem>>) semaphore(%arg9 : memref<!tpu.dma_semaphore, #tpu.memory_space<semaphore_mem>>)
    %dma_wait3A_829 = arith.constant 35 : i32
    %dma_wait3A_830 = arith.constant 0 : i32
    %dma_wait3A_831 = tpu.memref_slice %arg5[%dma_wait3A_829, %dma_wait3A_830] : memref<42x128xi32, #tpu.memory_space<vmem>> -> memref<1x128xi32, #tpu.memory_space<vmem>>
    %dma_wait3A_832 = tpu.memref_squeeze %dma_wait3A_831 : memref<1x128xi32, #tpu.memory_space<vmem>> -> memref<128xi32, #tpu.memory_space<vmem>>
    %dma_wait3A_833 = arith.constant 0 : i32
    %dma_wait3A_834 = arith.constant 0 : i32
    %dma_wait3A_835 = tpu.memref_slice %arg4[%select_n3A, %dma_wait3A_833, %dma_wait3A_834] : memref<8x10621x128xf32, #tpu.memory_space<hbm>> -> memref<1x10621x128xf32, #tpu.memory_space<hbm>>
    %dma_wait3A_836 = tpu.memref_squeeze %dma_wait3A_835 : memref<1x10621x128xf32, #tpu.memory_space<hbm>> -> memref<10621x128xf32, #tpu.memory_space<hbm>>
    %dma_wait3A_837 = arith.constant 0 : i32
    %dma_wait3A_838 = arith.constant 0 : i32
    %dma_wait3A_839 = tpu.memref_slice %dma_wait3A_836[%dma_wait3A_837, %dma_wait3A_838] : memref<10621x128xf32, #tpu.memory_space<hbm>> -> memref<10621x128xf32, #tpu.memory_space<hbm>>
    tpu.wait_indirect_dma semaphore(%arg9 : memref<!tpu.dma_semaphore, #tpu.memory_space<semaphore_mem>>) src(%arg7 : memref<128x128xf32, #tpu.memory_space<vmem>>) dst(%dma_wait3A_839 : memref<10621x128xf32, #tpu.memory_space<hbm>>)
    %dma_start3A_840 = arith.constant 38 : i32
    %dma_start3A_841 = arith.constant 0 : i32
    %dma_start3A_842 = tpu.memref_slice %arg5[%dma_start3A_840, %dma_start3A_841] : memref<42x128xi32, #tpu.memory_space<vmem>> -> memref<1x128xi32, #tpu.memory_space<vmem>>
    %dma_start3A_843 = tpu.memref_squeeze %dma_start3A_842 : memref<1x128xi32, #tpu.memory_space<vmem>> -> memref<128xi32, #tpu.memory_space<vmem>>
    %dma_start3A_844 = arith.constant 0 : i32
    %dma_start3A_845 = arith.constant 0 : i32
    %dma_start3A_846 = tpu.memref_slice %arg2[%select_n3A, %dma_start3A_844, %dma_start3A_845] : memref<8x16384x128xf32, #tpu.memory_space<hbm>> -> memref<1x16384x128xf32, #tpu.memory_space<hbm>>
    %dma_start3A_847 = tpu.memref_squeeze %dma_start3A_846 : memref<1x16384x128xf32, #tpu.memory_space<hbm>> -> memref<16384x128xf32, #tpu.memory_space<hbm>>
    %dma_start3A_848 = arith.constant 0 : i32
    %dma_start3A_849 = arith.constant 0 : i32
    %dma_start3A_850 = tpu.memref_slice %dma_start3A_847[%dma_start3A_848, %dma_start3A_849] : memref<16384x128xf32, #tpu.memory_space<hbm>> -> memref<16384x128xf32, #tpu.memory_space<hbm>>
    tpu.enqueue_indirect_dma source(%dma_start3A_850 : memref<16384x128xf32, #tpu.memory_space<hbm>>) target(%arg7 : memref<128x128xf32, #tpu.memory_space<vmem>>) offsets(%dma_start3A_843 : memref<128xi32, #tpu.memory_space<vmem>>) semaphore(%arg8 : memref<!tpu.dma_semaphore, #tpu.memory_space<semaphore_mem>>)
    %dma_wait3A_851 = arith.constant 38 : i32
    %dma_wait3A_852 = arith.constant 0 : i32
    %dma_wait3A_853 = tpu.memref_slice %arg5[%dma_wait3A_851, %dma_wait3A_852] : memref<42x128xi32, #tpu.memory_space<vmem>> -> memref<1x128xi32, #tpu.memory_space<vmem>>
    %dma_wait3A_854 = tpu.memref_squeeze %dma_wait3A_853 : memref<1x128xi32, #tpu.memory_space<vmem>> -> memref<128xi32, #tpu.memory_space<vmem>>
    %dma_wait3A_855 = arith.constant 0 : i32
    %dma_wait3A_856 = arith.constant 0 : i32
    %dma_wait3A_857 = tpu.memref_slice %arg2[%select_n3A, %dma_wait3A_855, %dma_wait3A_856] : memref<8x16384x128xf32, #tpu.memory_space<hbm>> -> memref<1x16384x128xf32, #tpu.memory_space<hbm>>
    %dma_wait3A_858 = tpu.memref_squeeze %dma_wait3A_857 : memref<1x16384x128xf32, #tpu.memory_space<hbm>> -> memref<16384x128xf32, #tpu.memory_space<hbm>>
    %dma_wait3A_859 = arith.constant 0 : i32
    %dma_wait3A_860 = arith.constant 0 : i32
    %dma_wait3A_861 = tpu.memref_slice %dma_wait3A_858[%dma_wait3A_859, %dma_wait3A_860] : memref<16384x128xf32, #tpu.memory_space<hbm>> -> memref<16384x128xf32, #tpu.memory_space<hbm>>
    tpu.wait_indirect_dma semaphore(%arg8 : memref<!tpu.dma_semaphore, #tpu.memory_space<semaphore_mem>>) src(%dma_wait3A_861 : memref<16384x128xf32, #tpu.memory_space<hbm>>) dst(%arg7 : memref<128x128xf32, #tpu.memory_space<vmem>>)
    %dma_start3A_862 = arith.constant 39 : i32
    %dma_start3A_863 = arith.constant 0 : i32
    %dma_start3A_864 = tpu.memref_slice %arg5[%dma_start3A_862, %dma_start3A_863] : memref<42x128xi32, #tpu.memory_space<vmem>> -> memref<1x128xi32, #tpu.memory_space<vmem>>
    %dma_start3A_865 = tpu.memref_squeeze %dma_start3A_864 : memref<1x128xi32, #tpu.memory_space<vmem>> -> memref<128xi32, #tpu.memory_space<vmem>>
    %dma_start3A_866 = arith.constant 0 : i32
    %dma_start3A_867 = arith.constant 0 : i32
    %dma_start3A_868 = tpu.memref_slice %arg4[%select_n3A, %dma_start3A_866, %dma_start3A_867] : memref<8x10621x128xf32, #tpu.memory_space<hbm>> -> memref<1x10621x128xf32, #tpu.memory_space<hbm>>
    %dma_start3A_869 = tpu.memref_squeeze %dma_start3A_868 : memref<1x10621x128xf32, #tpu.memory_space<hbm>> -> memref<10621x128xf32, #tpu.memory_space<hbm>>
    %dma_start3A_870 = arith.constant 0 : i32
    %dma_start3A_871 = arith.constant 0 : i32
    %dma_start3A_872 = tpu.memref_slice %dma_start3A_869[%dma_start3A_870, %dma_start3A_871] : memref<10621x128xf32, #tpu.memory_space<hbm>> -> memref<10621x128xf32, #tpu.memory_space<hbm>>
    tpu.enqueue_indirect_dma source(%arg7 : memref<128x128xf32, #tpu.memory_space<vmem>>) target(%dma_start3A_872 : memref<10621x128xf32, #tpu.memory_space<hbm>>) offsets(%dma_start3A_865 : memref<128xi32, #tpu.memory_space<vmem>>) semaphore(%arg9 : memref<!tpu.dma_semaphore, #tpu.memory_space<semaphore_mem>>)
    %dma_wait3A_873 = arith.constant 37 : i32
    %dma_wait3A_874 = arith.constant 0 : i32
    %dma_wait3A_875 = tpu.memref_slice %arg5[%dma_wait3A_873, %dma_wait3A_874] : memref<42x128xi32, #tpu.memory_space<vmem>> -> memref<1x128xi32, #tpu.memory_space<vmem>>
    %dma_wait3A_876 = tpu.memref_squeeze %dma_wait3A_875 : memref<1x128xi32, #tpu.memory_space<vmem>> -> memref<128xi32, #tpu.memory_space<vmem>>
    %dma_wait3A_877 = arith.constant 0 : i32
    %dma_wait3A_878 = arith.constant 0 : i32
    %dma_wait3A_879 = tpu.memref_slice %arg4[%select_n3A, %dma_wait3A_877, %dma_wait3A_878] : memref<8x10621x128xf32, #tpu.memory_space<hbm>> -> memref<1x10621x128xf32, #tpu.memory_space<hbm>>
    %dma_wait3A_880 = tpu.memref_squeeze %dma_wait3A_879 : memref<1x10621x128xf32, #tpu.memory_space<hbm>> -> memref<10621x128xf32, #tpu.memory_space<hbm>>
    %dma_wait3A_881 = arith.constant 0 : i32
    %dma_wait3A_882 = arith.constant 0 : i32
    %dma_wait3A_883 = tpu.memref_slice %dma_wait3A_880[%dma_wait3A_881, %dma_wait3A_882] : memref<10621x128xf32, #tpu.memory_space<hbm>> -> memref<10621x128xf32, #tpu.memory_space<hbm>>
    tpu.wait_indirect_dma semaphore(%arg9 : memref<!tpu.dma_semaphore, #tpu.memory_space<semaphore_mem>>) src(%arg6 : memref<128x128xf32, #tpu.memory_space<vmem>>) dst(%dma_wait3A_883 : memref<10621x128xf32, #tpu.memory_space<hbm>>)
    %dma_start3A_884 = arith.constant 40 : i32
    %dma_start3A_885 = arith.constant 0 : i32
    %dma_start3A_886 = tpu.memref_slice %arg5[%dma_start3A_884, %dma_start3A_885] : memref<42x128xi32, #tpu.memory_space<vmem>> -> memref<1x128xi32, #tpu.memory_space<vmem>>
    %dma_start3A_887 = tpu.memref_squeeze %dma_start3A_886 : memref<1x128xi32, #tpu.memory_space<vmem>> -> memref<128xi32, #tpu.memory_space<vmem>>
    %dma_start3A_888 = arith.constant 0 : i32
    %dma_start3A_889 = arith.constant 0 : i32
    %dma_start3A_890 = tpu.memref_slice %arg2[%select_n3A, %dma_start3A_888, %dma_start3A_889] : memref<8x16384x128xf32, #tpu.memory_space<hbm>> -> memref<1x16384x128xf32, #tpu.memory_space<hbm>>
    %dma_start3A_891 = tpu.memref_squeeze %dma_start3A_890 : memref<1x16384x128xf32, #tpu.memory_space<hbm>> -> memref<16384x128xf32, #tpu.memory_space<hbm>>
    %dma_start3A_892 = arith.constant 0 : i32
    %dma_start3A_893 = arith.constant 0 : i32
    %dma_start3A_894 = tpu.memref_slice %dma_start3A_891[%dma_start3A_892, %dma_start3A_893] : memref<16384x128xf32, #tpu.memory_space<hbm>> -> memref<16384x128xf32, #tpu.memory_space<hbm>>
    tpu.enqueue_indirect_dma source(%dma_start3A_894 : memref<16384x128xf32, #tpu.memory_space<hbm>>) target(%arg6 : memref<128x128xf32, #tpu.memory_space<vmem>>) offsets(%dma_start3A_887 : memref<128xi32, #tpu.memory_space<vmem>>) semaphore(%arg8 : memref<!tpu.dma_semaphore, #tpu.memory_space<semaphore_mem>>)
    %dma_wait3A_895 = arith.constant 40 : i32
    %dma_wait3A_896 = arith.constant 0 : i32
    %dma_wait3A_897 = tpu.memref_slice %arg5[%dma_wait3A_895, %dma_wait3A_896] : memref<42x128xi32, #tpu.memory_space<vmem>> -> memref<1x128xi32, #tpu.memory_space<vmem>>
    %dma_wait3A_898 = tpu.memref_squeeze %dma_wait3A_897 : memref<1x128xi32, #tpu.memory_space<vmem>> -> memref<128xi32, #tpu.memory_space<vmem>>
    %dma_wait3A_899 = arith.constant 0 : i32
    %dma_wait3A_900 = arith.constant 0 : i32
    %dma_wait3A_901 = tpu.memref_slice %arg2[%select_n3A, %dma_wait3A_899, %dma_wait3A_900] : memref<8x16384x128xf32, #tpu.memory_space<hbm>> -> memref<1x16384x128xf32, #tpu.memory_space<hbm>>
    %dma_wait3A_902 = tpu.memref_squeeze %dma_wait3A_901 : memref<1x16384x128xf32, #tpu.memory_space<hbm>> -> memref<16384x128xf32, #tpu.memory_space<hbm>>
    %dma_wait3A_903 = arith.constant 0 : i32
    %dma_wait3A_904 = arith.constant 0 : i32
    %dma_wait3A_905 = tpu.memref_slice %dma_wait3A_902[%dma_wait3A_903, %dma_wait3A_904] : memref<16384x128xf32, #tpu.memory_space<hbm>> -> memref<16384x128xf32, #tpu.memory_space<hbm>>
    tpu.wait_indirect_dma semaphore(%arg8 : memref<!tpu.dma_semaphore, #tpu.memory_space<semaphore_mem>>) src(%dma_wait3A_905 : memref<16384x128xf32, #tpu.memory_space<hbm>>) dst(%arg6 : memref<128x128xf32, #tpu.memory_space<vmem>>)
    %dma_start3A_906 = arith.constant 41 : i32
    %dma_start3A_907 = arith.constant 0 : i32
    %dma_start3A_908 = tpu.memref_slice %arg5[%dma_start3A_906, %dma_start3A_907] : memref<42x128xi32, #tpu.memory_space<vmem>> -> memref<1x128xi32, #tpu.memory_space<vmem>>
    %dma_start3A_909 = tpu.memref_squeeze %dma_start3A_908 : memref<1x128xi32, #tpu.memory_space<vmem>> -> memref<128xi32, #tpu.memory_space<vmem>>
    %dma_start3A_910 = arith.constant 0 : i32
    %dma_start3A_911 = arith.constant 0 : i32
    %dma_start3A_912 = tpu.memref_slice %arg4[%select_n3A, %dma_start3A_910, %dma_start3A_911] : memref<8x10621x128xf32, #tpu.memory_space<hbm>> -> memref<1x10621x128xf32, #tpu.memory_space<hbm>>
    %dma_start3A_913 = tpu.memref_squeeze %dma_start3A_912 : memref<1x10621x128xf32, #tpu.memory_space<hbm>> -> memref<10621x128xf32, #tpu.memory_space<hbm>>
    %dma_start3A_914 = arith.constant 0 : i32
    %dma_start3A_915 = arith.constant 0 : i32
    %dma_start3A_916 = tpu.memref_slice %dma_start3A_913[%dma_start3A_914, %dma_start3A_915] : memref<10621x128xf32, #tpu.memory_space<hbm>> -> memref<10621x128xf32, #tpu.memory_space<hbm>>
    tpu.enqueue_indirect_dma source(%arg6 : memref<128x128xf32, #tpu.memory_space<vmem>>) target(%dma_start3A_916 : memref<10621x128xf32, #tpu.memory_space<hbm>>) offsets(%dma_start3A_909 : memref<128xi32, #tpu.memory_space<vmem>>) semaphore(%arg9 : memref<!tpu.dma_semaphore, #tpu.memory_space<semaphore_mem>>)
    %dma_wait3A_917 = arith.constant 39 : i32
    %dma_wait3A_918 = arith.constant 0 : i32
    %dma_wait3A_919 = tpu.memref_slice %arg5[%dma_wait3A_917, %dma_wait3A_918] : memref<42x128xi32, #tpu.memory_space<vmem>> -> memref<1x128xi32, #tpu.memory_space<vmem>>
    %dma_wait3A_920 = tpu.memref_squeeze %dma_wait3A_919 : memref<1x128xi32, #tpu.memory_space<vmem>> -> memref<128xi32, #tpu.memory_space<vmem>>
    %dma_wait3A_921 = arith.constant 0 : i32
    %dma_wait3A_922 = arith.constant 0 : i32
    %dma_wait3A_923 = tpu.memref_slice %arg4[%select_n3A, %dma_wait3A_921, %dma_wait3A_922] : memref<8x10621x128xf32, #tpu.memory_space<hbm>> -> memref<1x10621x128xf32, #tpu.memory_space<hbm>>
    %dma_wait3A_924 = tpu.memref_squeeze %dma_wait3A_923 : memref<1x10621x128xf32, #tpu.memory_space<hbm>> -> memref<10621x128xf32, #tpu.memory_space<hbm>>
    %dma_wait3A_925 = arith.constant 0 : i32
    %dma_wait3A_926 = arith.constant 0 : i32
    %dma_wait3A_927 = tpu.memref_slice %dma_wait3A_924[%dma_wait3A_925, %dma_wait3A_926] : memref<10621x128xf32, #tpu.memory_space<hbm>> -> memref<10621x128xf32, #tpu.memory_space<hbm>>
    tpu.wait_indirect_dma semaphore(%arg9 : memref<!tpu.dma_semaphore, #tpu.memory_space<semaphore_mem>>) src(%arg7 : memref<128x128xf32, #tpu.memory_space<vmem>>) dst(%dma_wait3A_927 : memref<10621x128xf32, #tpu.memory_space<hbm>>)
    %dma_wait3A_928 = arith.constant 41 : i32
    %dma_wait3A_929 = arith.constant 0 : i32
    %dma_wait3A_930 = tpu.memref_slice %arg5[%dma_wait3A_928, %dma_wait3A_929] : memref<42x128xi32, #tpu.memory_space<vmem>> -> memref<1x128xi32, #tpu.memory_space<vmem>>
    %dma_wait3A_931 = tpu.memref_squeeze %dma_wait3A_930 : memref<1x128xi32, #tpu.memory_space<vmem>> -> memref<128xi32, #tpu.memory_space<vmem>>
    %dma_wait3A_932 = arith.constant 0 : i32
    %dma_wait3A_933 = arith.constant 0 : i32
    %dma_wait3A_934 = tpu.memref_slice %arg4[%select_n3A, %dma_wait3A_932, %dma_wait3A_933] : memref<8x10621x128xf32, #tpu.memory_space<hbm>> -> memref<1x10621x128xf32, #tpu.memory_space<hbm>>
    %dma_wait3A_935 = tpu.memref_squeeze %dma_wait3A_934 : memref<1x10621x128xf32, #tpu.memory_space<hbm>> -> memref<10621x128xf32, #tpu.memory_space<hbm>>
    %dma_wait3A_936 = arith.constant 0 : i32
    %dma_wait3A_937 = arith.constant 0 : i32
    %dma_wait3A_938 = tpu.memref_slice %dma_wait3A_935[%dma_wait3A_936, %dma_wait3A_937] : memref<10621x128xf32, #tpu.memory_space<hbm>> -> memref<10621x128xf32, #tpu.memory_space<hbm>>
    tpu.wait_indirect_dma semaphore(%arg9 : memref<!tpu.dma_semaphore, #tpu.memory_space<semaphore_mem>>) src(%arg6 : memref<128x128xf32, #tpu.memory_space<vmem>>) dst(%dma_wait3A_938 : memref<10621x128xf32, #tpu.memory_space<hbm>>)
    return
  }
}

module attributes {stable_mosaic.version = 14 : i64} {
  func.func @_conv_body(%arg0: i32, %arg1: memref<1x4096x128xf32, #tpu.memory_space<vmem>>, %arg2: memref<7x128x128xbf16, #tpu.memory_space<vmem>>, %arg3: memref<1x128xf32, #tpu.memory_space<vmem>>, %arg4: memref<1x4096x128xf32, #tpu.memory_space<vmem>>, %arg5: memref<3x4352x128xbf16, #tpu.memory_space<vmem>>) attributes {dimension_semantics = [#tpu.dimension_semantics<arbitrary>], iteration_bounds = array<i64: 33>, scalar_prefetch = 0 : i64, scratch_operands = 1 : i64, tpu.core_type = #tpu.core_type<tc>, window_params = [{transform_indices = @transform_0, window_bounds = array<i64: 1, 4096, 128>}, {pipeline_mode = #tpu.pipeline_mode<synchronous>, transform_indices = @transform_1, window_bounds = array<i64: 7, 128, 128>}, {pipeline_mode = #tpu.pipeline_mode<synchronous>, transform_indices = @transform_2, window_bounds = array<i64: 1, 128>}, {transform_indices = @transform_3, window_bounds = array<i64: 1, 4096, 128>}]} {
    %rem3A = arith.constant 3 : i32
    %rem3A_0 = arith.remsi %arg0, %rem3A : i32
    %add3A = arith.constant 2 : i32
    %add3A_1 = arith.addi %arg0, %add3A : i32
    %rem3A_2 = arith.constant 3 : i32
    %rem3A_3 = arith.remsi %add3A_1, %rem3A_2 : i32
    %add3A_4 = arith.constant 1 : i32
    %add3A_5 = arith.addi %arg0, %add3A_4 : i32
    %rem3A_6 = arith.constant 3 : i32
    %rem3A_7 = arith.remsi %add3A_5, %rem3A_6 : i32
    %get3A = arith.constant 0 : index
    %get3A_8 = arith.constant 0 : index
    %get3A_9 = arith.constant 0 : index
    %get3A_10 = vector.load %arg1[%get3A, %get3A_8, %get3A_9] : memref<1x4096x128xf32, #tpu.memory_space<vmem>>, vector<1x4096x128xf32>
    %get3A_11 = vector.shape_cast %get3A_10 : vector<1x4096x128xf32> to vector<4096x128xf32>
    %convert_element_type3A = arith.truncf %get3A_11 : vector<4096x128xf32> to vector<4096x128xbf16>
    %swap3A = arith.index_cast %rem3A_0 : i32 to index
    %swap3A_12 = arith.constant 128 : index
    %swap3A_13 = arith.constant 0 : index
    %swap3A_14 = vector.load %arg5[%swap3A, %swap3A_12, %swap3A_13] : memref<3x4352x128xbf16, #tpu.memory_space<vmem>>, vector<1x4096x128xbf16>
    %swap3A_15 = vector.shape_cast %swap3A_14 : vector<1x4096x128xbf16> to vector<4096x128xbf16>
    %swap3A_16 = vector.shape_cast %convert_element_type3A : vector<4096x128xbf16> to vector<1x4096x128xbf16>
    tpu.vector_store %arg5[%swap3A, %swap3A_12, %swap3A_13], %swap3A_16 {strides = array<i32>} : memref<3x4352x128xbf16, #tpu.memory_space<vmem>>, vector<1x4096x128xbf16>,
    %slice3A = vector.extract_strided_slice %convert_element_type3A {offsets = [0, 0], sizes = [128, 128], strides = [1, 1]} : vector<4096x128xbf16> to vector<128x128xbf16>
    %swap3A_17 = arith.index_cast %rem3A_3 : i32 to index
    %swap3A_18 = arith.constant 4224 : index
    %swap3A_19 = arith.constant 0 : index
    %swap3A_20 = vector.load %arg5[%swap3A_17, %swap3A_18, %swap3A_19] : memref<3x4352x128xbf16, #tpu.memory_space<vmem>>, vector<1x128x128xbf16>
    %swap3A_21 = vector.shape_cast %swap3A_20 : vector<1x128x128xbf16> to vector<128x128xbf16>
    %swap3A_22 = vector.shape_cast %slice3A : vector<128x128xbf16> to vector<1x128x128xbf16>
    tpu.vector_store %arg5[%swap3A_17, %swap3A_18, %swap3A_19], %swap3A_22 {strides = array<i32>} : memref<3x4352x128xbf16, #tpu.memory_space<vmem>>, vector<1x128x128xbf16>,
    %slice3A_23 = vector.extract_strided_slice %convert_element_type3A {offsets = [3968, 0], sizes = [128, 128], strides = [1, 1]} : vector<4096x128xbf16> to vector<128x128xbf16>
    %swap3A_24 = arith.index_cast %rem3A_7 : i32 to index
    %swap3A_25 = arith.constant 0 : index
    %swap3A_26 = arith.constant 0 : index
    %swap3A_27 = vector.load %arg5[%swap3A_24, %swap3A_25, %swap3A_26] : memref<3x4352x128xbf16, #tpu.memory_space<vmem>>, vector<1x128x128xbf16>
    %swap3A_28 = vector.shape_cast %swap3A_27 : vector<1x128x128xbf16> to vector<128x128xbf16>
    %swap3A_29 = vector.shape_cast %slice3A_23 : vector<128x128xbf16> to vector<1x128x128xbf16>
    tpu.vector_store %arg5[%swap3A_24, %swap3A_25, %swap3A_26], %swap3A_29 {strides = array<i32>} : memref<3x4352x128xbf16, #tpu.memory_space<vmem>>, vector<1x128x128xbf16>,
    %ge3A = arith.constant 1 : i32
    %ge3A_30 = arith.cmpi sge, %arg0, %ge3A : i32
    %convert_element_type3A_31 = arith.extui %ge3A_30 : i1 to i32
    %cond3A = arith.constant 0 : i32
    %cond3A_32 = arith.cmpi ne, %convert_element_type3A_31, %cond3A : i32
    scf.if %cond3A_32 {
      %get3A_33 = arith.constant 0 : index
      %get3A_34 = arith.constant 0 : index
      %get3A_35 = vector.load %arg3[%get3A_33, %get3A_34] : memref<1x128xf32, #tpu.memory_space<vmem>>, vector<1x128xf32>
      %get3A_36 = vector.shape_cast %get3A_35 : vector<1x128xf32> to vector<128xf32>
      %broadcast_in_dim3A = vector.shape_cast %get3A_36 : vector<128xf32> to vector<1x128xf32>
      %broadcast_in_dim3A_37 = vector.broadcast %broadcast_in_dim3A : vector<1x128xf32> to vector<4096x128xf32>
      %get3A_38 = arith.index_cast %rem3A_3 : i32 to index
      %get3A_39 = arith.constant 6 : index
      %get3A_40 = arith.constant 0 : index
      %get3A_41 = vector.load %arg5[%get3A_38, %get3A_39, %get3A_40] : memref<3x4352x128xbf16, #tpu.memory_space<vmem>>, vector<1x4096x128xbf16>
      %get3A_42 = vector.shape_cast %get3A_41 : vector<1x4096x128xbf16> to vector<4096x128xbf16>
      %get3A_43 = arith.constant 0 : index
      %get3A_44 = arith.constant 0 : index
      %get3A_45 = arith.constant 0 : index
      %get3A_46 = vector.load %arg2[%get3A_43, %get3A_44, %get3A_45] : memref<7x128x128xbf16, #tpu.memory_space<vmem>>, vector<1x128x128xbf16>
      %get3A_47 = vector.shape_cast %get3A_46 : vector<1x128x128xbf16> to vector<128x128xbf16>
      %dot_general3A = arith.constant dense<0.000000e+00> : vector<4096x128xf32>
      %dot_general3A_48 = tpu.matmul %get3A_42, %get3A_47, %dot_general3A {dimension_numbers = #tpu.dot_dimension_numbers<[1], [0], [0], [1], [0, 0, 1, 1], [], []>, transpose_lhs_hint = false} : vector<4096x128xbf16>, vector<128x128xbf16>, vector<4096x128xf32> -> vector<4096x128xf32>
      %add3A_49 = arith.addf %broadcast_in_dim3A_37, %dot_general3A_48 : vector<4096x128xf32>
      %get3A_50 = arith.index_cast %rem3A_3 : i32 to index
      %get3A_51 = arith.constant 7 : index
      %get3A_52 = arith.constant 0 : index
      %get3A_53 = vector.load %arg5[%get3A_50, %get3A_51, %get3A_52] : memref<3x4352x128xbf16, #tpu.memory_space<vmem>>, vector<1x4096x128xbf16>
      %get3A_54 = vector.shape_cast %get3A_53 : vector<1x4096x128xbf16> to vector<4096x128xbf16>
      %get3A_55 = arith.constant 1 : index
      %get3A_56 = arith.constant 0 : index
      %get3A_57 = arith.constant 0 : index
      %get3A_58 = vector.load %arg2[%get3A_55, %get3A_56, %get3A_57] : memref<7x128x128xbf16, #tpu.memory_space<vmem>>, vector<1x128x128xbf16>
      %get3A_59 = vector.shape_cast %get3A_58 : vector<1x128x128xbf16> to vector<128x128xbf16>
      %dot_general3A_60 = arith.constant dense<0.000000e+00> : vector<4096x128xf32>
      %dot_general3A_61 = tpu.matmul %get3A_54, %get3A_59, %dot_general3A_60 {dimension_numbers = #tpu.dot_dimension_numbers<[1], [0], [0], [1], [0, 0, 1, 1], [], []>, transpose_lhs_hint = false} : vector<4096x128xbf16>, vector<128x128xbf16>, vector<4096x128xf32> -> vector<4096x128xf32>
      %add3A_62 = arith.addf %add3A_49, %dot_general3A_61 : vector<4096x128xf32>
      %get3A_63 = arith.index_cast %rem3A_3 : i32 to index
      %get3A_64 = arith.constant 127 : index
      %get3A_65 = arith.constant 0 : index
      %get3A_66 = vector.load %arg5[%get3A_63, %get3A_64, %get3A_65] : memref<3x4352x128xbf16, #tpu.memory_space<vmem>>, vector<1x4096x128xbf16>
      %get3A_67 = vector.shape_cast %get3A_66 : vector<1x4096x128xbf16> to vector<4096x128xbf16>
      %get3A_68 = arith.constant 2 : index
      %get3A_69 = arith.constant 0 : index
      %get3A_70 = arith.constant 0 : index
      %get3A_71 = vector.load %arg2[%get3A_68, %get3A_69, %get3A_70] : memref<7x128x128xbf16, #tpu.memory_space<vmem>>, vector<1x128x128xbf16>
      %get3A_72 = vector.shape_cast %get3A_71 : vector<1x128x128xbf16> to vector<128x128xbf16>
      %dot_general3A_73 = arith.constant dense<0.000000e+00> : vector<4096x128xf32>
      %dot_general3A_74 = tpu.matmul %get3A_67, %get3A_72, %dot_general3A_73 {dimension_numbers = #tpu.dot_dimension_numbers<[1], [0], [0], [1], [0, 0, 1, 1], [], []>, transpose_lhs_hint = false} : vector<4096x128xbf16>, vector<128x128xbf16>, vector<4096x128xf32> -> vector<4096x128xf32>
      %add3A_75 = arith.addf %add3A_62, %dot_general3A_74 : vector<4096x128xf32>
      %get3A_76 = arith.index_cast %rem3A_3 : i32 to index
      %get3A_77 = arith.constant 128 : index
      %get3A_78 = arith.constant 0 : index
      %get3A_79 = vector.load %arg5[%get3A_76, %get3A_77, %get3A_78] : memref<3x4352x128xbf16, #tpu.memory_space<vmem>>, vector<1x4096x128xbf16>
      %get3A_80 = vector.shape_cast %get3A_79 : vector<1x4096x128xbf16> to vector<4096x128xbf16>
      %get3A_81 = arith.constant 3 : index
      %get3A_82 = arith.constant 0 : index
      %get3A_83 = arith.constant 0 : index
      %get3A_84 = vector.load %arg2[%get3A_81, %get3A_82, %get3A_83] : memref<7x128x128xbf16, #tpu.memory_space<vmem>>, vector<1x128x128xbf16>
      %get3A_85 = vector.shape_cast %get3A_84 : vector<1x128x128xbf16> to vector<128x128xbf16>
      %dot_general3A_86 = arith.constant dense<0.000000e+00> : vector<4096x128xf32>
      %dot_general3A_87 = tpu.matmul %get3A_80, %get3A_85, %dot_general3A_86 {dimension_numbers = #tpu.dot_dimension_numbers<[1], [0], [0], [1], [0, 0, 1, 1], [], []>, transpose_lhs_hint = false} : vector<4096x128xbf16>, vector<128x128xbf16>, vector<4096x128xf32> -> vector<4096x128xf32>
      %add3A_88 = arith.addf %add3A_75, %dot_general3A_87 : vector<4096x128xf32>
      %get3A_89 = arith.index_cast %rem3A_3 : i32 to index
      %get3A_90 = arith.constant 129 : index
      %get3A_91 = arith.constant 0 : index
      %get3A_92 = vector.load %arg5[%get3A_89, %get3A_90, %get3A_91] : memref<3x4352x128xbf16, #tpu.memory_space<vmem>>, vector<1x4096x128xbf16>
      %get3A_93 = vector.shape_cast %get3A_92 : vector<1x4096x128xbf16> to vector<4096x128xbf16>
      %get3A_94 = arith.constant 4 : index
      %get3A_95 = arith.constant 0 : index
      %get3A_96 = arith.constant 0 : index
      %get3A_97 = vector.load %arg2[%get3A_94, %get3A_95, %get3A_96] : memref<7x128x128xbf16, #tpu.memory_space<vmem>>, vector<1x128x128xbf16>
      %get3A_98 = vector.shape_cast %get3A_97 : vector<1x128x128xbf16> to vector<128x128xbf16>
      %dot_general3A_99 = arith.constant dense<0.000000e+00> : vector<4096x128xf32>
      %dot_general3A_100 = tpu.matmul %get3A_93, %get3A_98, %dot_general3A_99 {dimension_numbers = #tpu.dot_dimension_numbers<[1], [0], [0], [1], [0, 0, 1, 1], [], []>, transpose_lhs_hint = false} : vector<4096x128xbf16>, vector<128x128xbf16>, vector<4096x128xf32> -> vector<4096x128xf32>
      %add3A_101 = arith.addf %add3A_88, %dot_general3A_100 : vector<4096x128xf32>
      %get3A_102 = arith.index_cast %rem3A_3 : i32 to index
      %get3A_103 = arith.constant 249 : index
      %get3A_104 = arith.constant 0 : index
      %get3A_105 = vector.load %arg5[%get3A_102, %get3A_103, %get3A_104] : memref<3x4352x128xbf16, #tpu.memory_space<vmem>>, vector<1x4096x128xbf16>
      %get3A_106 = vector.shape_cast %get3A_105 : vector<1x4096x128xbf16> to vector<4096x128xbf16>
      %get3A_107 = arith.constant 5 : index
      %get3A_108 = arith.constant 0 : index
      %get3A_109 = arith.constant 0 : index
      %get3A_110 = vector.load %arg2[%get3A_107, %get3A_108, %get3A_109] : memref<7x128x128xbf16, #tpu.memory_space<vmem>>, vector<1x128x128xbf16>
      %get3A_111 = vector.shape_cast %get3A_110 : vector<1x128x128xbf16> to vector<128x128xbf16>
      %dot_general3A_112 = arith.constant dense<0.000000e+00> : vector<4096x128xf32>
      %dot_general3A_113 = tpu.matmul %get3A_106, %get3A_111, %dot_general3A_112 {dimension_numbers = #tpu.dot_dimension_numbers<[1], [0], [0], [1], [0, 0, 1, 1], [], []>, transpose_lhs_hint = false} : vector<4096x128xbf16>, vector<128x128xbf16>, vector<4096x128xf32> -> vector<4096x128xf32>
      %add3A_114 = arith.addf %add3A_101, %dot_general3A_113 : vector<4096x128xf32>
      %get3A_115 = arith.index_cast %rem3A_3 : i32 to index
      %get3A_116 = arith.constant 250 : index
      %get3A_117 = arith.constant 0 : index
      %get3A_118 = vector.load %arg5[%get3A_115, %get3A_116, %get3A_117] : memref<3x4352x128xbf16, #tpu.memory_space<vmem>>, vector<1x4096x128xbf16>
      %get3A_119 = vector.shape_cast %get3A_118 : vector<1x4096x128xbf16> to vector<4096x128xbf16>
      %get3A_120 = arith.constant 6 : index
      %get3A_121 = arith.constant 0 : index
      %get3A_122 = arith.constant 0 : index
      %get3A_123 = vector.load %arg2[%get3A_120, %get3A_121, %get3A_122] : memref<7x128x128xbf16, #tpu.memory_space<vmem>>, vector<1x128x128xbf16>
      %get3A_124 = vector.shape_cast %get3A_123 : vector<1x128x128xbf16> to vector<128x128xbf16>
      %dot_general3A_125 = arith.constant dense<0.000000e+00> : vector<4096x128xf32>
      %dot_general3A_126 = tpu.matmul %get3A_119, %get3A_124, %dot_general3A_125 {dimension_numbers = #tpu.dot_dimension_numbers<[1], [0], [0], [1], [0, 0, 1, 1], [], []>, transpose_lhs_hint = false} : vector<4096x128xbf16>, vector<128x128xbf16>, vector<4096x128xf32> -> vector<4096x128xf32>
      %add3A_127 = arith.addf %add3A_114, %dot_general3A_126 : vector<4096x128xf32>
      %swap3A_128 = arith.constant 0 : index
      %swap3A_129 = arith.constant 0 : index
      %swap3A_130 = arith.constant 0 : index
      %swap3A_131 = vector.load %arg4[%swap3A_128, %swap3A_129, %swap3A_130] : memref<1x4096x128xf32, #tpu.memory_space<vmem>>, vector<1x4096x128xf32>
      %swap3A_132 = vector.shape_cast %swap3A_131 : vector<1x4096x128xf32> to vector<4096x128xf32>
      %swap3A_133 = vector.shape_cast %add3A_127 : vector<4096x128xf32> to vector<1x4096x128xf32>
      tpu.vector_store %arg4[%swap3A_128, %swap3A_129, %swap3A_130], %swap3A_133 {strides = array<i32>} : memref<1x4096x128xf32, #tpu.memory_space<vmem>>, vector<1x4096x128xf32>,
    } else {
    }
    return
  }
  func.func @transform_0(%arg0: i32) -> (i32, i32, i32) {
    %min3A = arith.constant 31 : i32
    %min3A_0 = arith.minsi %arg0, %min3A : i32
    %jit3A = arith.constant 4 : i32
    %div3A = arith.divsi %min3A_0, %jit3A : i32
    %sign3A = arith.constant 0 : i32
    %sign3A_1 = arith.cmpi sgt, %min3A_0, %sign3A : i32
    %sign3A_2 = arith.extui %sign3A_1 : i1 to i32
    %sign3A_3 = arith.constant 0 : i32
    %sign3A_4 = arith.cmpi slt, %min3A_0, %sign3A_3 : i32
    %sign3A_5 = arith.extui %sign3A_4 : i1 to i32
    %sign3A_6 = arith.subi %sign3A_2, %sign3A_5 : i32
    %sign3A_7 = arith.constant 0 : i32
    %sign3A_8 = arith.cmpi sgt, %jit3A, %sign3A_7 : i32
    %sign3A_9 = arith.extui %sign3A_8 : i1 to i32
    %sign3A_10 = arith.constant 0 : i32
    %sign3A_11 = arith.cmpi slt, %jit3A, %sign3A_10 : i32
    %sign3A_12 = arith.extui %sign3A_11 : i1 to i32
    %sign3A_13 = arith.subi %sign3A_9, %sign3A_12 : i32
    %ne3A = arith.cmpi ne, %sign3A_6, %sign3A_13 : i32
    %rem3A = arith.remsi %min3A_0, %jit3A : i32
    %ne3A_14 = arith.constant 0 : i32
    %ne3A_15 = arith.cmpi ne, %rem3A, %ne3A_14 : i32
    %and3A = arith.andi %ne3A, %ne3A_15 : i1
    %sub3A = arith.constant 1 : i32
    %sub3A_16 = arith.subi %div3A, %sub3A : i32
    %select_n3A = arith.select %and3A, %sub3A_16, %div3A : i32
    %jit3A_17 = arith.constant 4 : i32
    %eq3A = arith.constant 0 : i32
    %eq3A_18 = arith.cmpi eq, %jit3A_17, %eq3A : i32
    %jit3A_19 = arith.constant 1 : i32
    %select_n3A_20 = arith.select %eq3A_18, %jit3A_19, %jit3A_17 : i32
    %rem3A_21 = arith.remsi %min3A_0, %select_n3A_20 : i32
    %ne3A_22 = arith.constant 0 : i32
    %ne3A_23 = arith.cmpi ne, %rem3A_21, %ne3A_22 : i32
    %lt3A = arith.constant 0 : i32
    %lt3A_24 = arith.cmpi slt, %rem3A_21, %lt3A : i32
    %lt3A_25 = arith.constant 0 : i32
    %lt3A_26 = arith.cmpi slt, %select_n3A_20, %lt3A_25 : i32
    %ne3A_27 = arith.xori %lt3A_24, %lt3A_26 : i1
    %and3A_28 = arith.andi %ne3A_27, %ne3A_23 : i1
    %add3A = arith.addi %rem3A_21, %select_n3A_20 : i32
    %select_n3A_29 = arith.select %and3A_28, %add3A, %rem3A_21 : i32
    %c0_i32 = arith.constant 0 : i32
    %c0_i32_30 = arith.constant 0 : i32
    return %select_n3A, %select_n3A_29, %c0_i32 : i32, i32, i32
  }
  func.func @transform_1(%arg0: i32) -> (i32, i32, i32) {
    %c0_i32 = arith.constant 0 : i32
    %c0_i32_0 = arith.constant 0 : i32
    %c0_i32_1 = arith.constant 0 : i32
    %c0_i32_2 = arith.constant 0 : i32
    return %c0_i32, %c0_i32_0, %c0_i32_1 : i32, i32, i32
  }
  func.func @transform_2(%arg0: i32) -> (i32, i32) {
    %c0_i32 = arith.constant 0 : i32
    %c0_i32_0 = arith.constant 0 : i32
    %c0_i32_1 = arith.constant 0 : i32
    return %c0_i32, %c0_i32_0 : i32, i32
  }
  func.func @transform_3(%arg0: i32) -> (i32, i32, i32) {
    %sub3A = arith.constant 1 : i32
    %sub3A_0 = arith.subi %arg0, %sub3A : i32
    %max3A = arith.constant 0 : i32
    %max3A_1 = arith.maxsi %sub3A_0, %max3A : i32
    %jit3A = arith.constant 4 : i32
    %div3A = arith.divsi %max3A_1, %jit3A : i32
    %sign3A = arith.constant 0 : i32
    %sign3A_2 = arith.cmpi sgt, %max3A_1, %sign3A : i32
    %sign3A_3 = arith.extui %sign3A_2 : i1 to i32
    %sign3A_4 = arith.constant 0 : i32
    %sign3A_5 = arith.cmpi slt, %max3A_1, %sign3A_4 : i32
    %sign3A_6 = arith.extui %sign3A_5 : i1 to i32
    %sign3A_7 = arith.subi %sign3A_3, %sign3A_6 : i32
    %sign3A_8 = arith.constant 0 : i32
    %sign3A_9 = arith.cmpi sgt, %jit3A, %sign3A_8 : i32
    %sign3A_10 = arith.extui %sign3A_9 : i1 to i32
    %sign3A_11 = arith.constant 0 : i32
    %sign3A_12 = arith.cmpi slt, %jit3A, %sign3A_11 : i32
    %sign3A_13 = arith.extui %sign3A_12 : i1 to i32
    %sign3A_14 = arith.subi %sign3A_10, %sign3A_13 : i32
    %ne3A = arith.cmpi ne, %sign3A_7, %sign3A_14 : i32
    %rem3A = arith.remsi %max3A_1, %jit3A : i32
    %ne3A_15 = arith.constant 0 : i32
    %ne3A_16 = arith.cmpi ne, %rem3A, %ne3A_15 : i32
    %and3A = arith.andi %ne3A, %ne3A_16 : i1
    %sub3A_17 = arith.constant 1 : i32
    %sub3A_18 = arith.subi %div3A, %sub3A_17 : i32
    %select_n3A = arith.select %and3A, %sub3A_18, %div3A : i32
    %jit3A_19 = arith.constant 4 : i32
    %eq3A = arith.constant 0 : i32
    %eq3A_20 = arith.cmpi eq, %jit3A_19, %eq3A : i32
    %jit3A_21 = arith.constant 1 : i32
    %select_n3A_22 = arith.select %eq3A_20, %jit3A_21, %jit3A_19 : i32
    %rem3A_23 = arith.remsi %max3A_1, %select_n3A_22 : i32
    %ne3A_24 = arith.constant 0 : i32
    %ne3A_25 = arith.cmpi ne, %rem3A_23, %ne3A_24 : i32
    %lt3A = arith.constant 0 : i32
    %lt3A_26 = arith.cmpi slt, %rem3A_23, %lt3A : i32
    %lt3A_27 = arith.constant 0 : i32
    %lt3A_28 = arith.cmpi slt, %select_n3A_22, %lt3A_27 : i32
    %ne3A_29 = arith.xori %lt3A_26, %lt3A_28 : i1
    %and3A_30 = arith.andi %ne3A_29, %ne3A_25 : i1
    %add3A = arith.addi %rem3A_23, %select_n3A_22 : i32
    %select_n3A_31 = arith.select %and3A_30, %add3A, %rem3A_23 : i32
    %c0_i32 = arith.constant 0 : i32
    %c0_i32_32 = arith.constant 0 : i32
    return %select_n3A, %select_n3A_31, %c0_i32 : i32, i32, i32
  }
}

</mosaic_0001>

<sc_bundles>
// kernel: kernel.5.cloned.1.call-start
scs
__scs_entry_jumppad:
0x0: {  	(pc) =	sbr.rel $0x88, $3  }
0x1: {  	(tag) =	ssettag $0x0;
	lr =	simm.s32 $0x1  }
0x2: {  	[smem:$0x3F9E] =	sst lr;
	_ =	strace $0xD0000000  }
0x3: {  	_ = 	snop  }
0x4: {  	_ = 	snop  }
0x5: {  	_ = 	snop  }
0x6: {  	_ = 	snop  }
0x7: {  	_ = 	snop  }
__scs_overlays_trampoline_lowered:
0x8: {  	[smem:$0x3FAD] =	sst s0  }
0x9: {  	[smem:$0x3FAE] =	sst s1  }
0xa: {  	[smem:$0x3FAF] =	sst s2  }
0xb: {  	[smem:$0x3FB0] =	sst s3  }
0xc: {  	[smem:$0x3FB1] =	sst s4  }
0xd: {  	[smem:$0x3FB2] =	sst s5  }
0xe: {  	[smem:$0x3FB3] =	sst s6  }
0xf: {  	[smem:$0x3FB4] =	sst s7  }
0x10: {  	[smem:$0x3FB5] =	sst s8  }
0x11: {  	[smem:$0x3FB6] =	sst s9;
	s0 =	simm.s32 @!p0 $0x0  }
0x12: {  	s1 =	sld [smem:$0x3F9C];
	s0 =	simm.s32 @p0 $0x1  }
0x13: {  	[smem:$0x3FB7] =	sst s0;
	s0 =	simm.s32 @!p1 $0x0  }
0x14: {  	s2 =	sld [smem:$0x3F9B];
	s0 =	simm.s32 @p1 $0x1  }
0x15: {  	[smem:$0x3FB8] =	sst s0;
	s0 =	simm.s32 @!p2 $0x0  }
0x16: {  	s3 =	sld [smem:$0x3FDB];
	s0 =	simm.s32 @p2 $0x1  }
0x17: {  	s4 =	simm.s32 $0x1BF5;
	[smem:$0x3FBA] =	sst s0  }
0x18: {  	s0 =	sld [smem:$0x3F9D];
	_ =	swait.ge [sflag:s4], $0x0  }
0x19: {  	s7 =	sld [smem:$0x3F9E]  }
0x1a: {  	s8 =	sadd.s32 $0xFFFFE003, lr  }
0x1b: {  	s9 =	sadd.s32 $0xFFFFFEF7, lr;
	s5 =	simm.s32 $0xFFFFFFFF;
	p2 =	slt.u32 s8, $0xFFFFF086  }
0x1c: {  	p1 =	slt.u32 s9, $0xF7A;
	s5 =	simm.s32 @!p2 $0x0  }
0x1d: {  	s5 =	simm.s32 @p1 $0x1;
	p0 =	seq.s32 s7, s2  }
0x1e: {  	s7 =	smul.u32 @!p0 $0xF7A, s2;
	p2 =	seq.s32 @!p0 s5, $0x0  }
0x1f: {  	s9 =	smul.u32 $0xF7A, s1;
	s8 =	simm.s32 @!p0 $0x1BF5;
	p2 =	por !p2, p0  }
0x20: {  	[sflag:s8] =	ssyncset.s32 @!p0 $0xFFFFF086;
	s6 =	sadd.s32 @!p0 s3, s7;
	s7 =	simm.s32 @!p0 $0x108  }
0x21: {  	s3 =	sadd.s32 s3, s9;
	s6 =	sadd.s32 @!p0 $0x88, s6;
	s7 =	simm.s32 @p2 $0x1082  }
0x22: {  	[simem:s7], [sflag:s8] =	dma.local @!p0 [hbm:s6], $0xF7A  }
0x23: {  	s9 =	sor.u32 $0xD0000000, s2;
	s6 =	simm.s32 $0x108;
	_ =	swait.ge @!p0 [sflag:s8], $0x0  }
0x24: {  	s3 =	sadd.s32 $0x88, s3;
	s6 =	simm.s32 @!p1 $0x1082;
	[sflag:s4] =	ssyncset.s32 $0xFFFFF086  }
0x25: {  	[simem:s6], [sflag:s4] =	dma.local [hbm:s3], $0xF7A  }
0x26: {  	[smem:$0x3F9E] =	sst s1;
	(tag) =	ssettag s2;
	_ =	strace s9  }
0x27: {  	s1 =	sld [smem:$0x3FAE]  }
0x28: {  	s2 =	sld [smem:$0x3FAF]  }
0x29: {  	s4 =	sld [smem:$0x3FB1]  }
0x2a: {  	p0 =	seq.s32 s5, $0x0;
	s5 =	sld [smem:$0x3FB2]  }
0x2b: {  	s6 =	sld [smem:$0x3FB3]  }
0x2c: {  	s7 =	sld [smem:$0x3FB4]  }
0x2d: {  	s3 =	simm.s32 $0x108;
	s8 =	sld [smem:$0x3FB5]  }
0x2e: {  	s3 =	simm.s32 @!p0 $0x1082;
	s9 =	sld [smem:$0x3FB6]  }
0x2f: {  	lr =	sadd.s32 s0, s3;
	s0 =	sld [smem:$0x3FAD]  }
0x30: {  	s3 =	sld [smem:$0x3FB0]  }
0x31: {  	[smem:$0x3FB9] =	sst s10  }
0x32: {  	s10 =	sld [smem:$0x3FB7];
	_ =	sdelay $0x3  }
0x33: {  	p0 =	seq.s32 s10, $0x1;
	s10 =	sld [smem:$0x3FB9];
	_ =	sdelay $0x3  }
0x34: {  	[smem:$0x3FB9] =	sst s10  }
0x35: {  	s10 =	sld [smem:$0x3FB8];
	_ =	sdelay $0x3  }
0x36: {  	p1 =	seq.s32 s10, $0x1;
	s10 =	sld [smem:$0x3FB9];
	_ =	sdelay $0x3  }
0x37: {  	[smem:$0x3FB9] =	sst s10  }
0x38: {  	s10 =	sld [smem:$0x3FBA]  }
0x39: {  	_ = 	snop;
	(pc) =	sbr.ind lr, $3  }
0x3a: {  	_ = 	snop  }
0x3b: {  	_ = 	snop  }
0x3c: {  	p2 =	seq.s32 s10, $0x1;
	s10 =	sld [smem:$0x3FB9]  }
0x3d: {  	_ =	shalt  }
0x3e: {  	_ =	shalt  }
0x3f: {  	_ =	shalt  }
0x40: {  	_ =	shalt  }
0x41: {  	_ =	shalt  }
0x42: {  	_ =	shalt  }
0x43: {  	_ =	shalt  }
0x44: {  	_ =	shalt  }
0x45: {  	_ =	shalt  }
0x46: {  	_ =	shalt  }
0x47: {  	_ =	shalt  }
0x48: {  	_ =	shalt  }
0x49: {  	_ =	shalt  }
0x4a: {  	_ =	shalt  }
0x4b: {  	_ =	shalt  }
0x4c: {  	_ =	shalt  }
0x4d: {  	_ =	shalt  }
0x4e: {  	_ =	shalt  }
0x4f: {  	_ =	shalt  }
0x50: {  	_ =	shalt  }
0x51: {  	_ =	shalt  }
0x52: {  	_ =	shalt  }
0x53: {  	_ =	shalt  }
0x54: {  	_ =	shalt  }
0x55: {  	_ =	shalt  }
0x56: {  	_ =	shalt  }
0x57: {  	_ =	shalt  }
0x58: {  	_ =	shalt  }
0x59: {  	_ =	shalt  }
0x5a: {  	_ =	shalt  }
0x5b: {  	_ =	shalt  }
0x5c: {  	_ =	shalt  }
0x5d: {  	_ =	shalt  }
0x5e: {  	_ =	shalt  }
0x5f: {  	_ =	shalt  }
0x60: {  	_ =	shalt  }
0x61: {  	_ =	shalt  }
0x62: {  	_ =	shalt  }
0x63: {  	_ =	shalt  }
0x64: {  	_ =	shalt  }
0x65: {  	_ =	shalt  }
0x66: {  	_ =	shalt  }
0x67: {  	_ =	shalt  }
0x68: {  	_ =	shalt  }
0x69: {  	_ =	shalt  }
0x6a: {  	_ =	shalt  }
0x6b: {  	_ =	shalt  }
0x6c: {  	_ =	shalt  }
0x6d: {  	_ =	shalt  }
0x6e: {  	_ =	shalt  }
0x6f: {  	_ =	shalt  }
0x70: {  	_ =	shalt  }
0x71: {  	_ =	shalt  }
0x72: {  	_ =	shalt  }
0x73: {  	_ =	shalt  }
0x74: {  	_ =	shalt  }
0x75: {  	_ =	shalt  }
0x76: {  	_ =	shalt  }
0x77: {  	_ =	shalt  }
0x78: {  	_ =	shalt  }
0x79: {  	_ =	shalt  }
0x7a: {  	_ =	shalt  }
0x7b: {  	_ =	shalt  }
0x7c: {  	_ =	shalt  }
0x7d: {  	_ =	shalt  }
0x7e: {  	_ =	shalt  }
0x7f: {  	_ =	shalt  }
0x80: {  	_ =	shalt  }
0x81: {  	_ =	shalt  }
0x82: {  	_ =	shalt  }
0x83: {  	_ =	shalt  }
0x84: {  	_ =	shalt  }
0x85: {  	_ =	shalt  }
0x86: {  	_ =	shalt  }
0x87: {  	_ =	shalt  }
.Lfunc_end0:
.L_simem_size_0:
called_computation_lowered:
.L_overlay_start_0:
0x88: {  	s2 =	sld [smem:$0x3FD9]  }
0x89: {  	s3 =	sld [smem:$0x3FFE];
	_ =	sdelay $0x1  }
0x8a: {  	s1 =	srdreg.scid  }
0x8b: {  	s0 =	sand.u32 $0x1, s1  }
0x8c: {  	s17 =	sshll.u32 s0, $0xA;
	s2 =	sadd.s32 s3, s2  }
0x8d: {  	s2 =	sadd.s32 s2, s17  }
0x8e: {  	[smem:$0x3FC5] =	sst s2  }
0x8f: {  	_ = 	snop  }
0x90: {  	s2 =	sld [smem:$0x3FD0];
	(tm) =	ssettm $0x1  }
0x91: {  	s18 =	sld [smem:$0x3FFB];
	_ =	sdelay $0x3  }
0x92: {  	_ =	strace s18  }
0x93: {  	s3 =	sld [smem:$0x3FFC];
	_ =	sdelay $0x3  }
0x94: {  	_ =	strace s3  }
0x95: {  	s3 =	sld [smem:$0x3FFD];
	_ =	sdelay $0x3  }
0x96: {  	_ =	strace s3  }
0x97: {  	_ =	strace $0x8FFFFFFF  }
0x98: {  	s19 =	sld [smem:$0x3FDB];
	_ =	sdelay $0x1  }
0x99: {  	s4 =	simm.s32 $_scs_section_size  }
0x9a: {  	s5 =	simm.s32 $_size__tile_overlayer_lowered;
	s6 =	simm.s32 $_tile_overlayer_lowered  }
0x9b: {  	s22 =	simm.s32 $0x1BFF;
	s21 =	sshll.u32 s6, $0x1;
	s3 =	sadd.s32 s4, s19  }
0x9c: {  	s7 =	simm.s32 $0x0;
	s20 =	sshll.u32 s5, $0x1;
	s5 =	sadd.s32 s21, s3  }
0x9d: {  	[timem:s7], [sflag:s22] =	dma.local [hbm:s5], s20  }
0x9e: {  	_ =	swait.ge [sflag:s22], s20  }
0x9f: {  	s4 =	ssub.s32 $0x0, s20;
	[sflag:s22] =	ssyncset.done $0x0  }
0xa0: {  	[sflag:s22] =	ssyncadd.s32 s4;
	_ =	sdelay $0x1  }
0xa1: {  	s23 =	simm.s32 $0x1B8B  }
0xa2: {  	_ =	swait.ge [sflag:s23], $0x1  }
0xa3: {  	[sflag:s23] =	ssyncset.done $0x0  }
0xa4: {  	s25 =	simm.s32 $0x1B8E;
	s24 =	sld [smem:$0x3FFE];
	[sflag:s23] =	ssyncadd.s32 $0xFFFFFFFF  }
0xa5: {  	s26 =	simm.s32 $execute0_lowered;
	[smem:$0x3FD2] =	sst s25  }
0xa6: {  	s5 =	sshll.u32 s26, $0x1;
	_ =	strace $0x80000046;
	[dreg:$0x1] =	wrdreg $0xFFFFFFFF  }
0xa7: {  	s28 =	simm.s32 $_size_execute0_lowered;
	s3 =	sadd.s32 s3, s5;
	[dreg:$0x0] =	wrdreg $0x0  }
0xa8: {  	s5 =	sshll.u32 s28, $0x1;
	[dreg:$0x2] =	wrdreg s3  }
0xa9: {  	[dreg:$0x3] =	wrdreg s5  }
0xaa: {  	[dreg:$0x4] =	wrdreg $0xC0  }
0xab: {  	_ =	task [dreg:s7], $0x5FFFF  }
0xac: {  	[dreg:$0x1] =	wrdreg $0xFFFFFFFF  }
0xad: {  	[dreg:$0x0] =	wrdreg $0x60  }
0xae: {  	[dreg:$0x2] =	wrdreg s24  }
0xaf: {  	[dreg:$0x3] =	wrdreg s2  }
0xb0: {  	[dreg:$0x4] =	wrdreg $0x9  }
0xb1: {  	_ =	task.clear_ibuf [dreg:s7], $0x5FFFF;
	_ =	strace $0x90000046  }
0xb2: {  	s29 =	simm.s32 $0x9;
	_ =	strace $0x80000048  }
0xb3: {  	_ =	swait.ge [sflag:s29], $0x1  }
0xb4: {  	[sflag:s29] =	ssyncadd.s32 $0xFFFFFFFF  }
0xb5: {  	_ =	strace $0x90000048  }
0xb6: {  	_ =	sfence  }
0xb7: {  	s30 =	sld [smem:$0x0];
	_ =	sdelay $0x2  }
0xb8: {  	s31 =	sshll.u32 s1, $0xD;
	s1 =	sshrl.u32 s1, $0x2  }
0xb9: {  	s3 =	sand.u32 $0x4000, s31;
	s1 =	sadd.s32 s1, s30  }
0xba: {  	s0 =	sor.u32 s3, s0;
	s1 =	sshll.u32 s1, $0x11  }
0xbb: {  	s0 =	sor.u32 s1, s0  }
0xbc: {  	s0 =	sadd.s32 $0x8F2B, s0  }
0xbd: {  	[sflag:s0] =	ssyncadd.remote.s32 $0x1  }
0xbe: {  	_ =	sfence.sel $0xFFFF  }
0xbf: {  	[dreg:$0x0] =	wrdreg $0xFFFFFFFF;
	(pc) =	sbr.abs _section_cstart, $3  }
0xc0: {  	[dreg:$0x1] =	wrdreg $0xFFFFFFFF  }
0xc1: {  	_ =	task.clear_ibuf [dreg:s7], $0x2FFFF;
	_ =	strace $0x9FFFFFFF  }
0xc2: {  	(tm) =	ssettm $0x7FFFFFFF  }
0xc3: {  	_ =	shalt  }
tec
execute0_lowered:
.L_overlay_start_1:
0x0: {  	(tag) =	ssettag $0x1  }
0x1: {  	s0 =	rddreg [dreg:$0x0]  }
0x2: {  	s2 =	rddreg [dreg:$0x1];
	s29 =	simm.s32 $0x0  }
0x3: {  	[smem:$0x7FF] =	sst s29;
	s4 =	sadd.s32 $0x14D000, s0  }
0x4: {  	s11 =	simm.s32 $0x1500;
	_ =	strace $0x80000047;
	[dreg:$0x3] =	wrdreg s4  }
0x5: {  	s12 =	simm.s32 $0x1580;
	[dreg:$0x5] =	wrdreg s11  }
0x6: {  	s13 =	simm.s32 $0x1600;
	[dreg:$0x6] =	wrdreg s12  }
0x7: {  	s14 =	simm.s32 $0x1680;
	[dreg:$0x7] =	wrdreg s13  }
0x8: {  	s15 =	simm.s32 $0x1700;
	[dreg:$0x8] =	wrdreg s14  }
0x9: {  	s16 =	simm.s32 $0x1780;
	[dreg:$0x9] =	wrdreg s15  }
0xa: {  	s17 =	simm.s32 $0x1800;
	[dreg:$0xa] =	wrdreg s16  }
0xb: {  	s18 =	simm.s32 $0x1880;
	[dreg:$0xb] =	wrdreg s17  }
0xc: {  	s19 =	simm.s32 $0x1900;
	[dreg:$0xc] =	wrdreg s18  }
0xd: {  	s20 =	simm.s32 $0x1980;
	[dreg:$0xd] =	wrdreg s19  }
0xe: {  	s21 =	simm.s32 $0x1A00;
	[dreg:$0xe] =	wrdreg s20  }
0xf: {  	s22 =	simm.s32 $0x1A80;
	[dreg:$0xf] =	wrdreg s21  }
0x10: {  	s23 =	simm.s32 $0x100;
	[dreg:$0x10] =	wrdreg s22  }
0x11: {  	s24 =	simm.s32 $0x180;
	[dreg:$0x11] =	wrdreg s23  }
0x12: {  	s25 =	simm.s32 $0x200;
	[dreg:$0x12] =	wrdreg s24  }
0x13: {  	s5 =	simm.s32 $0x280;
	[dreg:$0x13] =	wrdreg s25  }
0x14: {  	s7 =	simm.s32 $0x300;
	[dreg:$0x14] =	wrdreg s5  }
0x15: {  	s10 =	stileid.u32;
	s8 =	simm.s32 $0x380;
	[dreg:$0x15] =	wrdreg s7  }
0x16: {  	s1 =	srdreg.scid;
	s9 =	simm.s32 $0x400;
	[dreg:$0x16] =	wrdreg s8  }
0x17: {  	s31 =	simm.s32 $0x4;
	[dreg:$0x17] =	wrdreg s9;
	s11 =	simm.s32 $0x480  }
0x18: {  	s30 =	simm.s32 $0x9C00;
	s12 =	simm.s32 $0x500;
	[dreg:$0x18] =	wrdreg s11  }
0x19: {  	s28 =	simm.s32 $0xC80;
	s13 =	simm.s32 $0x580;
	[dreg:$0x19] =	wrdreg s12  }
0x1a: {  	p0 =	por $0x0, $0x0;
	s15 =	simm.s32 $0x600;
	[dreg:$0x1a] =	wrdreg s13  }
0x1b: {  	s1 =	sand.u32 $0x1, s1;
	s16 =	simm.s32 $0x680;
	[dreg:$0x1b] =	wrdreg s15  }
0x1c: {  	s3 =	sshll.u32 s10, $0x1;
	s17 =	simm.s32 $0x700;
	[dreg:$0x1c] =	wrdreg s16  }
0x1d: {  	s26 =	sshrl.u32 s10, $0x1;
	s18 =	simm.s32 $0x780;
	[dreg:$0x1d] =	wrdreg s17  }
0x1e: {  	s3 =	sor.u32 s1, s3;
	s19 =	simm.s32 $0x800;
	[dreg:$0x1e] =	wrdreg s18  }
0x1f: {  	s6 =	smul.u32 $0x29800, s26;
	s20 =	simm.s32 $0x880;
	[dreg:$0x1f] =	wrdreg s19  }
0x20: {  	s1 =	ssub.s32 $0x2, s1;
	s21 =	simm.s32 $0x900;
	[smem:$0x7F7] =	sst s20  }
0x21: {  	s5 =	simm.s32 $0x80;
	s22 =	simm.s32 $0x980;
	[smem:$0x7F8] =	sst s21  }
0x22: {  	s23 =	simm.s32 $0xA00;
	s8 =	simm.s32 $0x1;
	[smem:$0x7F9] =	sst s22  }
0x23: {  	s24 =	simm.s32 $0xA80;
	s9 =	simm.s32 $0x5C00;
	[smem:$0x7FA] =	sst s23  }
0x24: {  	s25 =	simm.s32 $0xB00;
	s7 =	simm.s32 $0x2;
	[smem:$0x7FB] =	sst s24  }
0x25: {  	s3 =	smul.u32 $0x380, s3;
	s14 =	sshrl.u32 s1, $0x1;
	[smem:$0x7FC] =	sst s25  }
0x26: {  	s15 =	simm.s32 $0xC00;
	s25 =	simm.s32 $0xD80;
	s24 =	simm.s32 $0xE00  }
0x27: {  	s23 =	simm.s32 $0xE80;
	s22 =	simm.s32 $0xF00;
	s21 =	simm.s32 $0xF80  }
0x28: {  	s20 =	simm.s32 $0x1000;
	s19 =	simm.s32 $0x1080;
	s18 =	simm.s32 $0x1100  }
0x29: {  	s17 =	simm.s32 $0x1180;
	s16 =	simm.s32 $0x1280;
	s1 =	ssub.s32 s1, s14  }
0x2a: {  	s13 =	simm.s32 $0x1380;
	s12 =	simm.s32 $0x1400;
	s1 =	smax.u32 s1, $0x1  }
0x2b: {  	s11 =	simm.s32 $0x1480;
	s4 =	sadd.s32 s6, s0;
	p1 =	sne.s32 s1, $0x1  }
.Ltmp0:
0x2c: {  	s6 =	simm.s32 $0x1C00;
	s14 =	simm.s32 $0x1300;
	(pc) =	sbr.rel @!p1 .LBB2_1-.Ltmp0, $4  }
0x2d: {  	s2 =	sadd.s32 s2, s3;
	s3 =	sshll.u32 s26, $0x12;
	s26 =	simm.s32 $0xB80  }
0x2e: {  	[dreg:$0x4] =	wrdreg s2;
	s0 =	sadd.s32 s3, s0;
	s3 =	sadd.s32 $0x1000, s4  }
0x2f: {  	[smem:$0x7FD] =	sst s26;
	s26 =	simm.s32 $0xD00;
	s1 =	sadd.s32 $0xFFFFFFFF, s1  }
0x30: {  	s4 =	simm.s32 $0x3;
	s2 =	sadd.s32 $0x14D800, s0;
	s0 =	rddreg [dreg:$0x4]  }
0x31: {  	[tilespmem:s29], [sflag:$0x4] =	stream.linear.gather [hbm4b:s0+s29], $0x1B00, $0x38;
	[tilespmem:$0xDC00] =	vst v63  }
0x32: {  	_ =	swait.ge [sflag:s31], $0x1B00  }
0x33: {  	[sflag:s31] =	ssyncset.done $0x0  }
0x34: {  	s10 =	rddreg [dreg:$0x3];
	[sflag:s31] =	ssyncadd.s32 $0xFFFFE500  }
0x35: {  	[tilespmem:s30], [sflag:$0x4] =	stream.linear.gather [hbm4b:s10+s29], $0x4000, $0x38;
	[tilespmem:$0xDC00] =	vst v63  }
0x36: {  	_ =	swait.ge [sflag:s31], $0x4000  }
0x37: {  	[sflag:s31] =	ssyncset.done $0x0  }
0x38: {  	s0 =	rddreg [dreg:$0x5];
	[sflag:s31] =	ssyncadd.s32 $0xFFFFC000  }
0x39: {  	[hbm4b:s2+s5] =	stream.indirect.scatter [tilespmem:s30], [sflag:$0x3], $0x80, s0, s5, $0xb8;
	[tilespmem:$0xDC00] =	vst v63  }
0x3a: {  	s10 =	smov.u32 s1;
	s1 =	rddreg [dreg:$0x6]  }
0x3b: {  	[hbm4b:s2+s5] =	stream.indirect.scatter [tilespmem:s30], [sflag:$0x3], $0x80, s1, s5, $0xb8;
	[tilespmem:$0xDC00] =	vst v63  }
0x3c: {  	s0 =	rddreg [dreg:$0x7]  }
0x3d: {  	[hbm4b:s2+s5] =	stream.indirect.scatter [tilespmem:s30], [sflag:$0x3], $0x80, s0, s5, $0xb8;
	[tilespmem:$0xDC00] =	vst v63  }
0x3e: {  	s1 =	rddreg [dreg:$0x8]  }
0x3f: {  	[hbm4b:s2+s5] =	stream.indirect.scatter [tilespmem:s30], [sflag:$0x3], $0x80, s1, s5, $0xb8;
	[tilespmem:$0xDC00] =	vst v63  }
0x40: {  	s0 =	rddreg [dreg:$0x9]  }
0x41: {  	[hbm4b:s2+s5] =	stream.indirect.scatter [tilespmem:s30], [sflag:$0x3], $0x80, s0, s5, $0xb8;
	[tilespmem:$0xDC00] =	vst v63  }
0x42: {  	s1 =	rddreg [dreg:$0xa]  }
0x43: {  	[hbm4b:s2+s5] =	stream.indirect.scatter [tilespmem:s30], [sflag:$0x3], $0x80, s1, s5, $0xb8;
	[tilespmem:$0xDC00] =	vst v63  }
0x44: {  	s0 =	rddreg [dreg:$0xb]  }
0x45: {  	[hbm4b:s2+s5] =	stream.indirect.scatter [tilespmem:s30], [sflag:$0x3], $0x80, s0, s5, $0xb8;
	[tilespmem:$0xDC00] =	vst v63  }
0x46: {  	s1 =	rddreg [dreg:$0xc]  }
0x47: {  	[hbm4b:s2+s5] =	stream.indirect.scatter [tilespmem:s30], [sflag:$0x3], $0x80, s1, s5, $0xb8;
	[tilespmem:$0xDC00] =	vst v63  }
0x48: {  	s0 =	rddreg [dreg:$0xd]  }
0x49: {  	[hbm4b:s2+s5] =	stream.indirect.scatter [tilespmem:s30], [sflag:$0x3], $0x80, s0, s5, $0xb8;
	[tilespmem:$0xDC00] =	vst v63  }
0x4a: {  	s1 =	rddreg [dreg:$0xe]  }
0x4b: {  	[hbm4b:s2+s5] =	stream.indirect.scatter [tilespmem:s30], [sflag:$0x3], $0x80, s1, s5, $0xb8;
	[tilespmem:$0xDC00] =	vst v63  }
0x4c: {  	s0 =	rddreg [dreg:$0xf]  }
0x4d: {  	[hbm4b:s2+s5] =	stream.indirect.scatter [tilespmem:s30], [sflag:$0x3], $0x80, s0, s5, $0xb8;
	[tilespmem:$0xDC00] =	vst v63  }
0x4e: {  	s1 =	rddreg [dreg:$0x10]  }
0x4f: {  	[hbm4b:s2+s5] =	stream.indirect.scatter [tilespmem:s30], [sflag:$0x3], $0x80, s1, s5, $0xb8;
	[tilespmem:$0xDC00] =	vst v63  }
0x50: {  	_ = 	snop  }
0x51: {  	[tilespmem:s6], [sflag:$0x1] =	stream.indirect.gather [hbm4b:s3+s5], $0x80, s29, s5, $0xb8;
	[tilespmem:$0xDC00] =	vst v63  }
0x52: {  	_ =	swait.ge [sflag:s8], $0x4000  }
0x53: {  	[sflag:s8] =	ssyncset.done $0x0  }
0x54: {  	[sflag:s8] =	ssyncadd.s32 $0xFFFFC000  }
0x55: {  	[hbm4b:s2+s5] =	stream.indirect.scatter [tilespmem:s6], [sflag:$0x2], $0x80, s5, s5, $0xb8;
	[tilespmem:$0xDC00] =	vst v63  }
0x56: {  	s1 =	rddreg [dreg:$0x11]  }
0x57: {  	[tilespmem:s9], [sflag:$0x1] =	stream.indirect.gather [hbm4b:s3+s5], $0x80, s1, s5, $0xb8;
	[tilespmem:$0xDC00] =	vst v63  }
0x58: {  	_ =	swait.ge [sflag:s8], $0x4000  }
0x59: {  	[sflag:s8] =	ssyncset.done $0x0  }
0x5a: {  	s1 =	rddreg [dreg:$0x12];
	[sflag:s8] =	ssyncadd.s32 $0xFFFFC000  }
0x5b: {  	[hbm4b:s2+s5] =	stream.indirect.scatter [tilespmem:s9], [sflag:$0x2], $0x80, s1, s5, $0xb8;
	[tilespmem:$0xDC00] =	vst v63  }
0x5c: {  	_ =	swait.ge [sflag:s7], $0x4000  }
0x5d: {  	[sflag:s7] =	ssyncset.done $0x0  }
0x5e: {  	s1 =	rddreg [dreg:$0x13];
	[sflag:s7] =	ssyncadd.s32 $0xFFFFC000  }
0x5f: {  	[tilespmem:s6], [sflag:$0x1] =	stream.indirect.gather [hbm4b:s3+s5], $0x80, s1, s5, $0xb8;
	[tilespmem:$0xDC00] =	vst v63  }
0x60: {  	_ =	swait.ge [sflag:s8], $0x4000  }
0x61: {  	[sflag:s8] =	ssyncset.done $0x0  }
0x62: {  	s1 =	rddreg [dreg:$0x14];
	[sflag:s8] =	ssyncadd.s32 $0xFFFFC000  }
0x63: {  	[hbm4b:s2+s5] =	stream.indirect.scatter [tilespmem:s6], [sflag:$0x2], $0x80, s1, s5, $0xb8;
	[tilespmem:$0xDC00] =	vst v63  }
0x64: {  	_ =	swait.ge [sflag:s7], $0x4000  }
0x65: {  	[sflag:s7] =	ssyncset.done $0x0  }
0x66: {  	s1 =	rddreg [dreg:$0x15];
	[sflag:s7] =	ssyncadd.s32 $0xFFFFC000  }
0x67: {  	[tilespmem:s9], [sflag:$0x1] =	stream.indirect.gather [hbm4b:s3+s5], $0x80, s1, s5, $0xb8;
	[tilespmem:$0xDC00] =	vst v63  }
0x68: {  	_ =	swait.ge [sflag:s8], $0x4000  }
0x69: {  	[sflag:s8] =	ssyncset.done $0x0  }
0x6a: {  	s1 =	rddreg [dreg:$0x16];
	[sflag:s8] =	ssyncadd.s32 $0xFFFFC000  }
0x6b: {  	[hbm4b:s2+s5] =	stream.indirect.scatter [tilespmem:s9], [sflag:$0x2], $0x80, s1, s5, $0xb8;
	[tilespmem:$0xDC00] =	vst v63  }
0x6c: {  	_ =	swait.ge [sflag:s7], $0x4000  }
0x6d: {  	[sflag:s7] =	ssyncset.done $0x0  }
0x6e: {  	s1 =	rddreg [dreg:$0x17];
	[sflag:s7] =	ssyncadd.s32 $0xFFFFC000  }
0x6f: {  	[tilespmem:s6], [sflag:$0x1] =	stream.indirect.gather [hbm4b:s3+s5], $0x80, s1, s5, $0xb8;
	[tilespmem:$0xDC00] =	vst v63  }
0x70: {  	_ =	swait.ge [sflag:s8], $0x4000  }
0x71: {  	[sflag:s8] =	ssyncset.done $0x0  }
0x72: {  	s1 =	rddreg [dreg:$0x18];
	[sflag:s8] =	ssyncadd.s32 $0xFFFFC000  }
0x73: {  	[hbm4b:s2+s5] =	stream.indirect.scatter [tilespmem:s6], [sflag:$0x2], $0x80, s1, s5, $0xb8;
	[tilespmem:$0xDC00] =	vst v63  }
0x74: {  	_ =	swait.ge [sflag:s7], $0x4000  }
0x75: {  	[sflag:s7] =	ssyncset.done $0x0  }
0x76: {  	s1 =	rddreg [dreg:$0x19];
	[sflag:s7] =	ssyncadd.s32 $0xFFFFC000  }
0x77: {  	[tilespmem:s9], [sflag:$0x1] =	stream.indirect.gather [hbm4b:s3+s5], $0x80, s1, s5, $0xb8;
	[tilespmem:$0xDC00] =	vst v63  }
0x78: {  	_ =	swait.ge [sflag:s8], $0x4000  }
0x79: {  	[sflag:s8] =	ssyncset.done $0x0  }
0x7a: {  	s1 =	rddreg [dreg:$0x1a];
	[sflag:s8] =	ssyncadd.s32 $0xFFFFC000  }
0x7b: {  	[hbm4b:s2+s5] =	stream.indirect.scatter [tilespmem:s9], [sflag:$0x2], $0x80, s1, s5, $0xb8;
	[tilespmem:$0xDC00] =	vst v63  }
0x7c: {  	_ =	swait.ge [sflag:s7], $0x4000  }
0x7d: {  	[sflag:s7] =	ssyncset.done $0x0  }
0x7e: {  	s1 =	rddreg [dreg:$0x1b];
	[sflag:s7] =	ssyncadd.s32 $0xFFFFC000  }
0x7f: {  	[tilespmem:s6], [sflag:$0x1] =	stream.indirect.gather [hbm4b:s3+s5], $0x80, s1, s5, $0xb8;
	[tilespmem:$0xDC00] =	vst v63  }
0x80: {  	_ =	swait.ge [sflag:s8], $0x4000  }
0x81: {  	[sflag:s8] =	ssyncset.done $0x0  }
0x82: {  	s1 =	rddreg [dreg:$0x1c];
	[sflag:s8] =	ssyncadd.s32 $0xFFFFC000  }
0x83: {  	[hbm4b:s2+s5] =	stream.indirect.scatter [tilespmem:s6], [sflag:$0x2], $0x80, s1, s5, $0xb8;
	[tilespmem:$0xDC00] =	vst v63  }
0x84: {  	_ =	swait.ge [sflag:s7], $0x4000  }
0x85: {  	[sflag:s7] =	ssyncset.done $0x0  }
0x86: {  	s1 =	rddreg [dreg:$0x1d];
	[sflag:s7] =	ssyncadd.s32 $0xFFFFC000  }
0x87: {  	[tilespmem:s9], [sflag:$0x1] =	stream.indirect.gather [hbm4b:s3+s5], $0x80, s1, s5, $0xb8;
	[tilespmem:$0xDC00] =	vst v63  }
0x88: {  	_ =	swait.ge [sflag:s8], $0x4000  }
0x89: {  	[sflag:s8] =	ssyncset.done $0x0  }
0x8a: {  	s1 =	rddreg [dreg:$0x1e];
	[sflag:s8] =	ssyncadd.s32 $0xFFFFC000  }
0x8b: {  	[hbm4b:s2+s5] =	stream.indirect.scatter [tilespmem:s9], [sflag:$0x2], $0x80, s1, s5, $0xb8;
	[tilespmem:$0xDC00] =	vst v63  }
0x8c: {  	_ =	swait.ge [sflag:s7], $0x4000  }
0x8d: {  	[sflag:s7] =	ssyncset.done $0x0  }
0x8e: {  	s1 =	rddreg [dreg:$0x1f];
	[sflag:s7] =	ssyncadd.s32 $0xFFFFC000  }
0x8f: {  	[tilespmem:s6], [sflag:$0x1] =	stream.indirect.gather [hbm4b:s3+s5], $0x80, s1, s5, $0xb8;
	[tilespmem:$0xDC00] =	vst v63  }
0x90: {  	_ =	swait.ge [sflag:s8], $0x4000  }
0x91: {  	s1 =	sld [smem:$0x7F7]  }
0x92: {  	[sflag:s8] =	ssyncset.done $0x0  }
0x93: {  	[sflag:s8] =	ssyncadd.s32 $0xFFFFC000  }
0x94: {  	[hbm4b:s2+s5] =	stream.indirect.scatter [tilespmem:s6], [sflag:$0x2], $0x80, s1, s5, $0xb8;
	[tilespmem:$0xDC00] =	vst v63  }
0x95: {  	_ =	swait.ge [sflag:s7], $0x4000  }
0x96: {  	s1 =	sld [smem:$0x7F8]  }
0x97: {  	[sflag:s7] =	ssyncset.done $0x0  }
0x98: {  	[sflag:s7] =	ssyncadd.s32 $0xFFFFC000  }
0x99: {  	[tilespmem:s9], [sflag:$0x1] =	stream.indirect.gather [hbm4b:s3+s5], $0x80, s1, s5, $0xb8;
	[tilespmem:$0xDC00] =	vst v63  }
0x9a: {  	_ =	swait.ge [sflag:s8], $0x4000  }
0x9b: {  	s1 =	sld [smem:$0x7F9]  }
0x9c: {  	[sflag:s8] =	ssyncset.done $0x0  }
0x9d: {  	[sflag:s8] =	ssyncadd.s32 $0xFFFFC000  }
0x9e: {  	[hbm4b:s2+s5] =	stream.indirect.scatter [tilespmem:s9], [sflag:$0x2], $0x80, s1, s5, $0xb8;
	[tilespmem:$0xDC00] =	vst v63  }
0x9f: {  	_ =	swait.ge [sflag:s7], $0x4000  }
0xa0: {  	s1 =	sld [smem:$0x7FA]  }
0xa1: {  	[sflag:s7] =	ssyncset.done $0x0  }
0xa2: {  	[sflag:s7] =	ssyncadd.s32 $0xFFFFC000  }
0xa3: {  	[tilespmem:s6], [sflag:$0x1] =	stream.indirect.gather [hbm4b:s3+s5], $0x80, s1, s5, $0xb8;
	[tilespmem:$0xDC00] =	vst v63  }
0xa4: {  	_ =	swait.ge [sflag:s8], $0x4000  }
0xa5: {  	s1 =	sld [smem:$0x7FB]  }
0xa6: {  	[sflag:s8] =	ssyncset.done $0x0  }
0xa7: {  	[sflag:s8] =	ssyncadd.s32 $0xFFFFC000  }
0xa8: {  	[hbm4b:s2+s5] =	stream.indirect.scatter [tilespmem:s6], [sflag:$0x2], $0x80, s1, s5, $0xb8;
	[tilespmem:$0xDC00] =	vst v63  }
0xa9: {  	_ =	swait.ge [sflag:s7], $0x4000  }
0xaa: {  	s1 =	sld [smem:$0x7FC]  }
0xab: {  	[sflag:s7] =	ssyncset.done $0x0  }
0xac: {  	[sflag:s7] =	ssyncadd.s32 $0xFFFFC000  }
0xad: {  	[tilespmem:s9], [sflag:$0x1] =	stream.indirect.gather [hbm4b:s3+s5], $0x80, s1, s5, $0xb8;
	[tilespmem:$0xDC00] =	vst v63  }
0xae: {  	_ =	swait.ge [sflag:s8], $0x4000  }
0xaf: {  	s1 =	sld [smem:$0x7FD]  }
0xb0: {  	[sflag:s8] =	ssyncset.done $0x0  }
0xb1: {  	[sflag:s8] =	ssyncadd.s32 $0xFFFFC000  }
0xb2: {  	[hbm4b:s2+s5] =	stream.indirect.scatter [tilespmem:s9], [sflag:$0x2], $0x80, s1, s5, $0xb8;
	[tilespmem:$0xDC00] =	vst v63  }
0xb3: {  	_ =	swait.ge [sflag:s7], $0x4000  }
0xb4: {  	[sflag:s7] =	ssyncset.done $0x0  }
0xb5: {  	[sflag:s7] =	ssyncadd.s32 $0xFFFFC000  }
0xb6: {  	[tilespmem:s6], [sflag:$0x1] =	stream.indirect.gather [hbm4b:s3+s5], $0x80, s15, s5, $0xb8;
	[tilespmem:$0xDC00] =	vst v63  }
0xb7: {  	_ =	swait.ge [sflag:s8], $0x4000  }
0xb8: {  	[sflag:s8] =	ssyncset.done $0x0  }
0xb9: {  	[sflag:s8] =	ssyncadd.s32 $0xFFFFC000  }
0xba: {  	[hbm4b:s2+s5] =	stream.indirect.scatter [tilespmem:s6], [sflag:$0x2], $0x80, s28, s5, $0xb8;
	[tilespmem:$0xDC00] =	vst v63  }
0xbb: {  	_ =	swait.ge [sflag:s7], $0x4000  }
0xbc: {  	[sflag:s7] =	ssyncset.done $0x0  }
0xbd: {  	[sflag:s7] =	ssyncadd.s32 $0xFFFFC000  }
0xbe: {  	[tilespmem:s9], [sflag:$0x1] =	stream.indirect.gather [hbm4b:s3+s5], $0x80, s26, s5, $0xb8;
	[tilespmem:$0xDC00] =	vst v63  }
0xbf: {  	_ =	swait.ge [sflag:s8], $0x4000  }
0xc0: {  	[sflag:s8] =	ssyncset.done $0x0  }
0xc1: {  	[sflag:s8] =	ssyncadd.s32 $0xFFFFC000  }
0xc2: {  	[hbm4b:s2+s5] =	stream.indirect.scatter [tilespmem:s9], [sflag:$0x2], $0x80, s25, s5, $0xb8;
	[tilespmem:$0xDC00] =	vst v63  }
0xc3: {  	_ =	swait.ge [sflag:s7], $0x4000  }
0xc4: {  	[sflag:s7] =	ssyncset.done $0x0  }
0xc5: {  	[sflag:s7] =	ssyncadd.s32 $0xFFFFC000  }
0xc6: {  	[tilespmem:s6], [sflag:$0x1] =	stream.indirect.gather [hbm4b:s3+s5], $0x80, s24, s5, $0xb8;
	[tilespmem:$0xDC00] =	vst v63  }
0xc7: {  	_ =	swait.ge [sflag:s8], $0x4000  }
0xc8: {  	[sflag:s8] =	ssyncset.done $0x0  }
0xc9: {  	[sflag:s8] =	ssyncadd.s32 $0xFFFFC000  }
0xca: {  	[hbm4b:s2+s5] =	stream.indirect.scatter [tilespmem:s6], [sflag:$0x2], $0x80, s23, s5, $0xb8;
	[tilespmem:$0xDC00] =	vst v63  }
0xcb: {  	_ =	swait.ge [sflag:s7], $0x4000  }
0xcc: {  	[sflag:s7] =	ssyncset.done $0x0  }
0xcd: {  	[sflag:s7] =	ssyncadd.s32 $0xFFFFC000  }
0xce: {  	[tilespmem:s9], [sflag:$0x1] =	stream.indirect.gather [hbm4b:s3+s5], $0x80, s22, s5, $0xb8;
	[tilespmem:$0xDC00] =	vst v63  }
0xcf: {  	_ =	swait.ge [sflag:s8], $0x4000  }
0xd0: {  	[sflag:s8] =	ssyncset.done $0x0  }
0xd1: {  	[sflag:s8] =	ssyncadd.s32 $0xFFFFC000  }
0xd2: {  	[hbm4b:s2+s5] =	stream.indirect.scatter [tilespmem:s9], [sflag:$0x2], $0x80, s21, s5, $0xb8;
	[tilespmem:$0xDC00] =	vst v63  }
0xd3: {  	_ =	swait.ge [sflag:s7], $0x4000  }
0xd4: {  	[sflag:s7] =	ssyncset.done $0x0  }
0xd5: {  	[sflag:s7] =	ssyncadd.s32 $0xFFFFC000  }
0xd6: {  	[tilespmem:s6], [sflag:$0x1] =	stream.indirect.gather [hbm4b:s3+s5], $0x80, s20, s5, $0xb8;
	[tilespmem:$0xDC00] =	vst v63  }
0xd7: {  	_ =	swait.ge [sflag:s8], $0x4000  }
0xd8: {  	[sflag:s8] =	ssyncset.done $0x0  }
0xd9: {  	[sflag:s8] =	ssyncadd.s32 $0xFFFFC000  }
0xda: {  	[hbm4b:s2+s5] =	stream.indirect.scatter [tilespmem:s6], [sflag:$0x2], $0x80, s19, s5, $0xb8;
	[tilespmem:$0xDC00] =	vst v63  }
0xdb: {  	_ =	swait.ge [sflag:s7], $0x4000  }
0xdc: {  	[sflag:s7] =	ssyncset.done $0x0  }
0xdd: {  	[sflag:s7] =	ssyncadd.s32 $0xFFFFC000  }
0xde: {  	[tilespmem:s9], [sflag:$0x1] =	stream.indirect.gather [hbm4b:s3+s5], $0x80, s18, s5, $0xb8;
	[tilespmem:$0xDC00] =	vst v63  }
0xdf: {  	_ =	swait.ge [sflag:s8], $0x4000  }
0xe0: {  	[sflag:s8] =	ssyncset.done $0x0  }
0xe1: {  	[sflag:s8] =	ssyncadd.s32 $0xFFFFC000  }
0xe2: {  	[hbm4b:s2+s5] =	stream.indirect.scatter [tilespmem:s9], [sflag:$0x2], $0x80, s17, s5, $0xb8;
	[tilespmem:$0xDC00] =	vst v63  }
0xe3: {  	_ =	swait.ge [sflag:s7], $0x4000  }
0xe4: {  	[sflag:s7] =	ssyncset.done $0x0  }
0xe5: {  	s1 =	simm.s32 $0x1200;
	[sflag:s7] =	ssyncadd.s32 $0xFFFFC000  }
0xe6: {  	[tilespmem:s6], [sflag:$0x1] =	stream.indirect.gather [hbm4b:s3+s5], $0x80, s1, s5, $0xb8;
	[tilespmem:$0xDC00] =	vst v63  }
0xe7: {  	_ =	swait.ge [sflag:s8], $0x4000  }
0xe8: {  	[sflag:s8] =	ssyncset.done $0x0  }
0xe9: {  	[sflag:s8] =	ssyncadd.s32 $0xFFFFC000  }
0xea: {  	[hbm4b:s2+s5] =	stream.indirect.scatter [tilespmem:s6], [sflag:$0x2], $0x80, s16, s5, $0xb8;
	[tilespmem:$0xDC00] =	vst v63  }
0xeb: {  	_ =	swait.ge [sflag:s7], $0x4000  }
0xec: {  	[sflag:s7] =	ssyncset.done $0x0  }
0xed: {  	[sflag:s7] =	ssyncadd.s32 $0xFFFFC000  }
0xee: {  	[tilespmem:s9], [sflag:$0x1] =	stream.indirect.gather [hbm4b:s3+s5], $0x80, s14, s5, $0xb8;
	[tilespmem:$0xDC00] =	vst v63  }
0xef: {  	_ =	swait.ge [sflag:s8], $0x4000  }
0xf0: {  	[sflag:s8] =	ssyncset.done $0x0  }
0xf1: {  	[sflag:s8] =	ssyncadd.s32 $0xFFFFC000  }
0xf2: {  	[hbm4b:s2+s5] =	stream.indirect.scatter [tilespmem:s9], [sflag:$0x2], $0x80, s13, s5, $0xb8;
	[tilespmem:$0xDC00] =	vst v63  }
0xf3: {  	_ =	swait.ge [sflag:s7], $0x4000  }
0xf4: {  	[sflag:s7] =	ssyncset.done $0x0  }
0xf5: {  	[sflag:s7] =	ssyncadd.s32 $0xFFFFC000  }
0xf6: {  	[tilespmem:s6], [sflag:$0x1] =	stream.indirect.gather [hbm4b:s3+s5], $0x80, s12, s5, $0xb8;
	[tilespmem:$0xDC00] =	vst v63  }
0xf7: {  	_ =	swait.ge [sflag:s8], $0x4000  }
0xf8: {  	[sflag:s8] =	ssyncset.done $0x0  }
0xf9: {  	[sflag:s8] =	ssyncadd.s32 $0xFFFFC000  }
0xfa: {  	[hbm4b:s2+s5] =	stream.indirect.scatter [tilespmem:s6], [sflag:$0x2], $0x80, s11, s5, $0xb8;
	[tilespmem:$0xDC00] =	vst v63  }
0xfb: {  	_ =	swait.ge [sflag:s7], $0x4000  }
0xfc: {  	[sflag:s7] =	ssyncset.done $0x0  }
0xfd: {  	[sflag:s7] =	ssyncadd.s32 $0xFFFFC000  }
0xfe: {  	_ =	swait.ge [sflag:s7], $0x4000  }
0xff: {  	[sflag:s7] =	ssyncset.done $0x0  }
0x100: {  	[sflag:s7] =	ssyncadd.s32 $0xFFFFC000  }
0x101: {  	_ =	swait.ge [sflag:s4], $0x4000  }
0x102: {  	[sflag:s4] =	ssyncset.done $0x0  }
0x103: {  	[sflag:s4] =	ssyncadd.s32 $0xFFFFC000  }
0x104: {  	_ =	swait.ge [sflag:s4], $0x4000  }
0x105: {  	[sflag:s4] =	ssyncset.done $0x0  }
0x106: {  	[sflag:s4] =	ssyncadd.s32 $0xFFFFC000  }
0x107: {  	_ =	swait.ge [sflag:s4], $0x4000  }
0x108: {  	[sflag:s4] =	ssyncset.done $0x0  }
0x109: {  	[sflag:s4] =	ssyncadd.s32 $0xFFFFC000  }
0x10a: {  	_ =	swait.ge [sflag:s4], $0x4000  }
0x10b: {  	[sflag:s4] =	ssyncset.done $0x0  }
0x10c: {  	[sflag:s4] =	ssyncadd.s32 $0xFFFFC000  }
0x10d: {  	_ =	swait.ge [sflag:s4], $0x4000  }
0x10e: {  	[sflag:s4] =	ssyncset.done $0x0  }
0x10f: {  	[sflag:s4] =	ssyncadd.s32 $0xFFFFC000  }
0x110: {  	_ =	swait.ge [sflag:s4], $0x4000  }
0x111: {  	[sflag:s4] =	ssyncset.done $0x0  }
0x112: {  	[sflag:s4] =	ssyncadd.s32 $0xFFFFC000  }
0x113: {  	_ =	swait.ge [sflag:s4], $0x4000  }
0x114: {  	[sflag:s4] =	ssyncset.done $0x0  }
0x115: {  	[sflag:s4] =	ssyncadd.s32 $0xFFFFC000  }
0x116: {  	_ =	swait.ge [sflag:s4], $0x4000  }
0x117: {  	[sflag:s4] =	ssyncset.done $0x0  }
0x118: {  	[sflag:s4] =	ssyncadd.s32 $0xFFFFC000  }
0x119: {  	_ =	swait.ge [sflag:s4], $0x4000  }
0x11a: {  	[sflag:s4] =	ssyncset.done $0x0  }
0x11b: {  	[sflag:s4] =	ssyncadd.s32 $0xFFFFC000  }
0x11c: {  	_ =	swait.ge [sflag:s4], $0x4000  }
0x11d: {  	[sflag:s4] =	ssyncset.done $0x0  }
0x11e: {  	p1 =	sne.s32 s10, $0x1;
	[sflag:s4] =	ssyncadd.s32 $0xFFFFC000  }
.Ltmp1:
0x11f: {  	_ =	swait.ge [sflag:s4], $0x4000;
	(pc) =	sbr.rel @!p1 .LBB2_3-.Ltmp1, $4  }
0x120: {  	[sflag:s4] =	ssyncset.done $0x0  }
0x121: {  	[sflag:s4] =	ssyncadd.s32 $0xFFFFC000  }
0x122: {  	p0 =	por $0x1, $0x1;
	_ =	swait.ge [sflag:s4], $0x4000  }
0x123: {  	s1 =	sadd.s32 $0xFFFFFFFF, s10;
	s0 =	rddreg [dreg:$0x4];
	[sflag:s4] =	ssyncset.done $0x0  }
.LBB2_4:
0x124: {  	[sflag:s4] =	ssyncadd.s32 $0xFFFFC000  }
0x125: {  	[tilespmem:s29], [sflag:$0x4] =	stream.linear.gather [hbm4b:s0+s29], $0x1B00, $0x38;
	[tilespmem:$0xDC00] =	vst v63  }
0x126: {  	_ =	swait.ge [sflag:s31], $0x1B00  }
0x127: {  	[sflag:s31] =	ssyncset.done $0x0  }
0x128: {  	s10 =	rddreg [dreg:$0x3];
	[sflag:s31] =	ssyncadd.s32 $0xFFFFE500  }
0x129: {  	[tilespmem:s30], [sflag:$0x4] =	stream.linear.gather [hbm4b:s10+s29], $0x4000, $0x38;
	[tilespmem:$0xDC00] =	vst v63  }
0x12a: {  	_ =	swait.ge [sflag:s31], $0x4000  }
0x12b: {  	[sflag:s31] =	ssyncset.done $0x0  }
0x12c: {  	s0 =	rddreg [dreg:$0x5];
	[sflag:s31] =	ssyncadd.s32 $0xFFFFC000  }
0x12d: {  	[hbm4b:s2+s5] =	stream.indirect.scatter [tilespmem:s30], [sflag:$0x3], $0x80, s0, s5, $0xb8;
	[tilespmem:$0xDC00] =	vst v63  }
0x12e: {  	s10 =	rddreg [dreg:$0x6]  }
0x12f: {  	[hbm4b:s2+s5] =	stream.indirect.scatter [tilespmem:s30], [sflag:$0x3], $0x80, s10, s5, $0xb8;
	[tilespmem:$0xDC00] =	vst v63  }
0x130: {  	s0 =	rddreg [dreg:$0x7]  }
0x131: {  	[hbm4b:s2+s5] =	stream.indirect.scatter [tilespmem:s30], [sflag:$0x3], $0x80, s0, s5, $0xb8;
	[tilespmem:$0xDC00] =	vst v63  }
0x132: {  	s10 =	rddreg [dreg:$0x8]  }
0x133: {  	[hbm4b:s2+s5] =	stream.indirect.scatter [tilespmem:s30], [sflag:$0x3], $0x80, s10, s5, $0xb8;
	[tilespmem:$0xDC00] =	vst v63  }
0x134: {  	s0 =	rddreg [dreg:$0x9]  }
0x135: {  	[hbm4b:s2+s5] =	stream.indirect.scatter [tilespmem:s30], [sflag:$0x3], $0x80, s0, s5, $0xb8;
	[tilespmem:$0xDC00] =	vst v63  }
0x136: {  	s10 =	rddreg [dreg:$0xa]  }
0x137: {  	[hbm4b:s2+s5] =	stream.indirect.scatter [tilespmem:s30], [sflag:$0x3], $0x80, s10, s5, $0xb8;
	[tilespmem:$0xDC00] =	vst v63  }
0x138: {  	s0 =	rddreg [dreg:$0xb]  }
0x139: {  	[hbm4b:s2+s5] =	stream.indirect.scatter [tilespmem:s30], [sflag:$0x3], $0x80, s0, s5, $0xb8;
	[tilespmem:$0xDC00] =	vst v63  }
0x13a: {  	s10 =	rddreg [dreg:$0xc]  }
0x13b: {  	[hbm4b:s2+s5] =	stream.indirect.scatter [tilespmem:s30], [sflag:$0x3], $0x80, s10, s5, $0xb8;
	[tilespmem:$0xDC00] =	vst v63  }
0x13c: {  	s0 =	rddreg [dreg:$0xd]  }
0x13d: {  	[hbm4b:s2+s5] =	stream.indirect.scatter [tilespmem:s30], [sflag:$0x3], $0x80, s0, s5, $0xb8;
	[tilespmem:$0xDC00] =	vst v63  }
0x13e: {  	s10 =	rddreg [dreg:$0xe]  }
0x13f: {  	[hbm4b:s2+s5] =	stream.indirect.scatter [tilespmem:s30], [sflag:$0x3], $0x80, s10, s5, $0xb8;
	[tilespmem:$0xDC00] =	vst v63  }
0x140: {  	s0 =	rddreg [dreg:$0xf]  }
0x141: {  	[hbm4b:s2+s5] =	stream.indirect.scatter [tilespmem:s30], [sflag:$0x3], $0x80, s0, s5, $0xb8;
	[tilespmem:$0xDC00] =	vst v63  }
0x142: {  	s10 =	rddreg [dreg:$0x10]  }
0x143: {  	[hbm4b:s2+s5] =	stream.indirect.scatter [tilespmem:s30], [sflag:$0x3], $0x80, s10, s5, $0xb8;
	[tilespmem:$0xDC00] =	vst v63  }
0x144: {  	_ = 	snop  }
0x145: {  	[tilespmem:s6], [sflag:$0x1] =	stream.indirect.gather [hbm4b:s3+s5], $0x80, s29, s5, $0xb8;
	[tilespmem:$0xDC00] =	vst v63  }
0x146: {  	_ =	swait.ge [sflag:s8], $0x4000  }
0x147: {  	[sflag:s8] =	ssyncset.done $0x0  }
0x148: {  	[sflag:s8] =	ssyncadd.s32 $0xFFFFC000  }
0x149: {  	[hbm4b:s2+s5] =	stream.indirect.scatter [tilespmem:s6], [sflag:$0x2], $0x80, s5, s5, $0xb8;
	[tilespmem:$0xDC00] =	vst v63  }
0x14a: {  	s10 =	rddreg [dreg:$0x11]  }
0x14b: {  	[tilespmem:s9], [sflag:$0x1] =	stream.indirect.gather [hbm4b:s3+s5], $0x80, s10, s5, $0xb8;
	[tilespmem:$0xDC00] =	vst v63  }
0x14c: {  	_ =	swait.ge [sflag:s8], $0x4000  }
0x14d: {  	[sflag:s8] =	ssyncset.done $0x0  }
0x14e: {  	s10 =	rddreg [dreg:$0x12];
	[sflag:s8] =	ssyncadd.s32 $0xFFFFC000  }
0x14f: {  	[hbm4b:s2+s5] =	stream.indirect.scatter [tilespmem:s9], [sflag:$0x2], $0x80, s10, s5, $0xb8;
	[tilespmem:$0xDC00] =	vst v63  }
0x150: {  	_ =	swait.ge [sflag:s7], $0x4000  }
0x151: {  	[sflag:s7] =	ssyncset.done $0x0  }
0x152: {  	s10 =	rddreg [dreg:$0x13];
	[sflag:s7] =	ssyncadd.s32 $0xFFFFC000  }
0x153: {  	[tilespmem:s6], [sflag:$0x1] =	stream.indirect.gather [hbm4b:s3+s5], $0x80, s10, s5, $0xb8;
	[tilespmem:$0xDC00] =	vst v63  }
0x154: {  	_ =	swait.ge [sflag:s8], $0x4000  }
0x155: {  	[sflag:s8] =	ssyncset.done $0x0  }
0x156: {  	s10 =	rddreg [dreg:$0x14];
	[sflag:s8] =	ssyncadd.s32 $0xFFFFC000  }
0x157: {  	[hbm4b:s2+s5] =	stream.indirect.scatter [tilespmem:s6], [sflag:$0x2], $0x80, s10, s5, $0xb8;
	[tilespmem:$0xDC00] =	vst v63  }
0x158: {  	_ =	swait.ge [sflag:s7], $0x4000  }
0x159: {  	[sflag:s7] =	ssyncset.done $0x0  }
0x15a: {  	s10 =	rddreg [dreg:$0x15];
	[sflag:s7] =	ssyncadd.s32 $0xFFFFC000  }
0x15b: {  	[tilespmem:s9], [sflag:$0x1] =	stream.indirect.gather [hbm4b:s3+s5], $0x80, s10, s5, $0xb8;
	[tilespmem:$0xDC00] =	vst v63  }
0x15c: {  	_ =	swait.ge [sflag:s8], $0x4000  }
0x15d: {  	[sflag:s8] =	ssyncset.done $0x0  }
0x15e: {  	s10 =	rddreg [dreg:$0x16];
	[sflag:s8] =	ssyncadd.s32 $0xFFFFC000  }
0x15f: {  	[hbm4b:s2+s5] =	stream.indirect.scatter [tilespmem:s9], [sflag:$0x2], $0x80, s10, s5, $0xb8;
	[tilespmem:$0xDC00] =	vst v63  }
0x160: {  	_ =	swait.ge [sflag:s7], $0x4000  }
0x161: {  	[sflag:s7] =	ssyncset.done $0x0  }
0x162: {  	s10 =	rddreg [dreg:$0x17];
	[sflag:s7] =	ssyncadd.s32 $0xFFFFC000  }
0x163: {  	[tilespmem:s6], [sflag:$0x1] =	stream.indirect.gather [hbm4b:s3+s5], $0x80, s10, s5, $0xb8;
	[tilespmem:$0xDC00] =	vst v63  }
0x164: {  	_ =	swait.ge [sflag:s8], $0x4000  }
0x165: {  	[sflag:s8] =	ssyncset.done $0x0  }
0x166: {  	s10 =	rddreg [dreg:$0x18];
	[sflag:s8] =	ssyncadd.s32 $0xFFFFC000  }
0x167: {  	[hbm4b:s2+s5] =	stream.indirect.scatter [tilespmem:s6], [sflag:$0x2], $0x80, s10, s5, $0xb8;
	[tilespmem:$0xDC00] =	vst v63  }
0x168: {  	_ =	swait.ge [sflag:s7], $0x4000  }
0x169: {  	[sflag:s7] =	ssyncset.done $0x0  }
0x16a: {  	s10 =	rddreg [dreg:$0x19];
	[sflag:s7] =	ssyncadd.s32 $0xFFFFC000  }
0x16b: {  	[tilespmem:s9], [sflag:$0x1] =	stream.indirect.gather [hbm4b:s3+s5], $0x80, s10, s5, $0xb8;
	[tilespmem:$0xDC00] =	vst v63  }
0x16c: {  	_ =	swait.ge [sflag:s8], $0x4000  }
0x16d: {  	[sflag:s8] =	ssyncset.done $0x0  }
0x16e: {  	s10 =	rddreg [dreg:$0x1a];
	[sflag:s8] =	ssyncadd.s32 $0xFFFFC000  }
0x16f: {  	[hbm4b:s2+s5] =	stream.indirect.scatter [tilespmem:s9], [sflag:$0x2], $0x80, s10, s5, $0xb8;
	[tilespmem:$0xDC00] =	vst v63  }
0x170: {  	_ =	swait.ge [sflag:s7], $0x4000  }
0x171: {  	[sflag:s7] =	ssyncset.done $0x0  }
0x172: {  	s10 =	rddreg [dreg:$0x1b];
	[sflag:s7] =	ssyncadd.s32 $0xFFFFC000  }
0x173: {  	[tilespmem:s6], [sflag:$0x1] =	stream.indirect.gather [hbm4b:s3+s5], $0x80, s10, s5, $0xb8;
	[tilespmem:$0xDC00] =	vst v63  }
0x174: {  	_ =	swait.ge [sflag:s8], $0x4000  }
0x175: {  	[sflag:s8] =	ssyncset.done $0x0  }
0x176: {  	s10 =	rddreg [dreg:$0x1c];
	[sflag:s8] =	ssyncadd.s32 $0xFFFFC000  }
0x177: {  	[hbm4b:s2+s5] =	stream.indirect.scatter [tilespmem:s6], [sflag:$0x2], $0x80, s10, s5, $0xb8;
	[tilespmem:$0xDC00] =	vst v63  }
0x178: {  	_ =	swait.ge [sflag:s7], $0x4000  }
0x179: {  	[sflag:s7] =	ssyncset.done $0x0  }
0x17a: {  	s10 =	rddreg [dreg:$0x1d];
	[sflag:s7] =	ssyncadd.s32 $0xFFFFC000  }
0x17b: {  	[tilespmem:s9], [sflag:$0x1] =	stream.indirect.gather [hbm4b:s3+s5], $0x80, s10, s5, $0xb8;
	[tilespmem:$0xDC00] =	vst v63  }
0x17c: {  	_ =	swait.ge [sflag:s8], $0x4000  }
0x17d: {  	[sflag:s8] =	ssyncset.done $0x0  }
0x17e: {  	s10 =	rddreg [dreg:$0x1e];
	[sflag:s8] =	ssyncadd.s32 $0xFFFFC000  }
0x17f: {  	[hbm4b:s2+s5] =	stream.indirect.scatter [tilespmem:s9], [sflag:$0x2], $0x80, s10, s5, $0xb8;
	[tilespmem:$0xDC00] =	vst v63  }
0x180: {  	_ =	swait.ge [sflag:s7], $0x4000  }
0x181: {  	[sflag:s7] =	ssyncset.done $0x0  }
0x182: {  	s10 =	rddreg [dreg:$0x1f];
	[sflag:s7] =	ssyncadd.s32 $0xFFFFC000  }
0x183: {  	[tilespmem:s6], [sflag:$0x1] =	stream.indirect.gather [hbm4b:s3+s5], $0x80, s10, s5, $0xb8;
	[tilespmem:$0xDC00] =	vst v63  }
0x184: {  	_ =	swait.ge [sflag:s8], $0x4000  }
0x185: {  	s10 =	sld [smem:$0x7F7]  }
0x186: {  	[sflag:s8] =	ssyncset.done $0x0  }
0x187: {  	[sflag:s8] =	ssyncadd.s32 $0xFFFFC000  }
0x188: {  	[hbm4b:s2+s5] =	stream.indirect.scatter [tilespmem:s6], [sflag:$0x2], $0x80, s10, s5, $0xb8;
	[tilespmem:$0xDC00] =	vst v63  }
0x189: {  	_ =	swait.ge [sflag:s7], $0x4000  }
0x18a: {  	s10 =	sld [smem:$0x7F8]  }
0x18b: {  	[sflag:s7] =	ssyncset.done $0x0  }
0x18c: {  	[sflag:s7] =	ssyncadd.s32 $0xFFFFC000  }
0x18d: {  	[tilespmem:s9], [sflag:$0x1] =	stream.indirect.gather [hbm4b:s3+s5], $0x80, s10, s5, $0xb8;
	[tilespmem:$0xDC00] =	vst v63  }
0x18e: {  	_ =	swait.ge [sflag:s8], $0x4000  }
0x18f: {  	s10 =	sld [smem:$0x7F9]  }
0x190: {  	[sflag:s8] =	ssyncset.done $0x0  }
0x191: {  	[sflag:s8] =	ssyncadd.s32 $0xFFFFC000  }
0x192: {  	[hbm4b:s2+s5] =	stream.indirect.scatter [tilespmem:s9], [sflag:$0x2], $0x80, s10, s5, $0xb8;
	[tilespmem:$0xDC00] =	vst v63  }
0x193: {  	_ =	swait.ge [sflag:s7], $0x4000  }
0x194: {  	s10 =	sld [smem:$0x7FA]  }
0x195: {  	[sflag:s7] =	ssyncset.done $0x0  }
0x196: {  	[sflag:s7] =	ssyncadd.s32 $0xFFFFC000  }
0x197: {  	[tilespmem:s6], [sflag:$0x1] =	stream.indirect.gather [hbm4b:s3+s5], $0x80, s10, s5, $0xb8;
	[tilespmem:$0xDC00] =	vst v63  }
0x198: {  	_ =	swait.ge [sflag:s8], $0x4000  }
0x199: {  	s10 =	sld [smem:$0x7FB]  }
0x19a: {  	[sflag:s8] =	ssyncset.done $0x0  }
0x19b: {  	[sflag:s8] =	ssyncadd.s32 $0xFFFFC000  }
0x19c: {  	[hbm4b:s2+s5] =	stream.indirect.scatter [tilespmem:s6], [sflag:$0x2], $0x80, s10, s5, $0xb8;
	[tilespmem:$0xDC00] =	vst v63  }
0x19d: {  	_ =	swait.ge [sflag:s7], $0x4000  }
0x19e: {  	s10 =	sld [smem:$0x7FC]  }
0x19f: {  	[sflag:s7] =	ssyncset.done $0x0  }
0x1a0: {  	[sflag:s7] =	ssyncadd.s32 $0xFFFFC000  }
0x1a1: {  	[tilespmem:s9], [sflag:$0x1] =	stream.indirect.gather [hbm4b:s3+s5], $0x80, s10, s5, $0xb8;
	[tilespmem:$0xDC00] =	vst v63  }
0x1a2: {  	_ =	swait.ge [sflag:s8], $0x4000  }
0x1a3: {  	s10 =	sld [smem:$0x7FD]  }
0x1a4: {  	[sflag:s8] =	ssyncset.done $0x0  }
0x1a5: {  	[sflag:s8] =	ssyncadd.s32 $0xFFFFC000  }
0x1a6: {  	[hbm4b:s2+s5] =	stream.indirect.scatter [tilespmem:s9], [sflag:$0x2], $0x80, s10, s5, $0xb8;
	[tilespmem:$0xDC00] =	vst v63  }
0x1a7: {  	_ =	swait.ge [sflag:s7], $0x4000  }
0x1a8: {  	[sflag:s7] =	ssyncset.done $0x0  }
0x1a9: {  	[sflag:s7] =	ssyncadd.s32 $0xFFFFC000  }
0x1aa: {  	[tilespmem:s6], [sflag:$0x1] =	stream.indirect.gather [hbm4b:s3+s5], $0x80, s15, s5, $0xb8;
	[tilespmem:$0xDC00] =	vst v63  }
0x1ab: {  	_ =	swait.ge [sflag:s8], $0x4000  }
0x1ac: {  	[sflag:s8] =	ssyncset.done $0x0  }
0x1ad: {  	[sflag:s8] =	ssyncadd.s32 $0xFFFFC000  }
0x1ae: {  	[hbm4b:s2+s5] =	stream.indirect.scatter [tilespmem:s6], [sflag:$0x2], $0x80, s28, s5, $0xb8;
	[tilespmem:$0xDC00] =	vst v63  }
0x1af: {  	_ =	swait.ge [sflag:s7], $0x4000  }
0x1b0: {  	[sflag:s7] =	ssyncset.done $0x0  }
0x1b1: {  	[sflag:s7] =	ssyncadd.s32 $0xFFFFC000  }
0x1b2: {  	[tilespmem:s9], [sflag:$0x1] =	stream.indirect.gather [hbm4b:s3+s5], $0x80, s26, s5, $0xb8;
	[tilespmem:$0xDC00] =	vst v63  }
0x1b3: {  	_ =	swait.ge [sflag:s8], $0x4000  }
0x1b4: {  	[sflag:s8] =	ssyncset.done $0x0  }
0x1b5: {  	[sflag:s8] =	ssyncadd.s32 $0xFFFFC000  }
0x1b6: {  	[hbm4b:s2+s5] =	stream.indirect.scatter [tilespmem:s9], [sflag:$0x2], $0x80, s25, s5, $0xb8;
	[tilespmem:$0xDC00] =	vst v63  }
0x1b7: {  	_ =	swait.ge [sflag:s7], $0x4000  }
0x1b8: {  	[sflag:s7] =	ssyncset.done $0x0  }
0x1b9: {  	[sflag:s7] =	ssyncadd.s32 $0xFFFFC000  }
0x1ba: {  	[tilespmem:s6], [sflag:$0x1] =	stream.indirect.gather [hbm4b:s3+s5], $0x80, s24, s5, $0xb8;
	[tilespmem:$0xDC00] =	vst v63  }
0x1bb: {  	_ =	swait.ge [sflag:s8], $0x4000  }
0x1bc: {  	[sflag:s8] =	ssyncset.done $0x0  }
0x1bd: {  	[sflag:s8] =	ssyncadd.s32 $0xFFFFC000  }
0x1be: {  	[hbm4b:s2+s5] =	stream.indirect.scatter [tilespmem:s6], [sflag:$0x2], $0x80, s23, s5, $0xb8;
	[tilespmem:$0xDC00] =	vst v63  }
0x1bf: {  	_ =	swait.ge [sflag:s7], $0x4000  }
0x1c0: {  	[sflag:s7] =	ssyncset.done $0x0  }
0x1c1: {  	[sflag:s7] =	ssyncadd.s32 $0xFFFFC000  }
0x1c2: {  	[tilespmem:s9], [sflag:$0x1] =	stream.indirect.gather [hbm4b:s3+s5], $0x80, s22, s5, $0xb8;
	[tilespmem:$0xDC00] =	vst v63  }
0x1c3: {  	_ =	swait.ge [sflag:s8], $0x4000  }
0x1c4: {  	[sflag:s8] =	ssyncset.done $0x0  }
0x1c5: {  	[sflag:s8] =	ssyncadd.s32 $0xFFFFC000  }
0x1c6: {  	[hbm4b:s2+s5] =	stream.indirect.scatter [tilespmem:s9], [sflag:$0x2], $0x80, s21, s5, $0xb8;
	[tilespmem:$0xDC00] =	vst v63  }
0x1c7: {  	_ =	swait.ge [sflag:s7], $0x4000  }
0x1c8: {  	[sflag:s7] =	ssyncset.done $0x0  }
0x1c9: {  	[sflag:s7] =	ssyncadd.s32 $0xFFFFC000  }
0x1ca: {  	[tilespmem:s6], [sflag:$0x1] =	stream.indirect.gather [hbm4b:s3+s5], $0x80, s20, s5, $0xb8;
	[tilespmem:$0xDC00] =	vst v63  }
0x1cb: {  	_ =	swait.ge [sflag:s8], $0x4000  }
0x1cc: {  	[sflag:s8] =	ssyncset.done $0x0  }
0x1cd: {  	[sflag:s8] =	ssyncadd.s32 $0xFFFFC000  }
0x1ce: {  	[hbm4b:s2+s5] =	stream.indirect.scatter [tilespmem:s6], [sflag:$0x2], $0x80, s19, s5, $0xb8;
	[tilespmem:$0xDC00] =	vst v63  }
0x1cf: {  	_ =	swait.ge [sflag:s7], $0x4000  }
0x1d0: {  	[sflag:s7] =	ssyncset.done $0x0  }
0x1d1: {  	[sflag:s7] =	ssyncadd.s32 $0xFFFFC000  }
0x1d2: {  	[tilespmem:s9], [sflag:$0x1] =	stream.indirect.gather [hbm4b:s3+s5], $0x80, s18, s5, $0xb8;
	[tilespmem:$0xDC00] =	vst v63  }
0x1d3: {  	_ =	swait.ge [sflag:s8], $0x4000  }
0x1d4: {  	[sflag:s8] =	ssyncset.done $0x0  }
0x1d5: {  	[sflag:s8] =	ssyncadd.s32 $0xFFFFC000  }
0x1d6: {  	[hbm4b:s2+s5] =	stream.indirect.scatter [tilespmem:s9], [sflag:$0x2], $0x80, s17, s5, $0xb8;
	[tilespmem:$0xDC00] =	vst v63  }
0x1d7: {  	_ =	swait.ge [sflag:s7], $0x4000  }
0x1d8: {  	[sflag:s7] =	ssyncset.done $0x0  }
0x1d9: {  	s10 =	simm.s32 $0x1200;
	[sflag:s7] =	ssyncadd.s32 $0xFFFFC000  }
0x1da: {  	[tilespmem:s6], [sflag:$0x1] =	stream.indirect.gather [hbm4b:s3+s5], $0x80, s10, s5, $0xb8;
	[tilespmem:$0xDC00] =	vst v63  }
0x1db: {  	_ =	swait.ge [sflag:s8], $0x4000  }
0x1dc: {  	[sflag:s8] =	ssyncset.done $0x0  }
0x1dd: {  	[sflag:s8] =	ssyncadd.s32 $0xFFFFC000  }
0x1de: {  	[hbm4b:s2+s5] =	stream.indirect.scatter [tilespmem:s6], [sflag:$0x2], $0x80, s16, s5, $0xb8;
	[tilespmem:$0xDC00] =	vst v63  }
0x1df: {  	_ =	swait.ge [sflag:s7], $0x4000  }
0x1e0: {  	[sflag:s7] =	ssyncset.done $0x0  }
0x1e1: {  	[sflag:s7] =	ssyncadd.s32 $0xFFFFC000  }
0x1e2: {  	[tilespmem:s9], [sflag:$0x1] =	stream.indirect.gather [hbm4b:s3+s5], $0x80, s14, s5, $0xb8;
	[tilespmem:$0xDC00] =	vst v63  }
0x1e3: {  	_ =	swait.ge [sflag:s8], $0x4000  }
0x1e4: {  	[sflag:s8] =	ssyncset.done $0x0  }
0x1e5: {  	[sflag:s8] =	ssyncadd.s32 $0xFFFFC000  }
0x1e6: {  	[hbm4b:s2+s5] =	stream.indirect.scatter [tilespmem:s9], [sflag:$0x2], $0x80, s13, s5, $0xb8;
	[tilespmem:$0xDC00] =	vst v63  }
0x1e7: {  	_ =	swait.ge [sflag:s7], $0x4000  }
0x1e8: {  	[sflag:s7] =	ssyncset.done $0x0  }
0x1e9: {  	[sflag:s7] =	ssyncadd.s32 $0xFFFFC000  }
0x1ea: {  	[tilespmem:s6], [sflag:$0x1] =	stream.indirect.gather [hbm4b:s3+s5], $0x80, s12, s5, $0xb8;
	[tilespmem:$0xDC00] =	vst v63  }
0x1eb: {  	_ =	swait.ge [sflag:s8], $0x4000  }
0x1ec: {  	[sflag:s8] =	ssyncset.done $0x0  }
0x1ed: {  	[sflag:s8] =	ssyncadd.s32 $0xFFFFC000  }
0x1ee: {  	[hbm4b:s2+s5] =	stream.indirect.scatter [tilespmem:s6], [sflag:$0x2], $0x80, s11, s5, $0xb8;
	[tilespmem:$0xDC00] =	vst v63  }
0x1ef: {  	_ =	swait.ge [sflag:s7], $0x4000  }
0x1f0: {  	[sflag:s7] =	ssyncset.done $0x0  }
0x1f1: {  	[sflag:s7] =	ssyncadd.s32 $0xFFFFC000  }
0x1f2: {  	_ =	swait.ge [sflag:s7], $0x4000  }
0x1f3: {  	[sflag:s7] =	ssyncset.done $0x0  }
0x1f4: {  	[sflag:s7] =	ssyncadd.s32 $0xFFFFC000  }
0x1f5: {  	_ =	swait.ge [sflag:s4], $0x4000  }
0x1f6: {  	[sflag:s4] =	ssyncset.done $0x0  }
0x1f7: {  	[sflag:s4] =	ssyncadd.s32 $0xFFFFC000  }
0x1f8: {  	_ =	swait.ge [sflag:s4], $0x4000  }
0x1f9: {  	[sflag:s4] =	ssyncset.done $0x0  }
0x1fa: {  	[sflag:s4] =	ssyncadd.s32 $0xFFFFC000  }
0x1fb: {  	_ =	swait.ge [sflag:s4], $0x4000  }
0x1fc: {  	[sflag:s4] =	ssyncset.done $0x0  }
0x1fd: {  	[sflag:s4] =	ssyncadd.s32 $0xFFFFC000  }
0x1fe: {  	_ =	swait.ge [sflag:s4], $0x4000  }
0x1ff: {  	[sflag:s4] =	ssyncset.done $0x0  }
0x200: {  	[sflag:s4] =	ssyncadd.s32 $0xFFFFC000  }
0x201: {  	_ =	swait.ge [sflag:s4], $0x4000  }
0x202: {  	[sflag:s4] =	ssyncset.done $0x0  }
0x203: {  	[sflag:s4] =	ssyncadd.s32 $0xFFFFC000  }
0x204: {  	_ =	swait.ge [sflag:s4], $0x4000  }
0x205: {  	[sflag:s4] =	ssyncset.done $0x0  }
0x206: {  	[sflag:s4] =	ssyncadd.s32 $0xFFFFC000  }
0x207: {  	_ =	swait.ge [sflag:s4], $0x4000  }
0x208: {  	[sflag:s4] =	ssyncset.done $0x0  }
0x209: {  	[sflag:s4] =	ssyncadd.s32 $0xFFFFC000  }
0x20a: {  	_ =	swait.ge [sflag:s4], $0x4000  }
0x20b: {  	[sflag:s4] =	ssyncset.done $0x0  }
0x20c: {  	[sflag:s4] =	ssyncadd.s32 $0xFFFFC000  }
0x20d: {  	_ =	swait.ge [sflag:s4], $0x4000  }
0x20e: {  	[sflag:s4] =	ssyncset.done $0x0  }
0x20f: {  	[sflag:s4] =	ssyncadd.s32 $0xFFFFC000  }
0x210: {  	_ =	swait.ge [sflag:s4], $0x4000  }
0x211: {  	[sflag:s4] =	ssyncset.done $0x0  }
0x212: {  	p1 =	sne.s32 s1, $0x1;
	[sflag:s4] =	ssyncadd.s32 $0xFFFFC000  }
.Ltmp2:
0x213: {  	_ =	swait.ge [sflag:s4], $0x4000;
	(pc) =	sbr.rel @p1 .LBB2_4-.Ltmp2, $4  }
0x214: {  	[sflag:s4] =	ssyncset.done $0x0  }
0x215: {  	[sflag:s4] =	ssyncadd.s32 $0xFFFFC000  }
0x216: {  	_ =	swait.ge [sflag:s4], $0x4000  }
0x217: {  	s1 =	sadd.s32 $0xFFFFFFFF, s1;
	s0 =	rddreg [dreg:$0x4];
	[sflag:s4] =	ssyncset.done $0x0  }
0x218: {  	s11 =	simm.s32 $0xC00;
	s28 =	simm.s32 $0xC80;
	s26 =	simm.s32 $0xD00  }
0x219: {  	s25 =	simm.s32 $0xD80;
	s24 =	simm.s32 $0xE00;
	s23 =	simm.s32 $0xE80  }
0x21a: {  	s22 =	simm.s32 $0xF00;
	s21 =	simm.s32 $0xF80;
	s20 =	simm.s32 $0x1000  }
0x21b: {  	s19 =	simm.s32 $0x1080;
	s18 =	simm.s32 $0x1100;
	s17 =	simm.s32 $0x1180  }
0x21c: {  	s16 =	simm.s32 $0x1280;
	s15 =	simm.s32 $0x1200;
	s14 =	simm.s32 $0x1300  }
0x21d: {  	s13 =	simm.s32 $0x1380;
	s12 =	simm.s32 $0x1400;
	s10 =	stileid.u32  }
.LBB2_6:
0x21e: {  	[sflag:s4] =	ssyncadd.s32 @p0 $0xFFFFC000  }
0x21f: {  	[tilespmem:s29], [sflag:$0x4] =	stream.linear.gather [hbm4b:s0+s29], $0x1B00, $0x38;
	[tilespmem:$0xDC00] =	vst v63  }
0x220: {  	_ =	swait.ge [sflag:s31], $0x1B00  }
0x221: {  	[sflag:s31] =	ssyncset.done $0x0  }
0x222: {  	s1 =	rddreg [dreg:$0x3];
	[sflag:s31] =	ssyncadd.s32 $0xFFFFE500  }
0x223: {  	[tilespmem:s30], [sflag:$0x4] =	stream.linear.gather [hbm4b:s1+s29], $0x4000, $0x38;
	[tilespmem:$0xDC00] =	vst v63  }
0x224: {  	_ =	swait.ge [sflag:s31], $0x4000  }
0x225: {  	[sflag:s31] =	ssyncset.done $0x0  }
0x226: {  	s0 =	rddreg [dreg:$0x5];
	[sflag:s31] =	ssyncadd.s32 $0xFFFFC000  }
0x227: {  	[hbm4b:s2+s5] =	stream.indirect.scatter [tilespmem:s30], [sflag:$0x3], $0x80, s0, s5, $0xb8;
	[tilespmem:$0xDC00] =	vst v63  }
0x228: {  	s1 =	rddreg [dreg:$0x6]  }
0x229: {  	[hbm4b:s2+s5] =	stream.indirect.scatter [tilespmem:s30], [sflag:$0x3], $0x80, s1, s5, $0xb8;
	[tilespmem:$0xDC00] =	vst v63  }
0x22a: {  	s0 =	rddreg [dreg:$0x7]  }
0x22b: {  	[hbm4b:s2+s5] =	stream.indirect.scatter [tilespmem:s30], [sflag:$0x3], $0x80, s0, s5, $0xb8;
	[tilespmem:$0xDC00] =	vst v63  }
0x22c: {  	s31 =	rddreg [dreg:$0x8]  }
0x22d: {  	[hbm4b:s2+s5] =	stream.indirect.scatter [tilespmem:s30], [sflag:$0x3], $0x80, s31, s5, $0xb8;
	[tilespmem:$0xDC00] =	vst v63  }
0x22e: {  	s0 =	rddreg [dreg:$0x9]  }
0x22f: {  	[hbm4b:s2+s5] =	stream.indirect.scatter [tilespmem:s30], [sflag:$0x3], $0x80, s0, s5, $0xb8;
	[tilespmem:$0xDC00] =	vst v63  }
0x230: {  	s31 =	rddreg [dreg:$0xa]  }
0x231: {  	[hbm4b:s2+s5] =	stream.indirect.scatter [tilespmem:s30], [sflag:$0x3], $0x80, s31, s5, $0xb8;
	[tilespmem:$0xDC00] =	vst v63  }
0x232: {  	s0 =	rddreg [dreg:$0xb]  }
0x233: {  	[hbm4b:s2+s5] =	stream.indirect.scatter [tilespmem:s30], [sflag:$0x3], $0x80, s0, s5, $0xb8;
	[tilespmem:$0xDC00] =	vst v63  }
0x234: {  	s31 =	rddreg [dreg:$0xc]  }
0x235: {  	[hbm4b:s2+s5] =	stream.indirect.scatter [tilespmem:s30], [sflag:$0x3], $0x80, s31, s5, $0xb8;
	[tilespmem:$0xDC00] =	vst v63  }
0x236: {  	s0 =	rddreg [dreg:$0xd]  }
0x237: {  	[hbm4b:s2+s5] =	stream.indirect.scatter [tilespmem:s30], [sflag:$0x3], $0x80, s0, s5, $0xb8;
	[tilespmem:$0xDC00] =	vst v63  }
0x238: {  	s31 =	rddreg [dreg:$0xe]  }
0x239: {  	[hbm4b:s2+s5] =	stream.indirect.scatter [tilespmem:s30], [sflag:$0x3], $0x80, s31, s5, $0xb8;
	[tilespmem:$0xDC00] =	vst v63  }
0x23a: {  	s0 =	rddreg [dreg:$0xf]  }
0x23b: {  	[hbm4b:s2+s5] =	stream.indirect.scatter [tilespmem:s30], [sflag:$0x3], $0x80, s0, s5, $0xb8;
	[tilespmem:$0xDC00] =	vst v63  }
0x23c: {  	s31 =	rddreg [dreg:$0x10]  }
0x23d: {  	[hbm4b:s2+s5] =	stream.indirect.scatter [tilespmem:s30], [sflag:$0x3], $0x80, s31, s5, $0xb8;
	[tilespmem:$0xDC00] =	vst v63  }
0x23e: {  	_ = 	snop  }
0x23f: {  	[tilespmem:s6], [sflag:$0x1] =	stream.indirect.gather [hbm4b:s3+s5], $0x80, s29, s5, $0xb8;
	[tilespmem:$0xDC00] =	vst v63  }
0x240: {  	_ =	swait.ge [sflag:s8], $0x4000  }
0x241: {  	[sflag:s8] =	ssyncset.done $0x0  }
0x242: {  	[sflag:s8] =	ssyncadd.s32 $0xFFFFC000  }
0x243: {  	[hbm4b:s2+s5] =	stream.indirect.scatter [tilespmem:s6], [sflag:$0x2], $0x80, s5, s5, $0xb8;
	[tilespmem:$0xDC00] =	vst v63  }
0x244: {  	s29 =	rddreg [dreg:$0x11]  }
0x245: {  	[tilespmem:s9], [sflag:$0x1] =	stream.indirect.gather [hbm4b:s3+s5], $0x80, s29, s5, $0xb8;
	[tilespmem:$0xDC00] =	vst v63  }
0x246: {  	_ =	swait.ge [sflag:s8], $0x4000  }
0x247: {  	[sflag:s8] =	ssyncset.done $0x0  }
0x248: {  	s30 =	rddreg [dreg:$0x12];
	[sflag:s8] =	ssyncadd.s32 $0xFFFFC000  }
0x249: {  	[hbm4b:s2+s5] =	stream.indirect.scatter [tilespmem:s9], [sflag:$0x2], $0x80, s30, s5, $0xb8;
	[tilespmem:$0xDC00] =	vst v63  }
0x24a: {  	_ =	swait.ge [sflag:s7], $0x4000  }
0x24b: {  	[sflag:s7] =	ssyncset.done $0x0  }
0x24c: {  	s31 =	rddreg [dreg:$0x13];
	[sflag:s7] =	ssyncadd.s32 $0xFFFFC000  }
0x24d: {  	[tilespmem:s6], [sflag:$0x1] =	stream.indirect.gather [hbm4b:s3+s5], $0x80, s31, s5, $0xb8;
	[tilespmem:$0xDC00] =	vst v63  }
0x24e: {  	_ =	swait.ge [sflag:s8], $0x4000  }
0x24f: {  	[sflag:s8] =	ssyncset.done $0x0  }
0x250: {  	s1 =	rddreg [dreg:$0x14];
	[sflag:s8] =	ssyncadd.s32 $0xFFFFC000  }
0x251: {  	[hbm4b:s2+s5] =	stream.indirect.scatter [tilespmem:s6], [sflag:$0x2], $0x80, s1, s5, $0xb8;
	[tilespmem:$0xDC00] =	vst v63  }
0x252: {  	_ =	swait.ge [sflag:s7], $0x4000  }
0x253: {  	[sflag:s7] =	ssyncset.done $0x0  }
0x254: {  	s29 =	rddreg [dreg:$0x15];
	[sflag:s7] =	ssyncadd.s32 $0xFFFFC000  }
0x255: {  	[tilespmem:s9], [sflag:$0x1] =	stream.indirect.gather [hbm4b:s3+s5], $0x80, s29, s5, $0xb8;
	[tilespmem:$0xDC00] =	vst v63  }
0x256: {  	_ =	swait.ge [sflag:s8], $0x4000  }
0x257: {  	[sflag:s8] =	ssyncset.done $0x0  }
0x258: {  	s30 =	rddreg [dreg:$0x16];
	[sflag:s8] =	ssyncadd.s32 $0xFFFFC000  }
0x259: {  	[hbm4b:s2+s5] =	stream.indirect.scatter [tilespmem:s9], [sflag:$0x2], $0x80, s30, s5, $0xb8;
	[tilespmem:$0xDC00] =	vst v63  }
0x25a: {  	_ =	swait.ge [sflag:s7], $0x4000  }
0x25b: {  	[sflag:s7] =	ssyncset.done $0x0  }
0x25c: {  	s31 =	rddreg [dreg:$0x17];
	[sflag:s7] =	ssyncadd.s32 $0xFFFFC000  }
0x25d: {  	[tilespmem:s6], [sflag:$0x1] =	stream.indirect.gather [hbm4b:s3+s5], $0x80, s31, s5, $0xb8;
	[tilespmem:$0xDC00] =	vst v63  }
0x25e: {  	_ =	swait.ge [sflag:s8], $0x4000  }
0x25f: {  	[sflag:s8] =	ssyncset.done $0x0  }
0x260: {  	s1 =	rddreg [dreg:$0x18];
	[sflag:s8] =	ssyncadd.s32 $0xFFFFC000  }
0x261: {  	[hbm4b:s2+s5] =	stream.indirect.scatter [tilespmem:s6], [sflag:$0x2], $0x80, s1, s5, $0xb8;
	[tilespmem:$0xDC00] =	vst v63  }
0x262: {  	_ =	swait.ge [sflag:s7], $0x4000  }
0x263: {  	[sflag:s7] =	ssyncset.done $0x0  }
0x264: {  	s29 =	rddreg [dreg:$0x19];
	[sflag:s7] =	ssyncadd.s32 $0xFFFFC000  }
0x265: {  	[tilespmem:s9], [sflag:$0x1] =	stream.indirect.gather [hbm4b:s3+s5], $0x80, s29, s5, $0xb8;
	[tilespmem:$0xDC00] =	vst v63  }
0x266: {  	_ =	swait.ge [sflag:s8], $0x4000  }
0x267: {  	[sflag:s8] =	ssyncset.done $0x0  }
0x268: {  	s30 =	rddreg [dreg:$0x1a];
	[sflag:s8] =	ssyncadd.s32 $0xFFFFC000  }
0x269: {  	[hbm4b:s2+s5] =	stream.indirect.scatter [tilespmem:s9], [sflag:$0x2], $0x80, s30, s5, $0xb8;
	[tilespmem:$0xDC00] =	vst v63  }
0x26a: {  	_ =	swait.ge [sflag:s7], $0x4000  }
0x26b: {  	[sflag:s7] =	ssyncset.done $0x0  }
0x26c: {  	s31 =	rddreg [dreg:$0x1b];
	[sflag:s7] =	ssyncadd.s32 $0xFFFFC000  }
0x26d: {  	[tilespmem:s6], [sflag:$0x1] =	stream.indirect.gather [hbm4b:s3+s5], $0x80, s31, s5, $0xb8;
	[tilespmem:$0xDC00] =	vst v63  }
0x26e: {  	_ =	swait.ge [sflag:s8], $0x4000  }
0x26f: {  	[sflag:s8] =	ssyncset.done $0x0  }
0x270: {  	s1 =	rddreg [dreg:$0x1c];
	[sflag:s8] =	ssyncadd.s32 $0xFFFFC000  }
0x271: {  	[hbm4b:s2+s5] =	stream.indirect.scatter [tilespmem:s6], [sflag:$0x2], $0x80, s1, s5, $0xb8;
	[tilespmem:$0xDC00] =	vst v63  }
0x272: {  	_ =	swait.ge [sflag:s7], $0x4000  }
0x273: {  	[sflag:s7] =	ssyncset.done $0x0  }
0x274: {  	s29 =	rddreg [dreg:$0x1d];
	[sflag:s7] =	ssyncadd.s32 $0xFFFFC000  }
0x275: {  	[tilespmem:s9], [sflag:$0x1] =	stream.indirect.gather [hbm4b:s3+s5], $0x80, s29, s5, $0xb8;
	[tilespmem:$0xDC00] =	vst v63  }
0x276: {  	_ =	swait.ge [sflag:s8], $0x4000  }
0x277: {  	[sflag:s8] =	ssyncset.done $0x0  }
0x278: {  	s30 =	rddreg [dreg:$0x1e];
	[sflag:s8] =	ssyncadd.s32 $0xFFFFC000  }
0x279: {  	[hbm4b:s2+s5] =	stream.indirect.scatter [tilespmem:s9], [sflag:$0x2], $0x80, s30, s5, $0xb8;
	[tilespmem:$0xDC00] =	vst v63  }
0x27a: {  	_ =	swait.ge [sflag:s7], $0x4000  }
0x27b: {  	[sflag:s7] =	ssyncset.done $0x0  }
0x27c: {  	s31 =	rddreg [dreg:$0x1f];
	[sflag:s7] =	ssyncadd.s32 $0xFFFFC000  }
0x27d: {  	[tilespmem:s6], [sflag:$0x1] =	stream.indirect.gather [hbm4b:s3+s5], $0x80, s31, s5, $0xb8;
	[tilespmem:$0xDC00] =	vst v63  }
0x27e: {  	_ =	swait.ge [sflag:s8], $0x4000  }
0x27f: {  	s1 =	sld [smem:$0x7F7]  }
0x280: {  	[sflag:s8] =	ssyncset.done $0x0  }
0x281: {  	[sflag:s8] =	ssyncadd.s32 $0xFFFFC000  }
0x282: {  	[hbm4b:s2+s5] =	stream.indirect.scatter [tilespmem:s6], [sflag:$0x2], $0x80, s1, s5, $0xb8;
	[tilespmem:$0xDC00] =	vst v63  }
0x283: {  	_ =	swait.ge [sflag:s7], $0x4000  }
0x284: {  	s29 =	sld [smem:$0x7F8]  }
0x285: {  	[sflag:s7] =	ssyncset.done $0x0  }
0x286: {  	[sflag:s7] =	ssyncadd.s32 $0xFFFFC000  }
0x287: {  	[tilespmem:s9], [sflag:$0x1] =	stream.indirect.gather [hbm4b:s3+s5], $0x80, s29, s5, $0xb8;
	[tilespmem:$0xDC00] =	vst v63  }
0x288: {  	_ =	swait.ge [sflag:s8], $0x4000  }
0x289: {  	s30 =	sld [smem:$0x7F9]  }
0x28a: {  	[sflag:s8] =	ssyncset.done $0x0  }
0x28b: {  	[sflag:s8] =	ssyncadd.s32 $0xFFFFC000  }
0x28c: {  	[hbm4b:s2+s5] =	stream.indirect.scatter [tilespmem:s9], [sflag:$0x2], $0x80, s30, s5, $0xb8;
	[tilespmem:$0xDC00] =	vst v63  }
0x28d: {  	_ =	swait.ge [sflag:s7], $0x4000  }
0x28e: {  	s31 =	sld [smem:$0x7FA]  }
0x28f: {  	[sflag:s7] =	ssyncset.done $0x0  }
0x290: {  	[sflag:s7] =	ssyncadd.s32 $0xFFFFC000  }
0x291: {  	[tilespmem:s6], [sflag:$0x1] =	stream.indirect.gather [hbm4b:s3+s5], $0x80, s31, s5, $0xb8;
	[tilespmem:$0xDC00] =	vst v63  }
0x292: {  	_ =	swait.ge [sflag:s8], $0x4000  }
0x293: {  	s1 =	sld [smem:$0x7FB]  }
0x294: {  	[sflag:s8] =	ssyncset.done $0x0  }
0x295: {  	[sflag:s8] =	ssyncadd.s32 $0xFFFFC000  }
0x296: {  	[hbm4b:s2+s5] =	stream.indirect.scatter [tilespmem:s6], [sflag:$0x2], $0x80, s1, s5, $0xb8;
	[tilespmem:$0xDC00] =	vst v63  }
0x297: {  	_ =	swait.ge [sflag:s7], $0x4000  }
0x298: {  	s29 =	sld [smem:$0x7FC]  }
0x299: {  	[sflag:s7] =	ssyncset.done $0x0  }
0x29a: {  	[sflag:s7] =	ssyncadd.s32 $0xFFFFC000  }
0x29b: {  	[tilespmem:s9], [sflag:$0x1] =	stream.indirect.gather [hbm4b:s3+s5], $0x80, s29, s5, $0xb8;
	[tilespmem:$0xDC00] =	vst v63  }
0x29c: {  	_ =	swait.ge [sflag:s8], $0x4000  }
0x29d: {  	s30 =	sld [smem:$0x7FD]  }
0x29e: {  	[sflag:s8] =	ssyncset.done $0x0  }
0x29f: {  	[sflag:s8] =	ssyncadd.s32 $0xFFFFC000  }
0x2a0: {  	[hbm4b:s2+s5] =	stream.indirect.scatter [tilespmem:s9], [sflag:$0x2], $0x80, s30, s5, $0xb8;
	[tilespmem:$0xDC00] =	vst v63  }
0x2a1: {  	_ =	swait.ge [sflag:s7], $0x4000  }
0x2a2: {  	[sflag:s7] =	ssyncset.done $0x0  }
0x2a3: {  	[sflag:s7] =	ssyncadd.s32 $0xFFFFC000  }
0x2a4: {  	[tilespmem:s6], [sflag:$0x1] =	stream.indirect.gather [hbm4b:s3+s5], $0x80, s11, s5, $0xb8;
	[tilespmem:$0xDC00] =	vst v63  }
0x2a5: {  	_ =	swait.ge [sflag:s8], $0x4000  }
0x2a6: {  	[sflag:s8] =	ssyncset.done $0x0  }
0x2a7: {  	[sflag:s8] =	ssyncadd.s32 $0xFFFFC000  }
0x2a8: {  	[hbm4b:s2+s5] =	stream.indirect.scatter [tilespmem:s6], [sflag:$0x2], $0x80, s28, s5, $0xb8;
	[tilespmem:$0xDC00] =	vst v63  }
0x2a9: {  	_ =	swait.ge [sflag:s7], $0x4000  }
0x2aa: {  	[sflag:s7] =	ssyncset.done $0x0  }
0x2ab: {  	[sflag:s7] =	ssyncadd.s32 $0xFFFFC000  }
0x2ac: {  	[tilespmem:s9], [sflag:$0x1] =	stream.indirect.gather [hbm4b:s3+s5], $0x80, s26, s5, $0xb8;
	[tilespmem:$0xDC00] =	vst v63  }
0x2ad: {  	_ =	swait.ge [sflag:s8], $0x4000  }
0x2ae: {  	[sflag:s8] =	ssyncset.done $0x0  }
0x2af: {  	[sflag:s8] =	ssyncadd.s32 $0xFFFFC000  }
0x2b0: {  	[hbm4b:s2+s5] =	stream.indirect.scatter [tilespmem:s9], [sflag:$0x2], $0x80, s25, s5, $0xb8;
	[tilespmem:$0xDC00] =	vst v63  }
0x2b1: {  	_ =	swait.ge [sflag:s7], $0x4000  }
0x2b2: {  	[sflag:s7] =	ssyncset.done $0x0  }
0x2b3: {  	[sflag:s7] =	ssyncadd.s32 $0xFFFFC000  }
0x2b4: {  	[tilespmem:s6], [sflag:$0x1] =	stream.indirect.gather [hbm4b:s3+s5], $0x80, s24, s5, $0xb8;
	[tilespmem:$0xDC00] =	vst v63  }
0x2b5: {  	_ =	swait.ge [sflag:s8], $0x4000  }
0x2b6: {  	[sflag:s8] =	ssyncset.done $0x0  }
0x2b7: {  	[sflag:s8] =	ssyncadd.s32 $0xFFFFC000  }
0x2b8: {  	[hbm4b:s2+s5] =	stream.indirect.scatter [tilespmem:s6], [sflag:$0x2], $0x80, s23, s5, $0xb8;
	[tilespmem:$0xDC00] =	vst v63  }
0x2b9: {  	_ =	swait.ge [sflag:s7], $0x4000  }
0x2ba: {  	[sflag:s7] =	ssyncset.done $0x0  }
0x2bb: {  	[sflag:s7] =	ssyncadd.s32 $0xFFFFC000  }
0x2bc: {  	[tilespmem:s9], [sflag:$0x1] =	stream.indirect.gather [hbm4b:s3+s5], $0x80, s22, s5, $0xb8;
	[tilespmem:$0xDC00] =	vst v63  }
0x2bd: {  	_ =	swait.ge [sflag:s8], $0x4000  }
0x2be: {  	[sflag:s8] =	ssyncset.done $0x0  }
0x2bf: {  	[sflag:s8] =	ssyncadd.s32 $0xFFFFC000  }
0x2c0: {  	[hbm4b:s2+s5] =	stream.indirect.scatter [tilespmem:s9], [sflag:$0x2], $0x80, s21, s5, $0xb8;
	[tilespmem:$0xDC00] =	vst v63  }
0x2c1: {  	_ =	swait.ge [sflag:s7], $0x4000  }
0x2c2: {  	[sflag:s7] =	ssyncset.done $0x0  }
0x2c3: {  	[sflag:s7] =	ssyncadd.s32 $0xFFFFC000  }
0x2c4: {  	[tilespmem:s6], [sflag:$0x1] =	stream.indirect.gather [hbm4b:s3+s5], $0x80, s20, s5, $0xb8;
	[tilespmem:$0xDC00] =	vst v63  }
0x2c5: {  	_ =	swait.ge [sflag:s8], $0x4000  }
0x2c6: {  	[sflag:s8] =	ssyncset.done $0x0  }
0x2c7: {  	[sflag:s8] =	ssyncadd.s32 $0xFFFFC000  }
0x2c8: {  	[hbm4b:s2+s5] =	stream.indirect.scatter [tilespmem:s6], [sflag:$0x2], $0x80, s19, s5, $0xb8;
	[tilespmem:$0xDC00] =	vst v63  }
0x2c9: {  	_ =	swait.ge [sflag:s7], $0x4000  }
0x2ca: {  	[sflag:s7] =	ssyncset.done $0x0  }
0x2cb: {  	[sflag:s7] =	ssyncadd.s32 $0xFFFFC000  }
0x2cc: {  	[tilespmem:s9], [sflag:$0x1] =	stream.indirect.gather [hbm4b:s3+s5], $0x80, s18, s5, $0xb8;
	[tilespmem:$0xDC00] =	vst v63  }
0x2cd: {  	_ =	swait.ge [sflag:s8], $0x4000  }
0x2ce: {  	[sflag:s8] =	ssyncset.done $0x0  }
0x2cf: {  	[sflag:s8] =	ssyncadd.s32 $0xFFFFC000  }
0x2d0: {  	[hbm4b:s2+s5] =	stream.indirect.scatter [tilespmem:s9], [sflag:$0x2], $0x80, s17, s5, $0xb8;
	[tilespmem:$0xDC00] =	vst v63  }
0x2d1: {  	_ =	swait.ge [sflag:s7], $0x4000  }
0x2d2: {  	[sflag:s7] =	ssyncset.done $0x0  }
0x2d3: {  	[sflag:s7] =	ssyncadd.s32 $0xFFFFC000  }
0x2d4: {  	[tilespmem:s6], [sflag:$0x1] =	stream.indirect.gather [hbm4b:s3+s5], $0x80, s15, s5, $0xb8;
	[tilespmem:$0xDC00] =	vst v63  }
0x2d5: {  	_ =	swait.ge [sflag:s8], $0x4000  }
0x2d6: {  	[sflag:s8] =	ssyncset.done $0x0  }
0x2d7: {  	[sflag:s8] =	ssyncadd.s32 $0xFFFFC000  }
0x2d8: {  	[hbm4b:s2+s5] =	stream.indirect.scatter [tilespmem:s6], [sflag:$0x2], $0x80, s16, s5, $0xb8;
	[tilespmem:$0xDC00] =	vst v63  }
0x2d9: {  	_ =	swait.ge [sflag:s7], $0x4000  }
0x2da: {  	[sflag:s7] =	ssyncset.done $0x0  }
0x2db: {  	[sflag:s7] =	ssyncadd.s32 $0xFFFFC000  }
0x2dc: {  	[tilespmem:s9], [sflag:$0x1] =	stream.indirect.gather [hbm4b:s3+s5], $0x80, s14, s5, $0xb8;
	[tilespmem:$0xDC00] =	vst v63  }
0x2dd: {  	_ =	swait.ge [sflag:s8], $0x4000  }
0x2de: {  	[sflag:s8] =	ssyncset.done $0x0  }
0x2df: {  	[sflag:s8] =	ssyncadd.s32 $0xFFFFC000  }
0x2e0: {  	[hbm4b:s2+s5] =	stream.indirect.scatter [tilespmem:s9], [sflag:$0x2], $0x80, s13, s5, $0xb8;
	[tilespmem:$0xDC00] =	vst v63  }
0x2e1: {  	_ =	swait.ge [sflag:s7], $0x4000  }
0x2e2: {  	[sflag:s7] =	ssyncset.done $0x0  }
0x2e3: {  	[sflag:s7] =	ssyncadd.s32 $0xFFFFC000  }
0x2e4: {  	[tilespmem:s6], [sflag:$0x1] =	stream.indirect.gather [hbm4b:s3+s5], $0x80, s12, s5, $0xb8;
	[tilespmem:$0xDC00] =	vst v63  }
0x2e5: {  	_ =	swait.ge [sflag:s8], $0x4000  }
0x2e6: {  	[sflag:s8] =	ssyncset.done $0x0  }
0x2e7: {  	s31 =	simm.s32 $0x1480;
	[sflag:s8] =	ssyncadd.s32 $0xFFFFC000  }
0x2e8: {  	[hbm4b:s2+s5] =	stream.indirect.scatter [tilespmem:s6], [sflag:$0x2], $0x80, s31, s5, $0xb8;
	[tilespmem:$0xDC00] =	vst v63  }
0x2e9: {  	_ =	swait.ge [sflag:s7], $0x4000  }
0x2ea: {  	[sflag:s7] =	ssyncset.done $0x0  }
0x2eb: {  	[sflag:s7] =	ssyncadd.s32 $0xFFFFC000  }
0x2ec: {  	_ =	swait.ge [sflag:s7], $0x4000  }
0x2ed: {  	[sflag:s7] =	ssyncset.done $0x0  }
0x2ee: {  	[sflag:s7] =	ssyncadd.s32 $0xFFFFC000  }
0x2ef: {  	_ =	swait.ge [sflag:s4], $0x4000  }
0x2f0: {  	[sflag:s4] =	ssyncset.done $0x0  }
0x2f1: {  	[sflag:s4] =	ssyncadd.s32 $0xFFFFC000  }
0x2f2: {  	_ =	swait.ge [sflag:s4], $0x4000  }
0x2f3: {  	[sflag:s4] =	ssyncset.done $0x0  }
0x2f4: {  	[sflag:s4] =	ssyncadd.s32 $0xFFFFC000  }
0x2f5: {  	_ =	swait.ge [sflag:s4], $0x4000  }
0x2f6: {  	[sflag:s4] =	ssyncset.done $0x0  }
0x2f7: {  	[sflag:s4] =	ssyncadd.s32 $0xFFFFC000  }
0x2f8: {  	_ =	swait.ge [sflag:s4], $0x4000  }
0x2f9: {  	[sflag:s4] =	ssyncset.done $0x0  }
0x2fa: {  	[sflag:s4] =	ssyncadd.s32 $0xFFFFC000  }
0x2fb: {  	_ =	swait.ge [sflag:s4], $0x4000  }
0x2fc: {  	[sflag:s4] =	ssyncset.done $0x0  }
0x2fd: {  	[sflag:s4] =	ssyncadd.s32 $0xFFFFC000  }
0x2fe: {  	_ =	swait.ge [sflag:s4], $0x4000  }
0x2ff: {  	[sflag:s4] =	ssyncset.done $0x0  }
0x300: {  	[sflag:s4] =	ssyncadd.s32 $0xFFFFC000  }
0x301: {  	_ =	swait.ge [sflag:s4], $0x4000  }
0x302: {  	[sflag:s4] =	ssyncset.done $0x0  }
0x303: {  	[sflag:s4] =	ssyncadd.s32 $0xFFFFC000  }
0x304: {  	_ =	swait.ge [sflag:s4], $0x4000  }
0x305: {  	[sflag:s4] =	ssyncset.done $0x0  }
0x306: {  	[sflag:s4] =	ssyncadd.s32 $0xFFFFC000  }
0x307: {  	_ =	swait.ge [sflag:s4], $0x4000  }
0x308: {  	[sflag:s4] =	ssyncset.done $0x0  }
0x309: {  	[sflag:s4] =	ssyncadd.s32 $0xFFFFC000  }
0x30a: {  	_ =	swait.ge [sflag:s4], $0x4000  }
0x30b: {  	[sflag:s4] =	ssyncset.done $0x0  }
0x30c: {  	[sflag:s4] =	ssyncadd.s32 $0xFFFFC000  }
0x30d: {  	_ =	swait.ge [sflag:s4], $0x4000  }
0x30e: {  	[sflag:s4] =	ssyncset.done $0x0  }
0x30f: {  	[sflag:s4] =	ssyncadd.s32 $0xFFFFC000  }
0x310: {  	_ =	swait.ge [sflag:s4], $0x4000  }
0x311: {  	[sflag:s4] =	ssyncset.done $0x0  }
0x312: {  	[sflag:s4] =	ssyncadd.s32 $0xFFFFC000  }
0x313: {  	_ =	sfence.sel $0x180000  }
0x314: {  	[bflag:$0x0] =	sbarrier.arrive $0xFFFF  }
0x315: {  	_ =	strace $0x90000047  }
0x316: {  	[bflag:$0x2] =	sbarrier.arrive $0xFFFF  }
0x317: {  	p0 =	sne.s32 s10, $0x0;
	s0 =	rddreg [dreg:$0x2]  }
0x318: {  	s0 =	sadd.s32 @!p0 $0x100000, s0  }
0x319: {  	[sflag:s0] =	ssyncadd.tile.s32 @!p0 $0x1;
	_ =	shalt  }
.LBB2_1:
0x31a: {  	s11 =	simm.s32 $0xC00;
	s28 =	simm.s32 $0xC80;
	s26 =	simm.s32 $0xD00  }
.Ltmp3:
0x31b: {  	s25 =	simm.s32 $0xD80;
	s24 =	simm.s32 $0xE00;
	(pc) =	sbr.rel .LBB2_6-.Ltmp3, $4  }
0x31c: {  	s23 =	simm.s32 $0xE80;
	s22 =	simm.s32 $0xF00;
	s21 =	simm.s32 $0xF80  }
0x31d: {  	s20 =	simm.s32 $0x1000;
	s19 =	simm.s32 $0x1080;
	s18 =	simm.s32 $0x1100  }
0x31e: {  	s17 =	simm.s32 $0x1180;
	s16 =	simm.s32 $0x1280;
	s15 =	simm.s32 $0x1200  }
0x31f: {  	s14 =	simm.s32 $0x1300;
	s13 =	simm.s32 $0x1380;
	s12 =	simm.s32 $0x1400  }
.LBB2_3:
0x320: {  	s11 =	simm.s32 $0xC00  }
0x321: {  	s28 =	simm.s32 $0xC80;
	s26 =	simm.s32 $0xD00;
	s25 =	simm.s32 $0xD80  }
.Ltmp4:
0x322: {  	s24 =	simm.s32 $0xE00;
	s23 =	simm.s32 $0xE80;
	(pc) =	sbr.rel .LBB2_6-.Ltmp4, $4  }
0x323: {  	s22 =	simm.s32 $0xF00;
	s21 =	simm.s32 $0xF80;
	s20 =	simm.s32 $0x1000  }
0x324: {  	s19 =	simm.s32 $0x1080;
	s18 =	simm.s32 $0x1100;
	s17 =	simm.s32 $0x1180  }
0x325: {  	s16 =	simm.s32 $0x1280;
	s15 =	simm.s32 $0x1200;
	s14 =	simm.s32 $0x1300  }
0x326: {  	s13 =	simm.s32 $0x1380;
	s12 =	simm.s32 $0x1400;
	s10 =	stileid.u32  }
.Lfunc_end2:
_tile_overlayer_lowered:
.L_overlay_start_2:
0x327: {  	(tag) =	ssettag $0x2  }
0x328: {  	s0 =	rddreg [dreg:$0x0];
	s2 =	stileid.u32  }
0x329: {  	s1 =	rddreg [dreg:$0x1];
	p0 =	sne.s32 s2, $0x0  }
0x32a: {  	s3 =	rddreg [dreg:$0x2];
	[bflag:$0x3] =	sbarrier.arrive $0xFFFF;
	s2 =	simm.s32 @!p0 $0x1C04  }
0x32b: {  	[timem:s3], [sflag:s2] =	dma.local @!p0 [hbm:s0], s1  }
0x32c: {  	s0 =	simm.s32 @!p0 $0x4  }
0x32d: {  	_ =	swait.ge @!p0 [sflag:s0], s1  }
0x32e: {  	s1 =	ssub.s32 @!p0 $0x0, s1;
	[sflag:s0] =	ssyncset.done @!p0 $0x0  }
0x32f: {  	[sflag:s0] =	ssyncadd.s32 @!p0 s1  }
0x330: {  	[bflag:$0x3] =	sbarrier.arrive $0xFFFF  }
0x331: {  	_ =	shalt  }

// kernel: kernel.8.cloned.1.call-start
scs
__scs_entry_jumppad:
0x0: {  	(pc) =	sbr.rel $0x88, $3  }
0x1: {  	(tag) =	ssettag $0x0;
	lr =	simm.s32 $0x1  }
0x2: {  	[smem:$0x3F9E] =	sst lr;
	_ =	strace $0xD0000000  }
0x3: {  	_ = 	snop  }
0x4: {  	_ = 	snop  }
0x5: {  	_ = 	snop  }
0x6: {  	_ = 	snop  }
0x7: {  	_ = 	snop  }
__scs_overlays_trampoline_lowered:
0x8: {  	[smem:$0x3FAD] =	sst s0  }
0x9: {  	[smem:$0x3FAE] =	sst s1  }
0xa: {  	[smem:$0x3FAF] =	sst s2  }
0xb: {  	[smem:$0x3FB0] =	sst s3  }
0xc: {  	[smem:$0x3FB1] =	sst s4  }
0xd: {  	[smem:$0x3FB2] =	sst s5  }
0xe: {  	[smem:$0x3FB3] =	sst s6  }
0xf: {  	[smem:$0x3FB4] =	sst s7  }
0x10: {  	[smem:$0x3FB5] =	sst s8  }
0x11: {  	[smem:$0x3FB6] =	sst s9;
	s0 =	simm.s32 @!p0 $0x0  }
0x12: {  	s1 =	sld [smem:$0x3F9C];
	s0 =	simm.s32 @p0 $0x1  }
0x13: {  	[smem:$0x3FB7] =	sst s0;
	s0 =	simm.s32 @!p1 $0x0  }
0x14: {  	s2 =	sld [smem:$0x3F9B];
	s0 =	simm.s32 @p1 $0x1  }
0x15: {  	[smem:$0x3FB8] =	sst s0;
	s0 =	simm.s32 @!p2 $0x0  }
0x16: {  	s3 =	sld [smem:$0x3FDB];
	s0 =	simm.s32 @p2 $0x1  }
0x17: {  	s4 =	simm.s32 $0x1BF5;
	[smem:$0x3FBA] =	sst s0  }
0x18: {  	s0 =	sld [smem:$0x3F9D];
	_ =	swait.ge [sflag:s4], $0x0  }
0x19: {  	s7 =	sld [smem:$0x3F9E]  }
0x1a: {  	s8 =	sadd.s32 $0xFFFFE003, lr  }
0x1b: {  	s9 =	sadd.s32 $0xFFFFFEF7, lr;
	s5 =	simm.s32 $0xFFFFFFFF;
	p2 =	slt.u32 s8, $0xFFFFF086  }
0x1c: {  	p1 =	slt.u32 s9, $0xF7A;
	s5 =	simm.s32 @!p2 $0x0  }
0x1d: {  	s5 =	simm.s32 @p1 $0x1;
	p0 =	seq.s32 s7, s2  }
0x1e: {  	s7 =	smul.u32 @!p0 $0xF7A, s2;
	p2 =	seq.s32 @!p0 s5, $0x0  }
0x1f: {  	s9 =	smul.u32 $0xF7A, s1;
	s8 =	simm.s32 @!p0 $0x1BF5;
	p2 =	por !p2, p0  }
0x20: {  	[sflag:s8] =	ssyncset.s32 @!p0 $0xFFFFF086;
	s6 =	sadd.s32 @!p0 s3, s7;
	s7 =	simm.s32 @!p0 $0x108  }
0x21: {  	s3 =	sadd.s32 s3, s9;
	s6 =	sadd.s32 @!p0 $0x88, s6;
	s7 =	simm.s32 @p2 $0x1082  }
0x22: {  	[simem:s7], [sflag:s8] =	dma.local @!p0 [hbm:s6], $0xF7A  }
0x23: {  	s9 =	sor.u32 $0xD0000000, s2;
	s6 =	simm.s32 $0x108;
	_ =	swait.ge @!p0 [sflag:s8], $0x0  }
0x24: {  	s3 =	sadd.s32 $0x88, s3;
	s6 =	simm.s32 @!p1 $0x1082;
	[sflag:s4] =	ssyncset.s32 $0xFFFFF086  }
0x25: {  	[simem:s6], [sflag:s4] =	dma.local [hbm:s3], $0xF7A  }
0x26: {  	[smem:$0x3F9E] =	sst s1;
	(tag) =	ssettag s2;
	_ =	strace s9  }
0x27: {  	s1 =	sld [smem:$0x3FAE]  }
0x28: {  	s2 =	sld [smem:$0x3FAF]  }
0x29: {  	s4 =	sld [smem:$0x3FB1]  }
0x2a: {  	p0 =	seq.s32 s5, $0x0;
	s5 =	sld [smem:$0x3FB2]  }
0x2b: {  	s6 =	sld [smem:$0x3FB3]  }
0x2c: {  	s7 =	sld [smem:$0x3FB4]  }
0x2d: {  	s3 =	simm.s32 $0x108;
	s8 =	sld [smem:$0x3FB5]  }
0x2e: {  	s3 =	simm.s32 @!p0 $0x1082;
	s9 =	sld [smem:$0x3FB6]  }
0x2f: {  	lr =	sadd.s32 s0, s3;
	s0 =	sld [smem:$0x3FAD]  }
0x30: {  	s3 =	sld [smem:$0x3FB0]  }
0x31: {  	[smem:$0x3FB9] =	sst s10  }
0x32: {  	s10 =	sld [smem:$0x3FB7];
	_ =	sdelay $0x3  }
0x33: {  	p0 =	seq.s32 s10, $0x1;
	s10 =	sld [smem:$0x3FB9];
	_ =	sdelay $0x3  }
0x34: {  	[smem:$0x3FB9] =	sst s10  }
0x35: {  	s10 =	sld [smem:$0x3FB8];
	_ =	sdelay $0x3  }
0x36: {  	p1 =	seq.s32 s10, $0x1;
	s10 =	sld [smem:$0x3FB9];
	_ =	sdelay $0x3  }
0x37: {  	[smem:$0x3FB9] =	sst s10  }
0x38: {  	s10 =	sld [smem:$0x3FBA]  }
0x39: {  	_ = 	snop;
	(pc) =	sbr.ind lr, $3  }
0x3a: {  	_ = 	snop  }
0x3b: {  	_ = 	snop  }
0x3c: {  	p2 =	seq.s32 s10, $0x1;
	s10 =	sld [smem:$0x3FB9]  }
0x3d: {  	_ =	shalt  }
0x3e: {  	_ =	shalt  }
0x3f: {  	_ =	shalt  }
0x40: {  	_ =	shalt  }
0x41: {  	_ =	shalt  }
0x42: {  	_ =	shalt  }
0x43: {  	_ =	shalt  }
0x44: {  	_ =	shalt  }
0x45: {  	_ =	shalt  }
0x46: {  	_ =	shalt  }
0x47: {  	_ =	shalt  }
0x48: {  	_ =	shalt  }
0x49: {  	_ =	shalt  }
0x4a: {  	_ =	shalt  }
0x4b: {  	_ =	shalt  }
0x4c: {  	_ =	shalt  }
0x4d: {  	_ =	shalt  }
0x4e: {  	_ =	shalt  }
0x4f: {  	_ =	shalt  }
0x50: {  	_ =	shalt  }
0x51: {  	_ =	shalt  }
0x52: {  	_ =	shalt  }
0x53: {  	_ =	shalt  }
0x54: {  	_ =	shalt  }
0x55: {  	_ =	shalt  }
0x56: {  	_ =	shalt  }
0x57: {  	_ =	shalt  }
0x58: {  	_ =	shalt  }
0x59: {  	_ =	shalt  }
0x5a: {  	_ =	shalt  }
0x5b: {  	_ =	shalt  }
0x5c: {  	_ =	shalt  }
0x5d: {  	_ =	shalt  }
0x5e: {  	_ =	shalt  }
0x5f: {  	_ =	shalt  }
0x60: {  	_ =	shalt  }
0x61: {  	_ =	shalt  }
0x62: {  	_ =	shalt  }
0x63: {  	_ =	shalt  }
0x64: {  	_ =	shalt  }
0x65: {  	_ =	shalt  }
0x66: {  	_ =	shalt  }
0x67: {  	_ =	shalt  }
0x68: {  	_ =	shalt  }
0x69: {  	_ =	shalt  }
0x6a: {  	_ =	shalt  }
0x6b: {  	_ =	shalt  }
0x6c: {  	_ =	shalt  }
0x6d: {  	_ =	shalt  }
0x6e: {  	_ =	shalt  }
0x6f: {  	_ =	shalt  }
0x70: {  	_ =	shalt  }
0x71: {  	_ =	shalt  }
0x72: {  	_ =	shalt  }
0x73: {  	_ =	shalt  }
0x74: {  	_ =	shalt  }
0x75: {  	_ =	shalt  }
0x76: {  	_ =	shalt  }
0x77: {  	_ =	shalt  }
0x78: {  	_ =	shalt  }
0x79: {  	_ =	shalt  }
0x7a: {  	_ =	shalt  }
0x7b: {  	_ =	shalt  }
0x7c: {  	_ =	shalt  }
0x7d: {  	_ =	shalt  }
0x7e: {  	_ =	shalt  }
0x7f: {  	_ =	shalt  }
0x80: {  	_ =	shalt  }
0x81: {  	_ =	shalt  }
0x82: {  	_ =	shalt  }
0x83: {  	_ =	shalt  }
0x84: {  	_ =	shalt  }
0x85: {  	_ =	shalt  }
0x86: {  	_ =	shalt  }
0x87: {  	_ =	shalt  }
.Lfunc_end0:
.L_simem_size_0:
called_computation.1_lowered:
.L_overlay_start_0:
0x88: {  	s2 =	sld [smem:$0x3FD9]  }
0x89: {  	s3 =	sld [smem:$0x3FFE];
	_ =	sdelay $0x1  }
0x8a: {  	s1 =	srdreg.scid  }
0x8b: {  	s0 =	sand.u32 $0x1, s1  }
0x8c: {  	s17 =	sshll.u32 s0, $0xA;
	s2 =	sadd.s32 s3, s2  }
0x8d: {  	s2 =	sadd.s32 s2, s17  }
0x8e: {  	[smem:$0x3FC5] =	sst s2  }
0x8f: {  	_ = 	snop  }
0x90: {  	s2 =	sld [smem:$0x3FD0];
	(tm) =	ssettm $0x1  }
0x91: {  	s18 =	sld [smem:$0x3FFB];
	_ =	sdelay $0x3  }
0x92: {  	_ =	strace s18  }
0x93: {  	s3 =	sld [smem:$0x3FFC];
	_ =	sdelay $0x3  }
0x94: {  	_ =	strace s3  }
0x95: {  	s3 =	sld [smem:$0x3FFD];
	_ =	sdelay $0x3  }
0x96: {  	_ =	strace s3  }
0x97: {  	_ =	strace $0x8FFFFFFF  }
0x98: {  	s19 =	sld [smem:$0x3FDB];
	_ =	sdelay $0x1  }
0x99: {  	s4 =	simm.s32 $_scs_section_size  }
0x9a: {  	s5 =	simm.s32 $_size__tile_overlayer_lowered;
	s6 =	simm.s32 $_tile_overlayer_lowered  }
0x9b: {  	s22 =	simm.s32 $0x1BFF;
	s21 =	sshll.u32 s6, $0x1;
	s3 =	sadd.s32 s4, s19  }
0x9c: {  	s7 =	simm.s32 $0x0;
	s20 =	sshll.u32 s5, $0x1;
	s5 =	sadd.s32 s21, s3  }
0x9d: {  	[timem:s7], [sflag:s22] =	dma.local [hbm:s5], s20  }
0x9e: {  	_ =	swait.ge [sflag:s22], s20  }
0x9f: {  	s4 =	ssub.s32 $0x0, s20;
	[sflag:s22] =	ssyncset.done $0x0  }
0xa0: {  	[sflag:s22] =	ssyncadd.s32 s4;
	_ =	sdelay $0x1  }
0xa1: {  	s23 =	simm.s32 $0x1B8B  }
0xa2: {  	_ =	swait.ge [sflag:s23], $0x1  }
0xa3: {  	[sflag:s23] =	ssyncset.done $0x0  }
0xa4: {  	s25 =	simm.s32 $0x1B8E;
	s24 =	sld [smem:$0x3FFE];
	[sflag:s23] =	ssyncadd.s32 $0xFFFFFFFF  }
0xa5: {  	s26 =	simm.s32 $execute0_lowered;
	[smem:$0x3FD2] =	sst s25  }
0xa6: {  	s5 =	sshll.u32 s26, $0x1;
	_ =	strace $0x80000049;
	[dreg:$0x1] =	wrdreg $0xFFFFFFFF  }
0xa7: {  	s28 =	simm.s32 $_size_execute0_lowered;
	s3 =	sadd.s32 s3, s5;
	[dreg:$0x0] =	wrdreg $0x0  }
0xa8: {  	s5 =	sshll.u32 s28, $0x1;
	[dreg:$0x2] =	wrdreg s3  }
0xa9: {  	[dreg:$0x3] =	wrdreg s5  }
0xaa: {  	[dreg:$0x4] =	wrdreg $0xC0  }
0xab: {  	_ =	task [dreg:s7], $0x5FFFF  }
0xac: {  	[dreg:$0x1] =	wrdreg $0xFFFFFFFF  }
0xad: {  	[dreg:$0x0] =	wrdreg $0x60  }
0xae: {  	[dreg:$0x2] =	wrdreg s24  }
0xaf: {  	[dreg:$0x3] =	wrdreg s2  }
0xb0: {  	[dreg:$0x4] =	wrdreg $0x9  }
0xb1: {  	_ =	task.clear_ibuf [dreg:s7], $0x5FFFF;
	_ =	strace $0x90000049  }
0xb2: {  	s29 =	simm.s32 $0x9;
	_ =	strace $0x8000004B  }
0xb3: {  	_ =	swait.ge [sflag:s29], $0x1  }
0xb4: {  	[sflag:s29] =	ssyncadd.s32 $0xFFFFFFFF  }
0xb5: {  	_ =	strace $0x9000004B  }
0xb6: {  	_ =	sfence  }
0xb7: {  	s30 =	sld [smem:$0x0];
	_ =	sdelay $0x2  }
0xb8: {  	s31 =	sshll.u32 s1, $0xD;
	s1 =	sshrl.u32 s1, $0x2  }
0xb9: {  	s3 =	sand.u32 $0x4000, s31;
	s1 =	sadd.s32 s1, s30  }
0xba: {  	s0 =	sor.u32 s3, s0;
	s1 =	sshll.u32 s1, $0x11  }
0xbb: {  	s0 =	sor.u32 s1, s0  }
0xbc: {  	s0 =	sadd.s32 $0x8F2B, s0  }
0xbd: {  	[sflag:s0] =	ssyncadd.remote.s32 $0x1  }
0xbe: {  	_ =	sfence.sel $0xFFFF  }
0xbf: {  	[dreg:$0x0] =	wrdreg $0xFFFFFFFF;
	(pc) =	sbr.abs _section_cstart, $3  }
0xc0: {  	[dreg:$0x1] =	wrdreg $0xFFFFFFFF  }
0xc1: {  	_ =	task.clear_ibuf [dreg:s7], $0x2FFFF;
	_ =	strace $0x9FFFFFFF  }
0xc2: {  	(tm) =	ssettm $0x7FFFFFFF  }
0xc3: {  	_ =	shalt  }
tec
execute0_lowered:
.L_overlay_start_1:
0x0: {  	(tag) =	ssettag $0x1  }
0x1: {  	s1 =	rddreg [dreg:$0x0]  }
0x2: {  	s3 =	rddreg [dreg:$0x1];
	s30 =	simm.s32 $0x0  }
0x3: {  	s5 =	simm.s32 $0x100;
	[smem:$0x7FF] =	sst s30  }
0x4: {  	s6 =	simm.s32 $0x180;
	_ =	strace $0x8000004A;
	[dreg:$0x4] =	wrdreg s5  }
0x5: {  	s7 =	simm.s32 $0x200;
	[dreg:$0x5] =	wrdreg s6  }
0x6: {  	s8 =	simm.s32 $0x280;
	[dreg:$0x6] =	wrdreg s7  }
0x7: {  	s9 =	simm.s32 $0x300;
	[dreg:$0x7] =	wrdreg s8  }
0x8: {  	s4 =	stileid.u32;
	s11 =	simm.s32 $0x380;
	[dreg:$0x8] =	wrdreg s9  }
0x9: {  	s0 =	srdreg.scid;
	s12 =	simm.s32 $0x400;
	[dreg:$0x9] =	wrdreg s11  }
0xa: {  	s13 =	simm.s32 $0x480;
	s14 =	simm.s32 $0x500;
	[dreg:$0xa] =	wrdreg s12  }
0xb: {  	s15 =	simm.s32 $0x580;
	s16 =	simm.s32 $0x600;
	[dreg:$0xb] =	wrdreg s13  }
0xc: {  	s18 =	simm.s32 $0x680;
	s19 =	simm.s32 $0x700;
	[dreg:$0xc] =	wrdreg s14  }
0xd: {  	s20 =	simm.s32 $0x780;
	s21 =	simm.s32 $0x800;
	[dreg:$0xd] =	wrdreg s15  }
0xe: {  	s22 =	simm.s32 $0x880;
	s31 =	simm.s32 $0x3;
	[dreg:$0xe] =	wrdreg s16  }
0xf: {  	s23 =	simm.s32 $0x900;
	s24 =	simm.s32 $0x980;
	[dreg:$0xf] =	wrdreg s18  }
0x10: {  	s25 =	simm.s32 $0xA00;
	s26 =	simm.s32 $0xA80;
	[dreg:$0x10] =	wrdreg s19  }
0x11: {  	s29 =	simm.s32 $0xB00;
	s28 =	simm.s32 $0xB80;
	[dreg:$0x11] =	wrdreg s20  }
0x12: {  	p0 =	por $0x0, $0x0;
	s0 =	sand.u32 $0x1, s0;
	[dreg:$0x12] =	wrdreg s21  }
0x13: {  	s2 =	sshll.u32 s4, $0x1;
	s10 =	sshrl.u32 s4, $0x1;
	[dreg:$0x13] =	wrdreg s22  }
0x14: {  	s2 =	sor.u32 s0, s2;
	s4 =	sshll.u32 s10, $0x12;
	[dreg:$0x14] =	wrdreg s23  }
0x15: {  	s0 =	ssub.s32 $0x2, s0;
	s5 =	simm.s32 $0x1800;
	[dreg:$0x15] =	wrdreg s24  }
0x16: {  	s7 =	simm.s32 $0x1;
	[dreg:$0x16] =	wrdreg s25;
	s8 =	simm.s32 $0x5800  }
0x17: {  	s6 =	simm.s32 $0x2;
	[dreg:$0x17] =	wrdreg s26;
	s26 =	simm.s32 $0xC00  }
0x18: {  	s25 =	simm.s32 $0xC80;
	s24 =	simm.s32 $0xD00;
	s23 =	simm.s32 $0xD80  }
0x19: {  	s22 =	simm.s32 $0xE00;
	s21 =	simm.s32 $0xE80;
	s20 =	simm.s32 $0xF00  }
0x1a: {  	s19 =	simm.s32 $0xF80;
	s18 =	simm.s32 $0x1000;
	s17 =	sshrl.u32 s0, $0x1  }
0x1b: {  	s16 =	simm.s32 $0x1100;
	s14 =	simm.s32 $0x1180;
	s0 =	ssub.s32 s0, s17  }
0x1c: {  	s15 =	simm.s32 $0x1200;
	s13 =	simm.s32 $0x1280;
	s0 =	smax.u32 s0, $0x1  }
0x1d: {  	s12 =	simm.s32 $0x1300;
	s2 =	smul.u32 $0x300, s2;
	p1 =	sne.s32 s0, $0x1  }
.Ltmp0:
0x1e: {  	s11 =	simm.s32 $0x1380;
	s9 =	simm.s32 $0x1480;
	(pc) =	sbr.rel @!p1 .LBB2_3-.Ltmp0, $4  }
0x1f: {  	s4 =	sadd.s32 s4, s1;
	s2 =	sadd.s32 s3, s2;
	s3 =	smul.u32 $0x29800, s10  }
0x20: {  	s17 =	simm.s32 $0x1080;
	s10 =	simm.s32 $0x1400;
	[dreg:$0x3] =	wrdreg s2  }
0x21: {  	s1 =	sadd.s32 s3, s1;
	s3 =	sadd.s32 $0x34D800, s4;
	s4 =	simm.s32 $0x80  }
0x22: {  	s2 =	sadd.s32 $0x1000, s1;
	s1 =	sadd.s32 $0xFFFFFFFF, s0;
	s0 =	rddreg [dreg:$0x3]  }
0x23: {  	[tilespmem:s30], [sflag:$0x3] =	stream.linear.gather [hbm4b:s0+s30], $0x1500, $0x38;
	[tilespmem:$0x9800] =	vst v63  }
0x24: {  	_ =	swait.ge [sflag:s31], $0x1500  }
0x25: {  	[sflag:s31] =	ssyncset.done $0x0  }
0x26: {  	[sflag:s31] =	ssyncadd.s32 $0xFFFFEB00  }
0x27: {  	[tilespmem:s5], [sflag:$0x1] =	stream.indirect.gather [hbm4b:s3+s4], $0x80, s30, s4, $0xb8;
	[tilespmem:$0x9800] =	vst v63  }
0x28: {  	_ =	swait.ge [sflag:s7], $0x4000  }
0x29: {  	[sflag:s7] =	ssyncset.done $0x0  }
0x2a: {  	[sflag:s7] =	ssyncadd.s32 $0xFFFFC000  }
0x2b: {  	[hbm4b:s2+s4] =	stream.indirect.scatter [tilespmem:s5], [sflag:$0x2], $0x80, s4, s4, $0xb8;
	[tilespmem:$0x9800] =	vst v63  }
0x2c: {  	s0 =	rddreg [dreg:$0x4]  }
0x2d: {  	[tilespmem:s8], [sflag:$0x1] =	stream.indirect.gather [hbm4b:s3+s4], $0x80, s0, s4, $0xb8;
	[tilespmem:$0x9800] =	vst v63  }
0x2e: {  	_ =	swait.ge [sflag:s7], $0x4000  }
0x2f: {  	[sflag:s7] =	ssyncset.done $0x0  }
0x30: {  	s0 =	rddreg [dreg:$0x5];
	[sflag:s7] =	ssyncadd.s32 $0xFFFFC000  }
0x31: {  	[hbm4b:s2+s4] =	stream.indirect.scatter [tilespmem:s8], [sflag:$0x2], $0x80, s0, s4, $0xb8;
	[tilespmem:$0x9800] =	vst v63  }
0x32: {  	_ =	swait.ge [sflag:s6], $0x4000  }
0x33: {  	[sflag:s6] =	ssyncset.done $0x0  }
0x34: {  	s0 =	rddreg [dreg:$0x6];
	[sflag:s6] =	ssyncadd.s32 $0xFFFFC000  }
0x35: {  	[tilespmem:s5], [sflag:$0x1] =	stream.indirect.gather [hbm4b:s3+s4], $0x80, s0, s4, $0xb8;
	[tilespmem:$0x9800] =	vst v63  }
0x36: {  	_ =	swait.ge [sflag:s7], $0x4000  }
0x37: {  	[sflag:s7] =	ssyncset.done $0x0  }
0x38: {  	s0 =	rddreg [dreg:$0x7];
	[sflag:s7] =	ssyncadd.s32 $0xFFFFC000  }
0x39: {  	[hbm4b:s2+s4] =	stream.indirect.scatter [tilespmem:s5], [sflag:$0x2], $0x80, s0, s4, $0xb8;
	[tilespmem:$0x9800] =	vst v63  }
0x3a: {  	_ =	swait.ge [sflag:s6], $0x4000  }
0x3b: {  	[sflag:s6] =	ssyncset.done $0x0  }
0x3c: {  	s0 =	rddreg [dreg:$0x8];
	[sflag:s6] =	ssyncadd.s32 $0xFFFFC000  }
0x3d: {  	[tilespmem:s8], [sflag:$0x1] =	stream.indirect.gather [hbm4b:s3+s4], $0x80, s0, s4, $0xb8;
	[tilespmem:$0x9800] =	vst v63  }
0x3e: {  	_ =	swait.ge [sflag:s7], $0x4000  }
0x3f: {  	[sflag:s7] =	ssyncset.done $0x0  }
0x40: {  	s0 =	rddreg [dreg:$0x9];
	[sflag:s7] =	ssyncadd.s32 $0xFFFFC000  }
0x41: {  	[hbm4b:s2+s4] =	stream.indirect.scatter [tilespmem:s8], [sflag:$0x2], $0x80, s0, s4, $0xb8;
	[tilespmem:$0x9800] =	vst v63  }
0x42: {  	_ =	swait.ge [sflag:s6], $0x4000  }
0x43: {  	[sflag:s6] =	ssyncset.done $0x0  }
0x44: {  	s0 =	rddreg [dreg:$0xa];
	[sflag:s6] =	ssyncadd.s32 $0xFFFFC000  }
0x45: {  	[tilespmem:s5], [sflag:$0x1] =	stream.indirect.gather [hbm4b:s3+s4], $0x80, s0, s4, $0xb8;
	[tilespmem:$0x9800] =	vst v63  }
0x46: {  	_ =	swait.ge [sflag:s7], $0x4000  }
0x47: {  	[sflag:s7] =	ssyncset.done $0x0  }
0x48: {  	s0 =	rddreg [dreg:$0xb];
	[sflag:s7] =	ssyncadd.s32 $0xFFFFC000  }
0x49: {  	[hbm4b:s2+s4] =	stream.indirect.scatter [tilespmem:s5], [sflag:$0x2], $0x80, s0, s4, $0xb8;
	[tilespmem:$0x9800] =	vst v63  }
0x4a: {  	_ =	swait.ge [sflag:s6], $0x4000  }
0x4b: {  	[sflag:s6] =	ssyncset.done $0x0  }
0x4c: {  	s0 =	rddreg [dreg:$0xc];
	[sflag:s6] =	ssyncadd.s32 $0xFFFFC000  }
0x4d: {  	[tilespmem:s8], [sflag:$0x1] =	stream.indirect.gather [hbm4b:s3+s4], $0x80, s0, s4, $0xb8;
	[tilespmem:$0x9800] =	vst v63  }
0x4e: {  	_ =	swait.ge [sflag:s7], $0x4000  }
0x4f: {  	[sflag:s7] =	ssyncset.done $0x0  }
0x50: {  	s0 =	rddreg [dreg:$0xd];
	[sflag:s7] =	ssyncadd.s32 $0xFFFFC000  }
0x51: {  	[hbm4b:s2+s4] =	stream.indirect.scatter [tilespmem:s8], [sflag:$0x2], $0x80, s0, s4, $0xb8;
	[tilespmem:$0x9800] =	vst v63  }
0x52: {  	_ =	swait.ge [sflag:s6], $0x4000  }
0x53: {  	[sflag:s6] =	ssyncset.done $0x0  }
0x54: {  	s0 =	rddreg [dreg:$0xe];
	[sflag:s6] =	ssyncadd.s32 $0xFFFFC000  }
0x55: {  	[tilespmem:s5], [sflag:$0x1] =	stream.indirect.gather [hbm4b:s3+s4], $0x80, s0, s4, $0xb8;
	[tilespmem:$0x9800] =	vst v63  }
0x56: {  	_ =	swait.ge [sflag:s7], $0x4000  }
0x57: {  	[sflag:s7] =	ssyncset.done $0x0  }
0x58: {  	s0 =	rddreg [dreg:$0xf];
	[sflag:s7] =	ssyncadd.s32 $0xFFFFC000  }
0x59: {  	[hbm4b:s2+s4] =	stream.indirect.scatter [tilespmem:s5], [sflag:$0x2], $0x80, s0, s4, $0xb8;
	[tilespmem:$0x9800] =	vst v63  }
0x5a: {  	_ =	swait.ge [sflag:s6], $0x4000  }
0x5b: {  	[sflag:s6] =	ssyncset.done $0x0  }
0x5c: {  	s0 =	rddreg [dreg:$0x10];
	[sflag:s6] =	ssyncadd.s32 $0xFFFFC000  }
0x5d: {  	[tilespmem:s8], [sflag:$0x1] =	stream.indirect.gather [hbm4b:s3+s4], $0x80, s0, s4, $0xb8;
	[tilespmem:$0x9800] =	vst v63  }
0x5e: {  	_ =	swait.ge [sflag:s7], $0x4000  }
0x5f: {  	[sflag:s7] =	ssyncset.done $0x0  }
0x60: {  	s0 =	rddreg [dreg:$0x11];
	[sflag:s7] =	ssyncadd.s32 $0xFFFFC000  }
0x61: {  	[hbm4b:s2+s4] =	stream.indirect.scatter [tilespmem:s8], [sflag:$0x2], $0x80, s0, s4, $0xb8;
	[tilespmem:$0x9800] =	vst v63  }
0x62: {  	_ =	swait.ge [sflag:s6], $0x4000  }
0x63: {  	[sflag:s6] =	ssyncset.done $0x0  }
0x64: {  	s0 =	rddreg [dreg:$0x12];
	[sflag:s6] =	ssyncadd.s32 $0xFFFFC000  }
0x65: {  	[tilespmem:s5], [sflag:$0x1] =	stream.indirect.gather [hbm4b:s3+s4], $0x80, s0, s4, $0xb8;
	[tilespmem:$0x9800] =	vst v63  }
0x66: {  	_ =	swait.ge [sflag:s7], $0x4000  }
0x67: {  	[sflag:s7] =	ssyncset.done $0x0  }
0x68: {  	s0 =	rddreg [dreg:$0x13];
	[sflag:s7] =	ssyncadd.s32 $0xFFFFC000  }
0x69: {  	[hbm4b:s2+s4] =	stream.indirect.scatter [tilespmem:s5], [sflag:$0x2], $0x80, s0, s4, $0xb8;
	[tilespmem:$0x9800] =	vst v63  }
0x6a: {  	_ =	swait.ge [sflag:s6], $0x4000  }
0x6b: {  	[sflag:s6] =	ssyncset.done $0x0  }
0x6c: {  	s0 =	rddreg [dreg:$0x14];
	[sflag:s6] =	ssyncadd.s32 $0xFFFFC000  }
0x6d: {  	[tilespmem:s8], [sflag:$0x1] =	stream.indirect.gather [hbm4b:s3+s4], $0x80, s0, s4, $0xb8;
	[tilespmem:$0x9800] =	vst v63  }
0x6e: {  	_ =	swait.ge [sflag:s7], $0x4000  }
0x6f: {  	[sflag:s7] =	ssyncset.done $0x0  }
0x70: {  	s0 =	rddreg [dreg:$0x15];
	[sflag:s7] =	ssyncadd.s32 $0xFFFFC000  }
0x71: {  	[hbm4b:s2+s4] =	stream.indirect.scatter [tilespmem:s8], [sflag:$0x2], $0x80, s0, s4, $0xb8;
	[tilespmem:$0x9800] =	vst v63  }
0x72: {  	_ =	swait.ge [sflag:s6], $0x4000  }
0x73: {  	[sflag:s6] =	ssyncset.done $0x0  }
0x74: {  	s0 =	rddreg [dreg:$0x16];
	[sflag:s6] =	ssyncadd.s32 $0xFFFFC000  }
0x75: {  	[tilespmem:s5], [sflag:$0x1] =	stream.indirect.gather [hbm4b:s3+s4], $0x80, s0, s4, $0xb8;
	[tilespmem:$0x9800] =	vst v63  }
0x76: {  	_ =	swait.ge [sflag:s7], $0x4000  }
0x77: {  	[sflag:s7] =	ssyncset.done $0x0  }
0x78: {  	s0 =	rddreg [dreg:$0x17];
	[sflag:s7] =	ssyncadd.s32 $0xFFFFC000  }
0x79: {  	[hbm4b:s2+s4] =	stream.indirect.scatter [tilespmem:s5], [sflag:$0x2], $0x80, s0, s4, $0xb8;
	[tilespmem:$0x9800] =	vst v63  }
0x7a: {  	_ =	swait.ge [sflag:s6], $0x4000  }
0x7b: {  	[sflag:s6] =	ssyncset.done $0x0  }
0x7c: {  	[sflag:s6] =	ssyncadd.s32 $0xFFFFC000  }
0x7d: {  	[tilespmem:s8], [sflag:$0x1] =	stream.indirect.gather [hbm4b:s3+s4], $0x80, s29, s4, $0xb8;
	[tilespmem:$0x9800] =	vst v63  }
0x7e: {  	_ =	swait.ge [sflag:s7], $0x4000  }
0x7f: {  	[sflag:s7] =	ssyncset.done $0x0  }
0x80: {  	[sflag:s7] =	ssyncadd.s32 $0xFFFFC000  }
0x81: {  	[hbm4b:s2+s4] =	stream.indirect.scatter [tilespmem:s8], [sflag:$0x2], $0x80, s28, s4, $0xb8;
	[tilespmem:$0x9800] =	vst v63  }
0x82: {  	_ =	swait.ge [sflag:s6], $0x4000  }
0x83: {  	[sflag:s6] =	ssyncset.done $0x0  }
0x84: {  	[sflag:s6] =	ssyncadd.s32 $0xFFFFC000  }
0x85: {  	[tilespmem:s5], [sflag:$0x1] =	stream.indirect.gather [hbm4b:s3+s4], $0x80, s26, s4, $0xb8;
	[tilespmem:$0x9800] =	vst v63  }
0x86: {  	_ =	swait.ge [sflag:s7], $0x4000  }
0x87: {  	[sflag:s7] =	ssyncset.done $0x0  }
0x88: {  	[sflag:s7] =	ssyncadd.s32 $0xFFFFC000  }
0x89: {  	[hbm4b:s2+s4] =	stream.indirect.scatter [tilespmem:s5], [sflag:$0x2], $0x80, s25, s4, $0xb8;
	[tilespmem:$0x9800] =	vst v63  }
0x8a: {  	_ =	swait.ge [sflag:s6], $0x4000  }
0x8b: {  	[sflag:s6] =	ssyncset.done $0x0  }
0x8c: {  	[sflag:s6] =	ssyncadd.s32 $0xFFFFC000  }
0x8d: {  	[tilespmem:s8], [sflag:$0x1] =	stream.indirect.gather [hbm4b:s3+s4], $0x80, s24, s4, $0xb8;
	[tilespmem:$0x9800] =	vst v63  }
0x8e: {  	_ =	swait.ge [sflag:s7], $0x4000  }
0x8f: {  	[sflag:s7] =	ssyncset.done $0x0  }
0x90: {  	[sflag:s7] =	ssyncadd.s32 $0xFFFFC000  }
0x91: {  	[hbm4b:s2+s4] =	stream.indirect.scatter [tilespmem:s8], [sflag:$0x2], $0x80, s23, s4, $0xb8;
	[tilespmem:$0x9800] =	vst v63  }
0x92: {  	_ =	swait.ge [sflag:s6], $0x4000  }
0x93: {  	[sflag:s6] =	ssyncset.done $0x0  }
0x94: {  	[sflag:s6] =	ssyncadd.s32 $0xFFFFC000  }
0x95: {  	[tilespmem:s5], [sflag:$0x1] =	stream.indirect.gather [hbm4b:s3+s4], $0x80, s22, s4, $0xb8;
	[tilespmem:$0x9800] =	vst v63  }
0x96: {  	_ =	swait.ge [sflag:s7], $0x4000  }
0x97: {  	[sflag:s7] =	ssyncset.done $0x0  }
0x98: {  	[sflag:s7] =	ssyncadd.s32 $0xFFFFC000  }
0x99: {  	[hbm4b:s2+s4] =	stream.indirect.scatter [tilespmem:s5], [sflag:$0x2], $0x80, s21, s4, $0xb8;
	[tilespmem:$0x9800] =	vst v63  }
0x9a: {  	_ =	swait.ge [sflag:s6], $0x4000  }
0x9b: {  	[sflag:s6] =	ssyncset.done $0x0  }
0x9c: {  	[sflag:s6] =	ssyncadd.s32 $0xFFFFC000  }
0x9d: {  	[tilespmem:s8], [sflag:$0x1] =	stream.indirect.gather [hbm4b:s3+s4], $0x80, s20, s4, $0xb8;
	[tilespmem:$0x9800] =	vst v63  }
0x9e: {  	_ =	swait.ge [sflag:s7], $0x4000  }
0x9f: {  	[sflag:s7] =	ssyncset.done $0x0  }
0xa0: {  	[sflag:s7] =	ssyncadd.s32 $0xFFFFC000  }
0xa1: {  	[hbm4b:s2+s4] =	stream.indirect.scatter [tilespmem:s8], [sflag:$0x2], $0x80, s19, s4, $0xb8;
	[tilespmem:$0x9800] =	vst v63  }
0xa2: {  	_ =	swait.ge [sflag:s6], $0x4000  }
0xa3: {  	[sflag:s6] =	ssyncset.done $0x0  }
0xa4: {  	[sflag:s6] =	ssyncadd.s32 $0xFFFFC000  }
0xa5: {  	[tilespmem:s5], [sflag:$0x1] =	stream.indirect.gather [hbm4b:s3+s4], $0x80, s18, s4, $0xb8;
	[tilespmem:$0x9800] =	vst v63  }
0xa6: {  	_ =	swait.ge [sflag:s7], $0x4000  }
0xa7: {  	[sflag:s7] =	ssyncset.done $0x0  }
0xa8: {  	[sflag:s7] =	ssyncadd.s32 $0xFFFFC000  }
0xa9: {  	[hbm4b:s2+s4] =	stream.indirect.scatter [tilespmem:s5], [sflag:$0x2], $0x80, s17, s4, $0xb8;
	[tilespmem:$0x9800] =	vst v63  }
0xaa: {  	_ =	swait.ge [sflag:s6], $0x4000  }
0xab: {  	[sflag:s6] =	ssyncset.done $0x0  }
0xac: {  	[sflag:s6] =	ssyncadd.s32 $0xFFFFC000  }
0xad: {  	[tilespmem:s8], [sflag:$0x1] =	stream.indirect.gather [hbm4b:s3+s4], $0x80, s16, s4, $0xb8;
	[tilespmem:$0x9800] =	vst v63  }
0xae: {  	_ =	swait.ge [sflag:s7], $0x4000  }
0xaf: {  	[sflag:s7] =	ssyncset.done $0x0  }
0xb0: {  	[sflag:s7] =	ssyncadd.s32 $0xFFFFC000  }
0xb1: {  	[hbm4b:s2+s4] =	stream.indirect.scatter [tilespmem:s8], [sflag:$0x2], $0x80, s14, s4, $0xb8;
	[tilespmem:$0x9800] =	vst v63  }
0xb2: {  	_ =	swait.ge [sflag:s6], $0x4000  }
0xb3: {  	[sflag:s6] =	ssyncset.done $0x0  }
0xb4: {  	[sflag:s6] =	ssyncadd.s32 $0xFFFFC000  }
0xb5: {  	[tilespmem:s5], [sflag:$0x1] =	stream.indirect.gather [hbm4b:s3+s4], $0x80, s15, s4, $0xb8;
	[tilespmem:$0x9800] =	vst v63  }
0xb6: {  	_ =	swait.ge [sflag:s7], $0x4000  }
0xb7: {  	[sflag:s7] =	ssyncset.done $0x0  }
0xb8: {  	[sflag:s7] =	ssyncadd.s32 $0xFFFFC000  }
0xb9: {  	[hbm4b:s2+s4] =	stream.indirect.scatter [tilespmem:s5], [sflag:$0x2], $0x80, s13, s4, $0xb8;
	[tilespmem:$0x9800] =	vst v63  }
0xba: {  	_ =	swait.ge [sflag:s6], $0x4000  }
0xbb: {  	[sflag:s6] =	ssyncset.done $0x0  }
0xbc: {  	[sflag:s6] =	ssyncadd.s32 $0xFFFFC000  }
0xbd: {  	[tilespmem:s8], [sflag:$0x1] =	stream.indirect.gather [hbm4b:s3+s4], $0x80, s12, s4, $0xb8;
	[tilespmem:$0x9800] =	vst v63  }
0xbe: {  	_ =	swait.ge [sflag:s7], $0x4000  }
0xbf: {  	[sflag:s7] =	ssyncset.done $0x0  }
0xc0: {  	[sflag:s7] =	ssyncadd.s32 $0xFFFFC000  }
0xc1: {  	[hbm4b:s2+s4] =	stream.indirect.scatter [tilespmem:s8], [sflag:$0x2], $0x80, s11, s4, $0xb8;
	[tilespmem:$0x9800] =	vst v63  }
0xc2: {  	_ =	swait.ge [sflag:s6], $0x4000  }
0xc3: {  	[sflag:s6] =	ssyncset.done $0x0  }
0xc4: {  	[sflag:s6] =	ssyncadd.s32 $0xFFFFC000  }
0xc5: {  	[tilespmem:s5], [sflag:$0x1] =	stream.indirect.gather [hbm4b:s3+s4], $0x80, s10, s4, $0xb8;
	[tilespmem:$0x9800] =	vst v63  }
0xc6: {  	_ =	swait.ge [sflag:s7], $0x4000  }
0xc7: {  	[sflag:s7] =	ssyncset.done $0x0  }
0xc8: {  	p1 =	sne.s32 s1, $0x1;
	[sflag:s7] =	ssyncadd.s32 $0xFFFFC000  }
0xc9: {  	[hbm4b:s2+s4] =	stream.indirect.scatter [tilespmem:s5], [sflag:$0x2], $0x80, s9, s4, $0xb8;
	[tilespmem:$0x9800] =	vst v63  }
.Ltmp1:
0xca: {  	_ =	swait.ge [sflag:s6], $0x4000;
	(pc) =	sbr.rel @!p1 .LBB2_3-.Ltmp1, $4  }
0xcb: {  	[sflag:s6] =	ssyncset.done $0x0  }
0xcc: {  	[sflag:s6] =	ssyncadd.s32 $0xFFFFC000  }
0xcd: {  	s1 =	sadd.s32 $0xFFFFFFFF, s1;
	_ =	swait.ge [sflag:s6], $0x4000  }
0xce: {  	p0 =	por $0x1, $0x1;
	s0 =	rddreg [dreg:$0x3];
	[sflag:s6] =	ssyncset.done $0x0  }
.LBB2_2:
0xcf: {  	[sflag:s6] =	ssyncadd.s32 $0xFFFFC000  }
0xd0: {  	[tilespmem:s30], [sflag:$0x3] =	stream.linear.gather [hbm4b:s0+s30], $0x1500, $0x38;
	[tilespmem:$0x9800] =	vst v63  }
0xd1: {  	_ =	swait.ge [sflag:s31], $0x1500  }
0xd2: {  	[sflag:s31] =	ssyncset.done $0x0  }
0xd3: {  	[sflag:s31] =	ssyncadd.s32 $0xFFFFEB00  }
0xd4: {  	[tilespmem:s5], [sflag:$0x1] =	stream.indirect.gather [hbm4b:s3+s4], $0x80, s30, s4, $0xb8;
	[tilespmem:$0x9800] =	vst v63  }
0xd5: {  	_ =	swait.ge [sflag:s7], $0x4000  }
0xd6: {  	[sflag:s7] =	ssyncset.done $0x0  }
0xd7: {  	[sflag:s7] =	ssyncadd.s32 $0xFFFFC000  }
0xd8: {  	[hbm4b:s2+s4] =	stream.indirect.scatter [tilespmem:s5], [sflag:$0x2], $0x80, s4, s4, $0xb8;
	[tilespmem:$0x9800] =	vst v63  }
0xd9: {  	s0 =	rddreg [dreg:$0x4]  }
0xda: {  	[tilespmem:s8], [sflag:$0x1] =	stream.indirect.gather [hbm4b:s3+s4], $0x80, s0, s4, $0xb8;
	[tilespmem:$0x9800] =	vst v63  }
0xdb: {  	_ =	swait.ge [sflag:s7], $0x4000  }
0xdc: {  	[sflag:s7] =	ssyncset.done $0x0  }
0xdd: {  	s0 =	rddreg [dreg:$0x5];
	[sflag:s7] =	ssyncadd.s32 $0xFFFFC000  }
0xde: {  	[hbm4b:s2+s4] =	stream.indirect.scatter [tilespmem:s8], [sflag:$0x2], $0x80, s0, s4, $0xb8;
	[tilespmem:$0x9800] =	vst v63  }
0xdf: {  	_ =	swait.ge [sflag:s6], $0x4000  }
0xe0: {  	[sflag:s6] =	ssyncset.done $0x0  }
0xe1: {  	s0 =	rddreg [dreg:$0x6];
	[sflag:s6] =	ssyncadd.s32 $0xFFFFC000  }
0xe2: {  	[tilespmem:s5], [sflag:$0x1] =	stream.indirect.gather [hbm4b:s3+s4], $0x80, s0, s4, $0xb8;
	[tilespmem:$0x9800] =	vst v63  }
0xe3: {  	_ =	swait.ge [sflag:s7], $0x4000  }
0xe4: {  	[sflag:s7] =	ssyncset.done $0x0  }
0xe5: {  	s0 =	rddreg [dreg:$0x7];
	[sflag:s7] =	ssyncadd.s32 $0xFFFFC000  }
0xe6: {  	[hbm4b:s2+s4] =	stream.indirect.scatter [tilespmem:s5], [sflag:$0x2], $0x80, s0, s4, $0xb8;
	[tilespmem:$0x9800] =	vst v63  }
0xe7: {  	_ =	swait.ge [sflag:s6], $0x4000  }
0xe8: {  	[sflag:s6] =	ssyncset.done $0x0  }
0xe9: {  	s0 =	rddreg [dreg:$0x8];
	[sflag:s6] =	ssyncadd.s32 $0xFFFFC000  }
0xea: {  	[tilespmem:s8], [sflag:$0x1] =	stream.indirect.gather [hbm4b:s3+s4], $0x80, s0, s4, $0xb8;
	[tilespmem:$0x9800] =	vst v63  }
0xeb: {  	_ =	swait.ge [sflag:s7], $0x4000  }
0xec: {  	[sflag:s7] =	ssyncset.done $0x0  }
0xed: {  	s0 =	rddreg [dreg:$0x9];
	[sflag:s7] =	ssyncadd.s32 $0xFFFFC000  }
0xee: {  	[hbm4b:s2+s4] =	stream.indirect.scatter [tilespmem:s8], [sflag:$0x2], $0x80, s0, s4, $0xb8;
	[tilespmem:$0x9800] =	vst v63  }
0xef: {  	_ =	swait.ge [sflag:s6], $0x4000  }
0xf0: {  	[sflag:s6] =	ssyncset.done $0x0  }
0xf1: {  	s0 =	rddreg [dreg:$0xa];
	[sflag:s6] =	ssyncadd.s32 $0xFFFFC000  }
0xf2: {  	[tilespmem:s5], [sflag:$0x1] =	stream.indirect.gather [hbm4b:s3+s4], $0x80, s0, s4, $0xb8;
	[tilespmem:$0x9800] =	vst v63  }
0xf3: {  	_ =	swait.ge [sflag:s7], $0x4000  }
0xf4: {  	[sflag:s7] =	ssyncset.done $0x0  }
0xf5: {  	s0 =	rddreg [dreg:$0xb];
	[sflag:s7] =	ssyncadd.s32 $0xFFFFC000  }
0xf6: {  	[hbm4b:s2+s4] =	stream.indirect.scatter [tilespmem:s5], [sflag:$0x2], $0x80, s0, s4, $0xb8;
	[tilespmem:$0x9800] =	vst v63  }
0xf7: {  	_ =	swait.ge [sflag:s6], $0x4000  }
0xf8: {  	[sflag:s6] =	ssyncset.done $0x0  }
0xf9: {  	s0 =	rddreg [dreg:$0xc];
	[sflag:s6] =	ssyncadd.s32 $0xFFFFC000  }
0xfa: {  	[tilespmem:s8], [sflag:$0x1] =	stream.indirect.gather [hbm4b:s3+s4], $0x80, s0, s4, $0xb8;
	[tilespmem:$0x9800] =	vst v63  }
0xfb: {  	_ =	swait.ge [sflag:s7], $0x4000  }
0xfc: {  	[sflag:s7] =	ssyncset.done $0x0  }
0xfd: {  	s0 =	rddreg [dreg:$0xd];
	[sflag:s7] =	ssyncadd.s32 $0xFFFFC000  }
0xfe: {  	[hbm4b:s2+s4] =	stream.indirect.scatter [tilespmem:s8], [sflag:$0x2], $0x80, s0, s4, $0xb8;
	[tilespmem:$0x9800] =	vst v63  }
0xff: {  	_ =	swait.ge [sflag:s6], $0x4000  }
0x100: {  	[sflag:s6] =	ssyncset.done $0x0  }
0x101: {  	s0 =	rddreg [dreg:$0xe];
	[sflag:s6] =	ssyncadd.s32 $0xFFFFC000  }
0x102: {  	[tilespmem:s5], [sflag:$0x1] =	stream.indirect.gather [hbm4b:s3+s4], $0x80, s0, s4, $0xb8;
	[tilespmem:$0x9800] =	vst v63  }
0x103: {  	_ =	swait.ge [sflag:s7], $0x4000  }
0x104: {  	[sflag:s7] =	ssyncset.done $0x0  }
0x105: {  	s0 =	rddreg [dreg:$0xf];
	[sflag:s7] =	ssyncadd.s32 $0xFFFFC000  }
0x106: {  	[hbm4b:s2+s4] =	stream.indirect.scatter [tilespmem:s5], [sflag:$0x2], $0x80, s0, s4, $0xb8;
	[tilespmem:$0x9800] =	vst v63  }
0x107: {  	_ =	swait.ge [sflag:s6], $0x4000  }
0x108: {  	[sflag:s6] =	ssyncset.done $0x0  }
0x109: {  	s0 =	rddreg [dreg:$0x10];
	[sflag:s6] =	ssyncadd.s32 $0xFFFFC000  }
0x10a: {  	[tilespmem:s8], [sflag:$0x1] =	stream.indirect.gather [hbm4b:s3+s4], $0x80, s0, s4, $0xb8;
	[tilespmem:$0x9800] =	vst v63  }
0x10b: {  	_ =	swait.ge [sflag:s7], $0x4000  }
0x10c: {  	[sflag:s7] =	ssyncset.done $0x0  }
0x10d: {  	s0 =	rddreg [dreg:$0x11];
	[sflag:s7] =	ssyncadd.s32 $0xFFFFC000  }
0x10e: {  	[hbm4b:s2+s4] =	stream.indirect.scatter [tilespmem:s8], [sflag:$0x2], $0x80, s0, s4, $0xb8;
	[tilespmem:$0x9800] =	vst v63  }
0x10f: {  	_ =	swait.ge [sflag:s6], $0x4000  }
0x110: {  	[sflag:s6] =	ssyncset.done $0x0  }
0x111: {  	s0 =	rddreg [dreg:$0x12];
	[sflag:s6] =	ssyncadd.s32 $0xFFFFC000  }
0x112: {  	[tilespmem:s5], [sflag:$0x1] =	stream.indirect.gather [hbm4b:s3+s4], $0x80, s0, s4, $0xb8;
	[tilespmem:$0x9800] =	vst v63  }
0x113: {  	_ =	swait.ge [sflag:s7], $0x4000  }
0x114: {  	[sflag:s7] =	ssyncset.done $0x0  }
0x115: {  	s0 =	rddreg [dreg:$0x13];
	[sflag:s7] =	ssyncadd.s32 $0xFFFFC000  }
0x116: {  	[hbm4b:s2+s4] =	stream.indirect.scatter [tilespmem:s5], [sflag:$0x2], $0x80, s0, s4, $0xb8;
	[tilespmem:$0x9800] =	vst v63  }
0x117: {  	_ =	swait.ge [sflag:s6], $0x4000  }
0x118: {  	[sflag:s6] =	ssyncset.done $0x0  }
0x119: {  	s0 =	rddreg [dreg:$0x14];
	[sflag:s6] =	ssyncadd.s32 $0xFFFFC000  }
0x11a: {  	[tilespmem:s8], [sflag:$0x1] =	stream.indirect.gather [hbm4b:s3+s4], $0x80, s0, s4, $0xb8;
	[tilespmem:$0x9800] =	vst v63  }
0x11b: {  	_ =	swait.ge [sflag:s7], $0x4000  }
0x11c: {  	[sflag:s7] =	ssyncset.done $0x0  }
0x11d: {  	s0 =	rddreg [dreg:$0x15];
	[sflag:s7] =	ssyncadd.s32 $0xFFFFC000  }
0x11e: {  	[hbm4b:s2+s4] =	stream.indirect.scatter [tilespmem:s8], [sflag:$0x2], $0x80, s0, s4, $0xb8;
	[tilespmem:$0x9800] =	vst v63  }
0x11f: {  	_ =	swait.ge [sflag:s6], $0x4000  }
0x120: {  	[sflag:s6] =	ssyncset.done $0x0  }
0x121: {  	s0 =	rddreg [dreg:$0x16];
	[sflag:s6] =	ssyncadd.s32 $0xFFFFC000  }
0x122: {  	[tilespmem:s5], [sflag:$0x1] =	stream.indirect.gather [hbm4b:s3+s4], $0x80, s0, s4, $0xb8;
	[tilespmem:$0x9800] =	vst v63  }
0x123: {  	_ =	swait.ge [sflag:s7], $0x4000  }
0x124: {  	[sflag:s7] =	ssyncset.done $0x0  }
0x125: {  	s0 =	rddreg [dreg:$0x17];
	[sflag:s7] =	ssyncadd.s32 $0xFFFFC000  }
0x126: {  	[hbm4b:s2+s4] =	stream.indirect.scatter [tilespmem:s5], [sflag:$0x2], $0x80, s0, s4, $0xb8;
	[tilespmem:$0x9800] =	vst v63  }
0x127: {  	_ =	swait.ge [sflag:s6], $0x4000  }
0x128: {  	[sflag:s6] =	ssyncset.done $0x0  }
0x129: {  	[sflag:s6] =	ssyncadd.s32 $0xFFFFC000  }
0x12a: {  	[tilespmem:s8], [sflag:$0x1] =	stream.indirect.gather [hbm4b:s3+s4], $0x80, s29, s4, $0xb8;
	[tilespmem:$0x9800] =	vst v63  }
0x12b: {  	_ =	swait.ge [sflag:s7], $0x4000  }
0x12c: {  	[sflag:s7] =	ssyncset.done $0x0  }
0x12d: {  	[sflag:s7] =	ssyncadd.s32 $0xFFFFC000  }
0x12e: {  	[hbm4b:s2+s4] =	stream.indirect.scatter [tilespmem:s8], [sflag:$0x2], $0x80, s28, s4, $0xb8;
	[tilespmem:$0x9800] =	vst v63  }
0x12f: {  	_ =	swait.ge [sflag:s6], $0x4000  }
0x130: {  	[sflag:s6] =	ssyncset.done $0x0  }
0x131: {  	[sflag:s6] =	ssyncadd.s32 $0xFFFFC000  }
0x132: {  	[tilespmem:s5], [sflag:$0x1] =	stream.indirect.gather [hbm4b:s3+s4], $0x80, s26, s4, $0xb8;
	[tilespmem:$0x9800] =	vst v63  }
0x133: {  	_ =	swait.ge [sflag:s7], $0x4000  }
0x134: {  	[sflag:s7] =	ssyncset.done $0x0  }
0x135: {  	[sflag:s7] =	ssyncadd.s32 $0xFFFFC000  }
0x136: {  	[hbm4b:s2+s4] =	stream.indirect.scatter [tilespmem:s5], [sflag:$0x2], $0x80, s25, s4, $0xb8;
	[tilespmem:$0x9800] =	vst v63  }
0x137: {  	_ =	swait.ge [sflag:s6], $0x4000  }
0x138: {  	[sflag:s6] =	ssyncset.done $0x0  }
0x139: {  	[sflag:s6] =	ssyncadd.s32 $0xFFFFC000  }
0x13a: {  	[tilespmem:s8], [sflag:$0x1] =	stream.indirect.gather [hbm4b:s3+s4], $0x80, s24, s4, $0xb8;
	[tilespmem:$0x9800] =	vst v63  }
0x13b: {  	_ =	swait.ge [sflag:s7], $0x4000  }
0x13c: {  	[sflag:s7] =	ssyncset.done $0x0  }
0x13d: {  	[sflag:s7] =	ssyncadd.s32 $0xFFFFC000  }
0x13e: {  	[hbm4b:s2+s4] =	stream.indirect.scatter [tilespmem:s8], [sflag:$0x2], $0x80, s23, s4, $0xb8;
	[tilespmem:$0x9800] =	vst v63  }
0x13f: {  	_ =	swait.ge [sflag:s6], $0x4000  }
0x140: {  	[sflag:s6] =	ssyncset.done $0x0  }
0x141: {  	[sflag:s6] =	ssyncadd.s32 $0xFFFFC000  }
0x142: {  	[tilespmem:s5], [sflag:$0x1] =	stream.indirect.gather [hbm4b:s3+s4], $0x80, s22, s4, $0xb8;
	[tilespmem:$0x9800] =	vst v63  }
0x143: {  	_ =	swait.ge [sflag:s7], $0x4000  }
0x144: {  	[sflag:s7] =	ssyncset.done $0x0  }
0x145: {  	[sflag:s7] =	ssyncadd.s32 $0xFFFFC000  }
0x146: {  	[hbm4b:s2+s4] =	stream.indirect.scatter [tilespmem:s5], [sflag:$0x2], $0x80, s21, s4, $0xb8;
	[tilespmem:$0x9800] =	vst v63  }
0x147: {  	_ =	swait.ge [sflag:s6], $0x4000  }
0x148: {  	[sflag:s6] =	ssyncset.done $0x0  }
0x149: {  	[sflag:s6] =	ssyncadd.s32 $0xFFFFC000  }
0x14a: {  	[tilespmem:s8], [sflag:$0x1] =	stream.indirect.gather [hbm4b:s3+s4], $0x80, s20, s4, $0xb8;
	[tilespmem:$0x9800] =	vst v63  }
0x14b: {  	_ =	swait.ge [sflag:s7], $0x4000  }
0x14c: {  	[sflag:s7] =	ssyncset.done $0x0  }
0x14d: {  	[sflag:s7] =	ssyncadd.s32 $0xFFFFC000  }
0x14e: {  	[hbm4b:s2+s4] =	stream.indirect.scatter [tilespmem:s8], [sflag:$0x2], $0x80, s19, s4, $0xb8;
	[tilespmem:$0x9800] =	vst v63  }
0x14f: {  	_ =	swait.ge [sflag:s6], $0x4000  }
0x150: {  	[sflag:s6] =	ssyncset.done $0x0  }
0x151: {  	[sflag:s6] =	ssyncadd.s32 $0xFFFFC000  }
0x152: {  	[tilespmem:s5], [sflag:$0x1] =	stream.indirect.gather [hbm4b:s3+s4], $0x80, s18, s4, $0xb8;
	[tilespmem:$0x9800] =	vst v63  }
0x153: {  	_ =	swait.ge [sflag:s7], $0x4000  }
0x154: {  	[sflag:s7] =	ssyncset.done $0x0  }
0x155: {  	[sflag:s7] =	ssyncadd.s32 $0xFFFFC000  }
0x156: {  	[hbm4b:s2+s4] =	stream.indirect.scatter [tilespmem:s5], [sflag:$0x2], $0x80, s17, s4, $0xb8;
	[tilespmem:$0x9800] =	vst v63  }
0x157: {  	_ =	swait.ge [sflag:s6], $0x4000  }
0x158: {  	[sflag:s6] =	ssyncset.done $0x0  }
0x159: {  	[sflag:s6] =	ssyncadd.s32 $0xFFFFC000  }
0x15a: {  	[tilespmem:s8], [sflag:$0x1] =	stream.indirect.gather [hbm4b:s3+s4], $0x80, s16, s4, $0xb8;
	[tilespmem:$0x9800] =	vst v63  }
0x15b: {  	_ =	swait.ge [sflag:s7], $0x4000  }
0x15c: {  	[sflag:s7] =	ssyncset.done $0x0  }
0x15d: {  	[sflag:s7] =	ssyncadd.s32 $0xFFFFC000  }
0x15e: {  	[hbm4b:s2+s4] =	stream.indirect.scatter [tilespmem:s8], [sflag:$0x2], $0x80, s14, s4, $0xb8;
	[tilespmem:$0x9800] =	vst v63  }
0x15f: {  	_ =	swait.ge [sflag:s6], $0x4000  }
0x160: {  	[sflag:s6] =	ssyncset.done $0x0  }
0x161: {  	[sflag:s6] =	ssyncadd.s32 $0xFFFFC000  }
0x162: {  	[tilespmem:s5], [sflag:$0x1] =	stream.indirect.gather [hbm4b:s3+s4], $0x80, s15, s4, $0xb8;
	[tilespmem:$0x9800] =	vst v63  }
0x163: {  	_ =	swait.ge [sflag:s7], $0x4000  }
0x164: {  	[sflag:s7] =	ssyncset.done $0x0  }
0x165: {  	[sflag:s7] =	ssyncadd.s32 $0xFFFFC000  }
0x166: {  	[hbm4b:s2+s4] =	stream.indirect.scatter [tilespmem:s5], [sflag:$0x2], $0x80, s13, s4, $0xb8;
	[tilespmem:$0x9800] =	vst v63  }
0x167: {  	_ =	swait.ge [sflag:s6], $0x4000  }
0x168: {  	[sflag:s6] =	ssyncset.done $0x0  }
0x169: {  	[sflag:s6] =	ssyncadd.s32 $0xFFFFC000  }
0x16a: {  	[tilespmem:s8], [sflag:$0x1] =	stream.indirect.gather [hbm4b:s3+s4], $0x80, s12, s4, $0xb8;
	[tilespmem:$0x9800] =	vst v63  }
0x16b: {  	_ =	swait.ge [sflag:s7], $0x4000  }
0x16c: {  	[sflag:s7] =	ssyncset.done $0x0  }
0x16d: {  	[sflag:s7] =	ssyncadd.s32 $0xFFFFC000  }
0x16e: {  	[hbm4b:s2+s4] =	stream.indirect.scatter [tilespmem:s8], [sflag:$0x2], $0x80, s11, s4, $0xb8;
	[tilespmem:$0x9800] =	vst v63  }
0x16f: {  	_ =	swait.ge [sflag:s6], $0x4000  }
0x170: {  	[sflag:s6] =	ssyncset.done $0x0  }
0x171: {  	[sflag:s6] =	ssyncadd.s32 $0xFFFFC000  }
0x172: {  	[tilespmem:s5], [sflag:$0x1] =	stream.indirect.gather [hbm4b:s3+s4], $0x80, s10, s4, $0xb8;
	[tilespmem:$0x9800] =	vst v63  }
0x173: {  	_ =	swait.ge [sflag:s7], $0x4000  }
0x174: {  	[sflag:s7] =	ssyncset.done $0x0  }
0x175: {  	p1 =	sne.s32 s1, $0x1;
	[sflag:s7] =	ssyncadd.s32 $0xFFFFC000  }
0x176: {  	[hbm4b:s2+s4] =	stream.indirect.scatter [tilespmem:s5], [sflag:$0x2], $0x80, s9, s4, $0xb8;
	[tilespmem:$0x9800] =	vst v63  }
.Ltmp2:
0x177: {  	_ =	swait.ge [sflag:s6], $0x4000;
	(pc) =	sbr.rel @p1 .LBB2_2-.Ltmp2, $4  }
0x178: {  	[sflag:s6] =	ssyncset.done $0x0  }
0x179: {  	[sflag:s6] =	ssyncadd.s32 $0xFFFFC000  }
0x17a: {  	_ =	swait.ge [sflag:s6], $0x4000  }
0x17b: {  	s1 =	sadd.s32 $0xFFFFFFFF, s1;
	s0 =	rddreg [dreg:$0x3];
	[sflag:s6] =	ssyncset.done $0x0  }
.LBB2_3:
0x17c: {  	[sflag:s6] =	ssyncadd.s32 @p0 $0xFFFFC000  }
0x17d: {  	[tilespmem:s30], [sflag:$0x3] =	stream.linear.gather [hbm4b:s0+s30], $0x1500, $0x38;
	[tilespmem:$0x9800] =	vst v63  }
0x17e: {  	_ =	swait.ge [sflag:s31], $0x1500  }
0x17f: {  	[sflag:s31] =	ssyncset.done $0x0  }
0x180: {  	[sflag:s31] =	ssyncadd.s32 $0xFFFFEB00  }
0x181: {  	[tilespmem:s5], [sflag:$0x1] =	stream.indirect.gather [hbm4b:s3+s4], $0x80, s30, s4, $0xb8;
	[tilespmem:$0x9800] =	vst v63  }
0x182: {  	_ =	swait.ge [sflag:s7], $0x4000  }
0x183: {  	[sflag:s7] =	ssyncset.done $0x0  }
0x184: {  	[sflag:s7] =	ssyncadd.s32 $0xFFFFC000  }
0x185: {  	[hbm4b:s2+s4] =	stream.indirect.scatter [tilespmem:s5], [sflag:$0x2], $0x80, s4, s4, $0xb8;
	[tilespmem:$0x9800] =	vst v63  }
0x186: {  	s1 =	rddreg [dreg:$0x4]  }
0x187: {  	[tilespmem:s8], [sflag:$0x1] =	stream.indirect.gather [hbm4b:s3+s4], $0x80, s1, s4, $0xb8;
	[tilespmem:$0x9800] =	vst v63  }
0x188: {  	_ =	swait.ge [sflag:s7], $0x4000  }
0x189: {  	[sflag:s7] =	ssyncset.done $0x0  }
0x18a: {  	s30 =	rddreg [dreg:$0x5];
	[sflag:s7] =	ssyncadd.s32 $0xFFFFC000  }
0x18b: {  	[hbm4b:s2+s4] =	stream.indirect.scatter [tilespmem:s8], [sflag:$0x2], $0x80, s30, s4, $0xb8;
	[tilespmem:$0x9800] =	vst v63  }
0x18c: {  	_ =	swait.ge [sflag:s6], $0x4000  }
0x18d: {  	[sflag:s6] =	ssyncset.done $0x0  }
0x18e: {  	s31 =	rddreg [dreg:$0x6];
	[sflag:s6] =	ssyncadd.s32 $0xFFFFC000  }
0x18f: {  	[tilespmem:s5], [sflag:$0x1] =	stream.indirect.gather [hbm4b:s3+s4], $0x80, s31, s4, $0xb8;
	[tilespmem:$0x9800] =	vst v63  }
0x190: {  	_ =	swait.ge [sflag:s7], $0x4000  }
0x191: {  	[sflag:s7] =	ssyncset.done $0x0  }
0x192: {  	s1 =	rddreg [dreg:$0x7];
	[sflag:s7] =	ssyncadd.s32 $0xFFFFC000  }
0x193: {  	[hbm4b:s2+s4] =	stream.indirect.scatter [tilespmem:s5], [sflag:$0x2], $0x80, s1, s4, $0xb8;
	[tilespmem:$0x9800] =	vst v63  }
0x194: {  	_ =	swait.ge [sflag:s6], $0x4000  }
0x195: {  	[sflag:s6] =	ssyncset.done $0x0  }
0x196: {  	s30 =	rddreg [dreg:$0x8];
	[sflag:s6] =	ssyncadd.s32 $0xFFFFC000  }
0x197: {  	[tilespmem:s8], [sflag:$0x1] =	stream.indirect.gather [hbm4b:s3+s4], $0x80, s30, s4, $0xb8;
	[tilespmem:$0x9800] =	vst v63  }
0x198: {  	_ =	swait.ge [sflag:s7], $0x4000  }
0x199: {  	[sflag:s7] =	ssyncset.done $0x0  }
0x19a: {  	s31 =	rddreg [dreg:$0x9];
	[sflag:s7] =	ssyncadd.s32 $0xFFFFC000  }
0x19b: {  	[hbm4b:s2+s4] =	stream.indirect.scatter [tilespmem:s8], [sflag:$0x2], $0x80, s31, s4, $0xb8;
	[tilespmem:$0x9800] =	vst v63  }
0x19c: {  	_ =	swait.ge [sflag:s6], $0x4000  }
0x19d: {  	[sflag:s6] =	ssyncset.done $0x0  }
0x19e: {  	s1 =	rddreg [dreg:$0xa];
	[sflag:s6] =	ssyncadd.s32 $0xFFFFC000  }
0x19f: {  	[tilespmem:s5], [sflag:$0x1] =	stream.indirect.gather [hbm4b:s3+s4], $0x80, s1, s4, $0xb8;
	[tilespmem:$0x9800] =	vst v63  }
0x1a0: {  	_ =	swait.ge [sflag:s7], $0x4000  }
0x1a1: {  	[sflag:s7] =	ssyncset.done $0x0  }
0x1a2: {  	s30 =	rddreg [dreg:$0xb];
	[sflag:s7] =	ssyncadd.s32 $0xFFFFC000  }
0x1a3: {  	[hbm4b:s2+s4] =	stream.indirect.scatter [tilespmem:s5], [sflag:$0x2], $0x80, s30, s4, $0xb8;
	[tilespmem:$0x9800] =	vst v63  }
0x1a4: {  	_ =	swait.ge [sflag:s6], $0x4000  }
0x1a5: {  	[sflag:s6] =	ssyncset.done $0x0  }
0x1a6: {  	s31 =	rddreg [dreg:$0xc];
	[sflag:s6] =	ssyncadd.s32 $0xFFFFC000  }
0x1a7: {  	[tilespmem:s8], [sflag:$0x1] =	stream.indirect.gather [hbm4b:s3+s4], $0x80, s31, s4, $0xb8;
	[tilespmem:$0x9800] =	vst v63  }
0x1a8: {  	_ =	swait.ge [sflag:s7], $0x4000  }
0x1a9: {  	[sflag:s7] =	ssyncset.done $0x0  }
0x1aa: {  	s1 =	rddreg [dreg:$0xd];
	[sflag:s7] =	ssyncadd.s32 $0xFFFFC000  }
0x1ab: {  	[hbm4b:s2+s4] =	stream.indirect.scatter [tilespmem:s8], [sflag:$0x2], $0x80, s1, s4, $0xb8;
	[tilespmem:$0x9800] =	vst v63  }
0x1ac: {  	_ =	swait.ge [sflag:s6], $0x4000  }
0x1ad: {  	[sflag:s6] =	ssyncset.done $0x0  }
0x1ae: {  	s30 =	rddreg [dreg:$0xe];
	[sflag:s6] =	ssyncadd.s32 $0xFFFFC000  }
0x1af: {  	[tilespmem:s5], [sflag:$0x1] =	stream.indirect.gather [hbm4b:s3+s4], $0x80, s30, s4, $0xb8;
	[tilespmem:$0x9800] =	vst v63  }
0x1b0: {  	_ =	swait.ge [sflag:s7], $0x4000  }
0x1b1: {  	[sflag:s7] =	ssyncset.done $0x0  }
0x1b2: {  	s31 =	rddreg [dreg:$0xf];
	[sflag:s7] =	ssyncadd.s32 $0xFFFFC000  }
0x1b3: {  	[hbm4b:s2+s4] =	stream.indirect.scatter [tilespmem:s5], [sflag:$0x2], $0x80, s31, s4, $0xb8;
	[tilespmem:$0x9800] =	vst v63  }
0x1b4: {  	_ =	swait.ge [sflag:s6], $0x4000  }
0x1b5: {  	[sflag:s6] =	ssyncset.done $0x0  }
0x1b6: {  	s1 =	rddreg [dreg:$0x10];
	[sflag:s6] =	ssyncadd.s32 $0xFFFFC000  }
0x1b7: {  	[tilespmem:s8], [sflag:$0x1] =	stream.indirect.gather [hbm4b:s3+s4], $0x80, s1, s4, $0xb8;
	[tilespmem:$0x9800] =	vst v63  }
0x1b8: {  	_ =	swait.ge [sflag:s7], $0x4000  }
0x1b9: {  	[sflag:s7] =	ssyncset.done $0x0  }
0x1ba: {  	s30 =	rddreg [dreg:$0x11];
	[sflag:s7] =	ssyncadd.s32 $0xFFFFC000  }
0x1bb: {  	[hbm4b:s2+s4] =	stream.indirect.scatter [tilespmem:s8], [sflag:$0x2], $0x80, s30, s4, $0xb8;
	[tilespmem:$0x9800] =	vst v63  }
0x1bc: {  	_ =	swait.ge [sflag:s6], $0x4000  }
0x1bd: {  	[sflag:s6] =	ssyncset.done $0x0  }
0x1be: {  	s31 =	rddreg [dreg:$0x12];
	[sflag:s6] =	ssyncadd.s32 $0xFFFFC000  }
0x1bf: {  	[tilespmem:s5], [sflag:$0x1] =	stream.indirect.gather [hbm4b:s3+s4], $0x80, s31, s4, $0xb8;
	[tilespmem:$0x9800] =	vst v63  }
0x1c0: {  	_ =	swait.ge [sflag:s7], $0x4000  }
0x1c1: {  	[sflag:s7] =	ssyncset.done $0x0  }
0x1c2: {  	s1 =	rddreg [dreg:$0x13];
	[sflag:s7] =	ssyncadd.s32 $0xFFFFC000  }
0x1c3: {  	[hbm4b:s2+s4] =	stream.indirect.scatter [tilespmem:s5], [sflag:$0x2], $0x80, s1, s4, $0xb8;
	[tilespmem:$0x9800] =	vst v63  }
0x1c4: {  	_ =	swait.ge [sflag:s6], $0x4000  }
0x1c5: {  	[sflag:s6] =	ssyncset.done $0x0  }
0x1c6: {  	s30 =	rddreg [dreg:$0x14];
	[sflag:s6] =	ssyncadd.s32 $0xFFFFC000  }
0x1c7: {  	[tilespmem:s8], [sflag:$0x1] =	stream.indirect.gather [hbm4b:s3+s4], $0x80, s30, s4, $0xb8;
	[tilespmem:$0x9800] =	vst v63  }
0x1c8: {  	_ =	swait.ge [sflag:s7], $0x4000  }
0x1c9: {  	[sflag:s7] =	ssyncset.done $0x0  }
0x1ca: {  	s31 =	rddreg [dreg:$0x15];
	[sflag:s7] =	ssyncadd.s32 $0xFFFFC000  }
0x1cb: {  	[hbm4b:s2+s4] =	stream.indirect.scatter [tilespmem:s8], [sflag:$0x2], $0x80, s31, s4, $0xb8;
	[tilespmem:$0x9800] =	vst v63  }
0x1cc: {  	_ =	swait.ge [sflag:s6], $0x4000  }
0x1cd: {  	[sflag:s6] =	ssyncset.done $0x0  }
0x1ce: {  	s1 =	rddreg [dreg:$0x16];
	[sflag:s6] =	ssyncadd.s32 $0xFFFFC000  }
0x1cf: {  	[tilespmem:s5], [sflag:$0x1] =	stream.indirect.gather [hbm4b:s3+s4], $0x80, s1, s4, $0xb8;
	[tilespmem:$0x9800] =	vst v63  }
0x1d0: {  	_ =	swait.ge [sflag:s7], $0x4000  }
0x1d1: {  	[sflag:s7] =	ssyncset.done $0x0  }
0x1d2: {  	s30 =	rddreg [dreg:$0x17];
	[sflag:s7] =	ssyncadd.s32 $0xFFFFC000  }
0x1d3: {  	[hbm4b:s2+s4] =	stream.indirect.scatter [tilespmem:s5], [sflag:$0x2], $0x80, s30, s4, $0xb8;
	[tilespmem:$0x9800] =	vst v63  }
0x1d4: {  	_ =	swait.ge [sflag:s6], $0x4000  }
0x1d5: {  	[sflag:s6] =	ssyncset.done $0x0  }
0x1d6: {  	[sflag:s6] =	ssyncadd.s32 $0xFFFFC000  }
0x1d7: {  	[tilespmem:s8], [sflag:$0x1] =	stream.indirect.gather [hbm4b:s3+s4], $0x80, s29, s4, $0xb8;
	[tilespmem:$0x9800] =	vst v63  }
0x1d8: {  	_ =	swait.ge [sflag:s7], $0x4000  }
0x1d9: {  	[sflag:s7] =	ssyncset.done $0x0  }
0x1da: {  	[sflag:s7] =	ssyncadd.s32 $0xFFFFC000  }
0x1db: {  	[hbm4b:s2+s4] =	stream.indirect.scatter [tilespmem:s8], [sflag:$0x2], $0x80, s28, s4, $0xb8;
	[tilespmem:$0x9800] =	vst v63  }
0x1dc: {  	_ =	swait.ge [sflag:s6], $0x4000  }
0x1dd: {  	[sflag:s6] =	ssyncset.done $0x0  }
0x1de: {  	[sflag:s6] =	ssyncadd.s32 $0xFFFFC000  }
0x1df: {  	[tilespmem:s5], [sflag:$0x1] =	stream.indirect.gather [hbm4b:s3+s4], $0x80, s26, s4, $0xb8;
	[tilespmem:$0x9800] =	vst v63  }
0x1e0: {  	_ =	swait.ge [sflag:s7], $0x4000  }
0x1e1: {  	[sflag:s7] =	ssyncset.done $0x0  }
0x1e2: {  	[sflag:s7] =	ssyncadd.s32 $0xFFFFC000  }
0x1e3: {  	[hbm4b:s2+s4] =	stream.indirect.scatter [tilespmem:s5], [sflag:$0x2], $0x80, s25, s4, $0xb8;
	[tilespmem:$0x9800] =	vst v63  }
0x1e4: {  	_ =	swait.ge [sflag:s6], $0x4000  }
0x1e5: {  	[sflag:s6] =	ssyncset.done $0x0  }
0x1e6: {  	[sflag:s6] =	ssyncadd.s32 $0xFFFFC000  }
0x1e7: {  	[tilespmem:s8], [sflag:$0x1] =	stream.indirect.gather [hbm4b:s3+s4], $0x80, s24, s4, $0xb8;
	[tilespmem:$0x9800] =	vst v63  }
0x1e8: {  	_ =	swait.ge [sflag:s7], $0x4000  }
0x1e9: {  	[sflag:s7] =	ssyncset.done $0x0  }
0x1ea: {  	[sflag:s7] =	ssyncadd.s32 $0xFFFFC000  }
0x1eb: {  	[hbm4b:s2+s4] =	stream.indirect.scatter [tilespmem:s8], [sflag:$0x2], $0x80, s23, s4, $0xb8;
	[tilespmem:$0x9800] =	vst v63  }
0x1ec: {  	_ =	swait.ge [sflag:s6], $0x4000  }
0x1ed: {  	[sflag:s6] =	ssyncset.done $0x0  }
0x1ee: {  	[sflag:s6] =	ssyncadd.s32 $0xFFFFC000  }
0x1ef: {  	[tilespmem:s5], [sflag:$0x1] =	stream.indirect.gather [hbm4b:s3+s4], $0x80, s22, s4, $0xb8;
	[tilespmem:$0x9800] =	vst v63  }
0x1f0: {  	_ =	swait.ge [sflag:s7], $0x4000  }
0x1f1: {  	[sflag:s7] =	ssyncset.done $0x0  }
0x1f2: {  	[sflag:s7] =	ssyncadd.s32 $0xFFFFC000  }
0x1f3: {  	[hbm4b:s2+s4] =	stream.indirect.scatter [tilespmem:s5], [sflag:$0x2], $0x80, s21, s4, $0xb8;
	[tilespmem:$0x9800] =	vst v63  }
0x1f4: {  	_ =	swait.ge [sflag:s6], $0x4000  }
0x1f5: {  	[sflag:s6] =	ssyncset.done $0x0  }
0x1f6: {  	[sflag:s6] =	ssyncadd.s32 $0xFFFFC000  }
0x1f7: {  	[tilespmem:s8], [sflag:$0x1] =	stream.indirect.gather [hbm4b:s3+s4], $0x80, s20, s4, $0xb8;
	[tilespmem:$0x9800] =	vst v63  }
0x1f8: {  	_ =	swait.ge [sflag:s7], $0x4000  }
0x1f9: {  	[sflag:s7] =	ssyncset.done $0x0  }
0x1fa: {  	[sflag:s7] =	ssyncadd.s32 $0xFFFFC000  }
0x1fb: {  	[hbm4b:s2+s4] =	stream.indirect.scatter [tilespmem:s8], [sflag:$0x2], $0x80, s19, s4, $0xb8;
	[tilespmem:$0x9800] =	vst v63  }
0x1fc: {  	_ =	swait.ge [sflag:s6], $0x4000  }
0x1fd: {  	[sflag:s6] =	ssyncset.done $0x0  }
0x1fe: {  	[sflag:s6] =	ssyncadd.s32 $0xFFFFC000  }
0x1ff: {  	[tilespmem:s5], [sflag:$0x1] =	stream.indirect.gather [hbm4b:s3+s4], $0x80, s18, s4, $0xb8;
	[tilespmem:$0x9800] =	vst v63  }
0x200: {  	_ =	swait.ge [sflag:s7], $0x4000  }
0x201: {  	[sflag:s7] =	ssyncset.done $0x0  }
0x202: {  	[sflag:s7] =	ssyncadd.s32 $0xFFFFC000  }
0x203: {  	[hbm4b:s2+s4] =	stream.indirect.scatter [tilespmem:s5], [sflag:$0x2], $0x80, s17, s4, $0xb8;
	[tilespmem:$0x9800] =	vst v63  }
0x204: {  	_ =	swait.ge [sflag:s6], $0x4000  }
0x205: {  	[sflag:s6] =	ssyncset.done $0x0  }
0x206: {  	[sflag:s6] =	ssyncadd.s32 $0xFFFFC000  }
0x207: {  	[tilespmem:s8], [sflag:$0x1] =	stream.indirect.gather [hbm4b:s3+s4], $0x80, s16, s4, $0xb8;
	[tilespmem:$0x9800] =	vst v63  }
0x208: {  	_ =	swait.ge [sflag:s7], $0x4000  }
0x209: {  	[sflag:s7] =	ssyncset.done $0x0  }
0x20a: {  	[sflag:s7] =	ssyncadd.s32 $0xFFFFC000  }
0x20b: {  	[hbm4b:s2+s4] =	stream.indirect.scatter [tilespmem:s8], [sflag:$0x2], $0x80, s14, s4, $0xb8;
	[tilespmem:$0x9800] =	vst v63  }
0x20c: {  	_ =	swait.ge [sflag:s6], $0x4000  }
0x20d: {  	[sflag:s6] =	ssyncset.done $0x0  }
0x20e: {  	[sflag:s6] =	ssyncadd.s32 $0xFFFFC000  }
0x20f: {  	[tilespmem:s5], [sflag:$0x1] =	stream.indirect.gather [hbm4b:s3+s4], $0x80, s15, s4, $0xb8;
	[tilespmem:$0x9800] =	vst v63  }
0x210: {  	_ =	swait.ge [sflag:s7], $0x4000  }
0x211: {  	[sflag:s7] =	ssyncset.done $0x0  }
0x212: {  	[sflag:s7] =	ssyncadd.s32 $0xFFFFC000  }
0x213: {  	[hbm4b:s2+s4] =	stream.indirect.scatter [tilespmem:s5], [sflag:$0x2], $0x80, s13, s4, $0xb8;
	[tilespmem:$0x9800] =	vst v63  }
0x214: {  	_ =	swait.ge [sflag:s6], $0x4000  }
0x215: {  	[sflag:s6] =	ssyncset.done $0x0  }
0x216: {  	[sflag:s6] =	ssyncadd.s32 $0xFFFFC000  }
0x217: {  	[tilespmem:s8], [sflag:$0x1] =	stream.indirect.gather [hbm4b:s3+s4], $0x80, s12, s4, $0xb8;
	[tilespmem:$0x9800] =	vst v63  }
0x218: {  	_ =	swait.ge [sflag:s7], $0x4000  }
0x219: {  	[sflag:s7] =	ssyncset.done $0x0  }
0x21a: {  	[sflag:s7] =	ssyncadd.s32 $0xFFFFC000  }
0x21b: {  	[hbm4b:s2+s4] =	stream.indirect.scatter [tilespmem:s8], [sflag:$0x2], $0x80, s11, s4, $0xb8;
	[tilespmem:$0x9800] =	vst v63  }
0x21c: {  	_ =	swait.ge [sflag:s6], $0x4000  }
0x21d: {  	[sflag:s6] =	ssyncset.done $0x0  }
0x21e: {  	[sflag:s6] =	ssyncadd.s32 $0xFFFFC000  }
0x21f: {  	[tilespmem:s5], [sflag:$0x1] =	stream.indirect.gather [hbm4b:s3+s4], $0x80, s10, s4, $0xb8;
	[tilespmem:$0x9800] =	vst v63  }
0x220: {  	_ =	swait.ge [sflag:s7], $0x4000  }
0x221: {  	[sflag:s7] =	ssyncset.done $0x0  }
0x222: {  	[sflag:s7] =	ssyncadd.s32 $0xFFFFC000  }
0x223: {  	[hbm4b:s2+s4] =	stream.indirect.scatter [tilespmem:s5], [sflag:$0x2], $0x80, s9, s4, $0xb8;
	[tilespmem:$0x9800] =	vst v63  }
0x224: {  	_ =	swait.ge [sflag:s6], $0x4000  }
0x225: {  	[sflag:s6] =	ssyncset.done $0x0  }
0x226: {  	[sflag:s6] =	ssyncadd.s32 $0xFFFFC000  }
0x227: {  	_ =	swait.ge [sflag:s6], $0x4000  }
0x228: {  	[sflag:s6] =	ssyncset.done $0x0  }
0x229: {  	[sflag:s6] =	ssyncadd.s32 $0xFFFFC000  }
0x22a: {  	_ =	sfence.sel $0x180000  }
0x22b: {  	[bflag:$0x0] =	sbarrier.arrive $0xFFFF  }
0x22c: {  	_ =	strace $0x9000004A  }
0x22d: {  	s31 =	stileid.u32;
	[bflag:$0x2] =	sbarrier.arrive $0xFFFF  }
0x22e: {  	p0 =	sne.s32 s31, $0x0;
	s0 =	rddreg [dreg:$0x2]  }
0x22f: {  	s0 =	sadd.s32 @!p0 $0x100000, s0  }
0x230: {  	[sflag:s0] =	ssyncadd.tile.s32 @!p0 $0x1;
	_ =	shalt  }
.Lfunc_end2:
_tile_overlayer_lowered:
.L_overlay_start_2:
0x231: {  	(tag) =	ssettag $0x2  }
0x232: {  	s0 =	rddreg [dreg:$0x0];
	s2 =	stileid.u32  }
0x233: {  	s1 =	rddreg [dreg:$0x1];
	p0 =	sne.s32 s2, $0x0  }
0x234: {  	s3 =	rddreg [dreg:$0x2];
	[bflag:$0x3] =	sbarrier.arrive $0xFFFF;
	s2 =	simm.s32 @!p0 $0x1C03  }
0x235: {  	[timem:s3], [sflag:s2] =	dma.local @!p0 [hbm:s0], s1  }
0x236: {  	s0 =	simm.s32 @!p0 $0x3  }
0x237: {  	_ =	swait.ge @!p0 [sflag:s0], s1  }
0x238: {  	s1 =	ssub.s32 @!p0 $0x0, s1;
	[sflag:s0] =	ssyncset.done @!p0 $0x0  }
0x239: {  	[sflag:s0] =	ssyncadd.s32 @!p0 s1  }
0x23a: {  	[bflag:$0x3] =	sbarrier.arrive $0xFFFF  }
0x23b: {  	_ =	shalt  }

</sc_bundles>
